<compile_context>
chip_gen: v7x
topology: tpu7x:2x2x1
jax: 0.10.2.dev20260603
libtpu: 0.0.44.dev20260713+nightly
codegen_flags: <defaults>
</compile_context>

<pallas_src>
import functools

import jax
import jax.numpy as jnp
from jax import lax
from jax.experimental import pallas as pl
from jax.experimental.pallas import tpu as pltpu
from jax.experimental.pallas import tpu_sc as plsc


def _sc_gather(table, idx):
    B = idx.shape[0]
    Hd2 = table.shape[1]
    info = plsc.get_sparse_core_info()
    nw = info.num_cores * info.num_subcores
    b_per_w = B // nw
    mesh = plsc.VectorSubcoreMesh(core_axis_name="c", subcore_axis_name="s")

    @functools.partial(
        pl.kernel,
        mesh=mesh,
        out_type=jax.ShapeDtypeStruct((B, Hd2), jnp.float32),
        scratch_types=[
            pltpu.VMEM((b_per_w,), jnp.int32),
            pltpu.VMEM((b_per_w, Hd2), jnp.float32),
            pltpu.SemaphoreType.DMA,
        ],
    )
    def gather_k(tab, ix, out, idx_v, rows_v, s1):
        wid = lax.axis_index("s") * info.num_cores + lax.axis_index("c")
        base = wid * b_per_w
        pltpu.sync_copy(ix.at[pl.ds(base, b_per_w)], idx_v)
        pltpu.async_copy(tab.at[idx_v], rows_v, s1).wait()
        pltpu.sync_copy(rows_v, out.at[pl.ds(base, b_per_w)])

    return gather_k(table, idx)


_TB = 48
_TBB = 16


def _tc_body(rows_f, xw, leafs, parent_s, butree_s,
             pzr_td, ph_td, bzr_td, bh_td,
             pzr_bu, ph_bu, bzr_bu, bh_bu,
             m1f, m2f,
             wo1, bo1, wo4, bo4,
             out_ref,
             h_td, h_bu, xe_s, xep_td, xep_bu,
             zrp_td, hpp_td, zrp_bu, hpp_bu,
             stg_h,
             dep_td, cnt_td, ord_td, dep_bu, cnt_bu, ord_bu):
    n, w, hd2 = rows_f.shape
    hd = hd2 // 2
    p = butree_s.shape[0]
    l = n - p
    d = butree_s.shape[1]

    xww = xw[...][:, :, None]
    xe_s[...] = (rows_f[...] * xww).sum(axis=1)

    xe_bu_lo = xe_s[:l, hd:]
    z_l = jax.nn.sigmoid(jnp.dot(xe_bu_lo, pzr_bu[:, :hd],
                                 preferred_element_type=jnp.float32) +
                         bzr_bu[:, :hd])
    c_l = jnp.tanh(jnp.dot(xe_bu_lo, ph_bu[...],
                           preferred_element_type=jnp.float32) + bh_bu[...])
    h_bu[:l, :] = (1.0 - z_l) * c_l

    h_td[:1, :] = jnp.zeros((1, hd), jnp.float32)
    stg_h[...] = jnp.zeros((_TB, 2 * hd), jnp.float32)
    xep_td[n:, :] = jnp.zeros((_TB, hd), jnp.float32)
    xep_bu[p:, :] = jnp.zeros((_TBB, hd), jnp.float32)

    m1f_v = m1f[...]
    m2f_v = m2f[...]


    _UF = 8
    dep_td[0] = 0

    def dtd(g, maxd):
        for q in range(_UF):
            i = g * _UF + q
            dv = dep_td[parent_s[i]] + 1
            dep_td[i + 1] = dv
            maxd = jnp.maximum(maxd, dv)
        return maxd

    maxd_td = lax.fori_loop(0, n // _UF, dtd, 0)

    def dbu0(g, c):
        for q in range(_UF):
            dep_bu[g * _UF + q] = 0
        return c

    lax.fori_loop(0, l // _UF, dbu0, 0)

    def dbu(g, maxd):
        for q in range(_UF):
            i = g * _UF + q
            dv = dep_bu[butree_s[i, 0]]
            for j in range(1, d):
                dv = jnp.maximum(dv, dep_bu[butree_s[i, j]])
            dv = dv + 1
            dep_bu[l + i] = dv
            maxd = jnp.maximum(maxd, dv)
        return maxd

    maxd_bu = lax.fori_loop(0, p // _UF, dbu, 0)

    maxdm = jnp.maximum(maxd_td, maxd_bu)

    def zcnt_td(k, c):
        cnt_td[k] = 0
        return c

    lax.fori_loop(0, maxdm + 2, zcnt_td, 0)

    def ctd(g, c):
        for q in range(_UF):
            dv = dep_td[g * _UF + q + 1]
            cnt_td[dv] = cnt_td[dv] + 1
        return c

    lax.fori_loop(0, n // _UF, ctd, 0)

    def ptd(k, run):
        cv = cnt_td[k]
        cnt_td[k] = run
        return run + cv

    lax.fori_loop(0, maxdm + 2, ptd, 0)

    def otd(g, c):
        for q in range(_UF):
            j = g * _UF + q + 1
            dv = dep_td[j]
            s = cnt_td[dv]
            ord_td[s] = j
            cnt_td[dv] = s + 1
        return c

    lax.fori_loop(0, n // _UF, otd, 0)

    def zcnt_bu(k, c):
        cnt_bu[k] = 0
        return c

    lax.fori_loop(0, maxdm + 2, zcnt_bu, 0)

    def cbu(g, c):
        for q in range(_UF):
            dv = dep_bu[l + g * _UF + q]
            cnt_bu[dv] = cnt_bu[dv] + 1
        return c

    lax.fori_loop(0, p // _UF, cbu, 0)

    def pbu(k, run):
        cv = cnt_bu[k]
        cnt_bu[k] = run
        return run + cv

    lax.fori_loop(0, maxdm + 2, pbu, 0)

    def obu(g, c):
        for q in range(_UF):
            i = g * _UF + q
            dv = dep_bu[l + i]
            s = cnt_bu[dv]
            ord_bu[s] = l + i
            cnt_bu[dv] = s + 1
        return c

    lax.fori_loop(0, p // _UF, obu, 0)

    _PF = 16

    def perm_td(g, c):
        for q in range(_PF):
            s = g * _PF + q
            j = ord_td[s]
            xep_td[pl.ds(s, 1), :] = xe_s[pl.ds(j - 1, 1), :hd]
        return c

    lax.fori_loop(0, n // _PF, perm_td, 0)

    def perm_bu(g, c):
        for q in range(_PF):
            s = g * _PF + q
            m = ord_bu[s]
            xep_bu[pl.ds(s, 1), :] = xe_s[pl.ds(m, 1), hd:]
        return c

    lax.fori_loop(0, p // _PF, perm_bu, 0)

    zrp_td[...] = jnp.dot(xep_td[...], pzr_td[...],
                          preferred_element_type=jnp.float32) + bzr_td[...]
    hpp_td[...] = jnp.dot(xep_td[...], ph_td[...],
                          preferred_element_type=jnp.float32) + bh_td[...]
    zrp_bu[...] = jnp.dot(xep_bu[...], pzr_bu[...],
                          preferred_element_type=jnp.float32) + bzr_bu[...]
    hpp_bu[...] = jnp.dot(xep_bu[...], ph_bu[...],
                          preferred_element_type=jnp.float32) + bh_bu[...]

    trash_td = n + 1
    trash_bu = n
    zpad_zr = jnp.zeros((_TB - _TBB, 2 * hd), jnp.float32)
    zpad_h = jnp.zeros((_TB - _TBB, hd), jnp.float32)

    def fused_tile(t_t, e_t, t_b, e_b):
        jst = []
        for s in range(_TB):
            pos = t_t + s
            pos_c = jnp.minimum(pos, e_t - 1)
            j = ord_td[pos_c]
            jst.append(jnp.where(pos < e_t, j, trash_td))
            pi = parent_s[j - 1]
            stg_h[pl.ds(s, 1), :hd] = h_td[pl.ds(pi, 1), :]
        mst = []
        for s in range(_TBB):
            pos = t_b + s
            pos_c = jnp.minimum(pos, e_b - 1)
            m = ord_bu[pos_c]
            mst.append(jnp.where(pos < e_b, m, trash_bu))
            i = m - l
            acc = h_bu[pl.ds(butree_s[i, 0], 1), :]
            for j in range(1, d):
                acc = acc + h_bu[pl.ds(butree_s[i, j], 1), :]
            stg_h[pl.ds(s, 1), hd:] = acc
        inp = stg_h[...]
        phb = inp[:, :hd]
        accb = inp[:_TBB, hd:]
        pre4 = jnp.concatenate(
            [zrp_td[pl.ds(t_t, _TB), :],
             jnp.concatenate([zrp_bu[pl.ds(t_b, _TBB), :], zpad_zr], axis=0)],
            axis=1)
        zr4 = jax.nn.sigmoid(pre4 +
                             jnp.dot(inp, m1f_v,
                                     preferred_element_type=jnp.float32))
        z_t = zr4[:, :hd]
        r_t = zr4[:, hd:2 * hd]
        z_b = zr4[:_TBB, 2 * hd:3 * hd]
        r_b = zr4[:_TBB, 3 * hd:]
        inp2 = jnp.concatenate(
            [phb * r_t,
             jnp.concatenate([accb * r_b, zpad_h], axis=0)], axis=1)
        hp2 = jnp.concatenate(
            [hpp_td[pl.ds(t_t, _TB), :],
             jnp.concatenate([hpp_bu[pl.ds(t_b, _TBB), :], zpad_h], axis=0)],
            axis=1)
        cc = jnp.tanh(hp2 + jnp.dot(inp2, m2f_v,
                                    preferred_element_type=jnp.float32))
        stg_h[:, :hd] = z_t * phb + (1.0 - z_t) * cc[:, :hd]
        stg_h[:_TBB, hd:] = z_b * accb + (1.0 - z_b) * cc[:_TBB, hd:]
        for s in range(_TB):
            h_td[pl.ds(jst[s], 1), :] = stg_h[pl.ds(s, 1), :hd]
        for s in range(_TBB):
            h_bu[pl.ds(mst[s], 1), :] = stg_h[pl.ds(s, 1), hd:]

    def level(k, c):
        b_t = cnt_td[k - 1]
        e_t = cnt_td[k]
        b_b = cnt_bu[k - 1]
        e_b = cnt_bu[k]

        def tile_cond(ts):
            return jnp.logical_or(ts[0] < e_t, ts[1] < e_b)

        def tile_body(ts):
            fused_tile(ts[0], e_t, ts[1], e_b)
            return (ts[0] + _TB, ts[1] + _TBB)

        lax.while_loop(tile_cond, tile_body, (b_t, b_b))
        return c

    lax.fori_loop(1, maxdm + 1, level, 0)

    row_ids = lax.broadcasted_iota(jnp.int32, (n + 1, leafs.shape[1]), 0)
    is_leaf = jnp.any(row_ids == leafs[...], axis=1, keepdims=True)
    td_final = jnp.max(jnp.where(is_leaf, h_td[:n + 1, :], -jnp.inf),
                       axis=0, keepdims=True)
    bu_root = h_bu[pl.ds(n - 1, 1), :]

    fs = jnp.concatenate([td_final, bu_root], axis=1)
    fs1 = jnp.maximum(jnp.dot(fs, wo1[...],
                              preferred_element_type=jnp.float32) + bo1[...],
                      0.0)
    logits = jnp.dot(fs1, wo4[...],
                     preferred_element_type=jnp.float32) + bo4[...]
    m = jnp.max(logits, axis=1, keepdims=True)
    e = jnp.exp(logits - m)
    out_ref[...] = e / jnp.sum(e, axis=1, keepdims=True)


def kernel(x_word, x_index, td_parent, bu_tree, leaf_idxs,
           E_td, W_z_td, U_z_td, b_z_td, W_r_td, U_r_td, b_r_td,
           W_h_td, U_h_td, b_h_td,
           E_bu, W_z_bu, U_z_bu, b_z_bu, W_r_bu, U_r_bu, b_r_bu,
           W_h_bu, U_h_bu, b_h_bu,
           W_out1, b_out1, W_out4, b_out4):
    n, w = x_word.shape
    p, d = bu_tree.shape
    hd = E_td.shape[0]
    nc = W_out4.shape[0]

    idx = x_index.astype(jnp.int32).reshape(n * w)
    table = jnp.concatenate([E_td, E_bu], axis=0).T
    rows_f = _sc_gather(table, idx).reshape(n, w, 2 * hd)

    pzr_td = jnp.concatenate([W_z_td.T, W_r_td.T], axis=1)
    bzr_td = jnp.concatenate([b_z_td, b_r_td])[None, :]
    uzr_td = jnp.concatenate([U_z_td.T, U_r_td.T], axis=1)
    pzr_bu = jnp.concatenate([W_z_bu.T, W_r_bu.T], axis=1)
    bzr_bu = jnp.concatenate([b_z_bu, b_r_bu])[None, :]
    uzr_bu = jnp.concatenate([U_z_bu.T, U_r_bu.T], axis=1)
    zz = jnp.zeros((hd, 2 * hd), jnp.float32)
    m1f = jnp.concatenate([jnp.concatenate([uzr_td, zz], axis=1),
                           jnp.concatenate([zz, uzr_bu], axis=1)], axis=0)
    zh = jnp.zeros((hd, hd), jnp.float32)
    m2f = jnp.concatenate([jnp.concatenate([U_h_td.T, zh], axis=1),
                           jnp.concatenate([zh, U_h_bu.T], axis=1)], axis=0)

    vmem = pl.BlockSpec(memory_space=pltpu.VMEM)
    smem = pl.BlockSpec(memory_space=pltpu.SMEM)

    out = pl.pallas_call(
        _tc_body,
        out_shape=jax.ShapeDtypeStruct((1, nc), jnp.float32),
        in_specs=[vmem, vmem, vmem, smem, smem] + [vmem] * 14,
        out_specs=vmem,
        scratch_shapes=[
            pltpu.VMEM((n + 2, hd), jnp.float32),
            pltpu.VMEM((n + 1, hd), jnp.float32),
            pltpu.VMEM((n, 2 * hd), jnp.float32),
            pltpu.VMEM((n + _TB, hd), jnp.float32),
            pltpu.VMEM((p + _TBB, hd), jnp.float32),
            pltpu.VMEM((n + _TB, 2 * hd), jnp.float32),
            pltpu.VMEM((n + _TB, hd), jnp.float32),
            pltpu.VMEM((p + _TBB, 2 * hd), jnp.float32),
            pltpu.VMEM((p + _TBB, hd), jnp.float32),
            pltpu.VMEM((_TB, 2 * hd), jnp.float32),
            pltpu.SMEM((n + 1,), jnp.int32),
            pltpu.SMEM((n + 2,), jnp.int32),
            pltpu.SMEM((n,), jnp.int32),
            pltpu.SMEM((n,), jnp.int32),
            pltpu.SMEM((p + 2,), jnp.int32),
            pltpu.SMEM((p,), jnp.int32),
        ],
    )(
        rows_f, x_word,
        leaf_idxs.astype(jnp.int32).reshape(1, -1),
        td_parent.astype(jnp.int32),
        bu_tree.astype(jnp.int32),
        pzr_td, W_h_td.T, bzr_td, b_h_td[None, :],
        pzr_bu, W_h_bu.T, bzr_bu, b_h_bu[None, :],
        m1f, m2f,
        W_out1.T, b_out1[None, :], W_out4.T, b_out4[None, :],
    )
    return out[0]

# --- scband reference (transcript-rebuilt; emitter-appended) ---
"""Pipeline reference for scband-rv-nn-50783693308411 (READ-ONLY COPY).

The authoritative reference and input builder live on the scoring server;
editing this copy changes nothing except your own understanding.
"""

import jax, jax.numpy as jnp
import numpy as np

N = 1024
L = 512
P = 512
W = 16
V = 100000
H = 64
D = 4
NC = 4


def _mat(key, shape):
    return 0.1 * jax.random.normal(key, shape, dtype=jnp.float32)


def setup_inputs(seed: int = 0) -> dict:
    key = jax.random.key(seed)
    ks = jax.random.split(key, 40)
    x_word = jax.random.uniform(ks[0], (N, W), dtype=jnp.float32)
    x_index = jax.random.randint(ks[1], (N, W), 0, V)
    td_parent = jnp.minimum(jax.random.randint(ks[2], (N,), 0, N), jnp.arange(N))
    bu_tree = jnp.minimum(jax.random.randint(ks[3], (P, D), 0, N), (L + jnp.arange(P) - 1)[:, None])
    leaf_idxs = jax.random.randint(ks[4], (L,), 1, N + 1)
    inp = dict(x_word=x_word, x_index=x_index, td_parent=td_parent, bu_tree=bu_tree, leaf_idxs=leaf_idxs)
    inp['E_td'] = _mat(ks[5], (H, V))
    inp['W_z_td'] = _mat(ks[6], (H, H)); inp['U_z_td'] = _mat(ks[7], (H, H)); inp['b_z_td'] = jnp.zeros((H,), jnp.float32)
    inp['W_r_td'] = _mat(ks[8], (H, H)); inp['U_r_td'] = _mat(ks[9], (H, H)); inp['b_r_td'] = jnp.zeros((H,), jnp.float32)
    inp['W_h_td'] = _mat(ks[10], (H, H)); inp['U_h_td'] = _mat(ks[11], (H, H)); inp['b_h_td'] = jnp.zeros((H,), jnp.float32)
    inp['E_bu'] = _mat(ks[12], (H, V))
    inp['W_z_bu'] = _mat(ks[13], (H, H)); inp['U_z_bu'] = _mat(ks[14], (H, H)); inp['b_z_bu'] = jnp.zeros((H,), jnp.float32)
    inp['W_r_bu'] = _mat(ks[15], (H, H)); inp['U_r_bu'] = _mat(ks[16], (H, H)); inp['b_r_bu'] = jnp.zeros((H,), jnp.float32)
    inp['W_h_bu'] = _mat(ks[17], (H, H)); inp['U_h_bu'] = _mat(ks[18], (H, H)); inp['b_h_bu'] = jnp.zeros((H,), jnp.float32)
    inp['W_out1'] = _mat(ks[19], (H, 2 * H)); inp['b_out1'] = jnp.zeros((H,), jnp.float32)
    inp['W_out4'] = _mat(ks[20], (NC, H)); inp['b_out4'] = jnp.zeros((NC,), jnp.float32)
    return inp


def reference(x_word, x_index, td_parent, bu_tree, leaf_idxs, E_td, W_z_td, U_z_td, b_z_td, W_r_td, U_r_td, b_r_td, W_h_td, U_h_td, b_h_td, E_bu, W_z_bu, U_z_bu, b_z_bu, W_r_bu, U_r_bu, b_r_bu, W_h_bu, U_h_bu, b_h_bu, W_out1, b_out1, W_out4, b_out4):
    n = x_word.shape[0]
    p = bu_tree.shape[0]
    l = n - p
    h_dim = E_td.shape[0]

    # ---- top-down GRU recurrence over nodes ----
    def td_step(node_h, inp):
        i, words, idxs, parent = inp
        parent_h = node_h[parent]
        xe = (E_td[:, idxs] * words[None, :]).sum(axis=1)
        z = jax.nn.sigmoid(W_z_td @ xe + U_z_td @ parent_h + b_z_td)
        r = jax.nn.sigmoid(W_r_td @ xe + U_r_td @ parent_h + b_r_td)
        c = jnp.tanh(W_h_td @ xe + U_h_td @ (parent_h * r) + b_h_td)
        hch = z * parent_h + (1.0 - z) * c
        return node_h.at[i + 1].set(hch), None

    node_h0 = jnp.zeros((n + 1, h_dim), jnp.float32)
    node_h_td, _ = jax.lax.scan(td_step, node_h0, (jnp.arange(n), x_word, x_index, td_parent))
    td_final = node_h_td[leaf_idxs].max(axis=0)

    # ---- bottom-up GRU recurrence ----
    def bu_unit(words, idxs, child_h):
        h_tilde = child_h.sum(axis=0)
        xe = (E_bu[:, idxs] * words[None, :]).sum(axis=1)
        z = jax.nn.sigmoid(W_z_bu @ xe + U_z_bu @ h_tilde + b_z_bu)
        r = jax.nn.sigmoid(W_r_bu @ xe + U_r_bu @ h_tilde + b_r_bu)
        c = jnp.tanh(W_h_bu @ xe + U_h_bu @ (h_tilde * r) + b_h_bu)
        return z * h_tilde + (1.0 - z) * c

    deg = bu_tree.shape[1]
    leaf_h = jax.vmap(lambda w, i: bu_unit(w, i, jnp.zeros((deg, h_dim), jnp.float32)))(x_word[:l], x_index[:l])
    node_h0_bu = jnp.zeros((n, h_dim), jnp.float32).at[:l].set(leaf_h)

    def bu_step(node_h, inp):
        idx, words, idxs, children = inp
        valid = (children > -1).astype(jnp.float32)
        child_h = node_h[children] * valid[:, None]
        ph = bu_unit(words, idxs, child_h)
        return node_h.at[l + idx].set(ph), ph

    _, hs = jax.lax.scan(bu_step, node_h0_bu, (jnp.arange(p), x_word[l:], x_index[l:], bu_tree))
    bu_root = hs[-1]

    final_state = jnp.concatenate([td_final, bu_root], axis=0)
    fs1 = jax.nn.relu((W_out1 * final_state[None, :]).sum(axis=1) + b_out1)
    pred = jax.nn.softmax((W_out4 * fs1[None, :]).sum(axis=1) + b_out4)
    return pred

if __name__ == "__main__":
    import jax
    _d = setup_inputs()
    print(jax.jit(kernel)(*tuple(_d.values())))

</pallas_src>

<mosaic_0001>
#map = affine_map<(d0, d1) -> (0, 0)>
#map1 = affine_map<(d0, d1) -> (0)>
module attributes {stable_mosaic.version = 14 : i64} {
  func.func @gather_k(%arg0: i32, %arg1: i32, %arg2: memref<100000x128xf32, #tpu.memory_space<hbm>>, %arg3: memref<16384xi32, #tpu.memory_space<hbm>>, %arg4: memref<16384x128xf32, #tpu.memory_space<hbm>>, %arg5: memref<512xi32, #tpu.memory_space<vmem>>, %arg6: memref<512x128xf32, #tpu.memory_space<vmem>>, %arg7: memref<!tpu.dma_semaphore, #tpu.memory_space<semaphore_mem>>) attributes {dimension_semantics = [#tpu.dimension_semantics<core_parallel>, #tpu.dimension_semantics<subcore_parallel>], iteration_bounds = array<i64: 2, 16>, scalar_prefetch = 0 : i64, scratch_operands = 3 : i64, tpu.core_type = #tpu.core_type<sc_vector_subcore>, window_params = [{transform_indices = #map}, {transform_indices = #map1}, {transform_indices = #map}]} {
    %mul3A = arith.constant 2 : i32
    %mul3A_0 = arith.muli %arg1, %mul3A : i32
    %add3A = arith.addi %mul3A_0, %arg0 : i32
    %mul3A_1 = arith.constant 512 : i32
    %mul3A_2 = arith.muli %add3A, %mul3A_1 : i32
    "tpu.region"() ({
      %run_scoped3A = tpu.sem_alloc : memref<!tpu.dma_semaphore, #tpu.memory_space<semaphore_mem>>
      %dma_start3A_7 = tpu.memref_slice %arg3[%mul3A_2] : memref<16384xi32, #tpu.memory_space<hbm>> -> memref<512xi32, #tpu.memory_space<hbm>>
      %dma_start3A_8 = tpu.memref_slice %arg3[%mul3A_2] : memref<16384xi32, #tpu.memory_space<hbm>> -> memref<512xi32, #tpu.memory_space<hbm>>
      tpu.enqueue_dma source(%dma_start3A_8 : memref<512xi32, #tpu.memory_space<hbm>>) target(%arg5 : memref<512xi32, #tpu.memory_space<vmem>>) target_semaphore(%run_scoped3A : memref<!tpu.dma_semaphore, #tpu.memory_space<semaphore_mem>>)
      %dma_wait3A_9 = tpu.memref_slice %arg3[%mul3A_2] : memref<16384xi32, #tpu.memory_space<hbm>> -> memref<512xi32, #tpu.memory_space<hbm>>
      %dma_wait3A_10 = tpu.memref_slice %arg3[%mul3A_2] : memref<16384xi32, #tpu.memory_space<hbm>> -> memref<512xi32, #tpu.memory_space<hbm>>
      tpu.wait_dma2 semaphore(%run_scoped3A : memref<!tpu.dma_semaphore, #tpu.memory_space<semaphore_mem>>) src(%dma_wait3A_10 : memref<512xi32, #tpu.memory_space<hbm>>) dst(%arg5 : memref<512xi32, #tpu.memory_space<vmem>>)
      tpu.yield
    }) : () -> ()
    %dma_start3A = arith.constant 0 : i32
    %dma_start3A_3 = arith.constant 0 : i32
    %dma_start3A_4 = tpu.memref_slice %arg2[%dma_start3A, %dma_start3A_3] : memref<100000x128xf32, #tpu.memory_space<hbm>> -> memref<100000x128xf32, #tpu.memory_space<hbm>>
    tpu.enqueue_indirect_dma source(%dma_start3A_4 : memref<100000x128xf32, #tpu.memory_space<hbm>>) target(%arg6 : memref<512x128xf32, #tpu.memory_space<vmem>>) offsets(%arg5 : memref<512xi32, #tpu.memory_space<vmem>>) semaphore(%arg7 : memref<!tpu.dma_semaphore, #tpu.memory_space<semaphore_mem>>)
    %dma_wait3A = arith.constant 0 : i32
    %dma_wait3A_5 = arith.constant 0 : i32
    %dma_wait3A_6 = tpu.memref_slice %arg2[%dma_wait3A, %dma_wait3A_5] : memref<100000x128xf32, #tpu.memory_space<hbm>> -> memref<100000x128xf32, #tpu.memory_space<hbm>>
    tpu.wait_indirect_dma semaphore(%arg7 : memref<!tpu.dma_semaphore, #tpu.memory_space<semaphore_mem>>) src(%dma_wait3A_6 : memref<100000x128xf32, #tpu.memory_space<hbm>>) dst(%arg6 : memref<512x128xf32, #tpu.memory_space<vmem>>)
    "tpu.region"() ({
      %run_scoped3A = tpu.sem_alloc : memref<!tpu.dma_semaphore, #tpu.memory_space<semaphore_mem>>
      %dma_start3A_7 = arith.constant 0 : i32
      %dma_start3A_8 = tpu.memref_slice %arg4[%mul3A_2, %dma_start3A_7] : memref<16384x128xf32, #tpu.memory_space<hbm>> -> memref<512x128xf32, #tpu.memory_space<hbm>>
      %dma_start3A_9 = arith.constant 0 : i32
      %dma_start3A_10 = tpu.memref_slice %arg4[%mul3A_2, %dma_start3A_9] : memref<16384x128xf32, #tpu.memory_space<hbm>> -> memref<512x128xf32, #tpu.memory_space<hbm>>
      tpu.enqueue_dma source(%arg6 : memref<512x128xf32, #tpu.memory_space<vmem>>) target(%dma_start3A_10 : memref<512x128xf32, #tpu.memory_space<hbm>>) target_semaphore(%run_scoped3A : memref<!tpu.dma_semaphore, #tpu.memory_space<semaphore_mem>>)
      %dma_wait3A_11 = arith.constant 0 : i32
      %dma_wait3A_12 = tpu.memref_slice %arg4[%mul3A_2, %dma_wait3A_11] : memref<16384x128xf32, #tpu.memory_space<hbm>> -> memref<512x128xf32, #tpu.memory_space<hbm>>
      %dma_wait3A_13 = arith.constant 0 : i32
      %dma_wait3A_14 = tpu.memref_slice %arg4[%mul3A_2, %dma_wait3A_13] : memref<16384x128xf32, #tpu.memory_space<hbm>> -> memref<512x128xf32, #tpu.memory_space<hbm>>
      tpu.wait_dma2 semaphore(%run_scoped3A : memref<!tpu.dma_semaphore, #tpu.memory_space<semaphore_mem>>) src(%arg6 : memref<512x128xf32, #tpu.memory_space<vmem>>) dst(%dma_wait3A_14 : memref<512x128xf32, #tpu.memory_space<hbm>>)
      tpu.yield
    }) : () -> ()
    return
  }
}

module attributes {stable_mosaic.version = 14 : i64} {
  func.func @_tc_body(%arg0: memref<1024x16x128xf32, #tpu.memory_space<vmem>>, %arg1: memref<1024x16xf32, #tpu.memory_space<vmem>>, %arg2: memref<1x512xi32, #tpu.memory_space<vmem>>, %arg3: memref<1024xi32, #tpu.memory_space<smem>>, %arg4: memref<512x4xi32, #tpu.memory_space<smem>>, %arg5: memref<64x128xf32, #tpu.memory_space<vmem>>, %arg6: memref<64x64xf32, #tpu.memory_space<vmem>>, %arg7: memref<1x128xf32, #tpu.memory_space<vmem>>, %arg8: memref<1x64xf32, #tpu.memory_space<vmem>>, %arg9: memref<64x128xf32, #tpu.memory_space<vmem>>, %arg10: memref<64x64xf32, #tpu.memory_space<vmem>>, %arg11: memref<1x128xf32, #tpu.memory_space<vmem>>, %arg12: memref<1x64xf32, #tpu.memory_space<vmem>>, %arg13: memref<128x256xf32, #tpu.memory_space<vmem>>, %arg14: memref<128x128xf32, #tpu.memory_space<vmem>>, %arg15: memref<128x64xf32, #tpu.memory_space<vmem>>, %arg16: memref<1x64xf32, #tpu.memory_space<vmem>>, %arg17: memref<64x4xf32, #tpu.memory_space<vmem>>, %arg18: memref<1x4xf32, #tpu.memory_space<vmem>>, %arg19: memref<1x4xf32, #tpu.memory_space<vmem>>, %arg20: memref<1026x64xf32, #tpu.memory_space<vmem>>, %arg21: memref<1025x64xf32, #tpu.memory_space<vmem>>, %arg22: memref<1024x128xf32, #tpu.memory_space<vmem>>, %arg23: memref<1072x64xf32, #tpu.memory_space<vmem>>, %arg24: memref<528x64xf32, #tpu.memory_space<vmem>>, %arg25: memref<1072x128xf32, #tpu.memory_space<vmem>>, %arg26: memref<1072x64xf32, #tpu.memory_space<vmem>>, %arg27: memref<528x128xf32, #tpu.memory_space<vmem>>, %arg28: memref<528x64xf32, #tpu.memory_space<vmem>>, %arg29: memref<48x128xf32, #tpu.memory_space<vmem>>, %arg30: memref<1025xi32, #tpu.memory_space<smem>>, %arg31: memref<1026xi32, #tpu.memory_space<smem>>, %arg32: memref<1024xi32, #tpu.memory_space<smem>>, %arg33: memref<1024xi32, #tpu.memory_space<smem>>, %arg34: memref<514xi32, #tpu.memory_space<smem>>, %arg35: memref<512xi32, #tpu.memory_space<smem>>) attributes {dimension_semantics = [], scalar_prefetch = 0 : i64, scratch_operands = 16 : i64, tpu.core_type = #tpu.core_type<tc>} {
    %get3A = arith.constant 0 : index
    %get3A_0 = arith.constant 0 : index
    %get3A_1 = vector.load %arg1[%get3A, %get3A_0] : memref<1024x16xf32, #tpu.memory_space<vmem>>, vector<1024x16xf32>
    %broadcast_in_dim3A = vector.shape_cast %get3A_1 : vector<1024x16xf32> to vector<1024x16x1xf32>
    %get3A_2 = arith.constant 0 : index
    %get3A_3 = arith.constant 0 : index
    %get3A_4 = arith.constant 0 : index
    %get3A_5 = vector.load %arg0[%get3A_2, %get3A_3, %get3A_4] : memref<1024x16x128xf32, #tpu.memory_space<vmem>>, vector<1024x16x128xf32>
    %mul3A = vector.broadcast %broadcast_in_dim3A : vector<1024x16x1xf32> to vector<1024x16x128xf32>
    %mul3A_6 = arith.mulf %get3A_5, %mul3A : vector<1024x16x128xf32>
    %reduce_sum3A = arith.constant dense<0.000000e+00> : vector<1024x128xf32>
    %reduce_sum3A_7 = vector.multi_reduction <add>, %mul3A_6, %reduce_sum3A [1] : vector<1024x16x128xf32> to vector<1024x128xf32>
    %swap3A = arith.constant 0 : index
    %swap3A_8 = arith.constant 0 : index
    %swap3A_9 = vector.load %arg22[%swap3A, %swap3A_8] : memref<1024x128xf32, #tpu.memory_space<vmem>>, vector<1024x128xf32>
    tpu.vector_store %arg22[%swap3A, %swap3A_8], %reduce_sum3A_7 {strides = array<i32>} : memref<1024x128xf32, #tpu.memory_space<vmem>>, vector<1024x128xf32>,
    %get3A_10 = arith.constant 0 : index
    %get3A_11 = arith.constant 64 : index
    %get3A_12 = vector.load %arg22[%get3A_10, %get3A_11] : memref<1024x128xf32, #tpu.memory_space<vmem>>, vector<512x64xf32>
    %get3A_13 = arith.constant 0 : index
    %get3A_14 = arith.constant 0 : index
    %get3A_15 = vector.load %arg9[%get3A_13, %get3A_14] : memref<64x128xf32, #tpu.memory_space<vmem>>, vector<64x64xf32>
    %dot_general3A = arith.constant dense<0.000000e+00> : vector<512x64xf32>
    %dot_general3A_16 = tpu.matmul %get3A_12, %get3A_15, %dot_general3A {dimension_numbers = #tpu.dot_dimension_numbers<[1], [0], [0], [1], [0, 0, 1, 1], [], []>, transpose_lhs_hint = false} : vector<512x64xf32>, vector<64x64xf32>, vector<512x64xf32> -> vector<512x64xf32>
    %get3A_17 = arith.constant 0 : index
    %get3A_18 = arith.constant 0 : index
    %get3A_19 = vector.load %arg11[%get3A_17, %get3A_18] : memref<1x128xf32, #tpu.memory_space<vmem>>, vector<1x64xf32>
    %add3A = vector.broadcast %get3A_19 : vector<1x64xf32> to vector<512x64xf32>
    %add3A_20 = arith.addf %dot_general3A_16, %add3A : vector<512x64xf32>
    %logistic3A = arith.negf %add3A_20 : vector<512x64xf32>
    %logistic3A_21 = math.exp %logistic3A : vector<512x64xf32>
    %logistic3A_22 = arith.constant 1.000000e+00 : f32
    %logistic3A_23 = vector.broadcast %logistic3A_22 : f32 to vector<512x64xf32>
    %logistic3A_24 = arith.addf %logistic3A_23, %logistic3A_21 : vector<512x64xf32>
    %logistic3A_25 = arith.divf %logistic3A_23, %logistic3A_24 : vector<512x64xf32>
    %get3A_26 = arith.constant 0 : index
    %get3A_27 = arith.constant 0 : index
    %get3A_28 = vector.load %arg10[%get3A_26, %get3A_27] : memref<64x64xf32, #tpu.memory_space<vmem>>, vector<64x64xf32>
    %dot_general3A_29 = arith.constant dense<0.000000e+00> : vector<512x64xf32>
    %dot_general3A_30 = tpu.matmul %get3A_12, %get3A_28, %dot_general3A_29 {dimension_numbers = #tpu.dot_dimension_numbers<[1], [0], [0], [1], [0, 0, 1, 1], [], []>, transpose_lhs_hint = false} : vector<512x64xf32>, vector<64x64xf32>, vector<512x64xf32> -> vector<512x64xf32>
    %get3A_31 = arith.constant 0 : index
    %get3A_32 = arith.constant 0 : index
    %get3A_33 = vector.load %arg12[%get3A_31, %get3A_32] : memref<1x64xf32, #tpu.memory_space<vmem>>, vector<1x64xf32>
    %add3A_34 = vector.broadcast %get3A_33 : vector<1x64xf32> to vector<512x64xf32>
    %add3A_35 = arith.addf %dot_general3A_30, %add3A_34 : vector<512x64xf32>
    %tanh3A = math.tanh %add3A_35 : vector<512x64xf32>
    %sub3A = arith.constant 1.000000e+00 : f32
    %sub3A_36 = vector.broadcast %sub3A : f32 to vector<512x64xf32>
    %sub3A_37 = arith.subf %sub3A_36, %logistic3A_25 : vector<512x64xf32>
    %mul3A_38 = arith.mulf %sub3A_37, %tanh3A : vector<512x64xf32>
    %swap3A_39 = arith.constant 0 : index
    %swap3A_40 = arith.constant 0 : index
    %swap3A_41 = vector.load %arg21[%swap3A_39, %swap3A_40] : memref<1025x64xf32, #tpu.memory_space<vmem>>, vector<512x64xf32>
    tpu.vector_store %arg21[%swap3A_39, %swap3A_40], %mul3A_38 {strides = array<i32>} : memref<1025x64xf32, #tpu.memory_space<vmem>>, vector<512x64xf32>,
    %broadcast_in_dim3A_42 = arith.constant 0.000000e+00 : f32
    %broadcast_in_dim3A_43 = vector.broadcast %broadcast_in_dim3A_42 : f32 to vector<1x64xf32>
    %swap3A_44 = arith.constant 0 : index
    %swap3A_45 = arith.constant 0 : index
    %swap3A_46 = vector.load %arg20[%swap3A_44, %swap3A_45] : memref<1026x64xf32, #tpu.memory_space<vmem>>, vector<1x64xf32>
    tpu.vector_store %arg20[%swap3A_44, %swap3A_45], %broadcast_in_dim3A_43 {strides = array<i32>} : memref<1026x64xf32, #tpu.memory_space<vmem>>, vector<1x64xf32>,
    %broadcast_in_dim3A_47 = arith.constant 0.000000e+00 : f32
    %broadcast_in_dim3A_48 = vector.broadcast %broadcast_in_dim3A_47 : f32 to vector<48x128xf32>
    %swap3A_49 = arith.constant 0 : index
    %swap3A_50 = arith.constant 0 : index
    %swap3A_51 = vector.load %arg29[%swap3A_49, %swap3A_50] : memref<48x128xf32, #tpu.memory_space<vmem>>, vector<48x128xf32>
    tpu.vector_store %arg29[%swap3A_49, %swap3A_50], %broadcast_in_dim3A_48 {strides = array<i32>} : memref<48x128xf32, #tpu.memory_space<vmem>>, vector<48x128xf32>,
    %broadcast_in_dim3A_52 = arith.constant 0.000000e+00 : f32
    %broadcast_in_dim3A_53 = vector.broadcast %broadcast_in_dim3A_52 : f32 to vector<48x64xf32>
    %swap3A_54 = arith.constant 1024 : index
    %swap3A_55 = arith.constant 0 : index
    %swap3A_56 = vector.load %arg23[%swap3A_54, %swap3A_55] : memref<1072x64xf32, #tpu.memory_space<vmem>>, vector<48x64xf32>
    tpu.vector_store %arg23[%swap3A_54, %swap3A_55], %broadcast_in_dim3A_53 {strides = array<i32>} : memref<1072x64xf32, #tpu.memory_space<vmem>>, vector<48x64xf32>,
    %broadcast_in_dim3A_57 = arith.constant 0.000000e+00 : f32
    %broadcast_in_dim3A_58 = vector.broadcast %broadcast_in_dim3A_57 : f32 to vector<16x64xf32>
    %swap3A_59 = arith.constant 512 : index
    %swap3A_60 = arith.constant 0 : index
    %swap3A_61 = vector.load %arg24[%swap3A_59, %swap3A_60] : memref<528x64xf32, #tpu.memory_space<vmem>>, vector<16x64xf32>
    tpu.vector_store %arg24[%swap3A_59, %swap3A_60], %broadcast_in_dim3A_58 {strides = array<i32>} : memref<528x64xf32, #tpu.memory_space<vmem>>, vector<16x64xf32>,
    %get3A_62 = arith.constant 0 : index
    %get3A_63 = arith.constant 0 : index
    %get3A_64 = vector.load %arg13[%get3A_62, %get3A_63] : memref<128x256xf32, #tpu.memory_space<vmem>>, vector<128x256xf32>
    %get3A_65 = arith.constant 0 : index
    %get3A_66 = arith.constant 0 : index
    %get3A_67 = vector.load %arg14[%get3A_65, %get3A_66] : memref<128x128xf32, #tpu.memory_space<vmem>>, vector<128x128xf32>
    %swap3A_68 = arith.constant 0 : i32
    %swap3A_69 = arith.constant 0 : index
    %swap3A_70 = memref.load %arg30[%swap3A_69] : memref<1025xi32, #tpu.memory_space<smem>>
    memref.store %swap3A_68, %arg30[%swap3A_69] : memref<1025xi32, #tpu.memory_space<smem>>
    %scan3A = arith.constant 0 : i32
    %scan3A_71 = arith.constant 0 : i32
    %scan3A_72 = arith.constant 128 : i32
    %scan3A_73 = arith.addi %scan3A_71, %scan3A_72 : i32
    %scan3A_74 = arith.constant 1 : i32
    %scan3A_75 = scf.for %scan3A_308 = %scan3A_71 to %scan3A_73 step %scan3A_74 iter_args(%scan3A_309 = %scan3A) -> (i32)  : i32 {
      %mul3A_310 = arith.constant 8 : i32
      %mul3A_311 = arith.muli %scan3A_308, %mul3A_310 : i32
      %add3A_312 = arith.constant 0 : i32
      %add3A_313 = arith.addi %mul3A_311, %add3A_312 : i32
      %get3A_314 = arith.index_cast %add3A_313 : i32 to index
      %get3A_315 = memref.load %arg3[%get3A_314] : memref<1024xi32, #tpu.memory_space<smem>>
      %get3A_316 = arith.index_cast %get3A_315 : i32 to index
      %get3A_317 = memref.load %arg30[%get3A_316] : memref<1025xi32, #tpu.memory_space<smem>>
      %add3A_318 = arith.constant 1 : i32
      %add3A_319 = arith.addi %get3A_317, %add3A_318 : i32
      %add3A_320 = arith.constant 1 : i32
      %add3A_321 = arith.addi %add3A_313, %add3A_320 : i32
      %swap3A_322 = arith.index_cast %add3A_321 : i32 to index
      %swap3A_323 = memref.load %arg30[%swap3A_322] : memref<1025xi32, #tpu.memory_space<smem>>
      memref.store %add3A_319, %arg30[%swap3A_322] : memref<1025xi32, #tpu.memory_space<smem>>
      %max3A_324 = arith.maxsi %scan3A_309, %add3A_319 : i32
      %mul3A_325 = arith.constant 8 : i32
      %mul3A_326 = arith.muli %scan3A_308, %mul3A_325 : i32
      %add3A_327 = arith.constant 1 : i32
      %add3A_328 = arith.addi %mul3A_326, %add3A_327 : i32
      %get3A_329 = arith.index_cast %add3A_328 : i32 to index
      %get3A_330 = memref.load %arg3[%get3A_329] : memref<1024xi32, #tpu.memory_space<smem>>
      %get3A_331 = arith.index_cast %get3A_330 : i32 to index
      %get3A_332 = memref.load %arg30[%get3A_331] : memref<1025xi32, #tpu.memory_space<smem>>
      %add3A_333 = arith.constant 1 : i32
      %add3A_334 = arith.addi %get3A_332, %add3A_333 : i32
      %add3A_335 = arith.constant 1 : i32
      %add3A_336 = arith.addi %add3A_328, %add3A_335 : i32
      %swap3A_337 = arith.index_cast %add3A_336 : i32 to index
      %swap3A_338 = memref.load %arg30[%swap3A_337] : memref<1025xi32, #tpu.memory_space<smem>>
      memref.store %add3A_334, %arg30[%swap3A_337] : memref<1025xi32, #tpu.memory_space<smem>>
      %max3A_339 = arith.maxsi %max3A_324, %add3A_334 : i32
      %mul3A_340 = arith.constant 8 : i32
      %mul3A_341 = arith.muli %scan3A_308, %mul3A_340 : i32
      %add3A_342 = arith.constant 2 : i32
      %add3A_343 = arith.addi %mul3A_341, %add3A_342 : i32
      %get3A_344 = arith.index_cast %add3A_343 : i32 to index
      %get3A_345 = memref.load %arg3[%get3A_344] : memref<1024xi32, #tpu.memory_space<smem>>
      %get3A_346 = arith.index_cast %get3A_345 : i32 to index
      %get3A_347 = memref.load %arg30[%get3A_346] : memref<1025xi32, #tpu.memory_space<smem>>
      %add3A_348 = arith.constant 1 : i32
      %add3A_349 = arith.addi %get3A_347, %add3A_348 : i32
      %add3A_350 = arith.constant 1 : i32
      %add3A_351 = arith.addi %add3A_343, %add3A_350 : i32
      %swap3A_352 = arith.index_cast %add3A_351 : i32 to index
      %swap3A_353 = memref.load %arg30[%swap3A_352] : memref<1025xi32, #tpu.memory_space<smem>>
      memref.store %add3A_349, %arg30[%swap3A_352] : memref<1025xi32, #tpu.memory_space<smem>>
      %max3A_354 = arith.maxsi %max3A_339, %add3A_349 : i32
      %mul3A_355 = arith.constant 8 : i32
      %mul3A_356 = arith.muli %scan3A_308, %mul3A_355 : i32
      %add3A_357 = arith.constant 3 : i32
      %add3A_358 = arith.addi %mul3A_356, %add3A_357 : i32
      %get3A_359 = arith.index_cast %add3A_358 : i32 to index
      %get3A_360 = memref.load %arg3[%get3A_359] : memref<1024xi32, #tpu.memory_space<smem>>
      %get3A_361 = arith.index_cast %get3A_360 : i32 to index
      %get3A_362 = memref.load %arg30[%get3A_361] : memref<1025xi32, #tpu.memory_space<smem>>
      %add3A_363 = arith.constant 1 : i32
      %add3A_364 = arith.addi %get3A_362, %add3A_363 : i32
      %add3A_365 = arith.constant 1 : i32
      %add3A_366 = arith.addi %add3A_358, %add3A_365 : i32
      %swap3A_367 = arith.index_cast %add3A_366 : i32 to index
      %swap3A_368 = memref.load %arg30[%swap3A_367] : memref<1025xi32, #tpu.memory_space<smem>>
      memref.store %add3A_364, %arg30[%swap3A_367] : memref<1025xi32, #tpu.memory_space<smem>>
      %max3A_369 = arith.maxsi %max3A_354, %add3A_364 : i32
      %mul3A_370 = arith.constant 8 : i32
      %mul3A_371 = arith.muli %scan3A_308, %mul3A_370 : i32
      %add3A_372 = arith.constant 4 : i32
      %add3A_373 = arith.addi %mul3A_371, %add3A_372 : i32
      %get3A_374 = arith.index_cast %add3A_373 : i32 to index
      %get3A_375 = memref.load %arg3[%get3A_374] : memref<1024xi32, #tpu.memory_space<smem>>
      %get3A_376 = arith.index_cast %get3A_375 : i32 to index
      %get3A_377 = memref.load %arg30[%get3A_376] : memref<1025xi32, #tpu.memory_space<smem>>
      %add3A_378 = arith.constant 1 : i32
      %add3A_379 = arith.addi %get3A_377, %add3A_378 : i32
      %add3A_380 = arith.constant 1 : i32
      %add3A_381 = arith.addi %add3A_373, %add3A_380 : i32
      %swap3A_382 = arith.index_cast %add3A_381 : i32 to index
      %swap3A_383 = memref.load %arg30[%swap3A_382] : memref<1025xi32, #tpu.memory_space<smem>>
      memref.store %add3A_379, %arg30[%swap3A_382] : memref<1025xi32, #tpu.memory_space<smem>>
      %max3A_384 = arith.maxsi %max3A_369, %add3A_379 : i32
      %mul3A_385 = arith.constant 8 : i32
      %mul3A_386 = arith.muli %scan3A_308, %mul3A_385 : i32
      %add3A_387 = arith.constant 5 : i32
      %add3A_388 = arith.addi %mul3A_386, %add3A_387 : i32
      %get3A_389 = arith.index_cast %add3A_388 : i32 to index
      %get3A_390 = memref.load %arg3[%get3A_389] : memref<1024xi32, #tpu.memory_space<smem>>
      %get3A_391 = arith.index_cast %get3A_390 : i32 to index
      %get3A_392 = memref.load %arg30[%get3A_391] : memref<1025xi32, #tpu.memory_space<smem>>
      %add3A_393 = arith.constant 1 : i32
      %add3A_394 = arith.addi %get3A_392, %add3A_393 : i32
      %add3A_395 = arith.constant 1 : i32
      %add3A_396 = arith.addi %add3A_388, %add3A_395 : i32
      %swap3A_397 = arith.index_cast %add3A_396 : i32 to index
      %swap3A_398 = memref.load %arg30[%swap3A_397] : memref<1025xi32, #tpu.memory_space<smem>>
      memref.store %add3A_394, %arg30[%swap3A_397] : memref<1025xi32, #tpu.memory_space<smem>>
      %max3A_399 = arith.maxsi %max3A_384, %add3A_394 : i32
      %mul3A_400 = arith.constant 8 : i32
      %mul3A_401 = arith.muli %scan3A_308, %mul3A_400 : i32
      %add3A_402 = arith.constant 6 : i32
      %add3A_403 = arith.addi %mul3A_401, %add3A_402 : i32
      %get3A_404 = arith.index_cast %add3A_403 : i32 to index
      %get3A_405 = memref.load %arg3[%get3A_404] : memref<1024xi32, #tpu.memory_space<smem>>
      %get3A_406 = arith.index_cast %get3A_405 : i32 to index
      %get3A_407 = memref.load %arg30[%get3A_406] : memref<1025xi32, #tpu.memory_space<smem>>
      %add3A_408 = arith.constant 1 : i32
      %add3A_409 = arith.addi %get3A_407, %add3A_408 : i32
      %add3A_410 = arith.constant 1 : i32
      %add3A_411 = arith.addi %add3A_403, %add3A_410 : i32
      %swap3A_412 = arith.index_cast %add3A_411 : i32 to index
      %swap3A_413 = memref.load %arg30[%swap3A_412] : memref<1025xi32, #tpu.memory_space<smem>>
      memref.store %add3A_409, %arg30[%swap3A_412] : memref<1025xi32, #tpu.memory_space<smem>>
      %max3A_414 = arith.maxsi %max3A_399, %add3A_409 : i32
      %mul3A_415 = arith.constant 8 : i32
      %mul3A_416 = arith.muli %scan3A_308, %mul3A_415 : i32
      %add3A_417 = arith.constant 7 : i32
      %add3A_418 = arith.addi %mul3A_416, %add3A_417 : i32
      %get3A_419 = arith.index_cast %add3A_418 : i32 to index
      %get3A_420 = memref.load %arg3[%get3A_419] : memref<1024xi32, #tpu.memory_space<smem>>
      %get3A_421 = arith.index_cast %get3A_420 : i32 to index
      %get3A_422 = memref.load %arg30[%get3A_421] : memref<1025xi32, #tpu.memory_space<smem>>
      %add3A_423 = arith.constant 1 : i32
      %add3A_424 = arith.addi %get3A_422, %add3A_423 : i32
      %add3A_425 = arith.constant 1 : i32
      %add3A_426 = arith.addi %add3A_418, %add3A_425 : i32
      %swap3A_427 = arith.index_cast %add3A_426 : i32 to index
      %swap3A_428 = memref.load %arg30[%swap3A_427] : memref<1025xi32, #tpu.memory_space<smem>>
      memref.store %add3A_424, %arg30[%swap3A_427] : memref<1025xi32, #tpu.memory_space<smem>>
      %max3A_429 = arith.maxsi %max3A_414, %add3A_424 : i32
      scf.yield %max3A_429 : i32
    }
    %scan3A_76 = arith.constant 128 : i32
    %scan3A_77 = arith.constant 0 : i32
    %scan3A_78 = arith.constant 64 : i32
    %scan3A_79 = arith.addi %scan3A_77, %scan3A_78 : i32
    %scan3A_80 = arith.constant 1 : i32
    scf.for %scan3A_308 = %scan3A_77 to %scan3A_79 step %scan3A_80  : i32 {
      %mul3A_309 = arith.constant 8 : i32
      %mul3A_310 = arith.muli %scan3A_308, %mul3A_309 : i32
      %add3A_311 = arith.constant 0 : i32
      %add3A_312 = arith.addi %mul3A_310, %add3A_311 : i32
      %swap3A_313 = arith.constant 0 : i32
      %swap3A_314 = arith.index_cast %add3A_312 : i32 to index
      %swap3A_315 = memref.load %arg33[%swap3A_314] : memref<1024xi32, #tpu.memory_space<smem>>
      memref.store %swap3A_313, %arg33[%swap3A_314] : memref<1024xi32, #tpu.memory_space<smem>>
      %mul3A_316 = arith.constant 8 : i32
      %mul3A_317 = arith.muli %scan3A_308, %mul3A_316 : i32
      %add3A_318 = arith.constant 1 : i32
      %add3A_319 = arith.addi %mul3A_317, %add3A_318 : i32
      %swap3A_320 = arith.constant 0 : i32
      %swap3A_321 = arith.index_cast %add3A_319 : i32 to index
      %swap3A_322 = memref.load %arg33[%swap3A_321] : memref<1024xi32, #tpu.memory_space<smem>>
      memref.store %swap3A_320, %arg33[%swap3A_321] : memref<1024xi32, #tpu.memory_space<smem>>
      %mul3A_323 = arith.constant 8 : i32
      %mul3A_324 = arith.muli %scan3A_308, %mul3A_323 : i32
      %add3A_325 = arith.constant 2 : i32
      %add3A_326 = arith.addi %mul3A_324, %add3A_325 : i32
      %swap3A_327 = arith.constant 0 : i32
      %swap3A_328 = arith.index_cast %add3A_326 : i32 to index
      %swap3A_329 = memref.load %arg33[%swap3A_328] : memref<1024xi32, #tpu.memory_space<smem>>
      memref.store %swap3A_327, %arg33[%swap3A_328] : memref<1024xi32, #tpu.memory_space<smem>>
      %mul3A_330 = arith.constant 8 : i32
      %mul3A_331 = arith.muli %scan3A_308, %mul3A_330 : i32
      %add3A_332 = arith.constant 3 : i32
      %add3A_333 = arith.addi %mul3A_331, %add3A_332 : i32
      %swap3A_334 = arith.constant 0 : i32
      %swap3A_335 = arith.index_cast %add3A_333 : i32 to index
      %swap3A_336 = memref.load %arg33[%swap3A_335] : memref<1024xi32, #tpu.memory_space<smem>>
      memref.store %swap3A_334, %arg33[%swap3A_335] : memref<1024xi32, #tpu.memory_space<smem>>
      %mul3A_337 = arith.constant 8 : i32
      %mul3A_338 = arith.muli %scan3A_308, %mul3A_337 : i32
      %add3A_339 = arith.constant 4 : i32
      %add3A_340 = arith.addi %mul3A_338, %add3A_339 : i32
      %swap3A_341 = arith.constant 0 : i32
      %swap3A_342 = arith.index_cast %add3A_340 : i32 to index
      %swap3A_343 = memref.load %arg33[%swap3A_342] : memref<1024xi32, #tpu.memory_space<smem>>
      memref.store %swap3A_341, %arg33[%swap3A_342] : memref<1024xi32, #tpu.memory_space<smem>>
      %mul3A_344 = arith.constant 8 : i32
      %mul3A_345 = arith.muli %scan3A_308, %mul3A_344 : i32
      %add3A_346 = arith.constant 5 : i32
      %add3A_347 = arith.addi %mul3A_345, %add3A_346 : i32
      %swap3A_348 = arith.constant 0 : i32
      %swap3A_349 = arith.index_cast %add3A_347 : i32 to index
      %swap3A_350 = memref.load %arg33[%swap3A_349] : memref<1024xi32, #tpu.memory_space<smem>>
      memref.store %swap3A_348, %arg33[%swap3A_349] : memref<1024xi32, #tpu.memory_space<smem>>
      %mul3A_351 = arith.constant 8 : i32
      %mul3A_352 = arith.muli %scan3A_308, %mul3A_351 : i32
      %add3A_353 = arith.constant 6 : i32
      %add3A_354 = arith.addi %mul3A_352, %add3A_353 : i32
      %swap3A_355 = arith.constant 0 : i32
      %swap3A_356 = arith.index_cast %add3A_354 : i32 to index
      %swap3A_357 = memref.load %arg33[%swap3A_356] : memref<1024xi32, #tpu.memory_space<smem>>
      memref.store %swap3A_355, %arg33[%swap3A_356] : memref<1024xi32, #tpu.memory_space<smem>>
      %mul3A_358 = arith.constant 8 : i32
      %mul3A_359 = arith.muli %scan3A_308, %mul3A_358 : i32
      %add3A_360 = arith.constant 7 : i32
      %add3A_361 = arith.addi %mul3A_359, %add3A_360 : i32
      %swap3A_362 = arith.constant 0 : i32
      %swap3A_363 = arith.index_cast %add3A_361 : i32 to index
      %swap3A_364 = memref.load %arg33[%swap3A_363] : memref<1024xi32, #tpu.memory_space<smem>>
      memref.store %swap3A_362, %arg33[%swap3A_363] : memref<1024xi32, #tpu.memory_space<smem>>
    }
    %scan3A_81 = arith.constant 64 : i32
    %scan3A_82 = arith.constant 0 : i32
    %scan3A_83 = arith.constant 0 : i32
    %scan3A_84 = arith.constant 64 : i32
    %scan3A_85 = arith.addi %scan3A_83, %scan3A_84 : i32
    %scan3A_86 = arith.constant 1 : i32
    %scan3A_87 = scf.for %scan3A_308 = %scan3A_83 to %scan3A_85 step %scan3A_86 iter_args(%scan3A_309 = %scan3A_82) -> (i32)  : i32 {
      %mul3A_310 = arith.constant 8 : i32
      %mul3A_311 = arith.muli %scan3A_308, %mul3A_310 : i32
      %add3A_312 = arith.constant 0 : i32
      %add3A_313 = arith.addi %mul3A_311, %add3A_312 : i32
      %get3A_314 = arith.index_cast %add3A_313 : i32 to index
      %get3A_315 = arith.constant 0 : index
      %get3A_316 = memref.load %arg4[%get3A_314, %get3A_315] : memref<512x4xi32, #tpu.memory_space<smem>>
      %get3A_317 = arith.index_cast %get3A_316 : i32 to index
      %get3A_318 = memref.load %arg33[%get3A_317] : memref<1024xi32, #tpu.memory_space<smem>>
      %get3A_319 = arith.index_cast %add3A_313 : i32 to index
      %get3A_320 = arith.constant 1 : index
      %get3A_321 = memref.load %arg4[%get3A_319, %get3A_320] : memref<512x4xi32, #tpu.memory_space<smem>>
      %get3A_322 = arith.index_cast %get3A_321 : i32 to index
      %get3A_323 = memref.load %arg33[%get3A_322] : memref<1024xi32, #tpu.memory_space<smem>>
      %max3A_324 = arith.maxsi %get3A_318, %get3A_323 : i32
      %get3A_325 = arith.index_cast %add3A_313 : i32 to index
      %get3A_326 = arith.constant 2 : index
      %get3A_327 = memref.load %arg4[%get3A_325, %get3A_326] : memref<512x4xi32, #tpu.memory_space<smem>>
      %get3A_328 = arith.index_cast %get3A_327 : i32 to index
      %get3A_329 = memref.load %arg33[%get3A_328] : memref<1024xi32, #tpu.memory_space<smem>>
      %max3A_330 = arith.maxsi %max3A_324, %get3A_329 : i32
      %get3A_331 = arith.index_cast %add3A_313 : i32 to index
      %get3A_332 = arith.constant 3 : index
      %get3A_333 = memref.load %arg4[%get3A_331, %get3A_332] : memref<512x4xi32, #tpu.memory_space<smem>>
      %get3A_334 = arith.index_cast %get3A_333 : i32 to index
      %get3A_335 = memref.load %arg33[%get3A_334] : memref<1024xi32, #tpu.memory_space<smem>>
      %max3A_336 = arith.maxsi %max3A_330, %get3A_335 : i32
      %add3A_337 = arith.constant 1 : i32
      %add3A_338 = arith.addi %max3A_336, %add3A_337 : i32
      %add3A_339 = arith.constant 512 : i32
      %add3A_340 = arith.addi %add3A_339, %add3A_313 : i32
      %swap3A_341 = arith.index_cast %add3A_340 : i32 to index
      %swap3A_342 = memref.load %arg33[%swap3A_341] : memref<1024xi32, #tpu.memory_space<smem>>
      memref.store %add3A_338, %arg33[%swap3A_341] : memref<1024xi32, #tpu.memory_space<smem>>
      %max3A_343 = arith.maxsi %scan3A_309, %add3A_338 : i32
      %mul3A_344 = arith.constant 8 : i32
      %mul3A_345 = arith.muli %scan3A_308, %mul3A_344 : i32
      %add3A_346 = arith.constant 1 : i32
      %add3A_347 = arith.addi %mul3A_345, %add3A_346 : i32
      %get3A_348 = arith.index_cast %add3A_347 : i32 to index
      %get3A_349 = arith.constant 0 : index
      %get3A_350 = memref.load %arg4[%get3A_348, %get3A_349] : memref<512x4xi32, #tpu.memory_space<smem>>
      %get3A_351 = arith.index_cast %get3A_350 : i32 to index
      %get3A_352 = memref.load %arg33[%get3A_351] : memref<1024xi32, #tpu.memory_space<smem>>
      %get3A_353 = arith.index_cast %add3A_347 : i32 to index
      %get3A_354 = arith.constant 1 : index
      %get3A_355 = memref.load %arg4[%get3A_353, %get3A_354] : memref<512x4xi32, #tpu.memory_space<smem>>
      %get3A_356 = arith.index_cast %get3A_355 : i32 to index
      %get3A_357 = memref.load %arg33[%get3A_356] : memref<1024xi32, #tpu.memory_space<smem>>
      %max3A_358 = arith.maxsi %get3A_352, %get3A_357 : i32
      %get3A_359 = arith.index_cast %add3A_347 : i32 to index
      %get3A_360 = arith.constant 2 : index
      %get3A_361 = memref.load %arg4[%get3A_359, %get3A_360] : memref<512x4xi32, #tpu.memory_space<smem>>
      %get3A_362 = arith.index_cast %get3A_361 : i32 to index
      %get3A_363 = memref.load %arg33[%get3A_362] : memref<1024xi32, #tpu.memory_space<smem>>
      %max3A_364 = arith.maxsi %max3A_358, %get3A_363 : i32
      %get3A_365 = arith.index_cast %add3A_347 : i32 to index
      %get3A_366 = arith.constant 3 : index
      %get3A_367 = memref.load %arg4[%get3A_365, %get3A_366] : memref<512x4xi32, #tpu.memory_space<smem>>
      %get3A_368 = arith.index_cast %get3A_367 : i32 to index
      %get3A_369 = memref.load %arg33[%get3A_368] : memref<1024xi32, #tpu.memory_space<smem>>
      %max3A_370 = arith.maxsi %max3A_364, %get3A_369 : i32
      %add3A_371 = arith.constant 1 : i32
      %add3A_372 = arith.addi %max3A_370, %add3A_371 : i32
      %add3A_373 = arith.constant 512 : i32
      %add3A_374 = arith.addi %add3A_373, %add3A_347 : i32
      %swap3A_375 = arith.index_cast %add3A_374 : i32 to index
      %swap3A_376 = memref.load %arg33[%swap3A_375] : memref<1024xi32, #tpu.memory_space<smem>>
      memref.store %add3A_372, %arg33[%swap3A_375] : memref<1024xi32, #tpu.memory_space<smem>>
      %max3A_377 = arith.maxsi %max3A_343, %add3A_372 : i32
      %mul3A_378 = arith.constant 8 : i32
      %mul3A_379 = arith.muli %scan3A_308, %mul3A_378 : i32
      %add3A_380 = arith.constant 2 : i32
      %add3A_381 = arith.addi %mul3A_379, %add3A_380 : i32
      %get3A_382 = arith.index_cast %add3A_381 : i32 to index
      %get3A_383 = arith.constant 0 : index
      %get3A_384 = memref.load %arg4[%get3A_382, %get3A_383] : memref<512x4xi32, #tpu.memory_space<smem>>
      %get3A_385 = arith.index_cast %get3A_384 : i32 to index
      %get3A_386 = memref.load %arg33[%get3A_385] : memref<1024xi32, #tpu.memory_space<smem>>
      %get3A_387 = arith.index_cast %add3A_381 : i32 to index
      %get3A_388 = arith.constant 1 : index
      %get3A_389 = memref.load %arg4[%get3A_387, %get3A_388] : memref<512x4xi32, #tpu.memory_space<smem>>
      %get3A_390 = arith.index_cast %get3A_389 : i32 to index
      %get3A_391 = memref.load %arg33[%get3A_390] : memref<1024xi32, #tpu.memory_space<smem>>
      %max3A_392 = arith.maxsi %get3A_386, %get3A_391 : i32
      %get3A_393 = arith.index_cast %add3A_381 : i32 to index
      %get3A_394 = arith.constant 2 : index
      %get3A_395 = memref.load %arg4[%get3A_393, %get3A_394] : memref<512x4xi32, #tpu.memory_space<smem>>
      %get3A_396 = arith.index_cast %get3A_395 : i32 to index
      %get3A_397 = memref.load %arg33[%get3A_396] : memref<1024xi32, #tpu.memory_space<smem>>
      %max3A_398 = arith.maxsi %max3A_392, %get3A_397 : i32
      %get3A_399 = arith.index_cast %add3A_381 : i32 to index
      %get3A_400 = arith.constant 3 : index
      %get3A_401 = memref.load %arg4[%get3A_399, %get3A_400] : memref<512x4xi32, #tpu.memory_space<smem>>
      %get3A_402 = arith.index_cast %get3A_401 : i32 to index
      %get3A_403 = memref.load %arg33[%get3A_402] : memref<1024xi32, #tpu.memory_space<smem>>
      %max3A_404 = arith.maxsi %max3A_398, %get3A_403 : i32
      %add3A_405 = arith.constant 1 : i32
      %add3A_406 = arith.addi %max3A_404, %add3A_405 : i32
      %add3A_407 = arith.constant 512 : i32
      %add3A_408 = arith.addi %add3A_407, %add3A_381 : i32
      %swap3A_409 = arith.index_cast %add3A_408 : i32 to index
      %swap3A_410 = memref.load %arg33[%swap3A_409] : memref<1024xi32, #tpu.memory_space<smem>>
      memref.store %add3A_406, %arg33[%swap3A_409] : memref<1024xi32, #tpu.memory_space<smem>>
      %max3A_411 = arith.maxsi %max3A_377, %add3A_406 : i32
      %mul3A_412 = arith.constant 8 : i32
      %mul3A_413 = arith.muli %scan3A_308, %mul3A_412 : i32
      %add3A_414 = arith.constant 3 : i32
      %add3A_415 = arith.addi %mul3A_413, %add3A_414 : i32
      %get3A_416 = arith.index_cast %add3A_415 : i32 to index
      %get3A_417 = arith.constant 0 : index
      %get3A_418 = memref.load %arg4[%get3A_416, %get3A_417] : memref<512x4xi32, #tpu.memory_space<smem>>
      %get3A_419 = arith.index_cast %get3A_418 : i32 to index
      %get3A_420 = memref.load %arg33[%get3A_419] : memref<1024xi32, #tpu.memory_space<smem>>
      %get3A_421 = arith.index_cast %add3A_415 : i32 to index
      %get3A_422 = arith.constant 1 : index
      %get3A_423 = memref.load %arg4[%get3A_421, %get3A_422] : memref<512x4xi32, #tpu.memory_space<smem>>
      %get3A_424 = arith.index_cast %get3A_423 : i32 to index
      %get3A_425 = memref.load %arg33[%get3A_424] : memref<1024xi32, #tpu.memory_space<smem>>
      %max3A_426 = arith.maxsi %get3A_420, %get3A_425 : i32
      %get3A_427 = arith.index_cast %add3A_415 : i32 to index
      %get3A_428 = arith.constant 2 : index
      %get3A_429 = memref.load %arg4[%get3A_427, %get3A_428] : memref<512x4xi32, #tpu.memory_space<smem>>
      %get3A_430 = arith.index_cast %get3A_429 : i32 to index
      %get3A_431 = memref.load %arg33[%get3A_430] : memref<1024xi32, #tpu.memory_space<smem>>
      %max3A_432 = arith.maxsi %max3A_426, %get3A_431 : i32
      %get3A_433 = arith.index_cast %add3A_415 : i32 to index
      %get3A_434 = arith.constant 3 : index
      %get3A_435 = memref.load %arg4[%get3A_433, %get3A_434] : memref<512x4xi32, #tpu.memory_space<smem>>
      %get3A_436 = arith.index_cast %get3A_435 : i32 to index
      %get3A_437 = memref.load %arg33[%get3A_436] : memref<1024xi32, #tpu.memory_space<smem>>
      %max3A_438 = arith.maxsi %max3A_432, %get3A_437 : i32
      %add3A_439 = arith.constant 1 : i32
      %add3A_440 = arith.addi %max3A_438, %add3A_439 : i32
      %add3A_441 = arith.constant 512 : i32
      %add3A_442 = arith.addi %add3A_441, %add3A_415 : i32
      %swap3A_443 = arith.index_cast %add3A_442 : i32 to index
      %swap3A_444 = memref.load %arg33[%swap3A_443] : memref<1024xi32, #tpu.memory_space<smem>>
      memref.store %add3A_440, %arg33[%swap3A_443] : memref<1024xi32, #tpu.memory_space<smem>>
      %max3A_445 = arith.maxsi %max3A_411, %add3A_440 : i32
      %mul3A_446 = arith.constant 8 : i32
      %mul3A_447 = arith.muli %scan3A_308, %mul3A_446 : i32
      %add3A_448 = arith.constant 4 : i32
      %add3A_449 = arith.addi %mul3A_447, %add3A_448 : i32
      %get3A_450 = arith.index_cast %add3A_449 : i32 to index
      %get3A_451 = arith.constant 0 : index
      %get3A_452 = memref.load %arg4[%get3A_450, %get3A_451] : memref<512x4xi32, #tpu.memory_space<smem>>
      %get3A_453 = arith.index_cast %get3A_452 : i32 to index
      %get3A_454 = memref.load %arg33[%get3A_453] : memref<1024xi32, #tpu.memory_space<smem>>
      %get3A_455 = arith.index_cast %add3A_449 : i32 to index
      %get3A_456 = arith.constant 1 : index
      %get3A_457 = memref.load %arg4[%get3A_455, %get3A_456] : memref<512x4xi32, #tpu.memory_space<smem>>
      %get3A_458 = arith.index_cast %get3A_457 : i32 to index
      %get3A_459 = memref.load %arg33[%get3A_458] : memref<1024xi32, #tpu.memory_space<smem>>
      %max3A_460 = arith.maxsi %get3A_454, %get3A_459 : i32
      %get3A_461 = arith.index_cast %add3A_449 : i32 to index
      %get3A_462 = arith.constant 2 : index
      %get3A_463 = memref.load %arg4[%get3A_461, %get3A_462] : memref<512x4xi32, #tpu.memory_space<smem>>
      %get3A_464 = arith.index_cast %get3A_463 : i32 to index
      %get3A_465 = memref.load %arg33[%get3A_464] : memref<1024xi32, #tpu.memory_space<smem>>
      %max3A_466 = arith.maxsi %max3A_460, %get3A_465 : i32
      %get3A_467 = arith.index_cast %add3A_449 : i32 to index
      %get3A_468 = arith.constant 3 : index
      %get3A_469 = memref.load %arg4[%get3A_467, %get3A_468] : memref<512x4xi32, #tpu.memory_space<smem>>
      %get3A_470 = arith.index_cast %get3A_469 : i32 to index
      %get3A_471 = memref.load %arg33[%get3A_470] : memref<1024xi32, #tpu.memory_space<smem>>
      %max3A_472 = arith.maxsi %max3A_466, %get3A_471 : i32
      %add3A_473 = arith.constant 1 : i32
      %add3A_474 = arith.addi %max3A_472, %add3A_473 : i32
      %add3A_475 = arith.constant 512 : i32
      %add3A_476 = arith.addi %add3A_475, %add3A_449 : i32
      %swap3A_477 = arith.index_cast %add3A_476 : i32 to index
      %swap3A_478 = memref.load %arg33[%swap3A_477] : memref<1024xi32, #tpu.memory_space<smem>>
      memref.store %add3A_474, %arg33[%swap3A_477] : memref<1024xi32, #tpu.memory_space<smem>>
      %max3A_479 = arith.maxsi %max3A_445, %add3A_474 : i32
      %mul3A_480 = arith.constant 8 : i32
      %mul3A_481 = arith.muli %scan3A_308, %mul3A_480 : i32
      %add3A_482 = arith.constant 5 : i32
      %add3A_483 = arith.addi %mul3A_481, %add3A_482 : i32
      %get3A_484 = arith.index_cast %add3A_483 : i32 to index
      %get3A_485 = arith.constant 0 : index
      %get3A_486 = memref.load %arg4[%get3A_484, %get3A_485] : memref<512x4xi32, #tpu.memory_space<smem>>
      %get3A_487 = arith.index_cast %get3A_486 : i32 to index
      %get3A_488 = memref.load %arg33[%get3A_487] : memref<1024xi32, #tpu.memory_space<smem>>
      %get3A_489 = arith.index_cast %add3A_483 : i32 to index
      %get3A_490 = arith.constant 1 : index
      %get3A_491 = memref.load %arg4[%get3A_489, %get3A_490] : memref<512x4xi32, #tpu.memory_space<smem>>
      %get3A_492 = arith.index_cast %get3A_491 : i32 to index
      %get3A_493 = memref.load %arg33[%get3A_492] : memref<1024xi32, #tpu.memory_space<smem>>
      %max3A_494 = arith.maxsi %get3A_488, %get3A_493 : i32
      %get3A_495 = arith.index_cast %add3A_483 : i32 to index
      %get3A_496 = arith.constant 2 : index
      %get3A_497 = memref.load %arg4[%get3A_495, %get3A_496] : memref<512x4xi32, #tpu.memory_space<smem>>
      %get3A_498 = arith.index_cast %get3A_497 : i32 to index
      %get3A_499 = memref.load %arg33[%get3A_498] : memref<1024xi32, #tpu.memory_space<smem>>
      %max3A_500 = arith.maxsi %max3A_494, %get3A_499 : i32
      %get3A_501 = arith.index_cast %add3A_483 : i32 to index
      %get3A_502 = arith.constant 3 : index
      %get3A_503 = memref.load %arg4[%get3A_501, %get3A_502] : memref<512x4xi32, #tpu.memory_space<smem>>
      %get3A_504 = arith.index_cast %get3A_503 : i32 to index
      %get3A_505 = memref.load %arg33[%get3A_504] : memref<1024xi32, #tpu.memory_space<smem>>
      %max3A_506 = arith.maxsi %max3A_500, %get3A_505 : i32
      %add3A_507 = arith.constant 1 : i32
      %add3A_508 = arith.addi %max3A_506, %add3A_507 : i32
      %add3A_509 = arith.constant 512 : i32
      %add3A_510 = arith.addi %add3A_509, %add3A_483 : i32
      %swap3A_511 = arith.index_cast %add3A_510 : i32 to index
      %swap3A_512 = memref.load %arg33[%swap3A_511] : memref<1024xi32, #tpu.memory_space<smem>>
      memref.store %add3A_508, %arg33[%swap3A_511] : memref<1024xi32, #tpu.memory_space<smem>>
      %max3A_513 = arith.maxsi %max3A_479, %add3A_508 : i32
      %mul3A_514 = arith.constant 8 : i32
      %mul3A_515 = arith.muli %scan3A_308, %mul3A_514 : i32
      %add3A_516 = arith.constant 6 : i32
      %add3A_517 = arith.addi %mul3A_515, %add3A_516 : i32
      %get3A_518 = arith.index_cast %add3A_517 : i32 to index
      %get3A_519 = arith.constant 0 : index
      %get3A_520 = memref.load %arg4[%get3A_518, %get3A_519] : memref<512x4xi32, #tpu.memory_space<smem>>
      %get3A_521 = arith.index_cast %get3A_520 : i32 to index
      %get3A_522 = memref.load %arg33[%get3A_521] : memref<1024xi32, #tpu.memory_space<smem>>
      %get3A_523 = arith.index_cast %add3A_517 : i32 to index
      %get3A_524 = arith.constant 1 : index
      %get3A_525 = memref.load %arg4[%get3A_523, %get3A_524] : memref<512x4xi32, #tpu.memory_space<smem>>
      %get3A_526 = arith.index_cast %get3A_525 : i32 to index
      %get3A_527 = memref.load %arg33[%get3A_526] : memref<1024xi32, #tpu.memory_space<smem>>
      %max3A_528 = arith.maxsi %get3A_522, %get3A_527 : i32
      %get3A_529 = arith.index_cast %add3A_517 : i32 to index
      %get3A_530 = arith.constant 2 : index
      %get3A_531 = memref.load %arg4[%get3A_529, %get3A_530] : memref<512x4xi32, #tpu.memory_space<smem>>
      %get3A_532 = arith.index_cast %get3A_531 : i32 to index
      %get3A_533 = memref.load %arg33[%get3A_532] : memref<1024xi32, #tpu.memory_space<smem>>
      %max3A_534 = arith.maxsi %max3A_528, %get3A_533 : i32
      %get3A_535 = arith.index_cast %add3A_517 : i32 to index
      %get3A_536 = arith.constant 3 : index
      %get3A_537 = memref.load %arg4[%get3A_535, %get3A_536] : memref<512x4xi32, #tpu.memory_space<smem>>
      %get3A_538 = arith.index_cast %get3A_537 : i32 to index
      %get3A_539 = memref.load %arg33[%get3A_538] : memref<1024xi32, #tpu.memory_space<smem>>
      %max3A_540 = arith.maxsi %max3A_534, %get3A_539 : i32
      %add3A_541 = arith.constant 1 : i32
      %add3A_542 = arith.addi %max3A_540, %add3A_541 : i32
      %add3A_543 = arith.constant 512 : i32
      %add3A_544 = arith.addi %add3A_543, %add3A_517 : i32
      %swap3A_545 = arith.index_cast %add3A_544 : i32 to index
      %swap3A_546 = memref.load %arg33[%swap3A_545] : memref<1024xi32, #tpu.memory_space<smem>>
      memref.store %add3A_542, %arg33[%swap3A_545] : memref<1024xi32, #tpu.memory_space<smem>>
      %max3A_547 = arith.maxsi %max3A_513, %add3A_542 : i32
      %mul3A_548 = arith.constant 8 : i32
      %mul3A_549 = arith.muli %scan3A_308, %mul3A_548 : i32
      %add3A_550 = arith.constant 7 : i32
      %add3A_551 = arith.addi %mul3A_549, %add3A_550 : i32
      %get3A_552 = arith.index_cast %add3A_551 : i32 to index
      %get3A_553 = arith.constant 0 : index
      %get3A_554 = memref.load %arg4[%get3A_552, %get3A_553] : memref<512x4xi32, #tpu.memory_space<smem>>
      %get3A_555 = arith.index_cast %get3A_554 : i32 to index
      %get3A_556 = memref.load %arg33[%get3A_555] : memref<1024xi32, #tpu.memory_space<smem>>
      %get3A_557 = arith.index_cast %add3A_551 : i32 to index
      %get3A_558 = arith.constant 1 : index
      %get3A_559 = memref.load %arg4[%get3A_557, %get3A_558] : memref<512x4xi32, #tpu.memory_space<smem>>
      %get3A_560 = arith.index_cast %get3A_559 : i32 to index
      %get3A_561 = memref.load %arg33[%get3A_560] : memref<1024xi32, #tpu.memory_space<smem>>
      %max3A_562 = arith.maxsi %get3A_556, %get3A_561 : i32
      %get3A_563 = arith.index_cast %add3A_551 : i32 to index
      %get3A_564 = arith.constant 2 : index
      %get3A_565 = memref.load %arg4[%get3A_563, %get3A_564] : memref<512x4xi32, #tpu.memory_space<smem>>
      %get3A_566 = arith.index_cast %get3A_565 : i32 to index
      %get3A_567 = memref.load %arg33[%get3A_566] : memref<1024xi32, #tpu.memory_space<smem>>
      %max3A_568 = arith.maxsi %max3A_562, %get3A_567 : i32
      %get3A_569 = arith.index_cast %add3A_551 : i32 to index
      %get3A_570 = arith.constant 3 : index
      %get3A_571 = memref.load %arg4[%get3A_569, %get3A_570] : memref<512x4xi32, #tpu.memory_space<smem>>
      %get3A_572 = arith.index_cast %get3A_571 : i32 to index
      %get3A_573 = memref.load %arg33[%get3A_572] : memref<1024xi32, #tpu.memory_space<smem>>
      %max3A_574 = arith.maxsi %max3A_568, %get3A_573 : i32
      %add3A_575 = arith.constant 1 : i32
      %add3A_576 = arith.addi %max3A_574, %add3A_575 : i32
      %add3A_577 = arith.constant 512 : i32
      %add3A_578 = arith.addi %add3A_577, %add3A_551 : i32
      %swap3A_579 = arith.index_cast %add3A_578 : i32 to index
      %swap3A_580 = memref.load %arg33[%swap3A_579] : memref<1024xi32, #tpu.memory_space<smem>>
      memref.store %add3A_576, %arg33[%swap3A_579] : memref<1024xi32, #tpu.memory_space<smem>>
      %max3A_581 = arith.maxsi %max3A_547, %add3A_576 : i32
      scf.yield %max3A_581 : i32
    }
    %scan3A_88 = arith.constant 64 : i32
    %max3A = arith.maxsi %scan3A_75, %scan3A_87 : i32
    %add3A_89 = arith.constant 2 : i32
    %add3A_90 = arith.addi %max3A, %add3A_89 : i32
    %while3A = arith.constant 0 : i32
    %while3A_91 = arith.constant 0 : i32
    %while3A_92 = arith.subi %add3A_90, %while3A_91 : i32
    %while3A_93 = arith.addi %while3A_91, %while3A_92 : i32
    %while3A_94 = arith.constant 1 : i32
    %while3A_95 = arith.divsi %while3A_92, %while3A_94 : i32
    %while3A_96 = arith.muli %while3A_95, %while3A_94 : i32
    %while3A_97 = arith.addi %while3A_91, %while3A_96 : i32
    %while3A_98 = arith.constant 1 : i32
    scf.for %while3A_308 = %while3A_91 to %while3A_97 step %while3A_98  : i32 {
      %swap3A_309 = arith.constant 0 : i32
      %swap3A_310 = arith.index_cast %while3A_308 : i32 to index
      %swap3A_311 = memref.load %arg31[%swap3A_310] : memref<1026xi32, #tpu.memory_space<smem>>
      memref.store %swap3A_309, %arg31[%swap3A_310] : memref<1026xi32, #tpu.memory_space<smem>>
    }
    %while3A_99 = arith.constant 1 : i32
    scf.for %while3A_308 = %while3A_97 to %while3A_93 step %while3A_99  : i32 {
      %swap3A_309 = arith.constant 0 : i32
      %swap3A_310 = arith.index_cast %while3A_308 : i32 to index
      %swap3A_311 = memref.load %arg31[%swap3A_310] : memref<1026xi32, #tpu.memory_space<smem>>
      memref.store %swap3A_309, %arg31[%swap3A_310] : memref<1026xi32, #tpu.memory_space<smem>>
    }
    %scan3A_100 = arith.constant 0 : i32
    %scan3A_101 = arith.constant 128 : i32
    %scan3A_102 = arith.addi %scan3A_100, %scan3A_101 : i32
    %scan3A_103 = arith.constant 1 : i32
    scf.for %scan3A_308 = %scan3A_100 to %scan3A_102 step %scan3A_103  : i32 {
      %mul3A_309 = arith.constant 8 : i32
      %mul3A_310 = arith.muli %scan3A_308, %mul3A_309 : i32
      %add3A_311 = arith.constant 0 : i32
      %add3A_312 = arith.addi %mul3A_310, %add3A_311 : i32
      %add3A_313 = arith.constant 1 : i32
      %add3A_314 = arith.addi %add3A_312, %add3A_313 : i32
      %get3A_315 = arith.index_cast %add3A_314 : i32 to index
      %get3A_316 = memref.load %arg30[%get3A_315] : memref<1025xi32, #tpu.memory_space<smem>>
      %get3A_317 = arith.index_cast %get3A_316 : i32 to index
      %get3A_318 = memref.load %arg31[%get3A_317] : memref<1026xi32, #tpu.memory_space<smem>>
      %add3A_319 = arith.constant 1 : i32
      %add3A_320 = arith.addi %get3A_318, %add3A_319 : i32
      %swap3A_321 = arith.index_cast %get3A_316 : i32 to index
      %swap3A_322 = memref.load %arg31[%swap3A_321] : memref<1026xi32, #tpu.memory_space<smem>>
      memref.store %add3A_320, %arg31[%swap3A_321] : memref<1026xi32, #tpu.memory_space<smem>>
      %mul3A_323 = arith.constant 8 : i32
      %mul3A_324 = arith.muli %scan3A_308, %mul3A_323 : i32
      %add3A_325 = arith.constant 1 : i32
      %add3A_326 = arith.addi %mul3A_324, %add3A_325 : i32
      %add3A_327 = arith.constant 1 : i32
      %add3A_328 = arith.addi %add3A_326, %add3A_327 : i32
      %get3A_329 = arith.index_cast %add3A_328 : i32 to index
      %get3A_330 = memref.load %arg30[%get3A_329] : memref<1025xi32, #tpu.memory_space<smem>>
      %get3A_331 = arith.index_cast %get3A_330 : i32 to index
      %get3A_332 = memref.load %arg31[%get3A_331] : memref<1026xi32, #tpu.memory_space<smem>>
      %add3A_333 = arith.constant 1 : i32
      %add3A_334 = arith.addi %get3A_332, %add3A_333 : i32
      %swap3A_335 = arith.index_cast %get3A_330 : i32 to index
      %swap3A_336 = memref.load %arg31[%swap3A_335] : memref<1026xi32, #tpu.memory_space<smem>>
      memref.store %add3A_334, %arg31[%swap3A_335] : memref<1026xi32, #tpu.memory_space<smem>>
      %mul3A_337 = arith.constant 8 : i32
      %mul3A_338 = arith.muli %scan3A_308, %mul3A_337 : i32
      %add3A_339 = arith.constant 2 : i32
      %add3A_340 = arith.addi %mul3A_338, %add3A_339 : i32
      %add3A_341 = arith.constant 1 : i32
      %add3A_342 = arith.addi %add3A_340, %add3A_341 : i32
      %get3A_343 = arith.index_cast %add3A_342 : i32 to index
      %get3A_344 = memref.load %arg30[%get3A_343] : memref<1025xi32, #tpu.memory_space<smem>>
      %get3A_345 = arith.index_cast %get3A_344 : i32 to index
      %get3A_346 = memref.load %arg31[%get3A_345] : memref<1026xi32, #tpu.memory_space<smem>>
      %add3A_347 = arith.constant 1 : i32
      %add3A_348 = arith.addi %get3A_346, %add3A_347 : i32
      %swap3A_349 = arith.index_cast %get3A_344 : i32 to index
      %swap3A_350 = memref.load %arg31[%swap3A_349] : memref<1026xi32, #tpu.memory_space<smem>>
      memref.store %add3A_348, %arg31[%swap3A_349] : memref<1026xi32, #tpu.memory_space<smem>>
      %mul3A_351 = arith.constant 8 : i32
      %mul3A_352 = arith.muli %scan3A_308, %mul3A_351 : i32
      %add3A_353 = arith.constant 3 : i32
      %add3A_354 = arith.addi %mul3A_352, %add3A_353 : i32
      %add3A_355 = arith.constant 1 : i32
      %add3A_356 = arith.addi %add3A_354, %add3A_355 : i32
      %get3A_357 = arith.index_cast %add3A_356 : i32 to index
      %get3A_358 = memref.load %arg30[%get3A_357] : memref<1025xi32, #tpu.memory_space<smem>>
      %get3A_359 = arith.index_cast %get3A_358 : i32 to index
      %get3A_360 = memref.load %arg31[%get3A_359] : memref<1026xi32, #tpu.memory_space<smem>>
      %add3A_361 = arith.constant 1 : i32
      %add3A_362 = arith.addi %get3A_360, %add3A_361 : i32
      %swap3A_363 = arith.index_cast %get3A_358 : i32 to index
      %swap3A_364 = memref.load %arg31[%swap3A_363] : memref<1026xi32, #tpu.memory_space<smem>>
      memref.store %add3A_362, %arg31[%swap3A_363] : memref<1026xi32, #tpu.memory_space<smem>>
      %mul3A_365 = arith.constant 8 : i32
      %mul3A_366 = arith.muli %scan3A_308, %mul3A_365 : i32
      %add3A_367 = arith.constant 4 : i32
      %add3A_368 = arith.addi %mul3A_366, %add3A_367 : i32
      %add3A_369 = arith.constant 1 : i32
      %add3A_370 = arith.addi %add3A_368, %add3A_369 : i32
      %get3A_371 = arith.index_cast %add3A_370 : i32 to index
      %get3A_372 = memref.load %arg30[%get3A_371] : memref<1025xi32, #tpu.memory_space<smem>>
      %get3A_373 = arith.index_cast %get3A_372 : i32 to index
      %get3A_374 = memref.load %arg31[%get3A_373] : memref<1026xi32, #tpu.memory_space<smem>>
      %add3A_375 = arith.constant 1 : i32
      %add3A_376 = arith.addi %get3A_374, %add3A_375 : i32
      %swap3A_377 = arith.index_cast %get3A_372 : i32 to index
      %swap3A_378 = memref.load %arg31[%swap3A_377] : memref<1026xi32, #tpu.memory_space<smem>>
      memref.store %add3A_376, %arg31[%swap3A_377] : memref<1026xi32, #tpu.memory_space<smem>>
      %mul3A_379 = arith.constant 8 : i32
      %mul3A_380 = arith.muli %scan3A_308, %mul3A_379 : i32
      %add3A_381 = arith.constant 5 : i32
      %add3A_382 = arith.addi %mul3A_380, %add3A_381 : i32
      %add3A_383 = arith.constant 1 : i32
      %add3A_384 = arith.addi %add3A_382, %add3A_383 : i32
      %get3A_385 = arith.index_cast %add3A_384 : i32 to index
      %get3A_386 = memref.load %arg30[%get3A_385] : memref<1025xi32, #tpu.memory_space<smem>>
      %get3A_387 = arith.index_cast %get3A_386 : i32 to index
      %get3A_388 = memref.load %arg31[%get3A_387] : memref<1026xi32, #tpu.memory_space<smem>>
      %add3A_389 = arith.constant 1 : i32
      %add3A_390 = arith.addi %get3A_388, %add3A_389 : i32
      %swap3A_391 = arith.index_cast %get3A_386 : i32 to index
      %swap3A_392 = memref.load %arg31[%swap3A_391] : memref<1026xi32, #tpu.memory_space<smem>>
      memref.store %add3A_390, %arg31[%swap3A_391] : memref<1026xi32, #tpu.memory_space<smem>>
      %mul3A_393 = arith.constant 8 : i32
      %mul3A_394 = arith.muli %scan3A_308, %mul3A_393 : i32
      %add3A_395 = arith.constant 6 : i32
      %add3A_396 = arith.addi %mul3A_394, %add3A_395 : i32
      %add3A_397 = arith.constant 1 : i32
      %add3A_398 = arith.addi %add3A_396, %add3A_397 : i32
      %get3A_399 = arith.index_cast %add3A_398 : i32 to index
      %get3A_400 = memref.load %arg30[%get3A_399] : memref<1025xi32, #tpu.memory_space<smem>>
      %get3A_401 = arith.index_cast %get3A_400 : i32 to index
      %get3A_402 = memref.load %arg31[%get3A_401] : memref<1026xi32, #tpu.memory_space<smem>>
      %add3A_403 = arith.constant 1 : i32
      %add3A_404 = arith.addi %get3A_402, %add3A_403 : i32
      %swap3A_405 = arith.index_cast %get3A_400 : i32 to index
      %swap3A_406 = memref.load %arg31[%swap3A_405] : memref<1026xi32, #tpu.memory_space<smem>>
      memref.store %add3A_404, %arg31[%swap3A_405] : memref<1026xi32, #tpu.memory_space<smem>>
      %mul3A_407 = arith.constant 8 : i32
      %mul3A_408 = arith.muli %scan3A_308, %mul3A_407 : i32
      %add3A_409 = arith.constant 7 : i32
      %add3A_410 = arith.addi %mul3A_408, %add3A_409 : i32
      %add3A_411 = arith.constant 1 : i32
      %add3A_412 = arith.addi %add3A_410, %add3A_411 : i32
      %get3A_413 = arith.index_cast %add3A_412 : i32 to index
      %get3A_414 = memref.load %arg30[%get3A_413] : memref<1025xi32, #tpu.memory_space<smem>>
      %get3A_415 = arith.index_cast %get3A_414 : i32 to index
      %get3A_416 = memref.load %arg31[%get3A_415] : memref<1026xi32, #tpu.memory_space<smem>>
      %add3A_417 = arith.constant 1 : i32
      %add3A_418 = arith.addi %get3A_416, %add3A_417 : i32
      %swap3A_419 = arith.index_cast %get3A_414 : i32 to index
      %swap3A_420 = memref.load %arg31[%swap3A_419] : memref<1026xi32, #tpu.memory_space<smem>>
      memref.store %add3A_418, %arg31[%swap3A_419] : memref<1026xi32, #tpu.memory_space<smem>>
    }
    %scan3A_104 = arith.constant 128 : i32
    %add3A_105 = arith.constant 2 : i32
    %add3A_106 = arith.addi %max3A, %add3A_105 : i32
    %while3A_107 = arith.constant 0 : i32
    %while3A_108 = arith.constant 0 : i32
    %while3A_109 = arith.subi %add3A_106, %while3A_107 : i32
    %while3A_110 = arith.addi %while3A_107, %while3A_109 : i32
    %while3A_111 = arith.constant 1 : i32
    %while3A_112 = arith.divsi %while3A_109, %while3A_111 : i32
    %while3A_113 = arith.muli %while3A_112, %while3A_111 : i32
    %while3A_114 = arith.addi %while3A_107, %while3A_113 : i32
    %while3A_115 = arith.constant 1 : i32
    %while3A_116 = scf.for %while3A_308 = %while3A_107 to %while3A_114 step %while3A_115 iter_args(%while3A_309 = %while3A_108) -> (i32)  : i32 {
      %get3A_310 = arith.index_cast %while3A_308 : i32 to index
      %get3A_311 = memref.load %arg31[%get3A_310] : memref<1026xi32, #tpu.memory_space<smem>>
      %swap3A_312 = arith.index_cast %while3A_308 : i32 to index
      %swap3A_313 = memref.load %arg31[%swap3A_312] : memref<1026xi32, #tpu.memory_space<smem>>
      memref.store %while3A_309, %arg31[%swap3A_312] : memref<1026xi32, #tpu.memory_space<smem>>
      %add3A_314 = arith.addi %while3A_309, %get3A_311 : i32
      scf.yield %add3A_314 : i32
    }
    %while3A_117 = arith.constant 1 : i32
    %while3A_118 = scf.for %while3A_308 = %while3A_114 to %while3A_110 step %while3A_117 iter_args(%while3A_309 = %while3A_116) -> (i32)  : i32 {
      %get3A_310 = arith.index_cast %while3A_308 : i32 to index
      %get3A_311 = memref.load %arg31[%get3A_310] : memref<1026xi32, #tpu.memory_space<smem>>
      %swap3A_312 = arith.index_cast %while3A_308 : i32 to index
      %swap3A_313 = memref.load %arg31[%swap3A_312] : memref<1026xi32, #tpu.memory_space<smem>>
      memref.store %while3A_309, %arg31[%swap3A_312] : memref<1026xi32, #tpu.memory_space<smem>>
      %add3A_314 = arith.addi %while3A_309, %get3A_311 : i32
      scf.yield %add3A_314 : i32
    }
    %scan3A_119 = arith.constant 0 : i32
    %scan3A_120 = arith.constant 128 : i32
    %scan3A_121 = arith.addi %scan3A_119, %scan3A_120 : i32
    %scan3A_122 = arith.constant 1 : i32
    scf.for %scan3A_308 = %scan3A_119 to %scan3A_121 step %scan3A_122  : i32 {
      %mul3A_309 = arith.constant 8 : i32
      %mul3A_310 = arith.muli %scan3A_308, %mul3A_309 : i32
      %add3A_311 = arith.constant 0 : i32
      %add3A_312 = arith.addi %mul3A_310, %add3A_311 : i32
      %add3A_313 = arith.constant 1 : i32
      %add3A_314 = arith.addi %add3A_312, %add3A_313 : i32
      %get3A_315 = arith.index_cast %add3A_314 : i32 to index
      %get3A_316 = memref.load %arg30[%get3A_315] : memref<1025xi32, #tpu.memory_space<smem>>
      %get3A_317 = arith.index_cast %get3A_316 : i32 to index
      %get3A_318 = memref.load %arg31[%get3A_317] : memref<1026xi32, #tpu.memory_space<smem>>
      %swap3A_319 = arith.index_cast %get3A_318 : i32 to index
      %swap3A_320 = memref.load %arg32[%swap3A_319] : memref<1024xi32, #tpu.memory_space<smem>>
      memref.store %add3A_314, %arg32[%swap3A_319] : memref<1024xi32, #tpu.memory_space<smem>>
      %add3A_321 = arith.constant 1 : i32
      %add3A_322 = arith.addi %get3A_318, %add3A_321 : i32
      %swap3A_323 = arith.index_cast %get3A_316 : i32 to index
      %swap3A_324 = memref.load %arg31[%swap3A_323] : memref<1026xi32, #tpu.memory_space<smem>>
      memref.store %add3A_322, %arg31[%swap3A_323] : memref<1026xi32, #tpu.memory_space<smem>>
      %mul3A_325 = arith.constant 8 : i32
      %mul3A_326 = arith.muli %scan3A_308, %mul3A_325 : i32
      %add3A_327 = arith.constant 1 : i32
      %add3A_328 = arith.addi %mul3A_326, %add3A_327 : i32
      %add3A_329 = arith.constant 1 : i32
      %add3A_330 = arith.addi %add3A_328, %add3A_329 : i32
      %get3A_331 = arith.index_cast %add3A_330 : i32 to index
      %get3A_332 = memref.load %arg30[%get3A_331] : memref<1025xi32, #tpu.memory_space<smem>>
      %get3A_333 = arith.index_cast %get3A_332 : i32 to index
      %get3A_334 = memref.load %arg31[%get3A_333] : memref<1026xi32, #tpu.memory_space<smem>>
      %swap3A_335 = arith.index_cast %get3A_334 : i32 to index
      %swap3A_336 = memref.load %arg32[%swap3A_335] : memref<1024xi32, #tpu.memory_space<smem>>
      memref.store %add3A_330, %arg32[%swap3A_335] : memref<1024xi32, #tpu.memory_space<smem>>
      %add3A_337 = arith.constant 1 : i32
      %add3A_338 = arith.addi %get3A_334, %add3A_337 : i32
      %swap3A_339 = arith.index_cast %get3A_332 : i32 to index
      %swap3A_340 = memref.load %arg31[%swap3A_339] : memref<1026xi32, #tpu.memory_space<smem>>
      memref.store %add3A_338, %arg31[%swap3A_339] : memref<1026xi32, #tpu.memory_space<smem>>
      %mul3A_341 = arith.constant 8 : i32
      %mul3A_342 = arith.muli %scan3A_308, %mul3A_341 : i32
      %add3A_343 = arith.constant 2 : i32
      %add3A_344 = arith.addi %mul3A_342, %add3A_343 : i32
      %add3A_345 = arith.constant 1 : i32
      %add3A_346 = arith.addi %add3A_344, %add3A_345 : i32
      %get3A_347 = arith.index_cast %add3A_346 : i32 to index
      %get3A_348 = memref.load %arg30[%get3A_347] : memref<1025xi32, #tpu.memory_space<smem>>
      %get3A_349 = arith.index_cast %get3A_348 : i32 to index
      %get3A_350 = memref.load %arg31[%get3A_349] : memref<1026xi32, #tpu.memory_space<smem>>
      %swap3A_351 = arith.index_cast %get3A_350 : i32 to index
      %swap3A_352 = memref.load %arg32[%swap3A_351] : memref<1024xi32, #tpu.memory_space<smem>>
      memref.store %add3A_346, %arg32[%swap3A_351] : memref<1024xi32, #tpu.memory_space<smem>>
      %add3A_353 = arith.constant 1 : i32
      %add3A_354 = arith.addi %get3A_350, %add3A_353 : i32
      %swap3A_355 = arith.index_cast %get3A_348 : i32 to index
      %swap3A_356 = memref.load %arg31[%swap3A_355] : memref<1026xi32, #tpu.memory_space<smem>>
      memref.store %add3A_354, %arg31[%swap3A_355] : memref<1026xi32, #tpu.memory_space<smem>>
      %mul3A_357 = arith.constant 8 : i32
      %mul3A_358 = arith.muli %scan3A_308, %mul3A_357 : i32
      %add3A_359 = arith.constant 3 : i32
      %add3A_360 = arith.addi %mul3A_358, %add3A_359 : i32
      %add3A_361 = arith.constant 1 : i32
      %add3A_362 = arith.addi %add3A_360, %add3A_361 : i32
      %get3A_363 = arith.index_cast %add3A_362 : i32 to index
      %get3A_364 = memref.load %arg30[%get3A_363] : memref<1025xi32, #tpu.memory_space<smem>>
      %get3A_365 = arith.index_cast %get3A_364 : i32 to index
      %get3A_366 = memref.load %arg31[%get3A_365] : memref<1026xi32, #tpu.memory_space<smem>>
      %swap3A_367 = arith.index_cast %get3A_366 : i32 to index
      %swap3A_368 = memref.load %arg32[%swap3A_367] : memref<1024xi32, #tpu.memory_space<smem>>
      memref.store %add3A_362, %arg32[%swap3A_367] : memref<1024xi32, #tpu.memory_space<smem>>
      %add3A_369 = arith.constant 1 : i32
      %add3A_370 = arith.addi %get3A_366, %add3A_369 : i32
      %swap3A_371 = arith.index_cast %get3A_364 : i32 to index
      %swap3A_372 = memref.load %arg31[%swap3A_371] : memref<1026xi32, #tpu.memory_space<smem>>
      memref.store %add3A_370, %arg31[%swap3A_371] : memref<1026xi32, #tpu.memory_space<smem>>
      %mul3A_373 = arith.constant 8 : i32
      %mul3A_374 = arith.muli %scan3A_308, %mul3A_373 : i32
      %add3A_375 = arith.constant 4 : i32
      %add3A_376 = arith.addi %mul3A_374, %add3A_375 : i32
      %add3A_377 = arith.constant 1 : i32
      %add3A_378 = arith.addi %add3A_376, %add3A_377 : i32
      %get3A_379 = arith.index_cast %add3A_378 : i32 to index
      %get3A_380 = memref.load %arg30[%get3A_379] : memref<1025xi32, #tpu.memory_space<smem>>
      %get3A_381 = arith.index_cast %get3A_380 : i32 to index
      %get3A_382 = memref.load %arg31[%get3A_381] : memref<1026xi32, #tpu.memory_space<smem>>
      %swap3A_383 = arith.index_cast %get3A_382 : i32 to index
      %swap3A_384 = memref.load %arg32[%swap3A_383] : memref<1024xi32, #tpu.memory_space<smem>>
      memref.store %add3A_378, %arg32[%swap3A_383] : memref<1024xi32, #tpu.memory_space<smem>>
      %add3A_385 = arith.constant 1 : i32
      %add3A_386 = arith.addi %get3A_382, %add3A_385 : i32
      %swap3A_387 = arith.index_cast %get3A_380 : i32 to index
      %swap3A_388 = memref.load %arg31[%swap3A_387] : memref<1026xi32, #tpu.memory_space<smem>>
      memref.store %add3A_386, %arg31[%swap3A_387] : memref<1026xi32, #tpu.memory_space<smem>>
      %mul3A_389 = arith.constant 8 : i32
      %mul3A_390 = arith.muli %scan3A_308, %mul3A_389 : i32
      %add3A_391 = arith.constant 5 : i32
      %add3A_392 = arith.addi %mul3A_390, %add3A_391 : i32
      %add3A_393 = arith.constant 1 : i32
      %add3A_394 = arith.addi %add3A_392, %add3A_393 : i32
      %get3A_395 = arith.index_cast %add3A_394 : i32 to index
      %get3A_396 = memref.load %arg30[%get3A_395] : memref<1025xi32, #tpu.memory_space<smem>>
      %get3A_397 = arith.index_cast %get3A_396 : i32 to index
      %get3A_398 = memref.load %arg31[%get3A_397] : memref<1026xi32, #tpu.memory_space<smem>>
      %swap3A_399 = arith.index_cast %get3A_398 : i32 to index
      %swap3A_400 = memref.load %arg32[%swap3A_399] : memref<1024xi32, #tpu.memory_space<smem>>
      memref.store %add3A_394, %arg32[%swap3A_399] : memref<1024xi32, #tpu.memory_space<smem>>
      %add3A_401 = arith.constant 1 : i32
      %add3A_402 = arith.addi %get3A_398, %add3A_401 : i32
      %swap3A_403 = arith.index_cast %get3A_396 : i32 to index
      %swap3A_404 = memref.load %arg31[%swap3A_403] : memref<1026xi32, #tpu.memory_space<smem>>
      memref.store %add3A_402, %arg31[%swap3A_403] : memref<1026xi32, #tpu.memory_space<smem>>
      %mul3A_405 = arith.constant 8 : i32
      %mul3A_406 = arith.muli %scan3A_308, %mul3A_405 : i32
      %add3A_407 = arith.constant 6 : i32
      %add3A_408 = arith.addi %mul3A_406, %add3A_407 : i32
      %add3A_409 = arith.constant 1 : i32
      %add3A_410 = arith.addi %add3A_408, %add3A_409 : i32
      %get3A_411 = arith.index_cast %add3A_410 : i32 to index
      %get3A_412 = memref.load %arg30[%get3A_411] : memref<1025xi32, #tpu.memory_space<smem>>
      %get3A_413 = arith.index_cast %get3A_412 : i32 to index
      %get3A_414 = memref.load %arg31[%get3A_413] : memref<1026xi32, #tpu.memory_space<smem>>
      %swap3A_415 = arith.index_cast %get3A_414 : i32 to index
      %swap3A_416 = memref.load %arg32[%swap3A_415] : memref<1024xi32, #tpu.memory_space<smem>>
      memref.store %add3A_410, %arg32[%swap3A_415] : memref<1024xi32, #tpu.memory_space<smem>>
      %add3A_417 = arith.constant 1 : i32
      %add3A_418 = arith.addi %get3A_414, %add3A_417 : i32
      %swap3A_419 = arith.index_cast %get3A_412 : i32 to index
      %swap3A_420 = memref.load %arg31[%swap3A_419] : memref<1026xi32, #tpu.memory_space<smem>>
      memref.store %add3A_418, %arg31[%swap3A_419] : memref<1026xi32, #tpu.memory_space<smem>>
      %mul3A_421 = arith.constant 8 : i32
      %mul3A_422 = arith.muli %scan3A_308, %mul3A_421 : i32
      %add3A_423 = arith.constant 7 : i32
      %add3A_424 = arith.addi %mul3A_422, %add3A_423 : i32
      %add3A_425 = arith.constant 1 : i32
      %add3A_426 = arith.addi %add3A_424, %add3A_425 : i32
      %get3A_427 = arith.index_cast %add3A_426 : i32 to index
      %get3A_428 = memref.load %arg30[%get3A_427] : memref<1025xi32, #tpu.memory_space<smem>>
      %get3A_429 = arith.index_cast %get3A_428 : i32 to index
      %get3A_430 = memref.load %arg31[%get3A_429] : memref<1026xi32, #tpu.memory_space<smem>>
      %swap3A_431 = arith.index_cast %get3A_430 : i32 to index
      %swap3A_432 = memref.load %arg32[%swap3A_431] : memref<1024xi32, #tpu.memory_space<smem>>
      memref.store %add3A_426, %arg32[%swap3A_431] : memref<1024xi32, #tpu.memory_space<smem>>
      %add3A_433 = arith.constant 1 : i32
      %add3A_434 = arith.addi %get3A_430, %add3A_433 : i32
      %swap3A_435 = arith.index_cast %get3A_428 : i32 to index
      %swap3A_436 = memref.load %arg31[%swap3A_435] : memref<1026xi32, #tpu.memory_space<smem>>
      memref.store %add3A_434, %arg31[%swap3A_435] : memref<1026xi32, #tpu.memory_space<smem>>
    }
    %scan3A_123 = arith.constant 128 : i32
    %add3A_124 = arith.constant 2 : i32
    %add3A_125 = arith.addi %max3A, %add3A_124 : i32
    %while3A_126 = arith.constant 0 : i32
    %while3A_127 = arith.constant 0 : i32
    %while3A_128 = arith.subi %add3A_125, %while3A_127 : i32
    %while3A_129 = arith.addi %while3A_127, %while3A_128 : i32
    %while3A_130 = arith.constant 1 : i32
    %while3A_131 = arith.divsi %while3A_128, %while3A_130 : i32
    %while3A_132 = arith.muli %while3A_131, %while3A_130 : i32
    %while3A_133 = arith.addi %while3A_127, %while3A_132 : i32
    %while3A_134 = arith.constant 1 : i32
    scf.for %while3A_308 = %while3A_127 to %while3A_133 step %while3A_134  : i32 {
      %swap3A_309 = arith.constant 0 : i32
      %swap3A_310 = arith.index_cast %while3A_308 : i32 to index
      %swap3A_311 = memref.load %arg34[%swap3A_310] : memref<514xi32, #tpu.memory_space<smem>>
      memref.store %swap3A_309, %arg34[%swap3A_310] : memref<514xi32, #tpu.memory_space<smem>>
    }
    %while3A_135 = arith.constant 1 : i32
    scf.for %while3A_308 = %while3A_133 to %while3A_129 step %while3A_135  : i32 {
      %swap3A_309 = arith.constant 0 : i32
      %swap3A_310 = arith.index_cast %while3A_308 : i32 to index
      %swap3A_311 = memref.load %arg34[%swap3A_310] : memref<514xi32, #tpu.memory_space<smem>>
      memref.store %swap3A_309, %arg34[%swap3A_310] : memref<514xi32, #tpu.memory_space<smem>>
    }
    %scan3A_136 = arith.constant 0 : i32
    %scan3A_137 = arith.constant 64 : i32
    %scan3A_138 = arith.addi %scan3A_136, %scan3A_137 : i32
    %scan3A_139 = arith.constant 1 : i32
    scf.for %scan3A_308 = %scan3A_136 to %scan3A_138 step %scan3A_139  : i32 {
      %mul3A_309 = arith.constant 8 : i32
      %mul3A_310 = arith.muli %scan3A_308, %mul3A_309 : i32
      %add3A_311 = arith.constant 512 : i32
      %add3A_312 = arith.addi %add3A_311, %mul3A_310 : i32
      %add3A_313 = arith.constant 0 : i32
      %add3A_314 = arith.addi %add3A_312, %add3A_313 : i32
      %get3A_315 = arith.index_cast %add3A_314 : i32 to index
      %get3A_316 = memref.load %arg33[%get3A_315] : memref<1024xi32, #tpu.memory_space<smem>>
      %get3A_317 = arith.index_cast %get3A_316 : i32 to index
      %get3A_318 = memref.load %arg34[%get3A_317] : memref<514xi32, #tpu.memory_space<smem>>
      %add3A_319 = arith.constant 1 : i32
      %add3A_320 = arith.addi %get3A_318, %add3A_319 : i32
      %swap3A_321 = arith.index_cast %get3A_316 : i32 to index
      %swap3A_322 = memref.load %arg34[%swap3A_321] : memref<514xi32, #tpu.memory_space<smem>>
      memref.store %add3A_320, %arg34[%swap3A_321] : memref<514xi32, #tpu.memory_space<smem>>
      %mul3A_323 = arith.constant 8 : i32
      %mul3A_324 = arith.muli %scan3A_308, %mul3A_323 : i32
      %add3A_325 = arith.constant 512 : i32
      %add3A_326 = arith.addi %add3A_325, %mul3A_324 : i32
      %add3A_327 = arith.constant 1 : i32
      %add3A_328 = arith.addi %add3A_326, %add3A_327 : i32
      %get3A_329 = arith.index_cast %add3A_328 : i32 to index
      %get3A_330 = memref.load %arg33[%get3A_329] : memref<1024xi32, #tpu.memory_space<smem>>
      %get3A_331 = arith.index_cast %get3A_330 : i32 to index
      %get3A_332 = memref.load %arg34[%get3A_331] : memref<514xi32, #tpu.memory_space<smem>>
      %add3A_333 = arith.constant 1 : i32
      %add3A_334 = arith.addi %get3A_332, %add3A_333 : i32
      %swap3A_335 = arith.index_cast %get3A_330 : i32 to index
      %swap3A_336 = memref.load %arg34[%swap3A_335] : memref<514xi32, #tpu.memory_space<smem>>
      memref.store %add3A_334, %arg34[%swap3A_335] : memref<514xi32, #tpu.memory_space<smem>>
      %mul3A_337 = arith.constant 8 : i32
      %mul3A_338 = arith.muli %scan3A_308, %mul3A_337 : i32
      %add3A_339 = arith.constant 512 : i32
      %add3A_340 = arith.addi %add3A_339, %mul3A_338 : i32
      %add3A_341 = arith.constant 2 : i32
      %add3A_342 = arith.addi %add3A_340, %add3A_341 : i32
      %get3A_343 = arith.index_cast %add3A_342 : i32 to index
      %get3A_344 = memref.load %arg33[%get3A_343] : memref<1024xi32, #tpu.memory_space<smem>>
      %get3A_345 = arith.index_cast %get3A_344 : i32 to index
      %get3A_346 = memref.load %arg34[%get3A_345] : memref<514xi32, #tpu.memory_space<smem>>
      %add3A_347 = arith.constant 1 : i32
      %add3A_348 = arith.addi %get3A_346, %add3A_347 : i32
      %swap3A_349 = arith.index_cast %get3A_344 : i32 to index
      %swap3A_350 = memref.load %arg34[%swap3A_349] : memref<514xi32, #tpu.memory_space<smem>>
      memref.store %add3A_348, %arg34[%swap3A_349] : memref<514xi32, #tpu.memory_space<smem>>
      %mul3A_351 = arith.constant 8 : i32
      %mul3A_352 = arith.muli %scan3A_308, %mul3A_351 : i32
      %add3A_353 = arith.constant 512 : i32
      %add3A_354 = arith.addi %add3A_353, %mul3A_352 : i32
      %add3A_355 = arith.constant 3 : i32
      %add3A_356 = arith.addi %add3A_354, %add3A_355 : i32
      %get3A_357 = arith.index_cast %add3A_356 : i32 to index
      %get3A_358 = memref.load %arg33[%get3A_357] : memref<1024xi32, #tpu.memory_space<smem>>
      %get3A_359 = arith.index_cast %get3A_358 : i32 to index
      %get3A_360 = memref.load %arg34[%get3A_359] : memref<514xi32, #tpu.memory_space<smem>>
      %add3A_361 = arith.constant 1 : i32
      %add3A_362 = arith.addi %get3A_360, %add3A_361 : i32
      %swap3A_363 = arith.index_cast %get3A_358 : i32 to index
      %swap3A_364 = memref.load %arg34[%swap3A_363] : memref<514xi32, #tpu.memory_space<smem>>
      memref.store %add3A_362, %arg34[%swap3A_363] : memref<514xi32, #tpu.memory_space<smem>>
      %mul3A_365 = arith.constant 8 : i32
      %mul3A_366 = arith.muli %scan3A_308, %mul3A_365 : i32
      %add3A_367 = arith.constant 512 : i32
      %add3A_368 = arith.addi %add3A_367, %mul3A_366 : i32
      %add3A_369 = arith.constant 4 : i32
      %add3A_370 = arith.addi %add3A_368, %add3A_369 : i32
      %get3A_371 = arith.index_cast %add3A_370 : i32 to index
      %get3A_372 = memref.load %arg33[%get3A_371] : memref<1024xi32, #tpu.memory_space<smem>>
      %get3A_373 = arith.index_cast %get3A_372 : i32 to index
      %get3A_374 = memref.load %arg34[%get3A_373] : memref<514xi32, #tpu.memory_space<smem>>
      %add3A_375 = arith.constant 1 : i32
      %add3A_376 = arith.addi %get3A_374, %add3A_375 : i32
      %swap3A_377 = arith.index_cast %get3A_372 : i32 to index
      %swap3A_378 = memref.load %arg34[%swap3A_377] : memref<514xi32, #tpu.memory_space<smem>>
      memref.store %add3A_376, %arg34[%swap3A_377] : memref<514xi32, #tpu.memory_space<smem>>
      %mul3A_379 = arith.constant 8 : i32
      %mul3A_380 = arith.muli %scan3A_308, %mul3A_379 : i32
      %add3A_381 = arith.constant 512 : i32
      %add3A_382 = arith.addi %add3A_381, %mul3A_380 : i32
      %add3A_383 = arith.constant 5 : i32
      %add3A_384 = arith.addi %add3A_382, %add3A_383 : i32
      %get3A_385 = arith.index_cast %add3A_384 : i32 to index
      %get3A_386 = memref.load %arg33[%get3A_385] : memref<1024xi32, #tpu.memory_space<smem>>
      %get3A_387 = arith.index_cast %get3A_386 : i32 to index
      %get3A_388 = memref.load %arg34[%get3A_387] : memref<514xi32, #tpu.memory_space<smem>>
      %add3A_389 = arith.constant 1 : i32
      %add3A_390 = arith.addi %get3A_388, %add3A_389 : i32
      %swap3A_391 = arith.index_cast %get3A_386 : i32 to index
      %swap3A_392 = memref.load %arg34[%swap3A_391] : memref<514xi32, #tpu.memory_space<smem>>
      memref.store %add3A_390, %arg34[%swap3A_391] : memref<514xi32, #tpu.memory_space<smem>>
      %mul3A_393 = arith.constant 8 : i32
      %mul3A_394 = arith.muli %scan3A_308, %mul3A_393 : i32
      %add3A_395 = arith.constant 512 : i32
      %add3A_396 = arith.addi %add3A_395, %mul3A_394 : i32
      %add3A_397 = arith.constant 6 : i32
      %add3A_398 = arith.addi %add3A_396, %add3A_397 : i32
      %get3A_399 = arith.index_cast %add3A_398 : i32 to index
      %get3A_400 = memref.load %arg33[%get3A_399] : memref<1024xi32, #tpu.memory_space<smem>>
      %get3A_401 = arith.index_cast %get3A_400 : i32 to index
      %get3A_402 = memref.load %arg34[%get3A_401] : memref<514xi32, #tpu.memory_space<smem>>
      %add3A_403 = arith.constant 1 : i32
      %add3A_404 = arith.addi %get3A_402, %add3A_403 : i32
      %swap3A_405 = arith.index_cast %get3A_400 : i32 to index
      %swap3A_406 = memref.load %arg34[%swap3A_405] : memref<514xi32, #tpu.memory_space<smem>>
      memref.store %add3A_404, %arg34[%swap3A_405] : memref<514xi32, #tpu.memory_space<smem>>
      %mul3A_407 = arith.constant 8 : i32
      %mul3A_408 = arith.muli %scan3A_308, %mul3A_407 : i32
      %add3A_409 = arith.constant 512 : i32
      %add3A_410 = arith.addi %add3A_409, %mul3A_408 : i32
      %add3A_411 = arith.constant 7 : i32
      %add3A_412 = arith.addi %add3A_410, %add3A_411 : i32
      %get3A_413 = arith.index_cast %add3A_412 : i32 to index
      %get3A_414 = memref.load %arg33[%get3A_413] : memref<1024xi32, #tpu.memory_space<smem>>
      %get3A_415 = arith.index_cast %get3A_414 : i32 to index
      %get3A_416 = memref.load %arg34[%get3A_415] : memref<514xi32, #tpu.memory_space<smem>>
      %add3A_417 = arith.constant 1 : i32
      %add3A_418 = arith.addi %get3A_416, %add3A_417 : i32
      %swap3A_419 = arith.index_cast %get3A_414 : i32 to index
      %swap3A_420 = memref.load %arg34[%swap3A_419] : memref<514xi32, #tpu.memory_space<smem>>
      memref.store %add3A_418, %arg34[%swap3A_419] : memref<514xi32, #tpu.memory_space<smem>>
    }
    %scan3A_140 = arith.constant 64 : i32
    %add3A_141 = arith.constant 2 : i32
    %add3A_142 = arith.addi %max3A, %add3A_141 : i32
    %while3A_143 = arith.constant 0 : i32
    %while3A_144 = arith.constant 0 : i32
    %while3A_145 = arith.subi %add3A_142, %while3A_143 : i32
    %while3A_146 = arith.addi %while3A_143, %while3A_145 : i32
    %while3A_147 = arith.constant 1 : i32
    %while3A_148 = arith.divsi %while3A_145, %while3A_147 : i32
    %while3A_149 = arith.muli %while3A_148, %while3A_147 : i32
    %while3A_150 = arith.addi %while3A_143, %while3A_149 : i32
    %while3A_151 = arith.constant 1 : i32
    %while3A_152 = scf.for %while3A_308 = %while3A_143 to %while3A_150 step %while3A_151 iter_args(%while3A_309 = %while3A_144) -> (i32)  : i32 {
      %get3A_310 = arith.index_cast %while3A_308 : i32 to index
      %get3A_311 = memref.load %arg34[%get3A_310] : memref<514xi32, #tpu.memory_space<smem>>
      %swap3A_312 = arith.index_cast %while3A_308 : i32 to index
      %swap3A_313 = memref.load %arg34[%swap3A_312] : memref<514xi32, #tpu.memory_space<smem>>
      memref.store %while3A_309, %arg34[%swap3A_312] : memref<514xi32, #tpu.memory_space<smem>>
      %add3A_314 = arith.addi %while3A_309, %get3A_311 : i32
      scf.yield %add3A_314 : i32
    }
    %while3A_153 = arith.constant 1 : i32
    %while3A_154 = scf.for %while3A_308 = %while3A_150 to %while3A_146 step %while3A_153 iter_args(%while3A_309 = %while3A_152) -> (i32)  : i32 {
      %get3A_310 = arith.index_cast %while3A_308 : i32 to index
      %get3A_311 = memref.load %arg34[%get3A_310] : memref<514xi32, #tpu.memory_space<smem>>
      %swap3A_312 = arith.index_cast %while3A_308 : i32 to index
      %swap3A_313 = memref.load %arg34[%swap3A_312] : memref<514xi32, #tpu.memory_space<smem>>
      memref.store %while3A_309, %arg34[%swap3A_312] : memref<514xi32, #tpu.memory_space<smem>>
      %add3A_314 = arith.addi %while3A_309, %get3A_311 : i32
      scf.yield %add3A_314 : i32
    }
    %scan3A_155 = arith.constant 0 : i32
    %scan3A_156 = arith.constant 64 : i32
    %scan3A_157 = arith.addi %scan3A_155, %scan3A_156 : i32
    %scan3A_158 = arith.constant 1 : i32
    scf.for %scan3A_308 = %scan3A_155 to %scan3A_157 step %scan3A_158  : i32 {
      %mul3A_309 = arith.constant 8 : i32
      %mul3A_310 = arith.muli %scan3A_308, %mul3A_309 : i32
      %add3A_311 = arith.constant 0 : i32
      %add3A_312 = arith.addi %mul3A_310, %add3A_311 : i32
      %add3A_313 = arith.constant 512 : i32
      %add3A_314 = arith.addi %add3A_313, %add3A_312 : i32
      %get3A_315 = arith.index_cast %add3A_314 : i32 to index
      %get3A_316 = memref.load %arg33[%get3A_315] : memref<1024xi32, #tpu.memory_space<smem>>
      %get3A_317 = arith.index_cast %get3A_316 : i32 to index
      %get3A_318 = memref.load %arg34[%get3A_317] : memref<514xi32, #tpu.memory_space<smem>>
      %add3A_319 = arith.constant 512 : i32
      %add3A_320 = arith.addi %add3A_319, %add3A_312 : i32
      %swap3A_321 = arith.index_cast %get3A_318 : i32 to index
      %swap3A_322 = memref.load %arg35[%swap3A_321] : memref<512xi32, #tpu.memory_space<smem>>
      memref.store %add3A_320, %arg35[%swap3A_321] : memref<512xi32, #tpu.memory_space<smem>>
      %add3A_323 = arith.constant 1 : i32
      %add3A_324 = arith.addi %get3A_318, %add3A_323 : i32
      %swap3A_325 = arith.index_cast %get3A_316 : i32 to index
      %swap3A_326 = memref.load %arg34[%swap3A_325] : memref<514xi32, #tpu.memory_space<smem>>
      memref.store %add3A_324, %arg34[%swap3A_325] : memref<514xi32, #tpu.memory_space<smem>>
      %mul3A_327 = arith.constant 8 : i32
      %mul3A_328 = arith.muli %scan3A_308, %mul3A_327 : i32
      %add3A_329 = arith.constant 1 : i32
      %add3A_330 = arith.addi %mul3A_328, %add3A_329 : i32
      %add3A_331 = arith.constant 512 : i32
      %add3A_332 = arith.addi %add3A_331, %add3A_330 : i32
      %get3A_333 = arith.index_cast %add3A_332 : i32 to index
      %get3A_334 = memref.load %arg33[%get3A_333] : memref<1024xi32, #tpu.memory_space<smem>>
      %get3A_335 = arith.index_cast %get3A_334 : i32 to index
      %get3A_336 = memref.load %arg34[%get3A_335] : memref<514xi32, #tpu.memory_space<smem>>
      %add3A_337 = arith.constant 512 : i32
      %add3A_338 = arith.addi %add3A_337, %add3A_330 : i32
      %swap3A_339 = arith.index_cast %get3A_336 : i32 to index
      %swap3A_340 = memref.load %arg35[%swap3A_339] : memref<512xi32, #tpu.memory_space<smem>>
      memref.store %add3A_338, %arg35[%swap3A_339] : memref<512xi32, #tpu.memory_space<smem>>
      %add3A_341 = arith.constant 1 : i32
      %add3A_342 = arith.addi %get3A_336, %add3A_341 : i32
      %swap3A_343 = arith.index_cast %get3A_334 : i32 to index
      %swap3A_344 = memref.load %arg34[%swap3A_343] : memref<514xi32, #tpu.memory_space<smem>>
      memref.store %add3A_342, %arg34[%swap3A_343] : memref<514xi32, #tpu.memory_space<smem>>
      %mul3A_345 = arith.constant 8 : i32
      %mul3A_346 = arith.muli %scan3A_308, %mul3A_345 : i32
      %add3A_347 = arith.constant 2 : i32
      %add3A_348 = arith.addi %mul3A_346, %add3A_347 : i32
      %add3A_349 = arith.constant 512 : i32
      %add3A_350 = arith.addi %add3A_349, %add3A_348 : i32
      %get3A_351 = arith.index_cast %add3A_350 : i32 to index
      %get3A_352 = memref.load %arg33[%get3A_351] : memref<1024xi32, #tpu.memory_space<smem>>
      %get3A_353 = arith.index_cast %get3A_352 : i32 to index
      %get3A_354 = memref.load %arg34[%get3A_353] : memref<514xi32, #tpu.memory_space<smem>>
      %add3A_355 = arith.constant 512 : i32
      %add3A_356 = arith.addi %add3A_355, %add3A_348 : i32
      %swap3A_357 = arith.index_cast %get3A_354 : i32 to index
      %swap3A_358 = memref.load %arg35[%swap3A_357] : memref<512xi32, #tpu.memory_space<smem>>
      memref.store %add3A_356, %arg35[%swap3A_357] : memref<512xi32, #tpu.memory_space<smem>>
      %add3A_359 = arith.constant 1 : i32
      %add3A_360 = arith.addi %get3A_354, %add3A_359 : i32
      %swap3A_361 = arith.index_cast %get3A_352 : i32 to index
      %swap3A_362 = memref.load %arg34[%swap3A_361] : memref<514xi32, #tpu.memory_space<smem>>
      memref.store %add3A_360, %arg34[%swap3A_361] : memref<514xi32, #tpu.memory_space<smem>>
      %mul3A_363 = arith.constant 8 : i32
      %mul3A_364 = arith.muli %scan3A_308, %mul3A_363 : i32
      %add3A_365 = arith.constant 3 : i32
      %add3A_366 = arith.addi %mul3A_364, %add3A_365 : i32
      %add3A_367 = arith.constant 512 : i32
      %add3A_368 = arith.addi %add3A_367, %add3A_366 : i32
      %get3A_369 = arith.index_cast %add3A_368 : i32 to index
      %get3A_370 = memref.load %arg33[%get3A_369] : memref<1024xi32, #tpu.memory_space<smem>>
      %get3A_371 = arith.index_cast %get3A_370 : i32 to index
      %get3A_372 = memref.load %arg34[%get3A_371] : memref<514xi32, #tpu.memory_space<smem>>
      %add3A_373 = arith.constant 512 : i32
      %add3A_374 = arith.addi %add3A_373, %add3A_366 : i32
      %swap3A_375 = arith.index_cast %get3A_372 : i32 to index
      %swap3A_376 = memref.load %arg35[%swap3A_375] : memref<512xi32, #tpu.memory_space<smem>>
      memref.store %add3A_374, %arg35[%swap3A_375] : memref<512xi32, #tpu.memory_space<smem>>
      %add3A_377 = arith.constant 1 : i32
      %add3A_378 = arith.addi %get3A_372, %add3A_377 : i32
      %swap3A_379 = arith.index_cast %get3A_370 : i32 to index
      %swap3A_380 = memref.load %arg34[%swap3A_379] : memref<514xi32, #tpu.memory_space<smem>>
      memref.store %add3A_378, %arg34[%swap3A_379] : memref<514xi32, #tpu.memory_space<smem>>
      %mul3A_381 = arith.constant 8 : i32
      %mul3A_382 = arith.muli %scan3A_308, %mul3A_381 : i32
      %add3A_383 = arith.constant 4 : i32
      %add3A_384 = arith.addi %mul3A_382, %add3A_383 : i32
      %add3A_385 = arith.constant 512 : i32
      %add3A_386 = arith.addi %add3A_385, %add3A_384 : i32
      %get3A_387 = arith.index_cast %add3A_386 : i32 to index
      %get3A_388 = memref.load %arg33[%get3A_387] : memref<1024xi32, #tpu.memory_space<smem>>
      %get3A_389 = arith.index_cast %get3A_388 : i32 to index
      %get3A_390 = memref.load %arg34[%get3A_389] : memref<514xi32, #tpu.memory_space<smem>>
      %add3A_391 = arith.constant 512 : i32
      %add3A_392 = arith.addi %add3A_391, %add3A_384 : i32
      %swap3A_393 = arith.index_cast %get3A_390 : i32 to index
      %swap3A_394 = memref.load %arg35[%swap3A_393] : memref<512xi32, #tpu.memory_space<smem>>
      memref.store %add3A_392, %arg35[%swap3A_393] : memref<512xi32, #tpu.memory_space<smem>>
      %add3A_395 = arith.constant 1 : i32
      %add3A_396 = arith.addi %get3A_390, %add3A_395 : i32
      %swap3A_397 = arith.index_cast %get3A_388 : i32 to index
      %swap3A_398 = memref.load %arg34[%swap3A_397] : memref<514xi32, #tpu.memory_space<smem>>
      memref.store %add3A_396, %arg34[%swap3A_397] : memref<514xi32, #tpu.memory_space<smem>>
      %mul3A_399 = arith.constant 8 : i32
      %mul3A_400 = arith.muli %scan3A_308, %mul3A_399 : i32
      %add3A_401 = arith.constant 5 : i32
      %add3A_402 = arith.addi %mul3A_400, %add3A_401 : i32
      %add3A_403 = arith.constant 512 : i32
      %add3A_404 = arith.addi %add3A_403, %add3A_402 : i32
      %get3A_405 = arith.index_cast %add3A_404 : i32 to index
      %get3A_406 = memref.load %arg33[%get3A_405] : memref<1024xi32, #tpu.memory_space<smem>>
      %get3A_407 = arith.index_cast %get3A_406 : i32 to index
      %get3A_408 = memref.load %arg34[%get3A_407] : memref<514xi32, #tpu.memory_space<smem>>
      %add3A_409 = arith.constant 512 : i32
      %add3A_410 = arith.addi %add3A_409, %add3A_402 : i32
      %swap3A_411 = arith.index_cast %get3A_408 : i32 to index
      %swap3A_412 = memref.load %arg35[%swap3A_411] : memref<512xi32, #tpu.memory_space<smem>>
      memref.store %add3A_410, %arg35[%swap3A_411] : memref<512xi32, #tpu.memory_space<smem>>
      %add3A_413 = arith.constant 1 : i32
      %add3A_414 = arith.addi %get3A_408, %add3A_413 : i32
      %swap3A_415 = arith.index_cast %get3A_406 : i32 to index
      %swap3A_416 = memref.load %arg34[%swap3A_415] : memref<514xi32, #tpu.memory_space<smem>>
      memref.store %add3A_414, %arg34[%swap3A_415] : memref<514xi32, #tpu.memory_space<smem>>
      %mul3A_417 = arith.constant 8 : i32
      %mul3A_418 = arith.muli %scan3A_308, %mul3A_417 : i32
      %add3A_419 = arith.constant 6 : i32
      %add3A_420 = arith.addi %mul3A_418, %add3A_419 : i32
      %add3A_421 = arith.constant 512 : i32
      %add3A_422 = arith.addi %add3A_421, %add3A_420 : i32
      %get3A_423 = arith.index_cast %add3A_422 : i32 to index
      %get3A_424 = memref.load %arg33[%get3A_423] : memref<1024xi32, #tpu.memory_space<smem>>
      %get3A_425 = arith.index_cast %get3A_424 : i32 to index
      %get3A_426 = memref.load %arg34[%get3A_425] : memref<514xi32, #tpu.memory_space<smem>>
      %add3A_427 = arith.constant 512 : i32
      %add3A_428 = arith.addi %add3A_427, %add3A_420 : i32
      %swap3A_429 = arith.index_cast %get3A_426 : i32 to index
      %swap3A_430 = memref.load %arg35[%swap3A_429] : memref<512xi32, #tpu.memory_space<smem>>
      memref.store %add3A_428, %arg35[%swap3A_429] : memref<512xi32, #tpu.memory_space<smem>>
      %add3A_431 = arith.constant 1 : i32
      %add3A_432 = arith.addi %get3A_426, %add3A_431 : i32
      %swap3A_433 = arith.index_cast %get3A_424 : i32 to index
      %swap3A_434 = memref.load %arg34[%swap3A_433] : memref<514xi32, #tpu.memory_space<smem>>
      memref.store %add3A_432, %arg34[%swap3A_433] : memref<514xi32, #tpu.memory_space<smem>>
      %mul3A_435 = arith.constant 8 : i32
      %mul3A_436 = arith.muli %scan3A_308, %mul3A_435 : i32
      %add3A_437 = arith.constant 7 : i32
      %add3A_438 = arith.addi %mul3A_436, %add3A_437 : i32
      %add3A_439 = arith.constant 512 : i32
      %add3A_440 = arith.addi %add3A_439, %add3A_438 : i32
      %get3A_441 = arith.index_cast %add3A_440 : i32 to index
      %get3A_442 = memref.load %arg33[%get3A_441] : memref<1024xi32, #tpu.memory_space<smem>>
      %get3A_443 = arith.index_cast %get3A_442 : i32 to index
      %get3A_444 = memref.load %arg34[%get3A_443] : memref<514xi32, #tpu.memory_space<smem>>
      %add3A_445 = arith.constant 512 : i32
      %add3A_446 = arith.addi %add3A_445, %add3A_438 : i32
      %swap3A_447 = arith.index_cast %get3A_444 : i32 to index
      %swap3A_448 = memref.load %arg35[%swap3A_447] : memref<512xi32, #tpu.memory_space<smem>>
      memref.store %add3A_446, %arg35[%swap3A_447] : memref<512xi32, #tpu.memory_space<smem>>
      %add3A_449 = arith.constant 1 : i32
      %add3A_450 = arith.addi %get3A_444, %add3A_449 : i32
      %swap3A_451 = arith.index_cast %get3A_442 : i32 to index
      %swap3A_452 = memref.load %arg34[%swap3A_451] : memref<514xi32, #tpu.memory_space<smem>>
      memref.store %add3A_450, %arg34[%swap3A_451] : memref<514xi32, #tpu.memory_space<smem>>
    }
    %scan3A_159 = arith.constant 64 : i32
    %scan3A_160 = arith.constant 0 : i32
    %scan3A_161 = arith.constant 64 : i32
    %scan3A_162 = arith.addi %scan3A_160, %scan3A_161 : i32
    %scan3A_163 = arith.constant 1 : i32
    scf.for %scan3A_308 = %scan3A_160 to %scan3A_162 step %scan3A_163  : i32 {
      %mul3A_309 = arith.constant 16 : i32
      %mul3A_310 = arith.muli %scan3A_308, %mul3A_309 : i32
      %add3A_311 = arith.constant 0 : i32
      %add3A_312 = arith.addi %mul3A_310, %add3A_311 : i32
      %get3A_313 = arith.index_cast %add3A_312 : i32 to index
      %get3A_314 = memref.load %arg32[%get3A_313] : memref<1024xi32, #tpu.memory_space<smem>>
      %sub3A_315 = arith.constant 1 : i32
      %sub3A_316 = arith.subi %get3A_314, %sub3A_315 : i32
      %get3A_317 = arith.index_cast %sub3A_316 : i32 to index
      %get3A_318 = arith.constant 0 : index
      %get3A_319 = vector.load %arg22[%get3A_317, %get3A_318] : memref<1024x128xf32, #tpu.memory_space<vmem>>, vector<1x64xf32>
      %swap3A_320 = arith.index_cast %add3A_312 : i32 to index
      %swap3A_321 = arith.constant 0 : index
      %swap3A_322 = vector.load %arg23[%swap3A_320, %swap3A_321] : memref<1072x64xf32, #tpu.memory_space<vmem>>, vector<1x64xf32>
      tpu.vector_store %arg23[%swap3A_320, %swap3A_321], %get3A_319 {strides = array<i32>} : memref<1072x64xf32, #tpu.memory_space<vmem>>, vector<1x64xf32>,
      %mul3A_323 = arith.constant 16 : i32
      %mul3A_324 = arith.muli %scan3A_308, %mul3A_323 : i32
      %add3A_325 = arith.constant 1 : i32
      %add3A_326 = arith.addi %mul3A_324, %add3A_325 : i32
      %get3A_327 = arith.index_cast %add3A_326 : i32 to index
      %get3A_328 = memref.load %arg32[%get3A_327] : memref<1024xi32, #tpu.memory_space<smem>>
      %sub3A_329 = arith.constant 1 : i32
      %sub3A_330 = arith.subi %get3A_328, %sub3A_329 : i32
      %get3A_331 = arith.index_cast %sub3A_330 : i32 to index
      %get3A_332 = arith.constant 0 : index
      %get3A_333 = vector.load %arg22[%get3A_331, %get3A_332] : memref<1024x128xf32, #tpu.memory_space<vmem>>, vector<1x64xf32>
      %swap3A_334 = arith.index_cast %add3A_326 : i32 to index
      %swap3A_335 = arith.constant 0 : index
      %swap3A_336 = vector.load %arg23[%swap3A_334, %swap3A_335] : memref<1072x64xf32, #tpu.memory_space<vmem>>, vector<1x64xf32>
      tpu.vector_store %arg23[%swap3A_334, %swap3A_335], %get3A_333 {strides = array<i32>} : memref<1072x64xf32, #tpu.memory_space<vmem>>, vector<1x64xf32>,
      %mul3A_337 = arith.constant 16 : i32
      %mul3A_338 = arith.muli %scan3A_308, %mul3A_337 : i32
      %add3A_339 = arith.constant 2 : i32
      %add3A_340 = arith.addi %mul3A_338, %add3A_339 : i32
      %get3A_341 = arith.index_cast %add3A_340 : i32 to index
      %get3A_342 = memref.load %arg32[%get3A_341] : memref<1024xi32, #tpu.memory_space<smem>>
      %sub3A_343 = arith.constant 1 : i32
      %sub3A_344 = arith.subi %get3A_342, %sub3A_343 : i32
      %get3A_345 = arith.index_cast %sub3A_344 : i32 to index
      %get3A_346 = arith.constant 0 : index
      %get3A_347 = vector.load %arg22[%get3A_345, %get3A_346] : memref<1024x128xf32, #tpu.memory_space<vmem>>, vector<1x64xf32>
      %swap3A_348 = arith.index_cast %add3A_340 : i32 to index
      %swap3A_349 = arith.constant 0 : index
      %swap3A_350 = vector.load %arg23[%swap3A_348, %swap3A_349] : memref<1072x64xf32, #tpu.memory_space<vmem>>, vector<1x64xf32>
      tpu.vector_store %arg23[%swap3A_348, %swap3A_349], %get3A_347 {strides = array<i32>} : memref<1072x64xf32, #tpu.memory_space<vmem>>, vector<1x64xf32>,
      %mul3A_351 = arith.constant 16 : i32
      %mul3A_352 = arith.muli %scan3A_308, %mul3A_351 : i32
      %add3A_353 = arith.constant 3 : i32
      %add3A_354 = arith.addi %mul3A_352, %add3A_353 : i32
      %get3A_355 = arith.index_cast %add3A_354 : i32 to index
      %get3A_356 = memref.load %arg32[%get3A_355] : memref<1024xi32, #tpu.memory_space<smem>>
      %sub3A_357 = arith.constant 1 : i32
      %sub3A_358 = arith.subi %get3A_356, %sub3A_357 : i32
      %get3A_359 = arith.index_cast %sub3A_358 : i32 to index
      %get3A_360 = arith.constant 0 : index
      %get3A_361 = vector.load %arg22[%get3A_359, %get3A_360] : memref<1024x128xf32, #tpu.memory_space<vmem>>, vector<1x64xf32>
      %swap3A_362 = arith.index_cast %add3A_354 : i32 to index
      %swap3A_363 = arith.constant 0 : index
      %swap3A_364 = vector.load %arg23[%swap3A_362, %swap3A_363] : memref<1072x64xf32, #tpu.memory_space<vmem>>, vector<1x64xf32>
      tpu.vector_store %arg23[%swap3A_362, %swap3A_363], %get3A_361 {strides = array<i32>} : memref<1072x64xf32, #tpu.memory_space<vmem>>, vector<1x64xf32>,
      %mul3A_365 = arith.constant 16 : i32
      %mul3A_366 = arith.muli %scan3A_308, %mul3A_365 : i32
      %add3A_367 = arith.constant 4 : i32
      %add3A_368 = arith.addi %mul3A_366, %add3A_367 : i32
      %get3A_369 = arith.index_cast %add3A_368 : i32 to index
      %get3A_370 = memref.load %arg32[%get3A_369] : memref<1024xi32, #tpu.memory_space<smem>>
      %sub3A_371 = arith.constant 1 : i32
      %sub3A_372 = arith.subi %get3A_370, %sub3A_371 : i32
      %get3A_373 = arith.index_cast %sub3A_372 : i32 to index
      %get3A_374 = arith.constant 0 : index
      %get3A_375 = vector.load %arg22[%get3A_373, %get3A_374] : memref<1024x128xf32, #tpu.memory_space<vmem>>, vector<1x64xf32>
      %swap3A_376 = arith.index_cast %add3A_368 : i32 to index
      %swap3A_377 = arith.constant 0 : index
      %swap3A_378 = vector.load %arg23[%swap3A_376, %swap3A_377] : memref<1072x64xf32, #tpu.memory_space<vmem>>, vector<1x64xf32>
      tpu.vector_store %arg23[%swap3A_376, %swap3A_377], %get3A_375 {strides = array<i32>} : memref<1072x64xf32, #tpu.memory_space<vmem>>, vector<1x64xf32>,
      %mul3A_379 = arith.constant 16 : i32
      %mul3A_380 = arith.muli %scan3A_308, %mul3A_379 : i32
      %add3A_381 = arith.constant 5 : i32
      %add3A_382 = arith.addi %mul3A_380, %add3A_381 : i32
      %get3A_383 = arith.index_cast %add3A_382 : i32 to index
      %get3A_384 = memref.load %arg32[%get3A_383] : memref<1024xi32, #tpu.memory_space<smem>>
      %sub3A_385 = arith.constant 1 : i32
      %sub3A_386 = arith.subi %get3A_384, %sub3A_385 : i32
      %get3A_387 = arith.index_cast %sub3A_386 : i32 to index
      %get3A_388 = arith.constant 0 : index
      %get3A_389 = vector.load %arg22[%get3A_387, %get3A_388] : memref<1024x128xf32, #tpu.memory_space<vmem>>, vector<1x64xf32>
      %swap3A_390 = arith.index_cast %add3A_382 : i32 to index
      %swap3A_391 = arith.constant 0 : index
      %swap3A_392 = vector.load %arg23[%swap3A_390, %swap3A_391] : memref<1072x64xf32, #tpu.memory_space<vmem>>, vector<1x64xf32>
      tpu.vector_store %arg23[%swap3A_390, %swap3A_391], %get3A_389 {strides = array<i32>} : memref<1072x64xf32, #tpu.memory_space<vmem>>, vector<1x64xf32>,
      %mul3A_393 = arith.constant 16 : i32
      %mul3A_394 = arith.muli %scan3A_308, %mul3A_393 : i32
      %add3A_395 = arith.constant 6 : i32
      %add3A_396 = arith.addi %mul3A_394, %add3A_395 : i32
      %get3A_397 = arith.index_cast %add3A_396 : i32 to index
      %get3A_398 = memref.load %arg32[%get3A_397] : memref<1024xi32, #tpu.memory_space<smem>>
      %sub3A_399 = arith.constant 1 : i32
      %sub3A_400 = arith.subi %get3A_398, %sub3A_399 : i32
      %get3A_401 = arith.index_cast %sub3A_400 : i32 to index
      %get3A_402 = arith.constant 0 : index
      %get3A_403 = vector.load %arg22[%get3A_401, %get3A_402] : memref<1024x128xf32, #tpu.memory_space<vmem>>, vector<1x64xf32>
      %swap3A_404 = arith.index_cast %add3A_396 : i32 to index
      %swap3A_405 = arith.constant 0 : index
      %swap3A_406 = vector.load %arg23[%swap3A_404, %swap3A_405] : memref<1072x64xf32, #tpu.memory_space<vmem>>, vector<1x64xf32>
      tpu.vector_store %arg23[%swap3A_404, %swap3A_405], %get3A_403 {strides = array<i32>} : memref<1072x64xf32, #tpu.memory_space<vmem>>, vector<1x64xf32>,
      %mul3A_407 = arith.constant 16 : i32
      %mul3A_408 = arith.muli %scan3A_308, %mul3A_407 : i32
      %add3A_409 = arith.constant 7 : i32
      %add3A_410 = arith.addi %mul3A_408, %add3A_409 : i32
      %get3A_411 = arith.index_cast %add3A_410 : i32 to index
      %get3A_412 = memref.load %arg32[%get3A_411] : memref<1024xi32, #tpu.memory_space<smem>>
      %sub3A_413 = arith.constant 1 : i32
      %sub3A_414 = arith.subi %get3A_412, %sub3A_413 : i32
      %get3A_415 = arith.index_cast %sub3A_414 : i32 to index
      %get3A_416 = arith.constant 0 : index
      %get3A_417 = vector.load %arg22[%get3A_415, %get3A_416] : memref<1024x128xf32, #tpu.memory_space<vmem>>, vector<1x64xf32>
      %swap3A_418 = arith.index_cast %add3A_410 : i32 to index
      %swap3A_419 = arith.constant 0 : index
      %swap3A_420 = vector.load %arg23[%swap3A_418, %swap3A_419] : memref<1072x64xf32, #tpu.memory_space<vmem>>, vector<1x64xf32>
      tpu.vector_store %arg23[%swap3A_418, %swap3A_419], %get3A_417 {strides = array<i32>} : memref<1072x64xf32, #tpu.memory_space<vmem>>, vector<1x64xf32>,
      %mul3A_421 = arith.constant 16 : i32
      %mul3A_422 = arith.muli %scan3A_308, %mul3A_421 : i32
      %add3A_423 = arith.constant 8 : i32
      %add3A_424 = arith.addi %mul3A_422, %add3A_423 : i32
      %get3A_425 = arith.index_cast %add3A_424 : i32 to index
      %get3A_426 = memref.load %arg32[%get3A_425] : memref<1024xi32, #tpu.memory_space<smem>>
      %sub3A_427 = arith.constant 1 : i32
      %sub3A_428 = arith.subi %get3A_426, %sub3A_427 : i32
      %get3A_429 = arith.index_cast %sub3A_428 : i32 to index
      %get3A_430 = arith.constant 0 : index
      %get3A_431 = vector.load %arg22[%get3A_429, %get3A_430] : memref<1024x128xf32, #tpu.memory_space<vmem>>, vector<1x64xf32>
      %swap3A_432 = arith.index_cast %add3A_424 : i32 to index
      %swap3A_433 = arith.constant 0 : index
      %swap3A_434 = vector.load %arg23[%swap3A_432, %swap3A_433] : memref<1072x64xf32, #tpu.memory_space<vmem>>, vector<1x64xf32>
      tpu.vector_store %arg23[%swap3A_432, %swap3A_433], %get3A_431 {strides = array<i32>} : memref<1072x64xf32, #tpu.memory_space<vmem>>, vector<1x64xf32>,
      %mul3A_435 = arith.constant 16 : i32
      %mul3A_436 = arith.muli %scan3A_308, %mul3A_435 : i32
      %add3A_437 = arith.constant 9 : i32
      %add3A_438 = arith.addi %mul3A_436, %add3A_437 : i32
      %get3A_439 = arith.index_cast %add3A_438 : i32 to index
      %get3A_440 = memref.load %arg32[%get3A_439] : memref<1024xi32, #tpu.memory_space<smem>>
      %sub3A_441 = arith.constant 1 : i32
      %sub3A_442 = arith.subi %get3A_440, %sub3A_441 : i32
      %get3A_443 = arith.index_cast %sub3A_442 : i32 to index
      %get3A_444 = arith.constant 0 : index
      %get3A_445 = vector.load %arg22[%get3A_443, %get3A_444] : memref<1024x128xf32, #tpu.memory_space<vmem>>, vector<1x64xf32>
      %swap3A_446 = arith.index_cast %add3A_438 : i32 to index
      %swap3A_447 = arith.constant 0 : index
      %swap3A_448 = vector.load %arg23[%swap3A_446, %swap3A_447] : memref<1072x64xf32, #tpu.memory_space<vmem>>, vector<1x64xf32>
      tpu.vector_store %arg23[%swap3A_446, %swap3A_447], %get3A_445 {strides = array<i32>} : memref<1072x64xf32, #tpu.memory_space<vmem>>, vector<1x64xf32>,
      %mul3A_449 = arith.constant 16 : i32
      %mul3A_450 = arith.muli %scan3A_308, %mul3A_449 : i32
      %add3A_451 = arith.constant 10 : i32
      %add3A_452 = arith.addi %mul3A_450, %add3A_451 : i32
      %get3A_453 = arith.index_cast %add3A_452 : i32 to index
      %get3A_454 = memref.load %arg32[%get3A_453] : memref<1024xi32, #tpu.memory_space<smem>>
      %sub3A_455 = arith.constant 1 : i32
      %sub3A_456 = arith.subi %get3A_454, %sub3A_455 : i32
      %get3A_457 = arith.index_cast %sub3A_456 : i32 to index
      %get3A_458 = arith.constant 0 : index
      %get3A_459 = vector.load %arg22[%get3A_457, %get3A_458] : memref<1024x128xf32, #tpu.memory_space<vmem>>, vector<1x64xf32>
      %swap3A_460 = arith.index_cast %add3A_452 : i32 to index
      %swap3A_461 = arith.constant 0 : index
      %swap3A_462 = vector.load %arg23[%swap3A_460, %swap3A_461] : memref<1072x64xf32, #tpu.memory_space<vmem>>, vector<1x64xf32>
      tpu.vector_store %arg23[%swap3A_460, %swap3A_461], %get3A_459 {strides = array<i32>} : memref<1072x64xf32, #tpu.memory_space<vmem>>, vector<1x64xf32>,
      %mul3A_463 = arith.constant 16 : i32
      %mul3A_464 = arith.muli %scan3A_308, %mul3A_463 : i32
      %add3A_465 = arith.constant 11 : i32
      %add3A_466 = arith.addi %mul3A_464, %add3A_465 : i32
      %get3A_467 = arith.index_cast %add3A_466 : i32 to index
      %get3A_468 = memref.load %arg32[%get3A_467] : memref<1024xi32, #tpu.memory_space<smem>>
      %sub3A_469 = arith.constant 1 : i32
      %sub3A_470 = arith.subi %get3A_468, %sub3A_469 : i32
      %get3A_471 = arith.index_cast %sub3A_470 : i32 to index
      %get3A_472 = arith.constant 0 : index
      %get3A_473 = vector.load %arg22[%get3A_471, %get3A_472] : memref<1024x128xf32, #tpu.memory_space<vmem>>, vector<1x64xf32>
      %swap3A_474 = arith.index_cast %add3A_466 : i32 to index
      %swap3A_475 = arith.constant 0 : index
      %swap3A_476 = vector.load %arg23[%swap3A_474, %swap3A_475] : memref<1072x64xf32, #tpu.memory_space<vmem>>, vector<1x64xf32>
      tpu.vector_store %arg23[%swap3A_474, %swap3A_475], %get3A_473 {strides = array<i32>} : memref<1072x64xf32, #tpu.memory_space<vmem>>, vector<1x64xf32>,
      %mul3A_477 = arith.constant 16 : i32
      %mul3A_478 = arith.muli %scan3A_308, %mul3A_477 : i32
      %add3A_479 = arith.constant 12 : i32
      %add3A_480 = arith.addi %mul3A_478, %add3A_479 : i32
      %get3A_481 = arith.index_cast %add3A_480 : i32 to index
      %get3A_482 = memref.load %arg32[%get3A_481] : memref<1024xi32, #tpu.memory_space<smem>>
      %sub3A_483 = arith.constant 1 : i32
      %sub3A_484 = arith.subi %get3A_482, %sub3A_483 : i32
      %get3A_485 = arith.index_cast %sub3A_484 : i32 to index
      %get3A_486 = arith.constant 0 : index
      %get3A_487 = vector.load %arg22[%get3A_485, %get3A_486] : memref<1024x128xf32, #tpu.memory_space<vmem>>, vector<1x64xf32>
      %swap3A_488 = arith.index_cast %add3A_480 : i32 to index
      %swap3A_489 = arith.constant 0 : index
      %swap3A_490 = vector.load %arg23[%swap3A_488, %swap3A_489] : memref<1072x64xf32, #tpu.memory_space<vmem>>, vector<1x64xf32>
      tpu.vector_store %arg23[%swap3A_488, %swap3A_489], %get3A_487 {strides = array<i32>} : memref<1072x64xf32, #tpu.memory_space<vmem>>, vector<1x64xf32>,
      %mul3A_491 = arith.constant 16 : i32
      %mul3A_492 = arith.muli %scan3A_308, %mul3A_491 : i32
      %add3A_493 = arith.constant 13 : i32
      %add3A_494 = arith.addi %mul3A_492, %add3A_493 : i32
      %get3A_495 = arith.index_cast %add3A_494 : i32 to index
      %get3A_496 = memref.load %arg32[%get3A_495] : memref<1024xi32, #tpu.memory_space<smem>>
      %sub3A_497 = arith.constant 1 : i32
      %sub3A_498 = arith.subi %get3A_496, %sub3A_497 : i32
      %get3A_499 = arith.index_cast %sub3A_498 : i32 to index
      %get3A_500 = arith.constant 0 : index
      %get3A_501 = vector.load %arg22[%get3A_499, %get3A_500] : memref<1024x128xf32, #tpu.memory_space<vmem>>, vector<1x64xf32>
      %swap3A_502 = arith.index_cast %add3A_494 : i32 to index
      %swap3A_503 = arith.constant 0 : index
      %swap3A_504 = vector.load %arg23[%swap3A_502, %swap3A_503] : memref<1072x64xf32, #tpu.memory_space<vmem>>, vector<1x64xf32>
      tpu.vector_store %arg23[%swap3A_502, %swap3A_503], %get3A_501 {strides = array<i32>} : memref<1072x64xf32, #tpu.memory_space<vmem>>, vector<1x64xf32>,
      %mul3A_505 = arith.constant 16 : i32
      %mul3A_506 = arith.muli %scan3A_308, %mul3A_505 : i32
      %add3A_507 = arith.constant 14 : i32
      %add3A_508 = arith.addi %mul3A_506, %add3A_507 : i32
      %get3A_509 = arith.index_cast %add3A_508 : i32 to index
      %get3A_510 = memref.load %arg32[%get3A_509] : memref<1024xi32, #tpu.memory_space<smem>>
      %sub3A_511 = arith.constant 1 : i32
      %sub3A_512 = arith.subi %get3A_510, %sub3A_511 : i32
      %get3A_513 = arith.index_cast %sub3A_512 : i32 to index
      %get3A_514 = arith.constant 0 : index
      %get3A_515 = vector.load %arg22[%get3A_513, %get3A_514] : memref<1024x128xf32, #tpu.memory_space<vmem>>, vector<1x64xf32>
      %swap3A_516 = arith.index_cast %add3A_508 : i32 to index
      %swap3A_517 = arith.constant 0 : index
      %swap3A_518 = vector.load %arg23[%swap3A_516, %swap3A_517] : memref<1072x64xf32, #tpu.memory_space<vmem>>, vector<1x64xf32>
      tpu.vector_store %arg23[%swap3A_516, %swap3A_517], %get3A_515 {strides = array<i32>} : memref<1072x64xf32, #tpu.memory_space<vmem>>, vector<1x64xf32>,
      %mul3A_519 = arith.constant 16 : i32
      %mul3A_520 = arith.muli %scan3A_308, %mul3A_519 : i32
      %add3A_521 = arith.constant 15 : i32
      %add3A_522 = arith.addi %mul3A_520, %add3A_521 : i32
      %get3A_523 = arith.index_cast %add3A_522 : i32 to index
      %get3A_524 = memref.load %arg32[%get3A_523] : memref<1024xi32, #tpu.memory_space<smem>>
      %sub3A_525 = arith.constant 1 : i32
      %sub3A_526 = arith.subi %get3A_524, %sub3A_525 : i32
      %get3A_527 = arith.index_cast %sub3A_526 : i32 to index
      %get3A_528 = arith.constant 0 : index
      %get3A_529 = vector.load %arg22[%get3A_527, %get3A_528] : memref<1024x128xf32, #tpu.memory_space<vmem>>, vector<1x64xf32>
      %swap3A_530 = arith.index_cast %add3A_522 : i32 to index
      %swap3A_531 = arith.constant 0 : index
      %swap3A_532 = vector.load %arg23[%swap3A_530, %swap3A_531] : memref<1072x64xf32, #tpu.memory_space<vmem>>, vector<1x64xf32>
      tpu.vector_store %arg23[%swap3A_530, %swap3A_531], %get3A_529 {strides = array<i32>} : memref<1072x64xf32, #tpu.memory_space<vmem>>, vector<1x64xf32>,
    }
    %scan3A_164 = arith.constant 64 : i32
    %scan3A_165 = arith.constant 0 : i32
    %scan3A_166 = arith.constant 32 : i32
    %scan3A_167 = arith.addi %scan3A_165, %scan3A_166 : i32
    %scan3A_168 = arith.constant 1 : i32
    scf.for %scan3A_308 = %scan3A_165 to %scan3A_167 step %scan3A_168  : i32 {
      %mul3A_309 = arith.constant 16 : i32
      %mul3A_310 = arith.muli %scan3A_308, %mul3A_309 : i32
      %add3A_311 = arith.constant 0 : i32
      %add3A_312 = arith.addi %mul3A_310, %add3A_311 : i32
      %get3A_313 = arith.index_cast %add3A_312 : i32 to index
      %get3A_314 = memref.load %arg35[%get3A_313] : memref<512xi32, #tpu.memory_space<smem>>
      %get3A_315 = arith.index_cast %get3A_314 : i32 to index
      %get3A_316 = arith.constant 64 : index
      %get3A_317 = vector.load %arg22[%get3A_315, %get3A_316] : memref<1024x128xf32, #tpu.memory_space<vmem>>, vector<1x64xf32>
      %swap3A_318 = arith.index_cast %add3A_312 : i32 to index
      %swap3A_319 = arith.constant 0 : index
      %swap3A_320 = vector.load %arg24[%swap3A_318, %swap3A_319] : memref<528x64xf32, #tpu.memory_space<vmem>>, vector<1x64xf32>
      tpu.vector_store %arg24[%swap3A_318, %swap3A_319], %get3A_317 {strides = array<i32>} : memref<528x64xf32, #tpu.memory_space<vmem>>, vector<1x64xf32>,
      %mul3A_321 = arith.constant 16 : i32
      %mul3A_322 = arith.muli %scan3A_308, %mul3A_321 : i32
      %add3A_323 = arith.constant 1 : i32
      %add3A_324 = arith.addi %mul3A_322, %add3A_323 : i32
      %get3A_325 = arith.index_cast %add3A_324 : i32 to index
      %get3A_326 = memref.load %arg35[%get3A_325] : memref<512xi32, #tpu.memory_space<smem>>
      %get3A_327 = arith.index_cast %get3A_326 : i32 to index
      %get3A_328 = arith.constant 64 : index
      %get3A_329 = vector.load %arg22[%get3A_327, %get3A_328] : memref<1024x128xf32, #tpu.memory_space<vmem>>, vector<1x64xf32>
      %swap3A_330 = arith.index_cast %add3A_324 : i32 to index
      %swap3A_331 = arith.constant 0 : index
      %swap3A_332 = vector.load %arg24[%swap3A_330, %swap3A_331] : memref<528x64xf32, #tpu.memory_space<vmem>>, vector<1x64xf32>
      tpu.vector_store %arg24[%swap3A_330, %swap3A_331], %get3A_329 {strides = array<i32>} : memref<528x64xf32, #tpu.memory_space<vmem>>, vector<1x64xf32>,
      %mul3A_333 = arith.constant 16 : i32
      %mul3A_334 = arith.muli %scan3A_308, %mul3A_333 : i32
      %add3A_335 = arith.constant 2 : i32
      %add3A_336 = arith.addi %mul3A_334, %add3A_335 : i32
      %get3A_337 = arith.index_cast %add3A_336 : i32 to index
      %get3A_338 = memref.load %arg35[%get3A_337] : memref<512xi32, #tpu.memory_space<smem>>
      %get3A_339 = arith.index_cast %get3A_338 : i32 to index
      %get3A_340 = arith.constant 64 : index
      %get3A_341 = vector.load %arg22[%get3A_339, %get3A_340] : memref<1024x128xf32, #tpu.memory_space<vmem>>, vector<1x64xf32>
      %swap3A_342 = arith.index_cast %add3A_336 : i32 to index
      %swap3A_343 = arith.constant 0 : index
      %swap3A_344 = vector.load %arg24[%swap3A_342, %swap3A_343] : memref<528x64xf32, #tpu.memory_space<vmem>>, vector<1x64xf32>
      tpu.vector_store %arg24[%swap3A_342, %swap3A_343], %get3A_341 {strides = array<i32>} : memref<528x64xf32, #tpu.memory_space<vmem>>, vector<1x64xf32>,
      %mul3A_345 = arith.constant 16 : i32
      %mul3A_346 = arith.muli %scan3A_308, %mul3A_345 : i32
      %add3A_347 = arith.constant 3 : i32
      %add3A_348 = arith.addi %mul3A_346, %add3A_347 : i32
      %get3A_349 = arith.index_cast %add3A_348 : i32 to index
      %get3A_350 = memref.load %arg35[%get3A_349] : memref<512xi32, #tpu.memory_space<smem>>
      %get3A_351 = arith.index_cast %get3A_350 : i32 to index
      %get3A_352 = arith.constant 64 : index
      %get3A_353 = vector.load %arg22[%get3A_351, %get3A_352] : memref<1024x128xf32, #tpu.memory_space<vmem>>, vector<1x64xf32>
      %swap3A_354 = arith.index_cast %add3A_348 : i32 to index
      %swap3A_355 = arith.constant 0 : index
      %swap3A_356 = vector.load %arg24[%swap3A_354, %swap3A_355] : memref<528x64xf32, #tpu.memory_space<vmem>>, vector<1x64xf32>
      tpu.vector_store %arg24[%swap3A_354, %swap3A_355], %get3A_353 {strides = array<i32>} : memref<528x64xf32, #tpu.memory_space<vmem>>, vector<1x64xf32>,
      %mul3A_357 = arith.constant 16 : i32
      %mul3A_358 = arith.muli %scan3A_308, %mul3A_357 : i32
      %add3A_359 = arith.constant 4 : i32
      %add3A_360 = arith.addi %mul3A_358, %add3A_359 : i32
      %get3A_361 = arith.index_cast %add3A_360 : i32 to index
      %get3A_362 = memref.load %arg35[%get3A_361] : memref<512xi32, #tpu.memory_space<smem>>
      %get3A_363 = arith.index_cast %get3A_362 : i32 to index
      %get3A_364 = arith.constant 64 : index
      %get3A_365 = vector.load %arg22[%get3A_363, %get3A_364] : memref<1024x128xf32, #tpu.memory_space<vmem>>, vector<1x64xf32>
      %swap3A_366 = arith.index_cast %add3A_360 : i32 to index
      %swap3A_367 = arith.constant 0 : index
      %swap3A_368 = vector.load %arg24[%swap3A_366, %swap3A_367] : memref<528x64xf32, #tpu.memory_space<vmem>>, vector<1x64xf32>
      tpu.vector_store %arg24[%swap3A_366, %swap3A_367], %get3A_365 {strides = array<i32>} : memref<528x64xf32, #tpu.memory_space<vmem>>, vector<1x64xf32>,
      %mul3A_369 = arith.constant 16 : i32
      %mul3A_370 = arith.muli %scan3A_308, %mul3A_369 : i32
      %add3A_371 = arith.constant 5 : i32
      %add3A_372 = arith.addi %mul3A_370, %add3A_371 : i32
      %get3A_373 = arith.index_cast %add3A_372 : i32 to index
      %get3A_374 = memref.load %arg35[%get3A_373] : memref<512xi32, #tpu.memory_space<smem>>
      %get3A_375 = arith.index_cast %get3A_374 : i32 to index
      %get3A_376 = arith.constant 64 : index
      %get3A_377 = vector.load %arg22[%get3A_375, %get3A_376] : memref<1024x128xf32, #tpu.memory_space<vmem>>, vector<1x64xf32>
      %swap3A_378 = arith.index_cast %add3A_372 : i32 to index
      %swap3A_379 = arith.constant 0 : index
      %swap3A_380 = vector.load %arg24[%swap3A_378, %swap3A_379] : memref<528x64xf32, #tpu.memory_space<vmem>>, vector<1x64xf32>
      tpu.vector_store %arg24[%swap3A_378, %swap3A_379], %get3A_377 {strides = array<i32>} : memref<528x64xf32, #tpu.memory_space<vmem>>, vector<1x64xf32>,
      %mul3A_381 = arith.constant 16 : i32
      %mul3A_382 = arith.muli %scan3A_308, %mul3A_381 : i32
      %add3A_383 = arith.constant 6 : i32
      %add3A_384 = arith.addi %mul3A_382, %add3A_383 : i32
      %get3A_385 = arith.index_cast %add3A_384 : i32 to index
      %get3A_386 = memref.load %arg35[%get3A_385] : memref<512xi32, #tpu.memory_space<smem>>
      %get3A_387 = arith.index_cast %get3A_386 : i32 to index
      %get3A_388 = arith.constant 64 : index
      %get3A_389 = vector.load %arg22[%get3A_387, %get3A_388] : memref<1024x128xf32, #tpu.memory_space<vmem>>, vector<1x64xf32>
      %swap3A_390 = arith.index_cast %add3A_384 : i32 to index
      %swap3A_391 = arith.constant 0 : index
      %swap3A_392 = vector.load %arg24[%swap3A_390, %swap3A_391] : memref<528x64xf32, #tpu.memory_space<vmem>>, vector<1x64xf32>
      tpu.vector_store %arg24[%swap3A_390, %swap3A_391], %get3A_389 {strides = array<i32>} : memref<528x64xf32, #tpu.memory_space<vmem>>, vector<1x64xf32>,
      %mul3A_393 = arith.constant 16 : i32
      %mul3A_394 = arith.muli %scan3A_308, %mul3A_393 : i32
      %add3A_395 = arith.constant 7 : i32
      %add3A_396 = arith.addi %mul3A_394, %add3A_395 : i32
      %get3A_397 = arith.index_cast %add3A_396 : i32 to index
      %get3A_398 = memref.load %arg35[%get3A_397] : memref<512xi32, #tpu.memory_space<smem>>
      %get3A_399 = arith.index_cast %get3A_398 : i32 to index
      %get3A_400 = arith.constant 64 : index
      %get3A_401 = vector.load %arg22[%get3A_399, %get3A_400] : memref<1024x128xf32, #tpu.memory_space<vmem>>, vector<1x64xf32>
      %swap3A_402 = arith.index_cast %add3A_396 : i32 to index
      %swap3A_403 = arith.constant 0 : index
      %swap3A_404 = vector.load %arg24[%swap3A_402, %swap3A_403] : memref<528x64xf32, #tpu.memory_space<vmem>>, vector<1x64xf32>
      tpu.vector_store %arg24[%swap3A_402, %swap3A_403], %get3A_401 {strides = array<i32>} : memref<528x64xf32, #tpu.memory_space<vmem>>, vector<1x64xf32>,
      %mul3A_405 = arith.constant 16 : i32
      %mul3A_406 = arith.muli %scan3A_308, %mul3A_405 : i32
      %add3A_407 = arith.constant 8 : i32
      %add3A_408 = arith.addi %mul3A_406, %add3A_407 : i32
      %get3A_409 = arith.index_cast %add3A_408 : i32 to index
      %get3A_410 = memref.load %arg35[%get3A_409] : memref<512xi32, #tpu.memory_space<smem>>
      %get3A_411 = arith.index_cast %get3A_410 : i32 to index
      %get3A_412 = arith.constant 64 : index
      %get3A_413 = vector.load %arg22[%get3A_411, %get3A_412] : memref<1024x128xf32, #tpu.memory_space<vmem>>, vector<1x64xf32>
      %swap3A_414 = arith.index_cast %add3A_408 : i32 to index
      %swap3A_415 = arith.constant 0 : index
      %swap3A_416 = vector.load %arg24[%swap3A_414, %swap3A_415] : memref<528x64xf32, #tpu.memory_space<vmem>>, vector<1x64xf32>
      tpu.vector_store %arg24[%swap3A_414, %swap3A_415], %get3A_413 {strides = array<i32>} : memref<528x64xf32, #tpu.memory_space<vmem>>, vector<1x64xf32>,
      %mul3A_417 = arith.constant 16 : i32
      %mul3A_418 = arith.muli %scan3A_308, %mul3A_417 : i32
      %add3A_419 = arith.constant 9 : i32
      %add3A_420 = arith.addi %mul3A_418, %add3A_419 : i32
      %get3A_421 = arith.index_cast %add3A_420 : i32 to index
      %get3A_422 = memref.load %arg35[%get3A_421] : memref<512xi32, #tpu.memory_space<smem>>
      %get3A_423 = arith.index_cast %get3A_422 : i32 to index
      %get3A_424 = arith.constant 64 : index
      %get3A_425 = vector.load %arg22[%get3A_423, %get3A_424] : memref<1024x128xf32, #tpu.memory_space<vmem>>, vector<1x64xf32>
      %swap3A_426 = arith.index_cast %add3A_420 : i32 to index
      %swap3A_427 = arith.constant 0 : index
      %swap3A_428 = vector.load %arg24[%swap3A_426, %swap3A_427] : memref<528x64xf32, #tpu.memory_space<vmem>>, vector<1x64xf32>
      tpu.vector_store %arg24[%swap3A_426, %swap3A_427], %get3A_425 {strides = array<i32>} : memref<528x64xf32, #tpu.memory_space<vmem>>, vector<1x64xf32>,
      %mul3A_429 = arith.constant 16 : i32
      %mul3A_430 = arith.muli %scan3A_308, %mul3A_429 : i32
      %add3A_431 = arith.constant 10 : i32
      %add3A_432 = arith.addi %mul3A_430, %add3A_431 : i32
      %get3A_433 = arith.index_cast %add3A_432 : i32 to index
      %get3A_434 = memref.load %arg35[%get3A_433] : memref<512xi32, #tpu.memory_space<smem>>
      %get3A_435 = arith.index_cast %get3A_434 : i32 to index
      %get3A_436 = arith.constant 64 : index
      %get3A_437 = vector.load %arg22[%get3A_435, %get3A_436] : memref<1024x128xf32, #tpu.memory_space<vmem>>, vector<1x64xf32>
      %swap3A_438 = arith.index_cast %add3A_432 : i32 to index
      %swap3A_439 = arith.constant 0 : index
      %swap3A_440 = vector.load %arg24[%swap3A_438, %swap3A_439] : memref<528x64xf32, #tpu.memory_space<vmem>>, vector<1x64xf32>
      tpu.vector_store %arg24[%swap3A_438, %swap3A_439], %get3A_437 {strides = array<i32>} : memref<528x64xf32, #tpu.memory_space<vmem>>, vector<1x64xf32>,
      %mul3A_441 = arith.constant 16 : i32
      %mul3A_442 = arith.muli %scan3A_308, %mul3A_441 : i32
      %add3A_443 = arith.constant 11 : i32
      %add3A_444 = arith.addi %mul3A_442, %add3A_443 : i32
      %get3A_445 = arith.index_cast %add3A_444 : i32 to index
      %get3A_446 = memref.load %arg35[%get3A_445] : memref<512xi32, #tpu.memory_space<smem>>
      %get3A_447 = arith.index_cast %get3A_446 : i32 to index
      %get3A_448 = arith.constant 64 : index
      %get3A_449 = vector.load %arg22[%get3A_447, %get3A_448] : memref<1024x128xf32, #tpu.memory_space<vmem>>, vector<1x64xf32>
      %swap3A_450 = arith.index_cast %add3A_444 : i32 to index
      %swap3A_451 = arith.constant 0 : index
      %swap3A_452 = vector.load %arg24[%swap3A_450, %swap3A_451] : memref<528x64xf32, #tpu.memory_space<vmem>>, vector<1x64xf32>
      tpu.vector_store %arg24[%swap3A_450, %swap3A_451], %get3A_449 {strides = array<i32>} : memref<528x64xf32, #tpu.memory_space<vmem>>, vector<1x64xf32>,
      %mul3A_453 = arith.constant 16 : i32
      %mul3A_454 = arith.muli %scan3A_308, %mul3A_453 : i32
      %add3A_455 = arith.constant 12 : i32
      %add3A_456 = arith.addi %mul3A_454, %add3A_455 : i32
      %get3A_457 = arith.index_cast %add3A_456 : i32 to index
      %get3A_458 = memref.load %arg35[%get3A_457] : memref<512xi32, #tpu.memory_space<smem>>
      %get3A_459 = arith.index_cast %get3A_458 : i32 to index
      %get3A_460 = arith.constant 64 : index
      %get3A_461 = vector.load %arg22[%get3A_459, %get3A_460] : memref<1024x128xf32, #tpu.memory_space<vmem>>, vector<1x64xf32>
      %swap3A_462 = arith.index_cast %add3A_456 : i32 to index
      %swap3A_463 = arith.constant 0 : index
      %swap3A_464 = vector.load %arg24[%swap3A_462, %swap3A_463] : memref<528x64xf32, #tpu.memory_space<vmem>>, vector<1x64xf32>
      tpu.vector_store %arg24[%swap3A_462, %swap3A_463], %get3A_461 {strides = array<i32>} : memref<528x64xf32, #tpu.memory_space<vmem>>, vector<1x64xf32>,
      %mul3A_465 = arith.constant 16 : i32
      %mul3A_466 = arith.muli %scan3A_308, %mul3A_465 : i32
      %add3A_467 = arith.constant 13 : i32
      %add3A_468 = arith.addi %mul3A_466, %add3A_467 : i32
      %get3A_469 = arith.index_cast %add3A_468 : i32 to index
      %get3A_470 = memref.load %arg35[%get3A_469] : memref<512xi32, #tpu.memory_space<smem>>
      %get3A_471 = arith.index_cast %get3A_470 : i32 to index
      %get3A_472 = arith.constant 64 : index
      %get3A_473 = vector.load %arg22[%get3A_471, %get3A_472] : memref<1024x128xf32, #tpu.memory_space<vmem>>, vector<1x64xf32>
      %swap3A_474 = arith.index_cast %add3A_468 : i32 to index
      %swap3A_475 = arith.constant 0 : index
      %swap3A_476 = vector.load %arg24[%swap3A_474, %swap3A_475] : memref<528x64xf32, #tpu.memory_space<vmem>>, vector<1x64xf32>
      tpu.vector_store %arg24[%swap3A_474, %swap3A_475], %get3A_473 {strides = array<i32>} : memref<528x64xf32, #tpu.memory_space<vmem>>, vector<1x64xf32>,
      %mul3A_477 = arith.constant 16 : i32
      %mul3A_478 = arith.muli %scan3A_308, %mul3A_477 : i32
      %add3A_479 = arith.constant 14 : i32
      %add3A_480 = arith.addi %mul3A_478, %add3A_479 : i32
      %get3A_481 = arith.index_cast %add3A_480 : i32 to index
      %get3A_482 = memref.load %arg35[%get3A_481] : memref<512xi32, #tpu.memory_space<smem>>
      %get3A_483 = arith.index_cast %get3A_482 : i32 to index
      %get3A_484 = arith.constant 64 : index
      %get3A_485 = vector.load %arg22[%get3A_483, %get3A_484] : memref<1024x128xf32, #tpu.memory_space<vmem>>, vector<1x64xf32>
      %swap3A_486 = arith.index_cast %add3A_480 : i32 to index
      %swap3A_487 = arith.constant 0 : index
      %swap3A_488 = vector.load %arg24[%swap3A_486, %swap3A_487] : memref<528x64xf32, #tpu.memory_space<vmem>>, vector<1x64xf32>
      tpu.vector_store %arg24[%swap3A_486, %swap3A_487], %get3A_485 {strides = array<i32>} : memref<528x64xf32, #tpu.memory_space<vmem>>, vector<1x64xf32>,
      %mul3A_489 = arith.constant 16 : i32
      %mul3A_490 = arith.muli %scan3A_308, %mul3A_489 : i32
      %add3A_491 = arith.constant 15 : i32
      %add3A_492 = arith.addi %mul3A_490, %add3A_491 : i32
      %get3A_493 = arith.index_cast %add3A_492 : i32 to index
      %get3A_494 = memref.load %arg35[%get3A_493] : memref<512xi32, #tpu.memory_space<smem>>
      %get3A_495 = arith.index_cast %get3A_494 : i32 to index
      %get3A_496 = arith.constant 64 : index
      %get3A_497 = vector.load %arg22[%get3A_495, %get3A_496] : memref<1024x128xf32, #tpu.memory_space<vmem>>, vector<1x64xf32>
      %swap3A_498 = arith.index_cast %add3A_492 : i32 to index
      %swap3A_499 = arith.constant 0 : index
      %swap3A_500 = vector.load %arg24[%swap3A_498, %swap3A_499] : memref<528x64xf32, #tpu.memory_space<vmem>>, vector<1x64xf32>
      tpu.vector_store %arg24[%swap3A_498, %swap3A_499], %get3A_497 {strides = array<i32>} : memref<528x64xf32, #tpu.memory_space<vmem>>, vector<1x64xf32>,
    }
    %scan3A_169 = arith.constant 32 : i32
    %get3A_170 = arith.constant 0 : index
    %get3A_171 = arith.constant 0 : index
    %get3A_172 = vector.load %arg23[%get3A_170, %get3A_171] : memref<1072x64xf32, #tpu.memory_space<vmem>>, vector<1072x64xf32>
    %get3A_173 = arith.constant 0 : index
    %get3A_174 = arith.constant 0 : index
    %get3A_175 = vector.load %arg5[%get3A_173, %get3A_174] : memref<64x128xf32, #tpu.memory_space<vmem>>, vector<64x128xf32>
    %dot_general3A_176 = arith.constant dense<0.000000e+00> : vector<1072x128xf32>
    %dot_general3A_177 = tpu.matmul %get3A_172, %get3A_175, %dot_general3A_176 {dimension_numbers = #tpu.dot_dimension_numbers<[1], [0], [0], [1], [0, 0, 1, 1], [], []>, transpose_lhs_hint = false} : vector<1072x64xf32>, vector<64x128xf32>, vector<1072x128xf32> -> vector<1072x128xf32>
    %get3A_178 = arith.constant 0 : index
    %get3A_179 = arith.constant 0 : index
    %get3A_180 = vector.load %arg7[%get3A_178, %get3A_179] : memref<1x128xf32, #tpu.memory_space<vmem>>, vector<1x128xf32>
    %add3A_181 = vector.broadcast %get3A_180 : vector<1x128xf32> to vector<1072x128xf32>
    %add3A_182 = arith.addf %dot_general3A_177, %add3A_181 : vector<1072x128xf32>
    %swap3A_183 = arith.constant 0 : index
    %swap3A_184 = arith.constant 0 : index
    %swap3A_185 = vector.load %arg25[%swap3A_183, %swap3A_184] : memref<1072x128xf32, #tpu.memory_space<vmem>>, vector<1072x128xf32>
    tpu.vector_store %arg25[%swap3A_183, %swap3A_184], %add3A_182 {strides = array<i32>} : memref<1072x128xf32, #tpu.memory_space<vmem>>, vector<1072x128xf32>,
    %get3A_186 = arith.constant 0 : index
    %get3A_187 = arith.constant 0 : index
    %get3A_188 = vector.load %arg23[%get3A_186, %get3A_187] : memref<1072x64xf32, #tpu.memory_space<vmem>>, vector<1072x64xf32>
    %get3A_189 = arith.constant 0 : index
    %get3A_190 = arith.constant 0 : index
    %get3A_191 = vector.load %arg6[%get3A_189, %get3A_190] : memref<64x64xf32, #tpu.memory_space<vmem>>, vector<64x64xf32>
    %dot_general3A_192 = arith.constant dense<0.000000e+00> : vector<1072x64xf32>
    %dot_general3A_193 = tpu.matmul %get3A_188, %get3A_191, %dot_general3A_192 {dimension_numbers = #tpu.dot_dimension_numbers<[1], [0], [0], [1], [0, 0, 1, 1], [], []>, transpose_lhs_hint = false} : vector<1072x64xf32>, vector<64x64xf32>, vector<1072x64xf32> -> vector<1072x64xf32>
    %get3A_194 = arith.constant 0 : index
    %get3A_195 = arith.constant 0 : index
    %get3A_196 = vector.load %arg8[%get3A_194, %get3A_195] : memref<1x64xf32, #tpu.memory_space<vmem>>, vector<1x64xf32>
    %add3A_197 = vector.broadcast %get3A_196 : vector<1x64xf32> to vector<1072x64xf32>
    %add3A_198 = arith.addf %dot_general3A_193, %add3A_197 : vector<1072x64xf32>
    %swap3A_199 = arith.constant 0 : index
    %swap3A_200 = arith.constant 0 : index
    %swap3A_201 = vector.load %arg26[%swap3A_199, %swap3A_200] : memref<1072x64xf32, #tpu.memory_space<vmem>>, vector<1072x64xf32>
    tpu.vector_store %arg26[%swap3A_199, %swap3A_200], %add3A_198 {strides = array<i32>} : memref<1072x64xf32, #tpu.memory_space<vmem>>, vector<1072x64xf32>,
    %get3A_202 = arith.constant 0 : index
    %get3A_203 = arith.constant 0 : index
    %get3A_204 = vector.load %arg24[%get3A_202, %get3A_203] : memref<528x64xf32, #tpu.memory_space<vmem>>, vector<528x64xf32>
    %get3A_205 = arith.constant 0 : index
    %get3A_206 = arith.constant 0 : index
    %get3A_207 = vector.load %arg9[%get3A_205, %get3A_206] : memref<64x128xf32, #tpu.memory_space<vmem>>, vector<64x128xf32>
    %dot_general3A_208 = arith.constant dense<0.000000e+00> : vector<528x128xf32>
    %dot_general3A_209 = tpu.matmul %get3A_204, %get3A_207, %dot_general3A_208 {dimension_numbers = #tpu.dot_dimension_numbers<[1], [0], [0], [1], [0, 0, 1, 1], [], []>, transpose_lhs_hint = false} : vector<528x64xf32>, vector<64x128xf32>, vector<528x128xf32> -> vector<528x128xf32>
    %get3A_210 = arith.constant 0 : index
    %get3A_211 = arith.constant 0 : index
    %get3A_212 = vector.load %arg11[%get3A_210, %get3A_211] : memref<1x128xf32, #tpu.memory_space<vmem>>, vector<1x128xf32>
    %add3A_213 = vector.broadcast %get3A_212 : vector<1x128xf32> to vector<528x128xf32>
    %add3A_214 = arith.addf %dot_general3A_209, %add3A_213 : vector<528x128xf32>
    %swap3A_215 = arith.constant 0 : index
    %swap3A_216 = arith.constant 0 : index
    %swap3A_217 = vector.load %arg27[%swap3A_215, %swap3A_216] : memref<528x128xf32, #tpu.memory_space<vmem>>, vector<528x128xf32>
    tpu.vector_store %arg27[%swap3A_215, %swap3A_216], %add3A_214 {strides = array<i32>} : memref<528x128xf32, #tpu.memory_space<vmem>>, vector<528x128xf32>,
    %get3A_218 = arith.constant 0 : index
    %get3A_219 = arith.constant 0 : index
    %get3A_220 = vector.load %arg24[%get3A_218, %get3A_219] : memref<528x64xf32, #tpu.memory_space<vmem>>, vector<528x64xf32>
    %get3A_221 = arith.constant 0 : index
    %get3A_222 = arith.constant 0 : index
    %get3A_223 = vector.load %arg10[%get3A_221, %get3A_222] : memref<64x64xf32, #tpu.memory_space<vmem>>, vector<64x64xf32>
    %dot_general3A_224 = arith.constant dense<0.000000e+00> : vector<528x64xf32>
    %dot_general3A_225 = tpu.matmul %get3A_220, %get3A_223, %dot_general3A_224 {dimension_numbers = #tpu.dot_dimension_numbers<[1], [0], [0], [1], [0, 0, 1, 1], [], []>, transpose_lhs_hint = false} : vector<528x64xf32>, vector<64x64xf32>, vector<528x64xf32> -> vector<528x64xf32>
    %get3A_226 = arith.constant 0 : index
    %get3A_227 = arith.constant 0 : index
    %get3A_228 = vector.load %arg12[%get3A_226, %get3A_227] : memref<1x64xf32, #tpu.memory_space<vmem>>, vector<1x64xf32>
    %add3A_229 = vector.broadcast %get3A_228 : vector<1x64xf32> to vector<528x64xf32>
    %add3A_230 = arith.addf %dot_general3A_225, %add3A_229 : vector<528x64xf32>
    %swap3A_231 = arith.constant 0 : index
    %swap3A_232 = arith.constant 0 : index
    %swap3A_233 = vector.load %arg28[%swap3A_231, %swap3A_232] : memref<528x64xf32, #tpu.memory_space<vmem>>, vector<528x64xf32>
    tpu.vector_store %arg28[%swap3A_231, %swap3A_232], %add3A_230 {strides = array<i32>} : memref<528x64xf32, #tpu.memory_space<vmem>>, vector<528x64xf32>,
    %broadcast_in_dim3A_234 = arith.constant 0.000000e+00 : f32
    %broadcast_in_dim3A_235 = vector.broadcast %broadcast_in_dim3A_234 : f32 to vector<32x128xf32>
    %broadcast_in_dim3A_236 = arith.constant 0.000000e+00 : f32
    %broadcast_in_dim3A_237 = vector.broadcast %broadcast_in_dim3A_236 : f32 to vector<32x64xf32>
    %add3A_238 = arith.constant 1 : i32
    %add3A_239 = arith.addi %max3A, %add3A_238 : i32
    %while3A_240 = arith.constant 0 : i32
    %while3A_241 = arith.constant 1 : i32
    %while3A_242 = arith.subi %add3A_239, %while3A_241 : i32
    %while3A_243 = arith.addi %while3A_241, %while3A_242 : i32
    %while3A_244 = arith.constant 1 : i32
    %while3A_245 = arith.divsi %while3A_242, %while3A_244 : i32
    %while3A_246 = arith.muli %while3A_245, %while3A_244 : i32
    %while3A_247 = arith.addi %while3A_241, %while3A_246 : i32
    %while3A_248 = arith.constant 1 : i32
    scf.for %while3A_308 = %while3A_241 to %while3A_247 step %while3A_248  : i32 {
      %sub3A_309 = arith.constant 1 : i32
      %sub3A_310 = arith.subi %while3A_308, %sub3A_309 : i32
      %get3A_311 = arith.index_cast %sub3A_310 : i32 to index
      %get3A_312 = memref.load %arg31[%get3A_311] : memref<1026xi32, #tpu.memory_space<smem>>
      %get3A_313 = arith.index_cast %while3A_308 : i32 to index
      %get3A_314 = memref.load %arg31[%get3A_313] : memref<1026xi32, #tpu.memory_space<smem>>
      %sub3A_315 = arith.constant 1 : i32
      %sub3A_316 = arith.subi %while3A_308, %sub3A_315 : i32
      %get3A_317 = arith.index_cast %sub3A_316 : i32 to index
      %get3A_318 = memref.load %arg34[%get3A_317] : memref<514xi32, #tpu.memory_space<smem>>
      %get3A_319 = arith.index_cast %while3A_308 : i32 to index
      %get3A_320 = memref.load %arg34[%get3A_319] : memref<514xi32, #tpu.memory_space<smem>>
      %while3A_321:2 = scf.while (%while3A_322 = %get3A_312, %while3A_323 = %get3A_318) : (i32, i32) -> (i32, i32) {
        %lt3A = arith.cmpi slt, %while3A_322, %get3A_314 : i32
        %lt3A_324 = arith.cmpi slt, %while3A_323, %get3A_320 : i32
        %or3A = arith.ori %lt3A, %lt3A_324 : i1
        scf.condition(%or3A) %while3A_322, %while3A_323 : i32, i32
      } do {
      ^bb0(%while3A_322: i32, %while3A_323: i32):
        %add3A_324 = arith.constant 0 : i32
        %add3A_325 = arith.addi %while3A_322, %add3A_324 : i32
        %sub3A_326 = arith.constant 1 : i32
        %sub3A_327 = arith.subi %get3A_314, %sub3A_326 : i32
        %min3A = arith.minsi %add3A_325, %sub3A_327 : i32
        %get3A_328 = arith.index_cast %min3A : i32 to index
        %get3A_329 = memref.load %arg32[%get3A_328] : memref<1024xi32, #tpu.memory_space<smem>>
        %lt3A = arith.cmpi slt, %add3A_325, %get3A_314 : i32
        %jit3A_330 = arith.constant 1025 : i32
        %select_n3A_331 = arith.select %lt3A, %get3A_329, %jit3A_330 : i32
        %sub3A_332 = arith.constant 1 : i32
        %sub3A_333 = arith.subi %get3A_329, %sub3A_332 : i32
        %get3A_334 = arith.index_cast %sub3A_333 : i32 to index
        %get3A_335 = memref.load %arg3[%get3A_334] : memref<1024xi32, #tpu.memory_space<smem>>
        %get3A_336 = arith.index_cast %get3A_335 : i32 to index
        %get3A_337 = arith.constant 0 : index
        %get3A_338 = vector.load %arg20[%get3A_336, %get3A_337] : memref<1026x64xf32, #tpu.memory_space<vmem>>, vector<1x64xf32>
        %swap3A_339 = arith.constant 0 : index
        %swap3A_340 = arith.constant 0 : index
        %swap3A_341 = vector.load %arg29[%swap3A_339, %swap3A_340] : memref<48x128xf32, #tpu.memory_space<vmem>>, vector<1x64xf32>
        tpu.vector_store %arg29[%swap3A_339, %swap3A_340], %get3A_338 {strides = array<i32>} : memref<48x128xf32, #tpu.memory_space<vmem>>, vector<1x64xf32>,
        %add3A_342 = arith.constant 1 : i32
        %add3A_343 = arith.addi %while3A_322, %add3A_342 : i32
        %sub3A_344 = arith.constant 1 : i32
        %sub3A_345 = arith.subi %get3A_314, %sub3A_344 : i32
        %min3A_346 = arith.minsi %add3A_343, %sub3A_345 : i32
        %get3A_347 = arith.index_cast %min3A_346 : i32 to index
        %get3A_348 = memref.load %arg32[%get3A_347] : memref<1024xi32, #tpu.memory_space<smem>>
        %lt3A_349 = arith.cmpi slt, %add3A_343, %get3A_314 : i32
        %jit3A_350 = arith.constant 1025 : i32
        %select_n3A_351 = arith.select %lt3A_349, %get3A_348, %jit3A_350 : i32
        %sub3A_352 = arith.constant 1 : i32
        %sub3A_353 = arith.subi %get3A_348, %sub3A_352 : i32
        %get3A_354 = arith.index_cast %sub3A_353 : i32 to index
        %get3A_355 = memref.load %arg3[%get3A_354] : memref<1024xi32, #tpu.memory_space<smem>>
        %get3A_356 = arith.index_cast %get3A_355 : i32 to index
        %get3A_357 = arith.constant 0 : index
        %get3A_358 = vector.load %arg20[%get3A_356, %get3A_357] : memref<1026x64xf32, #tpu.memory_space<vmem>>, vector<1x64xf32>
        %swap3A_359 = arith.constant 1 : index
        %swap3A_360 = arith.constant 0 : index
        %swap3A_361 = vector.load %arg29[%swap3A_359, %swap3A_360] : memref<48x128xf32, #tpu.memory_space<vmem>>, vector<1x64xf32>
        tpu.vector_store %arg29[%swap3A_359, %swap3A_360], %get3A_358 {strides = array<i32>} : memref<48x128xf32, #tpu.memory_space<vmem>>, vector<1x64xf32>,
        %add3A_362 = arith.constant 2 : i32
        %add3A_363 = arith.addi %while3A_322, %add3A_362 : i32
        %sub3A_364 = arith.constant 1 : i32
        %sub3A_365 = arith.subi %get3A_314, %sub3A_364 : i32
        %min3A_366 = arith.minsi %add3A_363, %sub3A_365 : i32
        %get3A_367 = arith.index_cast %min3A_366 : i32 to index
        %get3A_368 = memref.load %arg32[%get3A_367] : memref<1024xi32, #tpu.memory_space<smem>>
        %lt3A_369 = arith.cmpi slt, %add3A_363, %get3A_314 : i32
        %jit3A_370 = arith.constant 1025 : i32
        %select_n3A_371 = arith.select %lt3A_369, %get3A_368, %jit3A_370 : i32
        %sub3A_372 = arith.constant 1 : i32
        %sub3A_373 = arith.subi %get3A_368, %sub3A_372 : i32
        %get3A_374 = arith.index_cast %sub3A_373 : i32 to index
        %get3A_375 = memref.load %arg3[%get3A_374] : memref<1024xi32, #tpu.memory_space<smem>>
        %get3A_376 = arith.index_cast %get3A_375 : i32 to index
        %get3A_377 = arith.constant 0 : index
        %get3A_378 = vector.load %arg20[%get3A_376, %get3A_377] : memref<1026x64xf32, #tpu.memory_space<vmem>>, vector<1x64xf32>
        %swap3A_379 = arith.constant 2 : index
        %swap3A_380 = arith.constant 0 : index
        %swap3A_381 = vector.load %arg29[%swap3A_379, %swap3A_380] : memref<48x128xf32, #tpu.memory_space<vmem>>, vector<1x64xf32>
        tpu.vector_store %arg29[%swap3A_379, %swap3A_380], %get3A_378 {strides = array<i32>} : memref<48x128xf32, #tpu.memory_space<vmem>>, vector<1x64xf32>,
        %add3A_382 = arith.constant 3 : i32
        %add3A_383 = arith.addi %while3A_322, %add3A_382 : i32
        %sub3A_384 = arith.constant 1 : i32
        %sub3A_385 = arith.subi %get3A_314, %sub3A_384 : i32
        %min3A_386 = arith.minsi %add3A_383, %sub3A_385 : i32
        %get3A_387 = arith.index_cast %min3A_386 : i32 to index
        %get3A_388 = memref.load %arg32[%get3A_387] : memref<1024xi32, #tpu.memory_space<smem>>
        %lt3A_389 = arith.cmpi slt, %add3A_383, %get3A_314 : i32
        %jit3A_390 = arith.constant 1025 : i32
        %select_n3A_391 = arith.select %lt3A_389, %get3A_388, %jit3A_390 : i32
        %sub3A_392 = arith.constant 1 : i32
        %sub3A_393 = arith.subi %get3A_388, %sub3A_392 : i32
        %get3A_394 = arith.index_cast %sub3A_393 : i32 to index
        %get3A_395 = memref.load %arg3[%get3A_394] : memref<1024xi32, #tpu.memory_space<smem>>
        %get3A_396 = arith.index_cast %get3A_395 : i32 to index
        %get3A_397 = arith.constant 0 : index
        %get3A_398 = vector.load %arg20[%get3A_396, %get3A_397] : memref<1026x64xf32, #tpu.memory_space<vmem>>, vector<1x64xf32>
        %swap3A_399 = arith.constant 3 : index
        %swap3A_400 = arith.constant 0 : index
        %swap3A_401 = vector.load %arg29[%swap3A_399, %swap3A_400] : memref<48x128xf32, #tpu.memory_space<vmem>>, vector<1x64xf32>
        tpu.vector_store %arg29[%swap3A_399, %swap3A_400], %get3A_398 {strides = array<i32>} : memref<48x128xf32, #tpu.memory_space<vmem>>, vector<1x64xf32>,
        %add3A_402 = arith.constant 4 : i32
        %add3A_403 = arith.addi %while3A_322, %add3A_402 : i32
        %sub3A_404 = arith.constant 1 : i32
        %sub3A_405 = arith.subi %get3A_314, %sub3A_404 : i32
        %min3A_406 = arith.minsi %add3A_403, %sub3A_405 : i32
        %get3A_407 = arith.index_cast %min3A_406 : i32 to index
        %get3A_408 = memref.load %arg32[%get3A_407] : memref<1024xi32, #tpu.memory_space<smem>>
        %lt3A_409 = arith.cmpi slt, %add3A_403, %get3A_314 : i32
        %jit3A_410 = arith.constant 1025 : i32
        %select_n3A_411 = arith.select %lt3A_409, %get3A_408, %jit3A_410 : i32
        %sub3A_412 = arith.constant 1 : i32
        %sub3A_413 = arith.subi %get3A_408, %sub3A_412 : i32
        %get3A_414 = arith.index_cast %sub3A_413 : i32 to index
        %get3A_415 = memref.load %arg3[%get3A_414] : memref<1024xi32, #tpu.memory_space<smem>>
        %get3A_416 = arith.index_cast %get3A_415 : i32 to index
        %get3A_417 = arith.constant 0 : index
        %get3A_418 = vector.load %arg20[%get3A_416, %get3A_417] : memref<1026x64xf32, #tpu.memory_space<vmem>>, vector<1x64xf32>
        %swap3A_419 = arith.constant 4 : index
        %swap3A_420 = arith.constant 0 : index
        %swap3A_421 = vector.load %arg29[%swap3A_419, %swap3A_420] : memref<48x128xf32, #tpu.memory_space<vmem>>, vector<1x64xf32>
        tpu.vector_store %arg29[%swap3A_419, %swap3A_420], %get3A_418 {strides = array<i32>} : memref<48x128xf32, #tpu.memory_space<vmem>>, vector<1x64xf32>,
        %add3A_422 = arith.constant 5 : i32
        %add3A_423 = arith.addi %while3A_322, %add3A_422 : i32
        %sub3A_424 = arith.constant 1 : i32
        %sub3A_425 = arith.subi %get3A_314, %sub3A_424 : i32
        %min3A_426 = arith.minsi %add3A_423, %sub3A_425 : i32
        %get3A_427 = arith.index_cast %min3A_426 : i32 to index
        %get3A_428 = memref.load %arg32[%get3A_427] : memref<1024xi32, #tpu.memory_space<smem>>
        %lt3A_429 = arith.cmpi slt, %add3A_423, %get3A_314 : i32
        %jit3A_430 = arith.constant 1025 : i32
        %select_n3A_431 = arith.select %lt3A_429, %get3A_428, %jit3A_430 : i32
        %sub3A_432 = arith.constant 1 : i32
        %sub3A_433 = arith.subi %get3A_428, %sub3A_432 : i32
        %get3A_434 = arith.index_cast %sub3A_433 : i32 to index
        %get3A_435 = memref.load %arg3[%get3A_434] : memref<1024xi32, #tpu.memory_space<smem>>
        %get3A_436 = arith.index_cast %get3A_435 : i32 to index
        %get3A_437 = arith.constant 0 : index
        %get3A_438 = vector.load %arg20[%get3A_436, %get3A_437] : memref<1026x64xf32, #tpu.memory_space<vmem>>, vector<1x64xf32>
        %swap3A_439 = arith.constant 5 : index
        %swap3A_440 = arith.constant 0 : index
        %swap3A_441 = vector.load %arg29[%swap3A_439, %swap3A_440] : memref<48x128xf32, #tpu.memory_space<vmem>>, vector<1x64xf32>
        tpu.vector_store %arg29[%swap3A_439, %swap3A_440], %get3A_438 {strides = array<i32>} : memref<48x128xf32, #tpu.memory_space<vmem>>, vector<1x64xf32>,
        %add3A_442 = arith.constant 6 : i32
        %add3A_443 = arith.addi %while3A_322, %add3A_442 : i32
        %sub3A_444 = arith.constant 1 : i32
        %sub3A_445 = arith.subi %get3A_314, %sub3A_444 : i32
        %min3A_446 = arith.minsi %add3A_443, %sub3A_445 : i32
        %get3A_447 = arith.index_cast %min3A_446 : i32 to index
        %get3A_448 = memref.load %arg32[%get3A_447] : memref<1024xi32, #tpu.memory_space<smem>>
        %lt3A_449 = arith.cmpi slt, %add3A_443, %get3A_314 : i32
        %jit3A_450 = arith.constant 1025 : i32
        %select_n3A_451 = arith.select %lt3A_449, %get3A_448, %jit3A_450 : i32
        %sub3A_452 = arith.constant 1 : i32
        %sub3A_453 = arith.subi %get3A_448, %sub3A_452 : i32
        %get3A_454 = arith.index_cast %sub3A_453 : i32 to index
        %get3A_455 = memref.load %arg3[%get3A_454] : memref<1024xi32, #tpu.memory_space<smem>>
        %get3A_456 = arith.index_cast %get3A_455 : i32 to index
        %get3A_457 = arith.constant 0 : index
        %get3A_458 = vector.load %arg20[%get3A_456, %get3A_457] : memref<1026x64xf32, #tpu.memory_space<vmem>>, vector<1x64xf32>
        %swap3A_459 = arith.constant 6 : index
        %swap3A_460 = arith.constant 0 : index
        %swap3A_461 = vector.load %arg29[%swap3A_459, %swap3A_460] : memref<48x128xf32, #tpu.memory_space<vmem>>, vector<1x64xf32>
        tpu.vector_store %arg29[%swap3A_459, %swap3A_460], %get3A_458 {strides = array<i32>} : memref<48x128xf32, #tpu.memory_space<vmem>>, vector<1x64xf32>,
        %add3A_462 = arith.constant 7 : i32
        %add3A_463 = arith.addi %while3A_322, %add3A_462 : i32
        %sub3A_464 = arith.constant 1 : i32
        %sub3A_465 = arith.subi %get3A_314, %sub3A_464 : i32
        %min3A_466 = arith.minsi %add3A_463, %sub3A_465 : i32
        %get3A_467 = arith.index_cast %min3A_466 : i32 to index
        %get3A_468 = memref.load %arg32[%get3A_467] : memref<1024xi32, #tpu.memory_space<smem>>
        %lt3A_469 = arith.cmpi slt, %add3A_463, %get3A_314 : i32
        %jit3A_470 = arith.constant 1025 : i32
        %select_n3A_471 = arith.select %lt3A_469, %get3A_468, %jit3A_470 : i32
        %sub3A_472 = arith.constant 1 : i32
        %sub3A_473 = arith.subi %get3A_468, %sub3A_472 : i32
        %get3A_474 = arith.index_cast %sub3A_473 : i32 to index
        %get3A_475 = memref.load %arg3[%get3A_474] : memref<1024xi32, #tpu.memory_space<smem>>
        %get3A_476 = arith.index_cast %get3A_475 : i32 to index
        %get3A_477 = arith.constant 0 : index
        %get3A_478 = vector.load %arg20[%get3A_476, %get3A_477] : memref<1026x64xf32, #tpu.memory_space<vmem>>, vector<1x64xf32>
        %swap3A_479 = arith.constant 7 : index
        %swap3A_480 = arith.constant 0 : index
        %swap3A_481 = vector.load %arg29[%swap3A_479, %swap3A_480] : memref<48x128xf32, #tpu.memory_space<vmem>>, vector<1x64xf32>
        tpu.vector_store %arg29[%swap3A_479, %swap3A_480], %get3A_478 {strides = array<i32>} : memref<48x128xf32, #tpu.memory_space<vmem>>, vector<1x64xf32>,
        %add3A_482 = arith.constant 8 : i32
        %add3A_483 = arith.addi %while3A_322, %add3A_482 : i32
        %sub3A_484 = arith.constant 1 : i32
        %sub3A_485 = arith.subi %get3A_314, %sub3A_484 : i32
        %min3A_486 = arith.minsi %add3A_483, %sub3A_485 : i32
        %get3A_487 = arith.index_cast %min3A_486 : i32 to index
        %get3A_488 = memref.load %arg32[%get3A_487] : memref<1024xi32, #tpu.memory_space<smem>>
        %lt3A_489 = arith.cmpi slt, %add3A_483, %get3A_314 : i32
        %jit3A_490 = arith.constant 1025 : i32
        %select_n3A_491 = arith.select %lt3A_489, %get3A_488, %jit3A_490 : i32
        %sub3A_492 = arith.constant 1 : i32
        %sub3A_493 = arith.subi %get3A_488, %sub3A_492 : i32
        %get3A_494 = arith.index_cast %sub3A_493 : i32 to index
        %get3A_495 = memref.load %arg3[%get3A_494] : memref<1024xi32, #tpu.memory_space<smem>>
        %get3A_496 = arith.index_cast %get3A_495 : i32 to index
        %get3A_497 = arith.constant 0 : index
        %get3A_498 = vector.load %arg20[%get3A_496, %get3A_497] : memref<1026x64xf32, #tpu.memory_space<vmem>>, vector<1x64xf32>
        %swap3A_499 = arith.constant 8 : index
        %swap3A_500 = arith.constant 0 : index
        %swap3A_501 = vector.load %arg29[%swap3A_499, %swap3A_500] : memref<48x128xf32, #tpu.memory_space<vmem>>, vector<1x64xf32>
        tpu.vector_store %arg29[%swap3A_499, %swap3A_500], %get3A_498 {strides = array<i32>} : memref<48x128xf32, #tpu.memory_space<vmem>>, vector<1x64xf32>,
        %add3A_502 = arith.constant 9 : i32
        %add3A_503 = arith.addi %while3A_322, %add3A_502 : i32
        %sub3A_504 = arith.constant 1 : i32
        %sub3A_505 = arith.subi %get3A_314, %sub3A_504 : i32
        %min3A_506 = arith.minsi %add3A_503, %sub3A_505 : i32
        %get3A_507 = arith.index_cast %min3A_506 : i32 to index
        %get3A_508 = memref.load %arg32[%get3A_507] : memref<1024xi32, #tpu.memory_space<smem>>
        %lt3A_509 = arith.cmpi slt, %add3A_503, %get3A_314 : i32
        %jit3A_510 = arith.constant 1025 : i32
        %select_n3A_511 = arith.select %lt3A_509, %get3A_508, %jit3A_510 : i32
        %sub3A_512 = arith.constant 1 : i32
        %sub3A_513 = arith.subi %get3A_508, %sub3A_512 : i32
        %get3A_514 = arith.index_cast %sub3A_513 : i32 to index
        %get3A_515 = memref.load %arg3[%get3A_514] : memref<1024xi32, #tpu.memory_space<smem>>
        %get3A_516 = arith.index_cast %get3A_515 : i32 to index
        %get3A_517 = arith.constant 0 : index
        %get3A_518 = vector.load %arg20[%get3A_516, %get3A_517] : memref<1026x64xf32, #tpu.memory_space<vmem>>, vector<1x64xf32>
        %swap3A_519 = arith.constant 9 : index
        %swap3A_520 = arith.constant 0 : index
        %swap3A_521 = vector.load %arg29[%swap3A_519, %swap3A_520] : memref<48x128xf32, #tpu.memory_space<vmem>>, vector<1x64xf32>
        tpu.vector_store %arg29[%swap3A_519, %swap3A_520], %get3A_518 {strides = array<i32>} : memref<48x128xf32, #tpu.memory_space<vmem>>, vector<1x64xf32>,
        %add3A_522 = arith.constant 10 : i32
        %add3A_523 = arith.addi %while3A_322, %add3A_522 : i32
        %sub3A_524 = arith.constant 1 : i32
        %sub3A_525 = arith.subi %get3A_314, %sub3A_524 : i32
        %min3A_526 = arith.minsi %add3A_523, %sub3A_525 : i32
        %get3A_527 = arith.index_cast %min3A_526 : i32 to index
        %get3A_528 = memref.load %arg32[%get3A_527] : memref<1024xi32, #tpu.memory_space<smem>>
        %lt3A_529 = arith.cmpi slt, %add3A_523, %get3A_314 : i32
        %jit3A_530 = arith.constant 1025 : i32
        %select_n3A_531 = arith.select %lt3A_529, %get3A_528, %jit3A_530 : i32
        %sub3A_532 = arith.constant 1 : i32
        %sub3A_533 = arith.subi %get3A_528, %sub3A_532 : i32
        %get3A_534 = arith.index_cast %sub3A_533 : i32 to index
        %get3A_535 = memref.load %arg3[%get3A_534] : memref<1024xi32, #tpu.memory_space<smem>>
        %get3A_536 = arith.index_cast %get3A_535 : i32 to index
        %get3A_537 = arith.constant 0 : index
        %get3A_538 = vector.load %arg20[%get3A_536, %get3A_537] : memref<1026x64xf32, #tpu.memory_space<vmem>>, vector<1x64xf32>
        %swap3A_539 = arith.constant 10 : index
        %swap3A_540 = arith.constant 0 : index
        %swap3A_541 = vector.load %arg29[%swap3A_539, %swap3A_540] : memref<48x128xf32, #tpu.memory_space<vmem>>, vector<1x64xf32>
        tpu.vector_store %arg29[%swap3A_539, %swap3A_540], %get3A_538 {strides = array<i32>} : memref<48x128xf32, #tpu.memory_space<vmem>>, vector<1x64xf32>,
        %add3A_542 = arith.constant 11 : i32
        %add3A_543 = arith.addi %while3A_322, %add3A_542 : i32
        %sub3A_544 = arith.constant 1 : i32
        %sub3A_545 = arith.subi %get3A_314, %sub3A_544 : i32
        %min3A_546 = arith.minsi %add3A_543, %sub3A_545 : i32
        %get3A_547 = arith.index_cast %min3A_546 : i32 to index
        %get3A_548 = memref.load %arg32[%get3A_547] : memref<1024xi32, #tpu.memory_space<smem>>
        %lt3A_549 = arith.cmpi slt, %add3A_543, %get3A_314 : i32
        %jit3A_550 = arith.constant 1025 : i32
        %select_n3A_551 = arith.select %lt3A_549, %get3A_548, %jit3A_550 : i32
        %sub3A_552 = arith.constant 1 : i32
        %sub3A_553 = arith.subi %get3A_548, %sub3A_552 : i32
        %get3A_554 = arith.index_cast %sub3A_553 : i32 to index
        %get3A_555 = memref.load %arg3[%get3A_554] : memref<1024xi32, #tpu.memory_space<smem>>
        %get3A_556 = arith.index_cast %get3A_555 : i32 to index
        %get3A_557 = arith.constant 0 : index
        %get3A_558 = vector.load %arg20[%get3A_556, %get3A_557] : memref<1026x64xf32, #tpu.memory_space<vmem>>, vector<1x64xf32>
        %swap3A_559 = arith.constant 11 : index
        %swap3A_560 = arith.constant 0 : index
        %swap3A_561 = vector.load %arg29[%swap3A_559, %swap3A_560] : memref<48x128xf32, #tpu.memory_space<vmem>>, vector<1x64xf32>
        tpu.vector_store %arg29[%swap3A_559, %swap3A_560], %get3A_558 {strides = array<i32>} : memref<48x128xf32, #tpu.memory_space<vmem>>, vector<1x64xf32>,
        %add3A_562 = arith.constant 12 : i32
        %add3A_563 = arith.addi %while3A_322, %add3A_562 : i32
        %sub3A_564 = arith.constant 1 : i32
        %sub3A_565 = arith.subi %get3A_314, %sub3A_564 : i32
        %min3A_566 = arith.minsi %add3A_563, %sub3A_565 : i32
        %get3A_567 = arith.index_cast %min3A_566 : i32 to index
        %get3A_568 = memref.load %arg32[%get3A_567] : memref<1024xi32, #tpu.memory_space<smem>>
        %lt3A_569 = arith.cmpi slt, %add3A_563, %get3A_314 : i32
        %jit3A_570 = arith.constant 1025 : i32
        %select_n3A_571 = arith.select %lt3A_569, %get3A_568, %jit3A_570 : i32
        %sub3A_572 = arith.constant 1 : i32
        %sub3A_573 = arith.subi %get3A_568, %sub3A_572 : i32
        %get3A_574 = arith.index_cast %sub3A_573 : i32 to index
        %get3A_575 = memref.load %arg3[%get3A_574] : memref<1024xi32, #tpu.memory_space<smem>>
        %get3A_576 = arith.index_cast %get3A_575 : i32 to index
        %get3A_577 = arith.constant 0 : index
        %get3A_578 = vector.load %arg20[%get3A_576, %get3A_577] : memref<1026x64xf32, #tpu.memory_space<vmem>>, vector<1x64xf32>
        %swap3A_579 = arith.constant 12 : index
        %swap3A_580 = arith.constant 0 : index
        %swap3A_581 = vector.load %arg29[%swap3A_579, %swap3A_580] : memref<48x128xf32, #tpu.memory_space<vmem>>, vector<1x64xf32>
        tpu.vector_store %arg29[%swap3A_579, %swap3A_580], %get3A_578 {strides = array<i32>} : memref<48x128xf32, #tpu.memory_space<vmem>>, vector<1x64xf32>,
        %add3A_582 = arith.constant 13 : i32
        %add3A_583 = arith.addi %while3A_322, %add3A_582 : i32
        %sub3A_584 = arith.constant 1 : i32
        %sub3A_585 = arith.subi %get3A_314, %sub3A_584 : i32
        %min3A_586 = arith.minsi %add3A_583, %sub3A_585 : i32
        %get3A_587 = arith.index_cast %min3A_586 : i32 to index
        %get3A_588 = memref.load %arg32[%get3A_587] : memref<1024xi32, #tpu.memory_space<smem>>
        %lt3A_589 = arith.cmpi slt, %add3A_583, %get3A_314 : i32
        %jit3A_590 = arith.constant 1025 : i32
        %select_n3A_591 = arith.select %lt3A_589, %get3A_588, %jit3A_590 : i32
        %sub3A_592 = arith.constant 1 : i32
        %sub3A_593 = arith.subi %get3A_588, %sub3A_592 : i32
        %get3A_594 = arith.index_cast %sub3A_593 : i32 to index
        %get3A_595 = memref.load %arg3[%get3A_594] : memref<1024xi32, #tpu.memory_space<smem>>
        %get3A_596 = arith.index_cast %get3A_595 : i32 to index
        %get3A_597 = arith.constant 0 : index
        %get3A_598 = vector.load %arg20[%get3A_596, %get3A_597] : memref<1026x64xf32, #tpu.memory_space<vmem>>, vector<1x64xf32>
        %swap3A_599 = arith.constant 13 : index
        %swap3A_600 = arith.constant 0 : index
        %swap3A_601 = vector.load %arg29[%swap3A_599, %swap3A_600] : memref<48x128xf32, #tpu.memory_space<vmem>>, vector<1x64xf32>
        tpu.vector_store %arg29[%swap3A_599, %swap3A_600], %get3A_598 {strides = array<i32>} : memref<48x128xf32, #tpu.memory_space<vmem>>, vector<1x64xf32>,
        %add3A_602 = arith.constant 14 : i32
        %add3A_603 = arith.addi %while3A_322, %add3A_602 : i32
        %sub3A_604 = arith.constant 1 : i32
        %sub3A_605 = arith.subi %get3A_314, %sub3A_604 : i32
        %min3A_606 = arith.minsi %add3A_603, %sub3A_605 : i32
        %get3A_607 = arith.index_cast %min3A_606 : i32 to index
        %get3A_608 = memref.load %arg32[%get3A_607] : memref<1024xi32, #tpu.memory_space<smem>>
        %lt3A_609 = arith.cmpi slt, %add3A_603, %get3A_314 : i32
        %jit3A_610 = arith.constant 1025 : i32
        %select_n3A_611 = arith.select %lt3A_609, %get3A_608, %jit3A_610 : i32
        %sub3A_612 = arith.constant 1 : i32
        %sub3A_613 = arith.subi %get3A_608, %sub3A_612 : i32
        %get3A_614 = arith.index_cast %sub3A_613 : i32 to index
        %get3A_615 = memref.load %arg3[%get3A_614] : memref<1024xi32, #tpu.memory_space<smem>>
        %get3A_616 = arith.index_cast %get3A_615 : i32 to index
        %get3A_617 = arith.constant 0 : index
        %get3A_618 = vector.load %arg20[%get3A_616, %get3A_617] : memref<1026x64xf32, #tpu.memory_space<vmem>>, vector<1x64xf32>
        %swap3A_619 = arith.constant 14 : index
        %swap3A_620 = arith.constant 0 : index
        %swap3A_621 = vector.load %arg29[%swap3A_619, %swap3A_620] : memref<48x128xf32, #tpu.memory_space<vmem>>, vector<1x64xf32>
        tpu.vector_store %arg29[%swap3A_619, %swap3A_620], %get3A_618 {strides = array<i32>} : memref<48x128xf32, #tpu.memory_space<vmem>>, vector<1x64xf32>,
        %add3A_622 = arith.constant 15 : i32
        %add3A_623 = arith.addi %while3A_322, %add3A_622 : i32
        %sub3A_624 = arith.constant 1 : i32
        %sub3A_625 = arith.subi %get3A_314, %sub3A_624 : i32
        %min3A_626 = arith.minsi %add3A_623, %sub3A_625 : i32
        %get3A_627 = arith.index_cast %min3A_626 : i32 to index
        %get3A_628 = memref.load %arg32[%get3A_627] : memref<1024xi32, #tpu.memory_space<smem>>
        %lt3A_629 = arith.cmpi slt, %add3A_623, %get3A_314 : i32
        %jit3A_630 = arith.constant 1025 : i32
        %select_n3A_631 = arith.select %lt3A_629, %get3A_628, %jit3A_630 : i32
        %sub3A_632 = arith.constant 1 : i32
        %sub3A_633 = arith.subi %get3A_628, %sub3A_632 : i32
        %get3A_634 = arith.index_cast %sub3A_633 : i32 to index
        %get3A_635 = memref.load %arg3[%get3A_634] : memref<1024xi32, #tpu.memory_space<smem>>
        %get3A_636 = arith.index_cast %get3A_635 : i32 to index
        %get3A_637 = arith.constant 0 : index
        %get3A_638 = vector.load %arg20[%get3A_636, %get3A_637] : memref<1026x64xf32, #tpu.memory_space<vmem>>, vector<1x64xf32>
        %swap3A_639 = arith.constant 15 : index
        %swap3A_640 = arith.constant 0 : index
        %swap3A_641 = vector.load %arg29[%swap3A_639, %swap3A_640] : memref<48x128xf32, #tpu.memory_space<vmem>>, vector<1x64xf32>
        tpu.vector_store %arg29[%swap3A_639, %swap3A_640], %get3A_638 {strides = array<i32>} : memref<48x128xf32, #tpu.memory_space<vmem>>, vector<1x64xf32>,
        %add3A_642 = arith.constant 16 : i32
        %add3A_643 = arith.addi %while3A_322, %add3A_642 : i32
        %sub3A_644 = arith.constant 1 : i32
        %sub3A_645 = arith.subi %get3A_314, %sub3A_644 : i32
        %min3A_646 = arith.minsi %add3A_643, %sub3A_645 : i32
        %get3A_647 = arith.index_cast %min3A_646 : i32 to index
        %get3A_648 = memref.load %arg32[%get3A_647] : memref<1024xi32, #tpu.memory_space<smem>>
        %lt3A_649 = arith.cmpi slt, %add3A_643, %get3A_314 : i32
        %jit3A_650 = arith.constant 1025 : i32
        %select_n3A_651 = arith.select %lt3A_649, %get3A_648, %jit3A_650 : i32
        %sub3A_652 = arith.constant 1 : i32
        %sub3A_653 = arith.subi %get3A_648, %sub3A_652 : i32
        %get3A_654 = arith.index_cast %sub3A_653 : i32 to index
        %get3A_655 = memref.load %arg3[%get3A_654] : memref<1024xi32, #tpu.memory_space<smem>>
        %get3A_656 = arith.index_cast %get3A_655 : i32 to index
        %get3A_657 = arith.constant 0 : index
        %get3A_658 = vector.load %arg20[%get3A_656, %get3A_657] : memref<1026x64xf32, #tpu.memory_space<vmem>>, vector<1x64xf32>
        %swap3A_659 = arith.constant 16 : index
        %swap3A_660 = arith.constant 0 : index
        %swap3A_661 = vector.load %arg29[%swap3A_659, %swap3A_660] : memref<48x128xf32, #tpu.memory_space<vmem>>, vector<1x64xf32>
        tpu.vector_store %arg29[%swap3A_659, %swap3A_660], %get3A_658 {strides = array<i32>} : memref<48x128xf32, #tpu.memory_space<vmem>>, vector<1x64xf32>,
        %add3A_662 = arith.constant 17 : i32
        %add3A_663 = arith.addi %while3A_322, %add3A_662 : i32
        %sub3A_664 = arith.constant 1 : i32
        %sub3A_665 = arith.subi %get3A_314, %sub3A_664 : i32
        %min3A_666 = arith.minsi %add3A_663, %sub3A_665 : i32
        %get3A_667 = arith.index_cast %min3A_666 : i32 to index
        %get3A_668 = memref.load %arg32[%get3A_667] : memref<1024xi32, #tpu.memory_space<smem>>
        %lt3A_669 = arith.cmpi slt, %add3A_663, %get3A_314 : i32
        %jit3A_670 = arith.constant 1025 : i32
        %select_n3A_671 = arith.select %lt3A_669, %get3A_668, %jit3A_670 : i32
        %sub3A_672 = arith.constant 1 : i32
        %sub3A_673 = arith.subi %get3A_668, %sub3A_672 : i32
        %get3A_674 = arith.index_cast %sub3A_673 : i32 to index
        %get3A_675 = memref.load %arg3[%get3A_674] : memref<1024xi32, #tpu.memory_space<smem>>
        %get3A_676 = arith.index_cast %get3A_675 : i32 to index
        %get3A_677 = arith.constant 0 : index
        %get3A_678 = vector.load %arg20[%get3A_676, %get3A_677] : memref<1026x64xf32, #tpu.memory_space<vmem>>, vector<1x64xf32>
        %swap3A_679 = arith.constant 17 : index
        %swap3A_680 = arith.constant 0 : index
        %swap3A_681 = vector.load %arg29[%swap3A_679, %swap3A_680] : memref<48x128xf32, #tpu.memory_space<vmem>>, vector<1x64xf32>
        tpu.vector_store %arg29[%swap3A_679, %swap3A_680], %get3A_678 {strides = array<i32>} : memref<48x128xf32, #tpu.memory_space<vmem>>, vector<1x64xf32>,
        %add3A_682 = arith.constant 18 : i32
        %add3A_683 = arith.addi %while3A_322, %add3A_682 : i32
        %sub3A_684 = arith.constant 1 : i32
        %sub3A_685 = arith.subi %get3A_314, %sub3A_684 : i32
        %min3A_686 = arith.minsi %add3A_683, %sub3A_685 : i32
        %get3A_687 = arith.index_cast %min3A_686 : i32 to index
        %get3A_688 = memref.load %arg32[%get3A_687] : memref<1024xi32, #tpu.memory_space<smem>>
        %lt3A_689 = arith.cmpi slt, %add3A_683, %get3A_314 : i32
        %jit3A_690 = arith.constant 1025 : i32
        %select_n3A_691 = arith.select %lt3A_689, %get3A_688, %jit3A_690 : i32
        %sub3A_692 = arith.constant 1 : i32
        %sub3A_693 = arith.subi %get3A_688, %sub3A_692 : i32
        %get3A_694 = arith.index_cast %sub3A_693 : i32 to index
        %get3A_695 = memref.load %arg3[%get3A_694] : memref<1024xi32, #tpu.memory_space<smem>>
        %get3A_696 = arith.index_cast %get3A_695 : i32 to index
        %get3A_697 = arith.constant 0 : index
        %get3A_698 = vector.load %arg20[%get3A_696, %get3A_697] : memref<1026x64xf32, #tpu.memory_space<vmem>>, vector<1x64xf32>
        %swap3A_699 = arith.constant 18 : index
        %swap3A_700 = arith.constant 0 : index
        %swap3A_701 = vector.load %arg29[%swap3A_699, %swap3A_700] : memref<48x128xf32, #tpu.memory_space<vmem>>, vector<1x64xf32>
        tpu.vector_store %arg29[%swap3A_699, %swap3A_700], %get3A_698 {strides = array<i32>} : memref<48x128xf32, #tpu.memory_space<vmem>>, vector<1x64xf32>,
        %add3A_702 = arith.constant 19 : i32
        %add3A_703 = arith.addi %while3A_322, %add3A_702 : i32
        %sub3A_704 = arith.constant 1 : i32
        %sub3A_705 = arith.subi %get3A_314, %sub3A_704 : i32
        %min3A_706 = arith.minsi %add3A_703, %sub3A_705 : i32
        %get3A_707 = arith.index_cast %min3A_706 : i32 to index
        %get3A_708 = memref.load %arg32[%get3A_707] : memref<1024xi32, #tpu.memory_space<smem>>
        %lt3A_709 = arith.cmpi slt, %add3A_703, %get3A_314 : i32
        %jit3A_710 = arith.constant 1025 : i32
        %select_n3A_711 = arith.select %lt3A_709, %get3A_708, %jit3A_710 : i32
        %sub3A_712 = arith.constant 1 : i32
        %sub3A_713 = arith.subi %get3A_708, %sub3A_712 : i32
        %get3A_714 = arith.index_cast %sub3A_713 : i32 to index
        %get3A_715 = memref.load %arg3[%get3A_714] : memref<1024xi32, #tpu.memory_space<smem>>
        %get3A_716 = arith.index_cast %get3A_715 : i32 to index
        %get3A_717 = arith.constant 0 : index
        %get3A_718 = vector.load %arg20[%get3A_716, %get3A_717] : memref<1026x64xf32, #tpu.memory_space<vmem>>, vector<1x64xf32>
        %swap3A_719 = arith.constant 19 : index
        %swap3A_720 = arith.constant 0 : index
        %swap3A_721 = vector.load %arg29[%swap3A_719, %swap3A_720] : memref<48x128xf32, #tpu.memory_space<vmem>>, vector<1x64xf32>
        tpu.vector_store %arg29[%swap3A_719, %swap3A_720], %get3A_718 {strides = array<i32>} : memref<48x128xf32, #tpu.memory_space<vmem>>, vector<1x64xf32>,
        %add3A_722 = arith.constant 20 : i32
        %add3A_723 = arith.addi %while3A_322, %add3A_722 : i32
        %sub3A_724 = arith.constant 1 : i32
        %sub3A_725 = arith.subi %get3A_314, %sub3A_724 : i32
        %min3A_726 = arith.minsi %add3A_723, %sub3A_725 : i32
        %get3A_727 = arith.index_cast %min3A_726 : i32 to index
        %get3A_728 = memref.load %arg32[%get3A_727] : memref<1024xi32, #tpu.memory_space<smem>>
        %lt3A_729 = arith.cmpi slt, %add3A_723, %get3A_314 : i32
        %jit3A_730 = arith.constant 1025 : i32
        %select_n3A_731 = arith.select %lt3A_729, %get3A_728, %jit3A_730 : i32
        %sub3A_732 = arith.constant 1 : i32
        %sub3A_733 = arith.subi %get3A_728, %sub3A_732 : i32
        %get3A_734 = arith.index_cast %sub3A_733 : i32 to index
        %get3A_735 = memref.load %arg3[%get3A_734] : memref<1024xi32, #tpu.memory_space<smem>>
        %get3A_736 = arith.index_cast %get3A_735 : i32 to index
        %get3A_737 = arith.constant 0 : index
        %get3A_738 = vector.load %arg20[%get3A_736, %get3A_737] : memref<1026x64xf32, #tpu.memory_space<vmem>>, vector<1x64xf32>
        %swap3A_739 = arith.constant 20 : index
        %swap3A_740 = arith.constant 0 : index
        %swap3A_741 = vector.load %arg29[%swap3A_739, %swap3A_740] : memref<48x128xf32, #tpu.memory_space<vmem>>, vector<1x64xf32>
        tpu.vector_store %arg29[%swap3A_739, %swap3A_740], %get3A_738 {strides = array<i32>} : memref<48x128xf32, #tpu.memory_space<vmem>>, vector<1x64xf32>,
        %add3A_742 = arith.constant 21 : i32
        %add3A_743 = arith.addi %while3A_322, %add3A_742 : i32
        %sub3A_744 = arith.constant 1 : i32
        %sub3A_745 = arith.subi %get3A_314, %sub3A_744 : i32
        %min3A_746 = arith.minsi %add3A_743, %sub3A_745 : i32
        %get3A_747 = arith.index_cast %min3A_746 : i32 to index
        %get3A_748 = memref.load %arg32[%get3A_747] : memref<1024xi32, #tpu.memory_space<smem>>
        %lt3A_749 = arith.cmpi slt, %add3A_743, %get3A_314 : i32
        %jit3A_750 = arith.constant 1025 : i32
        %select_n3A_751 = arith.select %lt3A_749, %get3A_748, %jit3A_750 : i32
        %sub3A_752 = arith.constant 1 : i32
        %sub3A_753 = arith.subi %get3A_748, %sub3A_752 : i32
        %get3A_754 = arith.index_cast %sub3A_753 : i32 to index
        %get3A_755 = memref.load %arg3[%get3A_754] : memref<1024xi32, #tpu.memory_space<smem>>
        %get3A_756 = arith.index_cast %get3A_755 : i32 to index
        %get3A_757 = arith.constant 0 : index
        %get3A_758 = vector.load %arg20[%get3A_756, %get3A_757] : memref<1026x64xf32, #tpu.memory_space<vmem>>, vector<1x64xf32>
        %swap3A_759 = arith.constant 21 : index
        %swap3A_760 = arith.constant 0 : index
        %swap3A_761 = vector.load %arg29[%swap3A_759, %swap3A_760] : memref<48x128xf32, #tpu.memory_space<vmem>>, vector<1x64xf32>
        tpu.vector_store %arg29[%swap3A_759, %swap3A_760], %get3A_758 {strides = array<i32>} : memref<48x128xf32, #tpu.memory_space<vmem>>, vector<1x64xf32>,
        %add3A_762 = arith.constant 22 : i32
        %add3A_763 = arith.addi %while3A_322, %add3A_762 : i32
        %sub3A_764 = arith.constant 1 : i32
        %sub3A_765 = arith.subi %get3A_314, %sub3A_764 : i32
        %min3A_766 = arith.minsi %add3A_763, %sub3A_765 : i32
        %get3A_767 = arith.index_cast %min3A_766 : i32 to index
        %get3A_768 = memref.load %arg32[%get3A_767] : memref<1024xi32, #tpu.memory_space<smem>>
        %lt3A_769 = arith.cmpi slt, %add3A_763, %get3A_314 : i32
        %jit3A_770 = arith.constant 1025 : i32
        %select_n3A_771 = arith.select %lt3A_769, %get3A_768, %jit3A_770 : i32
        %sub3A_772 = arith.constant 1 : i32
        %sub3A_773 = arith.subi %get3A_768, %sub3A_772 : i32
        %get3A_774 = arith.index_cast %sub3A_773 : i32 to index
        %get3A_775 = memref.load %arg3[%get3A_774] : memref<1024xi32, #tpu.memory_space<smem>>
        %get3A_776 = arith.index_cast %get3A_775 : i32 to index
        %get3A_777 = arith.constant 0 : index
        %get3A_778 = vector.load %arg20[%get3A_776, %get3A_777] : memref<1026x64xf32, #tpu.memory_space<vmem>>, vector<1x64xf32>
        %swap3A_779 = arith.constant 22 : index
        %swap3A_780 = arith.constant 0 : index
        %swap3A_781 = vector.load %arg29[%swap3A_779, %swap3A_780] : memref<48x128xf32, #tpu.memory_space<vmem>>, vector<1x64xf32>
        tpu.vector_store %arg29[%swap3A_779, %swap3A_780], %get3A_778 {strides = array<i32>} : memref<48x128xf32, #tpu.memory_space<vmem>>, vector<1x64xf32>,
        %add3A_782 = arith.constant 23 : i32
        %add3A_783 = arith.addi %while3A_322, %add3A_782 : i32
        %sub3A_784 = arith.constant 1 : i32
        %sub3A_785 = arith.subi %get3A_314, %sub3A_784 : i32
        %min3A_786 = arith.minsi %add3A_783, %sub3A_785 : i32
        %get3A_787 = arith.index_cast %min3A_786 : i32 to index
        %get3A_788 = memref.load %arg32[%get3A_787] : memref<1024xi32, #tpu.memory_space<smem>>
        %lt3A_789 = arith.cmpi slt, %add3A_783, %get3A_314 : i32
        %jit3A_790 = arith.constant 1025 : i32
        %select_n3A_791 = arith.select %lt3A_789, %get3A_788, %jit3A_790 : i32
        %sub3A_792 = arith.constant 1 : i32
        %sub3A_793 = arith.subi %get3A_788, %sub3A_792 : i32
        %get3A_794 = arith.index_cast %sub3A_793 : i32 to index
        %get3A_795 = memref.load %arg3[%get3A_794] : memref<1024xi32, #tpu.memory_space<smem>>
        %get3A_796 = arith.index_cast %get3A_795 : i32 to index
        %get3A_797 = arith.constant 0 : index
        %get3A_798 = vector.load %arg20[%get3A_796, %get3A_797] : memref<1026x64xf32, #tpu.memory_space<vmem>>, vector<1x64xf32>
        %swap3A_799 = arith.constant 23 : index
        %swap3A_800 = arith.constant 0 : index
        %swap3A_801 = vector.load %arg29[%swap3A_799, %swap3A_800] : memref<48x128xf32, #tpu.memory_space<vmem>>, vector<1x64xf32>
        tpu.vector_store %arg29[%swap3A_799, %swap3A_800], %get3A_798 {strides = array<i32>} : memref<48x128xf32, #tpu.memory_space<vmem>>, vector<1x64xf32>,
        %add3A_802 = arith.constant 24 : i32
        %add3A_803 = arith.addi %while3A_322, %add3A_802 : i32
        %sub3A_804 = arith.constant 1 : i32
        %sub3A_805 = arith.subi %get3A_314, %sub3A_804 : i32
        %min3A_806 = arith.minsi %add3A_803, %sub3A_805 : i32
        %get3A_807 = arith.index_cast %min3A_806 : i32 to index
        %get3A_808 = memref.load %arg32[%get3A_807] : memref<1024xi32, #tpu.memory_space<smem>>
        %lt3A_809 = arith.cmpi slt, %add3A_803, %get3A_314 : i32
        %jit3A_810 = arith.constant 1025 : i32
        %select_n3A_811 = arith.select %lt3A_809, %get3A_808, %jit3A_810 : i32
        %sub3A_812 = arith.constant 1 : i32
        %sub3A_813 = arith.subi %get3A_808, %sub3A_812 : i32
        %get3A_814 = arith.index_cast %sub3A_813 : i32 to index
        %get3A_815 = memref.load %arg3[%get3A_814] : memref<1024xi32, #tpu.memory_space<smem>>
        %get3A_816 = arith.index_cast %get3A_815 : i32 to index
        %get3A_817 = arith.constant 0 : index
        %get3A_818 = vector.load %arg20[%get3A_816, %get3A_817] : memref<1026x64xf32, #tpu.memory_space<vmem>>, vector<1x64xf32>
        %swap3A_819 = arith.constant 24 : index
        %swap3A_820 = arith.constant 0 : index
        %swap3A_821 = vector.load %arg29[%swap3A_819, %swap3A_820] : memref<48x128xf32, #tpu.memory_space<vmem>>, vector<1x64xf32>
        tpu.vector_store %arg29[%swap3A_819, %swap3A_820], %get3A_818 {strides = array<i32>} : memref<48x128xf32, #tpu.memory_space<vmem>>, vector<1x64xf32>,
        %add3A_822 = arith.constant 25 : i32
        %add3A_823 = arith.addi %while3A_322, %add3A_822 : i32
        %sub3A_824 = arith.constant 1 : i32
        %sub3A_825 = arith.subi %get3A_314, %sub3A_824 : i32
        %min3A_826 = arith.minsi %add3A_823, %sub3A_825 : i32
        %get3A_827 = arith.index_cast %min3A_826 : i32 to index
        %get3A_828 = memref.load %arg32[%get3A_827] : memref<1024xi32, #tpu.memory_space<smem>>
        %lt3A_829 = arith.cmpi slt, %add3A_823, %get3A_314 : i32
        %jit3A_830 = arith.constant 1025 : i32
        %select_n3A_831 = arith.select %lt3A_829, %get3A_828, %jit3A_830 : i32
        %sub3A_832 = arith.constant 1 : i32
        %sub3A_833 = arith.subi %get3A_828, %sub3A_832 : i32
        %get3A_834 = arith.index_cast %sub3A_833 : i32 to index
        %get3A_835 = memref.load %arg3[%get3A_834] : memref<1024xi32, #tpu.memory_space<smem>>
        %get3A_836 = arith.index_cast %get3A_835 : i32 to index
        %get3A_837 = arith.constant 0 : index
        %get3A_838 = vector.load %arg20[%get3A_836, %get3A_837] : memref<1026x64xf32, #tpu.memory_space<vmem>>, vector<1x64xf32>
        %swap3A_839 = arith.constant 25 : index
        %swap3A_840 = arith.constant 0 : index
        %swap3A_841 = vector.load %arg29[%swap3A_839, %swap3A_840] : memref<48x128xf32, #tpu.memory_space<vmem>>, vector<1x64xf32>
        tpu.vector_store %arg29[%swap3A_839, %swap3A_840], %get3A_838 {strides = array<i32>} : memref<48x128xf32, #tpu.memory_space<vmem>>, vector<1x64xf32>,
        %add3A_842 = arith.constant 26 : i32
        %add3A_843 = arith.addi %while3A_322, %add3A_842 : i32
        %sub3A_844 = arith.constant 1 : i32
        %sub3A_845 = arith.subi %get3A_314, %sub3A_844 : i32
        %min3A_846 = arith.minsi %add3A_843, %sub3A_845 : i32
        %get3A_847 = arith.index_cast %min3A_846 : i32 to index
        %get3A_848 = memref.load %arg32[%get3A_847] : memref<1024xi32, #tpu.memory_space<smem>>
        %lt3A_849 = arith.cmpi slt, %add3A_843, %get3A_314 : i32
        %jit3A_850 = arith.constant 1025 : i32
        %select_n3A_851 = arith.select %lt3A_849, %get3A_848, %jit3A_850 : i32
        %sub3A_852 = arith.constant 1 : i32
        %sub3A_853 = arith.subi %get3A_848, %sub3A_852 : i32
        %get3A_854 = arith.index_cast %sub3A_853 : i32 to index
        %get3A_855 = memref.load %arg3[%get3A_854] : memref<1024xi32, #tpu.memory_space<smem>>
        %get3A_856 = arith.index_cast %get3A_855 : i32 to index
        %get3A_857 = arith.constant 0 : index
        %get3A_858 = vector.load %arg20[%get3A_856, %get3A_857] : memref<1026x64xf32, #tpu.memory_space<vmem>>, vector<1x64xf32>
        %swap3A_859 = arith.constant 26 : index
        %swap3A_860 = arith.constant 0 : index
        %swap3A_861 = vector.load %arg29[%swap3A_859, %swap3A_860] : memref<48x128xf32, #tpu.memory_space<vmem>>, vector<1x64xf32>
        tpu.vector_store %arg29[%swap3A_859, %swap3A_860], %get3A_858 {strides = array<i32>} : memref<48x128xf32, #tpu.memory_space<vmem>>, vector<1x64xf32>,
        %add3A_862 = arith.constant 27 : i32
        %add3A_863 = arith.addi %while3A_322, %add3A_862 : i32
        %sub3A_864 = arith.constant 1 : i32
        %sub3A_865 = arith.subi %get3A_314, %sub3A_864 : i32
        %min3A_866 = arith.minsi %add3A_863, %sub3A_865 : i32
        %get3A_867 = arith.index_cast %min3A_866 : i32 to index
        %get3A_868 = memref.load %arg32[%get3A_867] : memref<1024xi32, #tpu.memory_space<smem>>
        %lt3A_869 = arith.cmpi slt, %add3A_863, %get3A_314 : i32
        %jit3A_870 = arith.constant 1025 : i32
        %select_n3A_871 = arith.select %lt3A_869, %get3A_868, %jit3A_870 : i32
        %sub3A_872 = arith.constant 1 : i32
        %sub3A_873 = arith.subi %get3A_868, %sub3A_872 : i32
        %get3A_874 = arith.index_cast %sub3A_873 : i32 to index
        %get3A_875 = memref.load %arg3[%get3A_874] : memref<1024xi32, #tpu.memory_space<smem>>
        %get3A_876 = arith.index_cast %get3A_875 : i32 to index
        %get3A_877 = arith.constant 0 : index
        %get3A_878 = vector.load %arg20[%get3A_876, %get3A_877] : memref<1026x64xf32, #tpu.memory_space<vmem>>, vector<1x64xf32>
        %swap3A_879 = arith.constant 27 : index
        %swap3A_880 = arith.constant 0 : index
        %swap3A_881 = vector.load %arg29[%swap3A_879, %swap3A_880] : memref<48x128xf32, #tpu.memory_space<vmem>>, vector<1x64xf32>
        tpu.vector_store %arg29[%swap3A_879, %swap3A_880], %get3A_878 {strides = array<i32>} : memref<48x128xf32, #tpu.memory_space<vmem>>, vector<1x64xf32>,
        %add3A_882 = arith.constant 28 : i32
        %add3A_883 = arith.addi %while3A_322, %add3A_882 : i32
        %sub3A_884 = arith.constant 1 : i32
        %sub3A_885 = arith.subi %get3A_314, %sub3A_884 : i32
        %min3A_886 = arith.minsi %add3A_883, %sub3A_885 : i32
        %get3A_887 = arith.index_cast %min3A_886 : i32 to index
        %get3A_888 = memref.load %arg32[%get3A_887] : memref<1024xi32, #tpu.memory_space<smem>>
        %lt3A_889 = arith.cmpi slt, %add3A_883, %get3A_314 : i32
        %jit3A_890 = arith.constant 1025 : i32
        %select_n3A_891 = arith.select %lt3A_889, %get3A_888, %jit3A_890 : i32
        %sub3A_892 = arith.constant 1 : i32
        %sub3A_893 = arith.subi %get3A_888, %sub3A_892 : i32
        %get3A_894 = arith.index_cast %sub3A_893 : i32 to index
        %get3A_895 = memref.load %arg3[%get3A_894] : memref<1024xi32, #tpu.memory_space<smem>>
        %get3A_896 = arith.index_cast %get3A_895 : i32 to index
        %get3A_897 = arith.constant 0 : index
        %get3A_898 = vector.load %arg20[%get3A_896, %get3A_897] : memref<1026x64xf32, #tpu.memory_space<vmem>>, vector<1x64xf32>
        %swap3A_899 = arith.constant 28 : index
        %swap3A_900 = arith.constant 0 : index
        %swap3A_901 = vector.load %arg29[%swap3A_899, %swap3A_900] : memref<48x128xf32, #tpu.memory_space<vmem>>, vector<1x64xf32>
        tpu.vector_store %arg29[%swap3A_899, %swap3A_900], %get3A_898 {strides = array<i32>} : memref<48x128xf32, #tpu.memory_space<vmem>>, vector<1x64xf32>,
        %add3A_902 = arith.constant 29 : i32
        %add3A_903 = arith.addi %while3A_322, %add3A_902 : i32
        %sub3A_904 = arith.constant 1 : i32
        %sub3A_905 = arith.subi %get3A_314, %sub3A_904 : i32
        %min3A_906 = arith.minsi %add3A_903, %sub3A_905 : i32
        %get3A_907 = arith.index_cast %min3A_906 : i32 to index
        %get3A_908 = memref.load %arg32[%get3A_907] : memref<1024xi32, #tpu.memory_space<smem>>
        %lt3A_909 = arith.cmpi slt, %add3A_903, %get3A_314 : i32
        %jit3A_910 = arith.constant 1025 : i32
        %select_n3A_911 = arith.select %lt3A_909, %get3A_908, %jit3A_910 : i32
        %sub3A_912 = arith.constant 1 : i32
        %sub3A_913 = arith.subi %get3A_908, %sub3A_912 : i32
        %get3A_914 = arith.index_cast %sub3A_913 : i32 to index
        %get3A_915 = memref.load %arg3[%get3A_914] : memref<1024xi32, #tpu.memory_space<smem>>
        %get3A_916 = arith.index_cast %get3A_915 : i32 to index
        %get3A_917 = arith.constant 0 : index
        %get3A_918 = vector.load %arg20[%get3A_916, %get3A_917] : memref<1026x64xf32, #tpu.memory_space<vmem>>, vector<1x64xf32>
        %swap3A_919 = arith.constant 29 : index
        %swap3A_920 = arith.constant 0 : index
        %swap3A_921 = vector.load %arg29[%swap3A_919, %swap3A_920] : memref<48x128xf32, #tpu.memory_space<vmem>>, vector<1x64xf32>
        tpu.vector_store %arg29[%swap3A_919, %swap3A_920], %get3A_918 {strides = array<i32>} : memref<48x128xf32, #tpu.memory_space<vmem>>, vector<1x64xf32>,
        %add3A_922 = arith.constant 30 : i32
        %add3A_923 = arith.addi %while3A_322, %add3A_922 : i32
        %sub3A_924 = arith.constant 1 : i32
        %sub3A_925 = arith.subi %get3A_314, %sub3A_924 : i32
        %min3A_926 = arith.minsi %add3A_923, %sub3A_925 : i32
        %get3A_927 = arith.index_cast %min3A_926 : i32 to index
        %get3A_928 = memref.load %arg32[%get3A_927] : memref<1024xi32, #tpu.memory_space<smem>>
        %lt3A_929 = arith.cmpi slt, %add3A_923, %get3A_314 : i32
        %jit3A_930 = arith.constant 1025 : i32
        %select_n3A_931 = arith.select %lt3A_929, %get3A_928, %jit3A_930 : i32
        %sub3A_932 = arith.constant 1 : i32
        %sub3A_933 = arith.subi %get3A_928, %sub3A_932 : i32
        %get3A_934 = arith.index_cast %sub3A_933 : i32 to index
        %get3A_935 = memref.load %arg3[%get3A_934] : memref<1024xi32, #tpu.memory_space<smem>>
        %get3A_936 = arith.index_cast %get3A_935 : i32 to index
        %get3A_937 = arith.constant 0 : index
        %get3A_938 = vector.load %arg20[%get3A_936, %get3A_937] : memref<1026x64xf32, #tpu.memory_space<vmem>>, vector<1x64xf32>
        %swap3A_939 = arith.constant 30 : index
        %swap3A_940 = arith.constant 0 : index
        %swap3A_941 = vector.load %arg29[%swap3A_939, %swap3A_940] : memref<48x128xf32, #tpu.memory_space<vmem>>, vector<1x64xf32>
        tpu.vector_store %arg29[%swap3A_939, %swap3A_940], %get3A_938 {strides = array<i32>} : memref<48x128xf32, #tpu.memory_space<vmem>>, vector<1x64xf32>,
        %add3A_942 = arith.constant 31 : i32
        %add3A_943 = arith.addi %while3A_322, %add3A_942 : i32
        %sub3A_944 = arith.constant 1 : i32
        %sub3A_945 = arith.subi %get3A_314, %sub3A_944 : i32
        %min3A_946 = arith.minsi %add3A_943, %sub3A_945 : i32
        %get3A_947 = arith.index_cast %min3A_946 : i32 to index
        %get3A_948 = memref.load %arg32[%get3A_947] : memref<1024xi32, #tpu.memory_space<smem>>
        %lt3A_949 = arith.cmpi slt, %add3A_943, %get3A_314 : i32
        %jit3A_950 = arith.constant 1025 : i32
        %select_n3A_951 = arith.select %lt3A_949, %get3A_948, %jit3A_950 : i32
        %sub3A_952 = arith.constant 1 : i32
        %sub3A_953 = arith.subi %get3A_948, %sub3A_952 : i32
        %get3A_954 = arith.index_cast %sub3A_953 : i32 to index
        %get3A_955 = memref.load %arg3[%get3A_954] : memref<1024xi32, #tpu.memory_space<smem>>
        %get3A_956 = arith.index_cast %get3A_955 : i32 to index
        %get3A_957 = arith.constant 0 : index
        %get3A_958 = vector.load %arg20[%get3A_956, %get3A_957] : memref<1026x64xf32, #tpu.memory_space<vmem>>, vector<1x64xf32>
        %swap3A_959 = arith.constant 31 : index
        %swap3A_960 = arith.constant 0 : index
        %swap3A_961 = vector.load %arg29[%swap3A_959, %swap3A_960] : memref<48x128xf32, #tpu.memory_space<vmem>>, vector<1x64xf32>
        tpu.vector_store %arg29[%swap3A_959, %swap3A_960], %get3A_958 {strides = array<i32>} : memref<48x128xf32, #tpu.memory_space<vmem>>, vector<1x64xf32>,
        %add3A_962 = arith.constant 32 : i32
        %add3A_963 = arith.addi %while3A_322, %add3A_962 : i32
        %sub3A_964 = arith.constant 1 : i32
        %sub3A_965 = arith.subi %get3A_314, %sub3A_964 : i32
        %min3A_966 = arith.minsi %add3A_963, %sub3A_965 : i32
        %get3A_967 = arith.index_cast %min3A_966 : i32 to index
        %get3A_968 = memref.load %arg32[%get3A_967] : memref<1024xi32, #tpu.memory_space<smem>>
        %lt3A_969 = arith.cmpi slt, %add3A_963, %get3A_314 : i32
        %jit3A_970 = arith.constant 1025 : i32
        %select_n3A_971 = arith.select %lt3A_969, %get3A_968, %jit3A_970 : i32
        %sub3A_972 = arith.constant 1 : i32
        %sub3A_973 = arith.subi %get3A_968, %sub3A_972 : i32
        %get3A_974 = arith.index_cast %sub3A_973 : i32 to index
        %get3A_975 = memref.load %arg3[%get3A_974] : memref<1024xi32, #tpu.memory_space<smem>>
        %get3A_976 = arith.index_cast %get3A_975 : i32 to index
        %get3A_977 = arith.constant 0 : index
        %get3A_978 = vector.load %arg20[%get3A_976, %get3A_977] : memref<1026x64xf32, #tpu.memory_space<vmem>>, vector<1x64xf32>
        %swap3A_979 = arith.constant 32 : index
        %swap3A_980 = arith.constant 0 : index
        %swap3A_981 = vector.load %arg29[%swap3A_979, %swap3A_980] : memref<48x128xf32, #tpu.memory_space<vmem>>, vector<1x64xf32>
        tpu.vector_store %arg29[%swap3A_979, %swap3A_980], %get3A_978 {strides = array<i32>} : memref<48x128xf32, #tpu.memory_space<vmem>>, vector<1x64xf32>,
        %add3A_982 = arith.constant 33 : i32
        %add3A_983 = arith.addi %while3A_322, %add3A_982 : i32
        %sub3A_984 = arith.constant 1 : i32
        %sub3A_985 = arith.subi %get3A_314, %sub3A_984 : i32
        %min3A_986 = arith.minsi %add3A_983, %sub3A_985 : i32
        %get3A_987 = arith.index_cast %min3A_986 : i32 to index
        %get3A_988 = memref.load %arg32[%get3A_987] : memref<1024xi32, #tpu.memory_space<smem>>
        %lt3A_989 = arith.cmpi slt, %add3A_983, %get3A_314 : i32
        %jit3A_990 = arith.constant 1025 : i32
        %select_n3A_991 = arith.select %lt3A_989, %get3A_988, %jit3A_990 : i32
        %sub3A_992 = arith.constant 1 : i32
        %sub3A_993 = arith.subi %get3A_988, %sub3A_992 : i32
        %get3A_994 = arith.index_cast %sub3A_993 : i32 to index
        %get3A_995 = memref.load %arg3[%get3A_994] : memref<1024xi32, #tpu.memory_space<smem>>
        %get3A_996 = arith.index_cast %get3A_995 : i32 to index
        %get3A_997 = arith.constant 0 : index
        %get3A_998 = vector.load %arg20[%get3A_996, %get3A_997] : memref<1026x64xf32, #tpu.memory_space<vmem>>, vector<1x64xf32>
        %swap3A_999 = arith.constant 33 : index
        %swap3A_1000 = arith.constant 0 : index
        %swap3A_1001 = vector.load %arg29[%swap3A_999, %swap3A_1000] : memref<48x128xf32, #tpu.memory_space<vmem>>, vector<1x64xf32>
        tpu.vector_store %arg29[%swap3A_999, %swap3A_1000], %get3A_998 {strides = array<i32>} : memref<48x128xf32, #tpu.memory_space<vmem>>, vector<1x64xf32>,
        %add3A_1002 = arith.constant 34 : i32
        %add3A_1003 = arith.addi %while3A_322, %add3A_1002 : i32
        %sub3A_1004 = arith.constant 1 : i32
        %sub3A_1005 = arith.subi %get3A_314, %sub3A_1004 : i32
        %min3A_1006 = arith.minsi %add3A_1003, %sub3A_1005 : i32
        %get3A_1007 = arith.index_cast %min3A_1006 : i32 to index
        %get3A_1008 = memref.load %arg32[%get3A_1007] : memref<1024xi32, #tpu.memory_space<smem>>
        %lt3A_1009 = arith.cmpi slt, %add3A_1003, %get3A_314 : i32
        %jit3A_1010 = arith.constant 1025 : i32
        %select_n3A_1011 = arith.select %lt3A_1009, %get3A_1008, %jit3A_1010 : i32
        %sub3A_1012 = arith.constant 1 : i32
        %sub3A_1013 = arith.subi %get3A_1008, %sub3A_1012 : i32
        %get3A_1014 = arith.index_cast %sub3A_1013 : i32 to index
        %get3A_1015 = memref.load %arg3[%get3A_1014] : memref<1024xi32, #tpu.memory_space<smem>>
        %get3A_1016 = arith.index_cast %get3A_1015 : i32 to index
        %get3A_1017 = arith.constant 0 : index
        %get3A_1018 = vector.load %arg20[%get3A_1016, %get3A_1017] : memref<1026x64xf32, #tpu.memory_space<vmem>>, vector<1x64xf32>
        %swap3A_1019 = arith.constant 34 : index
        %swap3A_1020 = arith.constant 0 : index
        %swap3A_1021 = vector.load %arg29[%swap3A_1019, %swap3A_1020] : memref<48x128xf32, #tpu.memory_space<vmem>>, vector<1x64xf32>
        tpu.vector_store %arg29[%swap3A_1019, %swap3A_1020], %get3A_1018 {strides = array<i32>} : memref<48x128xf32, #tpu.memory_space<vmem>>, vector<1x64xf32>,
        %add3A_1022 = arith.constant 35 : i32
        %add3A_1023 = arith.addi %while3A_322, %add3A_1022 : i32
        %sub3A_1024 = arith.constant 1 : i32
        %sub3A_1025 = arith.subi %get3A_314, %sub3A_1024 : i32
        %min3A_1026 = arith.minsi %add3A_1023, %sub3A_1025 : i32
        %get3A_1027 = arith.index_cast %min3A_1026 : i32 to index
        %get3A_1028 = memref.load %arg32[%get3A_1027] : memref<1024xi32, #tpu.memory_space<smem>>
        %lt3A_1029 = arith.cmpi slt, %add3A_1023, %get3A_314 : i32
        %jit3A_1030 = arith.constant 1025 : i32
        %select_n3A_1031 = arith.select %lt3A_1029, %get3A_1028, %jit3A_1030 : i32
        %sub3A_1032 = arith.constant 1 : i32
        %sub3A_1033 = arith.subi %get3A_1028, %sub3A_1032 : i32
        %get3A_1034 = arith.index_cast %sub3A_1033 : i32 to index
        %get3A_1035 = memref.load %arg3[%get3A_1034] : memref<1024xi32, #tpu.memory_space<smem>>
        %get3A_1036 = arith.index_cast %get3A_1035 : i32 to index
        %get3A_1037 = arith.constant 0 : index
        %get3A_1038 = vector.load %arg20[%get3A_1036, %get3A_1037] : memref<1026x64xf32, #tpu.memory_space<vmem>>, vector<1x64xf32>
        %swap3A_1039 = arith.constant 35 : index
        %swap3A_1040 = arith.constant 0 : index
        %swap3A_1041 = vector.load %arg29[%swap3A_1039, %swap3A_1040] : memref<48x128xf32, #tpu.memory_space<vmem>>, vector<1x64xf32>
        tpu.vector_store %arg29[%swap3A_1039, %swap3A_1040], %get3A_1038 {strides = array<i32>} : memref<48x128xf32, #tpu.memory_space<vmem>>, vector<1x64xf32>,
        %add3A_1042 = arith.constant 36 : i32
        %add3A_1043 = arith.addi %while3A_322, %add3A_1042 : i32
        %sub3A_1044 = arith.constant 1 : i32
        %sub3A_1045 = arith.subi %get3A_314, %sub3A_1044 : i32
        %min3A_1046 = arith.minsi %add3A_1043, %sub3A_1045 : i32
        %get3A_1047 = arith.index_cast %min3A_1046 : i32 to index
        %get3A_1048 = memref.load %arg32[%get3A_1047] : memref<1024xi32, #tpu.memory_space<smem>>
        %lt3A_1049 = arith.cmpi slt, %add3A_1043, %get3A_314 : i32
        %jit3A_1050 = arith.constant 1025 : i32
        %select_n3A_1051 = arith.select %lt3A_1049, %get3A_1048, %jit3A_1050 : i32
        %sub3A_1052 = arith.constant 1 : i32
        %sub3A_1053 = arith.subi %get3A_1048, %sub3A_1052 : i32
        %get3A_1054 = arith.index_cast %sub3A_1053 : i32 to index
        %get3A_1055 = memref.load %arg3[%get3A_1054] : memref<1024xi32, #tpu.memory_space<smem>>
        %get3A_1056 = arith.index_cast %get3A_1055 : i32 to index
        %get3A_1057 = arith.constant 0 : index
        %get3A_1058 = vector.load %arg20[%get3A_1056, %get3A_1057] : memref<1026x64xf32, #tpu.memory_space<vmem>>, vector<1x64xf32>
        %swap3A_1059 = arith.constant 36 : index
        %swap3A_1060 = arith.constant 0 : index
        %swap3A_1061 = vector.load %arg29[%swap3A_1059, %swap3A_1060] : memref<48x128xf32, #tpu.memory_space<vmem>>, vector<1x64xf32>
        tpu.vector_store %arg29[%swap3A_1059, %swap3A_1060], %get3A_1058 {strides = array<i32>} : memref<48x128xf32, #tpu.memory_space<vmem>>, vector<1x64xf32>,
        %add3A_1062 = arith.constant 37 : i32
        %add3A_1063 = arith.addi %while3A_322, %add3A_1062 : i32
        %sub3A_1064 = arith.constant 1 : i32
        %sub3A_1065 = arith.subi %get3A_314, %sub3A_1064 : i32
        %min3A_1066 = arith.minsi %add3A_1063, %sub3A_1065 : i32
        %get3A_1067 = arith.index_cast %min3A_1066 : i32 to index
        %get3A_1068 = memref.load %arg32[%get3A_1067] : memref<1024xi32, #tpu.memory_space<smem>>
        %lt3A_1069 = arith.cmpi slt, %add3A_1063, %get3A_314 : i32
        %jit3A_1070 = arith.constant 1025 : i32
        %select_n3A_1071 = arith.select %lt3A_1069, %get3A_1068, %jit3A_1070 : i32
        %sub3A_1072 = arith.constant 1 : i32
        %sub3A_1073 = arith.subi %get3A_1068, %sub3A_1072 : i32
        %get3A_1074 = arith.index_cast %sub3A_1073 : i32 to index
        %get3A_1075 = memref.load %arg3[%get3A_1074] : memref<1024xi32, #tpu.memory_space<smem>>
        %get3A_1076 = arith.index_cast %get3A_1075 : i32 to index
        %get3A_1077 = arith.constant 0 : index
        %get3A_1078 = vector.load %arg20[%get3A_1076, %get3A_1077] : memref<1026x64xf32, #tpu.memory_space<vmem>>, vector<1x64xf32>
        %swap3A_1079 = arith.constant 37 : index
        %swap3A_1080 = arith.constant 0 : index
        %swap3A_1081 = vector.load %arg29[%swap3A_1079, %swap3A_1080] : memref<48x128xf32, #tpu.memory_space<vmem>>, vector<1x64xf32>
        tpu.vector_store %arg29[%swap3A_1079, %swap3A_1080], %get3A_1078 {strides = array<i32>} : memref<48x128xf32, #tpu.memory_space<vmem>>, vector<1x64xf32>,
        %add3A_1082 = arith.constant 38 : i32
        %add3A_1083 = arith.addi %while3A_322, %add3A_1082 : i32
        %sub3A_1084 = arith.constant 1 : i32
        %sub3A_1085 = arith.subi %get3A_314, %sub3A_1084 : i32
        %min3A_1086 = arith.minsi %add3A_1083, %sub3A_1085 : i32
        %get3A_1087 = arith.index_cast %min3A_1086 : i32 to index
        %get3A_1088 = memref.load %arg32[%get3A_1087] : memref<1024xi32, #tpu.memory_space<smem>>
        %lt3A_1089 = arith.cmpi slt, %add3A_1083, %get3A_314 : i32
        %jit3A_1090 = arith.constant 1025 : i32
        %select_n3A_1091 = arith.select %lt3A_1089, %get3A_1088, %jit3A_1090 : i32
        %sub3A_1092 = arith.constant 1 : i32
        %sub3A_1093 = arith.subi %get3A_1088, %sub3A_1092 : i32
        %get3A_1094 = arith.index_cast %sub3A_1093 : i32 to index
        %get3A_1095 = memref.load %arg3[%get3A_1094] : memref<1024xi32, #tpu.memory_space<smem>>
        %get3A_1096 = arith.index_cast %get3A_1095 : i32 to index
        %get3A_1097 = arith.constant 0 : index
        %get3A_1098 = vector.load %arg20[%get3A_1096, %get3A_1097] : memref<1026x64xf32, #tpu.memory_space<vmem>>, vector<1x64xf32>
        %swap3A_1099 = arith.constant 38 : index
        %swap3A_1100 = arith.constant 0 : index
        %swap3A_1101 = vector.load %arg29[%swap3A_1099, %swap3A_1100] : memref<48x128xf32, #tpu.memory_space<vmem>>, vector<1x64xf32>
        tpu.vector_store %arg29[%swap3A_1099, %swap3A_1100], %get3A_1098 {strides = array<i32>} : memref<48x128xf32, #tpu.memory_space<vmem>>, vector<1x64xf32>,
        %add3A_1102 = arith.constant 39 : i32
        %add3A_1103 = arith.addi %while3A_322, %add3A_1102 : i32
        %sub3A_1104 = arith.constant 1 : i32
        %sub3A_1105 = arith.subi %get3A_314, %sub3A_1104 : i32
        %min3A_1106 = arith.minsi %add3A_1103, %sub3A_1105 : i32
        %get3A_1107 = arith.index_cast %min3A_1106 : i32 to index
        %get3A_1108 = memref.load %arg32[%get3A_1107] : memref<1024xi32, #tpu.memory_space<smem>>
        %lt3A_1109 = arith.cmpi slt, %add3A_1103, %get3A_314 : i32
        %jit3A_1110 = arith.constant 1025 : i32
        %select_n3A_1111 = arith.select %lt3A_1109, %get3A_1108, %jit3A_1110 : i32
        %sub3A_1112 = arith.constant 1 : i32
        %sub3A_1113 = arith.subi %get3A_1108, %sub3A_1112 : i32
        %get3A_1114 = arith.index_cast %sub3A_1113 : i32 to index
        %get3A_1115 = memref.load %arg3[%get3A_1114] : memref<1024xi32, #tpu.memory_space<smem>>
        %get3A_1116 = arith.index_cast %get3A_1115 : i32 to index
        %get3A_1117 = arith.constant 0 : index
        %get3A_1118 = vector.load %arg20[%get3A_1116, %get3A_1117] : memref<1026x64xf32, #tpu.memory_space<vmem>>, vector<1x64xf32>
        %swap3A_1119 = arith.constant 39 : index
        %swap3A_1120 = arith.constant 0 : index
        %swap3A_1121 = vector.load %arg29[%swap3A_1119, %swap3A_1120] : memref<48x128xf32, #tpu.memory_space<vmem>>, vector<1x64xf32>
        tpu.vector_store %arg29[%swap3A_1119, %swap3A_1120], %get3A_1118 {strides = array<i32>} : memref<48x128xf32, #tpu.memory_space<vmem>>, vector<1x64xf32>,
        %add3A_1122 = arith.constant 40 : i32
        %add3A_1123 = arith.addi %while3A_322, %add3A_1122 : i32
        %sub3A_1124 = arith.constant 1 : i32
        %sub3A_1125 = arith.subi %get3A_314, %sub3A_1124 : i32
        %min3A_1126 = arith.minsi %add3A_1123, %sub3A_1125 : i32
        %get3A_1127 = arith.index_cast %min3A_1126 : i32 to index
        %get3A_1128 = memref.load %arg32[%get3A_1127] : memref<1024xi32, #tpu.memory_space<smem>>
        %lt3A_1129 = arith.cmpi slt, %add3A_1123, %get3A_314 : i32
        %jit3A_1130 = arith.constant 1025 : i32
        %select_n3A_1131 = arith.select %lt3A_1129, %get3A_1128, %jit3A_1130 : i32
        %sub3A_1132 = arith.constant 1 : i32
        %sub3A_1133 = arith.subi %get3A_1128, %sub3A_1132 : i32
        %get3A_1134 = arith.index_cast %sub3A_1133 : i32 to index
        %get3A_1135 = memref.load %arg3[%get3A_1134] : memref<1024xi32, #tpu.memory_space<smem>>
        %get3A_1136 = arith.index_cast %get3A_1135 : i32 to index
        %get3A_1137 = arith.constant 0 : index
        %get3A_1138 = vector.load %arg20[%get3A_1136, %get3A_1137] : memref<1026x64xf32, #tpu.memory_space<vmem>>, vector<1x64xf32>
        %swap3A_1139 = arith.constant 40 : index
        %swap3A_1140 = arith.constant 0 : index
        %swap3A_1141 = vector.load %arg29[%swap3A_1139, %swap3A_1140] : memref<48x128xf32, #tpu.memory_space<vmem>>, vector<1x64xf32>
        tpu.vector_store %arg29[%swap3A_1139, %swap3A_1140], %get3A_1138 {strides = array<i32>} : memref<48x128xf32, #tpu.memory_space<vmem>>, vector<1x64xf32>,
        %add3A_1142 = arith.constant 41 : i32
        %add3A_1143 = arith.addi %while3A_322, %add3A_1142 : i32
        %sub3A_1144 = arith.constant 1 : i32
        %sub3A_1145 = arith.subi %get3A_314, %sub3A_1144 : i32
        %min3A_1146 = arith.minsi %add3A_1143, %sub3A_1145 : i32
        %get3A_1147 = arith.index_cast %min3A_1146 : i32 to index
        %get3A_1148 = memref.load %arg32[%get3A_1147] : memref<1024xi32, #tpu.memory_space<smem>>
        %lt3A_1149 = arith.cmpi slt, %add3A_1143, %get3A_314 : i32
        %jit3A_1150 = arith.constant 1025 : i32
        %select_n3A_1151 = arith.select %lt3A_1149, %get3A_1148, %jit3A_1150 : i32
        %sub3A_1152 = arith.constant 1 : i32
        %sub3A_1153 = arith.subi %get3A_1148, %sub3A_1152 : i32
        %get3A_1154 = arith.index_cast %sub3A_1153 : i32 to index
        %get3A_1155 = memref.load %arg3[%get3A_1154] : memref<1024xi32, #tpu.memory_space<smem>>
        %get3A_1156 = arith.index_cast %get3A_1155 : i32 to index
        %get3A_1157 = arith.constant 0 : index
        %get3A_1158 = vector.load %arg20[%get3A_1156, %get3A_1157] : memref<1026x64xf32, #tpu.memory_space<vmem>>, vector<1x64xf32>
        %swap3A_1159 = arith.constant 41 : index
        %swap3A_1160 = arith.constant 0 : index
        %swap3A_1161 = vector.load %arg29[%swap3A_1159, %swap3A_1160] : memref<48x128xf32, #tpu.memory_space<vmem>>, vector<1x64xf32>
        tpu.vector_store %arg29[%swap3A_1159, %swap3A_1160], %get3A_1158 {strides = array<i32>} : memref<48x128xf32, #tpu.memory_space<vmem>>, vector<1x64xf32>,
        %add3A_1162 = arith.constant 42 : i32
        %add3A_1163 = arith.addi %while3A_322, %add3A_1162 : i32
        %sub3A_1164 = arith.constant 1 : i32
        %sub3A_1165 = arith.subi %get3A_314, %sub3A_1164 : i32
        %min3A_1166 = arith.minsi %add3A_1163, %sub3A_1165 : i32
        %get3A_1167 = arith.index_cast %min3A_1166 : i32 to index
        %get3A_1168 = memref.load %arg32[%get3A_1167] : memref<1024xi32, #tpu.memory_space<smem>>
        %lt3A_1169 = arith.cmpi slt, %add3A_1163, %get3A_314 : i32
        %jit3A_1170 = arith.constant 1025 : i32
        %select_n3A_1171 = arith.select %lt3A_1169, %get3A_1168, %jit3A_1170 : i32
        %sub3A_1172 = arith.constant 1 : i32
        %sub3A_1173 = arith.subi %get3A_1168, %sub3A_1172 : i32
        %get3A_1174 = arith.index_cast %sub3A_1173 : i32 to index
        %get3A_1175 = memref.load %arg3[%get3A_1174] : memref<1024xi32, #tpu.memory_space<smem>>
        %get3A_1176 = arith.index_cast %get3A_1175 : i32 to index
        %get3A_1177 = arith.constant 0 : index
        %get3A_1178 = vector.load %arg20[%get3A_1176, %get3A_1177] : memref<1026x64xf32, #tpu.memory_space<vmem>>, vector<1x64xf32>
        %swap3A_1179 = arith.constant 42 : index
        %swap3A_1180 = arith.constant 0 : index
        %swap3A_1181 = vector.load %arg29[%swap3A_1179, %swap3A_1180] : memref<48x128xf32, #tpu.memory_space<vmem>>, vector<1x64xf32>
        tpu.vector_store %arg29[%swap3A_1179, %swap3A_1180], %get3A_1178 {strides = array<i32>} : memref<48x128xf32, #tpu.memory_space<vmem>>, vector<1x64xf32>,
        %add3A_1182 = arith.constant 43 : i32
        %add3A_1183 = arith.addi %while3A_322, %add3A_1182 : i32
        %sub3A_1184 = arith.constant 1 : i32
        %sub3A_1185 = arith.subi %get3A_314, %sub3A_1184 : i32
        %min3A_1186 = arith.minsi %add3A_1183, %sub3A_1185 : i32
        %get3A_1187 = arith.index_cast %min3A_1186 : i32 to index
        %get3A_1188 = memref.load %arg32[%get3A_1187] : memref<1024xi32, #tpu.memory_space<smem>>
        %lt3A_1189 = arith.cmpi slt, %add3A_1183, %get3A_314 : i32
        %jit3A_1190 = arith.constant 1025 : i32
        %select_n3A_1191 = arith.select %lt3A_1189, %get3A_1188, %jit3A_1190 : i32
        %sub3A_1192 = arith.constant 1 : i32
        %sub3A_1193 = arith.subi %get3A_1188, %sub3A_1192 : i32
        %get3A_1194 = arith.index_cast %sub3A_1193 : i32 to index
        %get3A_1195 = memref.load %arg3[%get3A_1194] : memref<1024xi32, #tpu.memory_space<smem>>
        %get3A_1196 = arith.index_cast %get3A_1195 : i32 to index
        %get3A_1197 = arith.constant 0 : index
        %get3A_1198 = vector.load %arg20[%get3A_1196, %get3A_1197] : memref<1026x64xf32, #tpu.memory_space<vmem>>, vector<1x64xf32>
        %swap3A_1199 = arith.constant 43 : index
        %swap3A_1200 = arith.constant 0 : index
        %swap3A_1201 = vector.load %arg29[%swap3A_1199, %swap3A_1200] : memref<48x128xf32, #tpu.memory_space<vmem>>, vector<1x64xf32>
        tpu.vector_store %arg29[%swap3A_1199, %swap3A_1200], %get3A_1198 {strides = array<i32>} : memref<48x128xf32, #tpu.memory_space<vmem>>, vector<1x64xf32>,
        %add3A_1202 = arith.constant 44 : i32
        %add3A_1203 = arith.addi %while3A_322, %add3A_1202 : i32
        %sub3A_1204 = arith.constant 1 : i32
        %sub3A_1205 = arith.subi %get3A_314, %sub3A_1204 : i32
        %min3A_1206 = arith.minsi %add3A_1203, %sub3A_1205 : i32
        %get3A_1207 = arith.index_cast %min3A_1206 : i32 to index
        %get3A_1208 = memref.load %arg32[%get3A_1207] : memref<1024xi32, #tpu.memory_space<smem>>
        %lt3A_1209 = arith.cmpi slt, %add3A_1203, %get3A_314 : i32
        %jit3A_1210 = arith.constant 1025 : i32
        %select_n3A_1211 = arith.select %lt3A_1209, %get3A_1208, %jit3A_1210 : i32
        %sub3A_1212 = arith.constant 1 : i32
        %sub3A_1213 = arith.subi %get3A_1208, %sub3A_1212 : i32
        %get3A_1214 = arith.index_cast %sub3A_1213 : i32 to index
        %get3A_1215 = memref.load %arg3[%get3A_1214] : memref<1024xi32, #tpu.memory_space<smem>>
        %get3A_1216 = arith.index_cast %get3A_1215 : i32 to index
        %get3A_1217 = arith.constant 0 : index
        %get3A_1218 = vector.load %arg20[%get3A_1216, %get3A_1217] : memref<1026x64xf32, #tpu.memory_space<vmem>>, vector<1x64xf32>
        %swap3A_1219 = arith.constant 44 : index
        %swap3A_1220 = arith.constant 0 : index
        %swap3A_1221 = vector.load %arg29[%swap3A_1219, %swap3A_1220] : memref<48x128xf32, #tpu.memory_space<vmem>>, vector<1x64xf32>
        tpu.vector_store %arg29[%swap3A_1219, %swap3A_1220], %get3A_1218 {strides = array<i32>} : memref<48x128xf32, #tpu.memory_space<vmem>>, vector<1x64xf32>,
        %add3A_1222 = arith.constant 45 : i32
        %add3A_1223 = arith.addi %while3A_322, %add3A_1222 : i32
        %sub3A_1224 = arith.constant 1 : i32
        %sub3A_1225 = arith.subi %get3A_314, %sub3A_1224 : i32
        %min3A_1226 = arith.minsi %add3A_1223, %sub3A_1225 : i32
        %get3A_1227 = arith.index_cast %min3A_1226 : i32 to index
        %get3A_1228 = memref.load %arg32[%get3A_1227] : memref<1024xi32, #tpu.memory_space<smem>>
        %lt3A_1229 = arith.cmpi slt, %add3A_1223, %get3A_314 : i32
        %jit3A_1230 = arith.constant 1025 : i32
        %select_n3A_1231 = arith.select %lt3A_1229, %get3A_1228, %jit3A_1230 : i32
        %sub3A_1232 = arith.constant 1 : i32
        %sub3A_1233 = arith.subi %get3A_1228, %sub3A_1232 : i32
        %get3A_1234 = arith.index_cast %sub3A_1233 : i32 to index
        %get3A_1235 = memref.load %arg3[%get3A_1234] : memref<1024xi32, #tpu.memory_space<smem>>
        %get3A_1236 = arith.index_cast %get3A_1235 : i32 to index
        %get3A_1237 = arith.constant 0 : index
        %get3A_1238 = vector.load %arg20[%get3A_1236, %get3A_1237] : memref<1026x64xf32, #tpu.memory_space<vmem>>, vector<1x64xf32>
        %swap3A_1239 = arith.constant 45 : index
        %swap3A_1240 = arith.constant 0 : index
        %swap3A_1241 = vector.load %arg29[%swap3A_1239, %swap3A_1240] : memref<48x128xf32, #tpu.memory_space<vmem>>, vector<1x64xf32>
        tpu.vector_store %arg29[%swap3A_1239, %swap3A_1240], %get3A_1238 {strides = array<i32>} : memref<48x128xf32, #tpu.memory_space<vmem>>, vector<1x64xf32>,
        %add3A_1242 = arith.constant 46 : i32
        %add3A_1243 = arith.addi %while3A_322, %add3A_1242 : i32
        %sub3A_1244 = arith.constant 1 : i32
        %sub3A_1245 = arith.subi %get3A_314, %sub3A_1244 : i32
        %min3A_1246 = arith.minsi %add3A_1243, %sub3A_1245 : i32
        %get3A_1247 = arith.index_cast %min3A_1246 : i32 to index
        %get3A_1248 = memref.load %arg32[%get3A_1247] : memref<1024xi32, #tpu.memory_space<smem>>
        %lt3A_1249 = arith.cmpi slt, %add3A_1243, %get3A_314 : i32
        %jit3A_1250 = arith.constant 1025 : i32
        %select_n3A_1251 = arith.select %lt3A_1249, %get3A_1248, %jit3A_1250 : i32
        %sub3A_1252 = arith.constant 1 : i32
        %sub3A_1253 = arith.subi %get3A_1248, %sub3A_1252 : i32
        %get3A_1254 = arith.index_cast %sub3A_1253 : i32 to index
        %get3A_1255 = memref.load %arg3[%get3A_1254] : memref<1024xi32, #tpu.memory_space<smem>>
        %get3A_1256 = arith.index_cast %get3A_1255 : i32 to index
        %get3A_1257 = arith.constant 0 : index
        %get3A_1258 = vector.load %arg20[%get3A_1256, %get3A_1257] : memref<1026x64xf32, #tpu.memory_space<vmem>>, vector<1x64xf32>
        %swap3A_1259 = arith.constant 46 : index
        %swap3A_1260 = arith.constant 0 : index
        %swap3A_1261 = vector.load %arg29[%swap3A_1259, %swap3A_1260] : memref<48x128xf32, #tpu.memory_space<vmem>>, vector<1x64xf32>
        tpu.vector_store %arg29[%swap3A_1259, %swap3A_1260], %get3A_1258 {strides = array<i32>} : memref<48x128xf32, #tpu.memory_space<vmem>>, vector<1x64xf32>,
        %add3A_1262 = arith.constant 47 : i32
        %add3A_1263 = arith.addi %while3A_322, %add3A_1262 : i32
        %sub3A_1264 = arith.constant 1 : i32
        %sub3A_1265 = arith.subi %get3A_314, %sub3A_1264 : i32
        %min3A_1266 = arith.minsi %add3A_1263, %sub3A_1265 : i32
        %get3A_1267 = arith.index_cast %min3A_1266 : i32 to index
        %get3A_1268 = memref.load %arg32[%get3A_1267] : memref<1024xi32, #tpu.memory_space<smem>>
        %lt3A_1269 = arith.cmpi slt, %add3A_1263, %get3A_314 : i32
        %jit3A_1270 = arith.constant 1025 : i32
        %select_n3A_1271 = arith.select %lt3A_1269, %get3A_1268, %jit3A_1270 : i32
        %sub3A_1272 = arith.constant 1 : i32
        %sub3A_1273 = arith.subi %get3A_1268, %sub3A_1272 : i32
        %get3A_1274 = arith.index_cast %sub3A_1273 : i32 to index
        %get3A_1275 = memref.load %arg3[%get3A_1274] : memref<1024xi32, #tpu.memory_space<smem>>
        %get3A_1276 = arith.index_cast %get3A_1275 : i32 to index
        %get3A_1277 = arith.constant 0 : index
        %get3A_1278 = vector.load %arg20[%get3A_1276, %get3A_1277] : memref<1026x64xf32, #tpu.memory_space<vmem>>, vector<1x64xf32>
        %swap3A_1279 = arith.constant 47 : index
        %swap3A_1280 = arith.constant 0 : index
        %swap3A_1281 = vector.load %arg29[%swap3A_1279, %swap3A_1280] : memref<48x128xf32, #tpu.memory_space<vmem>>, vector<1x64xf32>
        tpu.vector_store %arg29[%swap3A_1279, %swap3A_1280], %get3A_1278 {strides = array<i32>} : memref<48x128xf32, #tpu.memory_space<vmem>>, vector<1x64xf32>,
        %add3A_1282 = arith.constant 0 : i32
        %add3A_1283 = arith.addi %while3A_323, %add3A_1282 : i32
        %sub3A_1284 = arith.constant 1 : i32
        %sub3A_1285 = arith.subi %get3A_320, %sub3A_1284 : i32
        %min3A_1286 = arith.minsi %add3A_1283, %sub3A_1285 : i32
        %get3A_1287 = arith.index_cast %min3A_1286 : i32 to index
        %get3A_1288 = memref.load %arg35[%get3A_1287] : memref<512xi32, #tpu.memory_space<smem>>
        %lt3A_1289 = arith.cmpi slt, %add3A_1283, %get3A_320 : i32
        %jit3A_1290 = arith.constant 1024 : i32
        %select_n3A_1291 = arith.select %lt3A_1289, %get3A_1288, %jit3A_1290 : i32
        %sub3A_1292 = arith.constant 512 : i32
        %sub3A_1293 = arith.subi %get3A_1288, %sub3A_1292 : i32
        %get3A_1294 = arith.index_cast %sub3A_1293 : i32 to index
        %get3A_1295 = arith.constant 0 : index
        %get3A_1296 = memref.load %arg4[%get3A_1294, %get3A_1295] : memref<512x4xi32, #tpu.memory_space<smem>>
        %get3A_1297 = arith.index_cast %get3A_1296 : i32 to index
        %get3A_1298 = arith.constant 0 : index
        %get3A_1299 = vector.load %arg21[%get3A_1297, %get3A_1298] : memref<1025x64xf32, #tpu.memory_space<vmem>>, vector<1x64xf32>
        %get3A_1300 = arith.index_cast %sub3A_1293 : i32 to index
        %get3A_1301 = arith.constant 1 : index
        %get3A_1302 = memref.load %arg4[%get3A_1300, %get3A_1301] : memref<512x4xi32, #tpu.memory_space<smem>>
        %get3A_1303 = arith.index_cast %get3A_1302 : i32 to index
        %get3A_1304 = arith.constant 0 : index
        %get3A_1305 = vector.load %arg21[%get3A_1303, %get3A_1304] : memref<1025x64xf32, #tpu.memory_space<vmem>>, vector<1x64xf32>
        %add3A_1306 = arith.addf %get3A_1299, %get3A_1305 : vector<1x64xf32>
        %get3A_1307 = arith.index_cast %sub3A_1293 : i32 to index
        %get3A_1308 = arith.constant 2 : index
        %get3A_1309 = memref.load %arg4[%get3A_1307, %get3A_1308] : memref<512x4xi32, #tpu.memory_space<smem>>
        %get3A_1310 = arith.index_cast %get3A_1309 : i32 to index
        %get3A_1311 = arith.constant 0 : index
        %get3A_1312 = vector.load %arg21[%get3A_1310, %get3A_1311] : memref<1025x64xf32, #tpu.memory_space<vmem>>, vector<1x64xf32>
        %add3A_1313 = arith.addf %add3A_1306, %get3A_1312 : vector<1x64xf32>
        %get3A_1314 = arith.index_cast %sub3A_1293 : i32 to index
        %get3A_1315 = arith.constant 3 : index
        %get3A_1316 = memref.load %arg4[%get3A_1314, %get3A_1315] : memref<512x4xi32, #tpu.memory_space<smem>>
        %get3A_1317 = arith.index_cast %get3A_1316 : i32 to index
        %get3A_1318 = arith.constant 0 : index
        %get3A_1319 = vector.load %arg21[%get3A_1317, %get3A_1318] : memref<1025x64xf32, #tpu.memory_space<vmem>>, vector<1x64xf32>
        %add3A_1320 = arith.addf %add3A_1313, %get3A_1319 : vector<1x64xf32>
        %swap3A_1321 = arith.constant 0 : index
        %swap3A_1322 = arith.constant 64 : index
        %swap3A_1323 = vector.load %arg29[%swap3A_1321, %swap3A_1322] : memref<48x128xf32, #tpu.memory_space<vmem>>, vector<1x64xf32>
        tpu.vector_store %arg29[%swap3A_1321, %swap3A_1322], %add3A_1320 {strides = array<i32>} : memref<48x128xf32, #tpu.memory_space<vmem>>, vector<1x64xf32>,
        %add3A_1324 = arith.constant 1 : i32
        %add3A_1325 = arith.addi %while3A_323, %add3A_1324 : i32
        %sub3A_1326 = arith.constant 1 : i32
        %sub3A_1327 = arith.subi %get3A_320, %sub3A_1326 : i32
        %min3A_1328 = arith.minsi %add3A_1325, %sub3A_1327 : i32
        %get3A_1329 = arith.index_cast %min3A_1328 : i32 to index
        %get3A_1330 = memref.load %arg35[%get3A_1329] : memref<512xi32, #tpu.memory_space<smem>>
        %lt3A_1331 = arith.cmpi slt, %add3A_1325, %get3A_320 : i32
        %jit3A_1332 = arith.constant 1024 : i32
        %select_n3A_1333 = arith.select %lt3A_1331, %get3A_1330, %jit3A_1332 : i32
        %sub3A_1334 = arith.constant 512 : i32
        %sub3A_1335 = arith.subi %get3A_1330, %sub3A_1334 : i32
        %get3A_1336 = arith.index_cast %sub3A_1335 : i32 to index
        %get3A_1337 = arith.constant 0 : index
        %get3A_1338 = memref.load %arg4[%get3A_1336, %get3A_1337] : memref<512x4xi32, #tpu.memory_space<smem>>
        %get3A_1339 = arith.index_cast %get3A_1338 : i32 to index
        %get3A_1340 = arith.constant 0 : index
        %get3A_1341 = vector.load %arg21[%get3A_1339, %get3A_1340] : memref<1025x64xf32, #tpu.memory_space<vmem>>, vector<1x64xf32>
        %get3A_1342 = arith.index_cast %sub3A_1335 : i32 to index
        %get3A_1343 = arith.constant 1 : index
        %get3A_1344 = memref.load %arg4[%get3A_1342, %get3A_1343] : memref<512x4xi32, #tpu.memory_space<smem>>
        %get3A_1345 = arith.index_cast %get3A_1344 : i32 to index
        %get3A_1346 = arith.constant 0 : index
        %get3A_1347 = vector.load %arg21[%get3A_1345, %get3A_1346] : memref<1025x64xf32, #tpu.memory_space<vmem>>, vector<1x64xf32>
        %add3A_1348 = arith.addf %get3A_1341, %get3A_1347 : vector<1x64xf32>
        %get3A_1349 = arith.index_cast %sub3A_1335 : i32 to index
        %get3A_1350 = arith.constant 2 : index
        %get3A_1351 = memref.load %arg4[%get3A_1349, %get3A_1350] : memref<512x4xi32, #tpu.memory_space<smem>>
        %get3A_1352 = arith.index_cast %get3A_1351 : i32 to index
        %get3A_1353 = arith.constant 0 : index
        %get3A_1354 = vector.load %arg21[%get3A_1352, %get3A_1353] : memref<1025x64xf32, #tpu.memory_space<vmem>>, vector<1x64xf32>
        %add3A_1355 = arith.addf %add3A_1348, %get3A_1354 : vector<1x64xf32>
        %get3A_1356 = arith.index_cast %sub3A_1335 : i32 to index
        %get3A_1357 = arith.constant 3 : index
        %get3A_1358 = memref.load %arg4[%get3A_1356, %get3A_1357] : memref<512x4xi32, #tpu.memory_space<smem>>
        %get3A_1359 = arith.index_cast %get3A_1358 : i32 to index
        %get3A_1360 = arith.constant 0 : index
        %get3A_1361 = vector.load %arg21[%get3A_1359, %get3A_1360] : memref<1025x64xf32, #tpu.memory_space<vmem>>, vector<1x64xf32>
        %add3A_1362 = arith.addf %add3A_1355, %get3A_1361 : vector<1x64xf32>
        %swap3A_1363 = arith.constant 1 : index
        %swap3A_1364 = arith.constant 64 : index
        %swap3A_1365 = vector.load %arg29[%swap3A_1363, %swap3A_1364] : memref<48x128xf32, #tpu.memory_space<vmem>>, vector<1x64xf32>
        tpu.vector_store %arg29[%swap3A_1363, %swap3A_1364], %add3A_1362 {strides = array<i32>} : memref<48x128xf32, #tpu.memory_space<vmem>>, vector<1x64xf32>,
        %add3A_1366 = arith.constant 2 : i32
        %add3A_1367 = arith.addi %while3A_323, %add3A_1366 : i32
        %sub3A_1368 = arith.constant 1 : i32
        %sub3A_1369 = arith.subi %get3A_320, %sub3A_1368 : i32
        %min3A_1370 = arith.minsi %add3A_1367, %sub3A_1369 : i32
        %get3A_1371 = arith.index_cast %min3A_1370 : i32 to index
        %get3A_1372 = memref.load %arg35[%get3A_1371] : memref<512xi32, #tpu.memory_space<smem>>
        %lt3A_1373 = arith.cmpi slt, %add3A_1367, %get3A_320 : i32
        %jit3A_1374 = arith.constant 1024 : i32
        %select_n3A_1375 = arith.select %lt3A_1373, %get3A_1372, %jit3A_1374 : i32
        %sub3A_1376 = arith.constant 512 : i32
        %sub3A_1377 = arith.subi %get3A_1372, %sub3A_1376 : i32
        %get3A_1378 = arith.index_cast %sub3A_1377 : i32 to index
        %get3A_1379 = arith.constant 0 : index
        %get3A_1380 = memref.load %arg4[%get3A_1378, %get3A_1379] : memref<512x4xi32, #tpu.memory_space<smem>>
        %get3A_1381 = arith.index_cast %get3A_1380 : i32 to index
        %get3A_1382 = arith.constant 0 : index
        %get3A_1383 = vector.load %arg21[%get3A_1381, %get3A_1382] : memref<1025x64xf32, #tpu.memory_space<vmem>>, vector<1x64xf32>
        %get3A_1384 = arith.index_cast %sub3A_1377 : i32 to index
        %get3A_1385 = arith.constant 1 : index
        %get3A_1386 = memref.load %arg4[%get3A_1384, %get3A_1385] : memref<512x4xi32, #tpu.memory_space<smem>>
        %get3A_1387 = arith.index_cast %get3A_1386 : i32 to index
        %get3A_1388 = arith.constant 0 : index
        %get3A_1389 = vector.load %arg21[%get3A_1387, %get3A_1388] : memref<1025x64xf32, #tpu.memory_space<vmem>>, vector<1x64xf32>
        %add3A_1390 = arith.addf %get3A_1383, %get3A_1389 : vector<1x64xf32>
        %get3A_1391 = arith.index_cast %sub3A_1377 : i32 to index
        %get3A_1392 = arith.constant 2 : index
        %get3A_1393 = memref.load %arg4[%get3A_1391, %get3A_1392] : memref<512x4xi32, #tpu.memory_space<smem>>
        %get3A_1394 = arith.index_cast %get3A_1393 : i32 to index
        %get3A_1395 = arith.constant 0 : index
        %get3A_1396 = vector.load %arg21[%get3A_1394, %get3A_1395] : memref<1025x64xf32, #tpu.memory_space<vmem>>, vector<1x64xf32>
        %add3A_1397 = arith.addf %add3A_1390, %get3A_1396 : vector<1x64xf32>
        %get3A_1398 = arith.index_cast %sub3A_1377 : i32 to index
        %get3A_1399 = arith.constant 3 : index
        %get3A_1400 = memref.load %arg4[%get3A_1398, %get3A_1399] : memref<512x4xi32, #tpu.memory_space<smem>>
        %get3A_1401 = arith.index_cast %get3A_1400 : i32 to index
        %get3A_1402 = arith.constant 0 : index
        %get3A_1403 = vector.load %arg21[%get3A_1401, %get3A_1402] : memref<1025x64xf32, #tpu.memory_space<vmem>>, vector<1x64xf32>
        %add3A_1404 = arith.addf %add3A_1397, %get3A_1403 : vector<1x64xf32>
        %swap3A_1405 = arith.constant 2 : index
        %swap3A_1406 = arith.constant 64 : index
        %swap3A_1407 = vector.load %arg29[%swap3A_1405, %swap3A_1406] : memref<48x128xf32, #tpu.memory_space<vmem>>, vector<1x64xf32>
        tpu.vector_store %arg29[%swap3A_1405, %swap3A_1406], %add3A_1404 {strides = array<i32>} : memref<48x128xf32, #tpu.memory_space<vmem>>, vector<1x64xf32>,
        %add3A_1408 = arith.constant 3 : i32
        %add3A_1409 = arith.addi %while3A_323, %add3A_1408 : i32
        %sub3A_1410 = arith.constant 1 : i32
        %sub3A_1411 = arith.subi %get3A_320, %sub3A_1410 : i32
        %min3A_1412 = arith.minsi %add3A_1409, %sub3A_1411 : i32
        %get3A_1413 = arith.index_cast %min3A_1412 : i32 to index
        %get3A_1414 = memref.load %arg35[%get3A_1413] : memref<512xi32, #tpu.memory_space<smem>>
        %lt3A_1415 = arith.cmpi slt, %add3A_1409, %get3A_320 : i32
        %jit3A_1416 = arith.constant 1024 : i32
        %select_n3A_1417 = arith.select %lt3A_1415, %get3A_1414, %jit3A_1416 : i32
        %sub3A_1418 = arith.constant 512 : i32
        %sub3A_1419 = arith.subi %get3A_1414, %sub3A_1418 : i32
        %get3A_1420 = arith.index_cast %sub3A_1419 : i32 to index
        %get3A_1421 = arith.constant 0 : index
        %get3A_1422 = memref.load %arg4[%get3A_1420, %get3A_1421] : memref<512x4xi32, #tpu.memory_space<smem>>
        %get3A_1423 = arith.index_cast %get3A_1422 : i32 to index
        %get3A_1424 = arith.constant 0 : index
        %get3A_1425 = vector.load %arg21[%get3A_1423, %get3A_1424] : memref<1025x64xf32, #tpu.memory_space<vmem>>, vector<1x64xf32>
        %get3A_1426 = arith.index_cast %sub3A_1419 : i32 to index
        %get3A_1427 = arith.constant 1 : index
        %get3A_1428 = memref.load %arg4[%get3A_1426, %get3A_1427] : memref<512x4xi32, #tpu.memory_space<smem>>
        %get3A_1429 = arith.index_cast %get3A_1428 : i32 to index
        %get3A_1430 = arith.constant 0 : index
        %get3A_1431 = vector.load %arg21[%get3A_1429, %get3A_1430] : memref<1025x64xf32, #tpu.memory_space<vmem>>, vector<1x64xf32>
        %add3A_1432 = arith.addf %get3A_1425, %get3A_1431 : vector<1x64xf32>
        %get3A_1433 = arith.index_cast %sub3A_1419 : i32 to index
        %get3A_1434 = arith.constant 2 : index
        %get3A_1435 = memref.load %arg4[%get3A_1433, %get3A_1434] : memref<512x4xi32, #tpu.memory_space<smem>>
        %get3A_1436 = arith.index_cast %get3A_1435 : i32 to index
        %get3A_1437 = arith.constant 0 : index
        %get3A_1438 = vector.load %arg21[%get3A_1436, %get3A_1437] : memref<1025x64xf32, #tpu.memory_space<vmem>>, vector<1x64xf32>
        %add3A_1439 = arith.addf %add3A_1432, %get3A_1438 : vector<1x64xf32>
        %get3A_1440 = arith.index_cast %sub3A_1419 : i32 to index
        %get3A_1441 = arith.constant 3 : index
        %get3A_1442 = memref.load %arg4[%get3A_1440, %get3A_1441] : memref<512x4xi32, #tpu.memory_space<smem>>
        %get3A_1443 = arith.index_cast %get3A_1442 : i32 to index
        %get3A_1444 = arith.constant 0 : index
        %get3A_1445 = vector.load %arg21[%get3A_1443, %get3A_1444] : memref<1025x64xf32, #tpu.memory_space<vmem>>, vector<1x64xf32>
        %add3A_1446 = arith.addf %add3A_1439, %get3A_1445 : vector<1x64xf32>
        %swap3A_1447 = arith.constant 3 : index
        %swap3A_1448 = arith.constant 64 : index
        %swap3A_1449 = vector.load %arg29[%swap3A_1447, %swap3A_1448] : memref<48x128xf32, #tpu.memory_space<vmem>>, vector<1x64xf32>
        tpu.vector_store %arg29[%swap3A_1447, %swap3A_1448], %add3A_1446 {strides = array<i32>} : memref<48x128xf32, #tpu.memory_space<vmem>>, vector<1x64xf32>,
        %add3A_1450 = arith.constant 4 : i32
        %add3A_1451 = arith.addi %while3A_323, %add3A_1450 : i32
        %sub3A_1452 = arith.constant 1 : i32
        %sub3A_1453 = arith.subi %get3A_320, %sub3A_1452 : i32
        %min3A_1454 = arith.minsi %add3A_1451, %sub3A_1453 : i32
        %get3A_1455 = arith.index_cast %min3A_1454 : i32 to index
        %get3A_1456 = memref.load %arg35[%get3A_1455] : memref<512xi32, #tpu.memory_space<smem>>
        %lt3A_1457 = arith.cmpi slt, %add3A_1451, %get3A_320 : i32
        %jit3A_1458 = arith.constant 1024 : i32
        %select_n3A_1459 = arith.select %lt3A_1457, %get3A_1456, %jit3A_1458 : i32
        %sub3A_1460 = arith.constant 512 : i32
        %sub3A_1461 = arith.subi %get3A_1456, %sub3A_1460 : i32
        %get3A_1462 = arith.index_cast %sub3A_1461 : i32 to index
        %get3A_1463 = arith.constant 0 : index
        %get3A_1464 = memref.load %arg4[%get3A_1462, %get3A_1463] : memref<512x4xi32, #tpu.memory_space<smem>>
        %get3A_1465 = arith.index_cast %get3A_1464 : i32 to index
        %get3A_1466 = arith.constant 0 : index
        %get3A_1467 = vector.load %arg21[%get3A_1465, %get3A_1466] : memref<1025x64xf32, #tpu.memory_space<vmem>>, vector<1x64xf32>
        %get3A_1468 = arith.index_cast %sub3A_1461 : i32 to index
        %get3A_1469 = arith.constant 1 : index
        %get3A_1470 = memref.load %arg4[%get3A_1468, %get3A_1469] : memref<512x4xi32, #tpu.memory_space<smem>>
        %get3A_1471 = arith.index_cast %get3A_1470 : i32 to index
        %get3A_1472 = arith.constant 0 : index
        %get3A_1473 = vector.load %arg21[%get3A_1471, %get3A_1472] : memref<1025x64xf32, #tpu.memory_space<vmem>>, vector<1x64xf32>
        %add3A_1474 = arith.addf %get3A_1467, %get3A_1473 : vector<1x64xf32>
        %get3A_1475 = arith.index_cast %sub3A_1461 : i32 to index
        %get3A_1476 = arith.constant 2 : index
        %get3A_1477 = memref.load %arg4[%get3A_1475, %get3A_1476] : memref<512x4xi32, #tpu.memory_space<smem>>
        %get3A_1478 = arith.index_cast %get3A_1477 : i32 to index
        %get3A_1479 = arith.constant 0 : index
        %get3A_1480 = vector.load %arg21[%get3A_1478, %get3A_1479] : memref<1025x64xf32, #tpu.memory_space<vmem>>, vector<1x64xf32>
        %add3A_1481 = arith.addf %add3A_1474, %get3A_1480 : vector<1x64xf32>
        %get3A_1482 = arith.index_cast %sub3A_1461 : i32 to index
        %get3A_1483 = arith.constant 3 : index
        %get3A_1484 = memref.load %arg4[%get3A_1482, %get3A_1483] : memref<512x4xi32, #tpu.memory_space<smem>>
        %get3A_1485 = arith.index_cast %get3A_1484 : i32 to index
        %get3A_1486 = arith.constant 0 : index
        %get3A_1487 = vector.load %arg21[%get3A_1485, %get3A_1486] : memref<1025x64xf32, #tpu.memory_space<vmem>>, vector<1x64xf32>
        %add3A_1488 = arith.addf %add3A_1481, %get3A_1487 : vector<1x64xf32>
        %swap3A_1489 = arith.constant 4 : index
        %swap3A_1490 = arith.constant 64 : index
        %swap3A_1491 = vector.load %arg29[%swap3A_1489, %swap3A_1490] : memref<48x128xf32, #tpu.memory_space<vmem>>, vector<1x64xf32>
        tpu.vector_store %arg29[%swap3A_1489, %swap3A_1490], %add3A_1488 {strides = array<i32>} : memref<48x128xf32, #tpu.memory_space<vmem>>, vector<1x64xf32>,
        %add3A_1492 = arith.constant 5 : i32
        %add3A_1493 = arith.addi %while3A_323, %add3A_1492 : i32
        %sub3A_1494 = arith.constant 1 : i32
        %sub3A_1495 = arith.subi %get3A_320, %sub3A_1494 : i32
        %min3A_1496 = arith.minsi %add3A_1493, %sub3A_1495 : i32
        %get3A_1497 = arith.index_cast %min3A_1496 : i32 to index
        %get3A_1498 = memref.load %arg35[%get3A_1497] : memref<512xi32, #tpu.memory_space<smem>>
        %lt3A_1499 = arith.cmpi slt, %add3A_1493, %get3A_320 : i32
        %jit3A_1500 = arith.constant 1024 : i32
        %select_n3A_1501 = arith.select %lt3A_1499, %get3A_1498, %jit3A_1500 : i32
        %sub3A_1502 = arith.constant 512 : i32
        %sub3A_1503 = arith.subi %get3A_1498, %sub3A_1502 : i32
        %get3A_1504 = arith.index_cast %sub3A_1503 : i32 to index
        %get3A_1505 = arith.constant 0 : index
        %get3A_1506 = memref.load %arg4[%get3A_1504, %get3A_1505] : memref<512x4xi32, #tpu.memory_space<smem>>
        %get3A_1507 = arith.index_cast %get3A_1506 : i32 to index
        %get3A_1508 = arith.constant 0 : index
        %get3A_1509 = vector.load %arg21[%get3A_1507, %get3A_1508] : memref<1025x64xf32, #tpu.memory_space<vmem>>, vector<1x64xf32>
        %get3A_1510 = arith.index_cast %sub3A_1503 : i32 to index
        %get3A_1511 = arith.constant 1 : index
        %get3A_1512 = memref.load %arg4[%get3A_1510, %get3A_1511] : memref<512x4xi32, #tpu.memory_space<smem>>
        %get3A_1513 = arith.index_cast %get3A_1512 : i32 to index
        %get3A_1514 = arith.constant 0 : index
        %get3A_1515 = vector.load %arg21[%get3A_1513, %get3A_1514] : memref<1025x64xf32, #tpu.memory_space<vmem>>, vector<1x64xf32>
        %add3A_1516 = arith.addf %get3A_1509, %get3A_1515 : vector<1x64xf32>
        %get3A_1517 = arith.index_cast %sub3A_1503 : i32 to index
        %get3A_1518 = arith.constant 2 : index
        %get3A_1519 = memref.load %arg4[%get3A_1517, %get3A_1518] : memref<512x4xi32, #tpu.memory_space<smem>>
        %get3A_1520 = arith.index_cast %get3A_1519 : i32 to index
        %get3A_1521 = arith.constant 0 : index
        %get3A_1522 = vector.load %arg21[%get3A_1520, %get3A_1521] : memref<1025x64xf32, #tpu.memory_space<vmem>>, vector<1x64xf32>
        %add3A_1523 = arith.addf %add3A_1516, %get3A_1522 : vector<1x64xf32>
        %get3A_1524 = arith.index_cast %sub3A_1503 : i32 to index
        %get3A_1525 = arith.constant 3 : index
        %get3A_1526 = memref.load %arg4[%get3A_1524, %get3A_1525] : memref<512x4xi32, #tpu.memory_space<smem>>
        %get3A_1527 = arith.index_cast %get3A_1526 : i32 to index
        %get3A_1528 = arith.constant 0 : index
        %get3A_1529 = vector.load %arg21[%get3A_1527, %get3A_1528] : memref<1025x64xf32, #tpu.memory_space<vmem>>, vector<1x64xf32>
        %add3A_1530 = arith.addf %add3A_1523, %get3A_1529 : vector<1x64xf32>
        %swap3A_1531 = arith.constant 5 : index
        %swap3A_1532 = arith.constant 64 : index
        %swap3A_1533 = vector.load %arg29[%swap3A_1531, %swap3A_1532] : memref<48x128xf32, #tpu.memory_space<vmem>>, vector<1x64xf32>
        tpu.vector_store %arg29[%swap3A_1531, %swap3A_1532], %add3A_1530 {strides = array<i32>} : memref<48x128xf32, #tpu.memory_space<vmem>>, vector<1x64xf32>,
        %add3A_1534 = arith.constant 6 : i32
        %add3A_1535 = arith.addi %while3A_323, %add3A_1534 : i32
        %sub3A_1536 = arith.constant 1 : i32
        %sub3A_1537 = arith.subi %get3A_320, %sub3A_1536 : i32
        %min3A_1538 = arith.minsi %add3A_1535, %sub3A_1537 : i32
        %get3A_1539 = arith.index_cast %min3A_1538 : i32 to index
        %get3A_1540 = memref.load %arg35[%get3A_1539] : memref<512xi32, #tpu.memory_space<smem>>
        %lt3A_1541 = arith.cmpi slt, %add3A_1535, %get3A_320 : i32
        %jit3A_1542 = arith.constant 1024 : i32
        %select_n3A_1543 = arith.select %lt3A_1541, %get3A_1540, %jit3A_1542 : i32
        %sub3A_1544 = arith.constant 512 : i32
        %sub3A_1545 = arith.subi %get3A_1540, %sub3A_1544 : i32
        %get3A_1546 = arith.index_cast %sub3A_1545 : i32 to index
        %get3A_1547 = arith.constant 0 : index
        %get3A_1548 = memref.load %arg4[%get3A_1546, %get3A_1547] : memref<512x4xi32, #tpu.memory_space<smem>>
        %get3A_1549 = arith.index_cast %get3A_1548 : i32 to index
        %get3A_1550 = arith.constant 0 : index
        %get3A_1551 = vector.load %arg21[%get3A_1549, %get3A_1550] : memref<1025x64xf32, #tpu.memory_space<vmem>>, vector<1x64xf32>
        %get3A_1552 = arith.index_cast %sub3A_1545 : i32 to index
        %get3A_1553 = arith.constant 1 : index
        %get3A_1554 = memref.load %arg4[%get3A_1552, %get3A_1553] : memref<512x4xi32, #tpu.memory_space<smem>>
        %get3A_1555 = arith.index_cast %get3A_1554 : i32 to index
        %get3A_1556 = arith.constant 0 : index
        %get3A_1557 = vector.load %arg21[%get3A_1555, %get3A_1556] : memref<1025x64xf32, #tpu.memory_space<vmem>>, vector<1x64xf32>
        %add3A_1558 = arith.addf %get3A_1551, %get3A_1557 : vector<1x64xf32>
        %get3A_1559 = arith.index_cast %sub3A_1545 : i32 to index
        %get3A_1560 = arith.constant 2 : index
        %get3A_1561 = memref.load %arg4[%get3A_1559, %get3A_1560] : memref<512x4xi32, #tpu.memory_space<smem>>
        %get3A_1562 = arith.index_cast %get3A_1561 : i32 to index
        %get3A_1563 = arith.constant 0 : index
        %get3A_1564 = vector.load %arg21[%get3A_1562, %get3A_1563] : memref<1025x64xf32, #tpu.memory_space<vmem>>, vector<1x64xf32>
        %add3A_1565 = arith.addf %add3A_1558, %get3A_1564 : vector<1x64xf32>
        %get3A_1566 = arith.index_cast %sub3A_1545 : i32 to index
        %get3A_1567 = arith.constant 3 : index
        %get3A_1568 = memref.load %arg4[%get3A_1566, %get3A_1567] : memref<512x4xi32, #tpu.memory_space<smem>>
        %get3A_1569 = arith.index_cast %get3A_1568 : i32 to index
        %get3A_1570 = arith.constant 0 : index
        %get3A_1571 = vector.load %arg21[%get3A_1569, %get3A_1570] : memref<1025x64xf32, #tpu.memory_space<vmem>>, vector<1x64xf32>
        %add3A_1572 = arith.addf %add3A_1565, %get3A_1571 : vector<1x64xf32>
        %swap3A_1573 = arith.constant 6 : index
        %swap3A_1574 = arith.constant 64 : index
        %swap3A_1575 = vector.load %arg29[%swap3A_1573, %swap3A_1574] : memref<48x128xf32, #tpu.memory_space<vmem>>, vector<1x64xf32>
        tpu.vector_store %arg29[%swap3A_1573, %swap3A_1574], %add3A_1572 {strides = array<i32>} : memref<48x128xf32, #tpu.memory_space<vmem>>, vector<1x64xf32>,
        %add3A_1576 = arith.constant 7 : i32
        %add3A_1577 = arith.addi %while3A_323, %add3A_1576 : i32
        %sub3A_1578 = arith.constant 1 : i32
        %sub3A_1579 = arith.subi %get3A_320, %sub3A_1578 : i32
        %min3A_1580 = arith.minsi %add3A_1577, %sub3A_1579 : i32
        %get3A_1581 = arith.index_cast %min3A_1580 : i32 to index
        %get3A_1582 = memref.load %arg35[%get3A_1581] : memref<512xi32, #tpu.memory_space<smem>>
        %lt3A_1583 = arith.cmpi slt, %add3A_1577, %get3A_320 : i32
        %jit3A_1584 = arith.constant 1024 : i32
        %select_n3A_1585 = arith.select %lt3A_1583, %get3A_1582, %jit3A_1584 : i32
        %sub3A_1586 = arith.constant 512 : i32
        %sub3A_1587 = arith.subi %get3A_1582, %sub3A_1586 : i32
        %get3A_1588 = arith.index_cast %sub3A_1587 : i32 to index
        %get3A_1589 = arith.constant 0 : index
        %get3A_1590 = memref.load %arg4[%get3A_1588, %get3A_1589] : memref<512x4xi32, #tpu.memory_space<smem>>
        %get3A_1591 = arith.index_cast %get3A_1590 : i32 to index
        %get3A_1592 = arith.constant 0 : index
        %get3A_1593 = vector.load %arg21[%get3A_1591, %get3A_1592] : memref<1025x64xf32, #tpu.memory_space<vmem>>, vector<1x64xf32>
        %get3A_1594 = arith.index_cast %sub3A_1587 : i32 to index
        %get3A_1595 = arith.constant 1 : index
        %get3A_1596 = memref.load %arg4[%get3A_1594, %get3A_1595] : memref<512x4xi32, #tpu.memory_space<smem>>
        %get3A_1597 = arith.index_cast %get3A_1596 : i32 to index
        %get3A_1598 = arith.constant 0 : index
        %get3A_1599 = vector.load %arg21[%get3A_1597, %get3A_1598] : memref<1025x64xf32, #tpu.memory_space<vmem>>, vector<1x64xf32>
        %add3A_1600 = arith.addf %get3A_1593, %get3A_1599 : vector<1x64xf32>
        %get3A_1601 = arith.index_cast %sub3A_1587 : i32 to index
        %get3A_1602 = arith.constant 2 : index
        %get3A_1603 = memref.load %arg4[%get3A_1601, %get3A_1602] : memref<512x4xi32, #tpu.memory_space<smem>>
        %get3A_1604 = arith.index_cast %get3A_1603 : i32 to index
        %get3A_1605 = arith.constant 0 : index
        %get3A_1606 = vector.load %arg21[%get3A_1604, %get3A_1605] : memref<1025x64xf32, #tpu.memory_space<vmem>>, vector<1x64xf32>
        %add3A_1607 = arith.addf %add3A_1600, %get3A_1606 : vector<1x64xf32>
        %get3A_1608 = arith.index_cast %sub3A_1587 : i32 to index
        %get3A_1609 = arith.constant 3 : index
        %get3A_1610 = memref.load %arg4[%get3A_1608, %get3A_1609] : memref<512x4xi32, #tpu.memory_space<smem>>
        %get3A_1611 = arith.index_cast %get3A_1610 : i32 to index
        %get3A_1612 = arith.constant 0 : index
        %get3A_1613 = vector.load %arg21[%get3A_1611, %get3A_1612] : memref<1025x64xf32, #tpu.memory_space<vmem>>, vector<1x64xf32>
        %add3A_1614 = arith.addf %add3A_1607, %get3A_1613 : vector<1x64xf32>
        %swap3A_1615 = arith.constant 7 : index
        %swap3A_1616 = arith.constant 64 : index
        %swap3A_1617 = vector.load %arg29[%swap3A_1615, %swap3A_1616] : memref<48x128xf32, #tpu.memory_space<vmem>>, vector<1x64xf32>
        tpu.vector_store %arg29[%swap3A_1615, %swap3A_1616], %add3A_1614 {strides = array<i32>} : memref<48x128xf32, #tpu.memory_space<vmem>>, vector<1x64xf32>,
        %add3A_1618 = arith.constant 8 : i32
        %add3A_1619 = arith.addi %while3A_323, %add3A_1618 : i32
        %sub3A_1620 = arith.constant 1 : i32
        %sub3A_1621 = arith.subi %get3A_320, %sub3A_1620 : i32
        %min3A_1622 = arith.minsi %add3A_1619, %sub3A_1621 : i32
        %get3A_1623 = arith.index_cast %min3A_1622 : i32 to index
        %get3A_1624 = memref.load %arg35[%get3A_1623] : memref<512xi32, #tpu.memory_space<smem>>
        %lt3A_1625 = arith.cmpi slt, %add3A_1619, %get3A_320 : i32
        %jit3A_1626 = arith.constant 1024 : i32
        %select_n3A_1627 = arith.select %lt3A_1625, %get3A_1624, %jit3A_1626 : i32
        %sub3A_1628 = arith.constant 512 : i32
        %sub3A_1629 = arith.subi %get3A_1624, %sub3A_1628 : i32
        %get3A_1630 = arith.index_cast %sub3A_1629 : i32 to index
        %get3A_1631 = arith.constant 0 : index
        %get3A_1632 = memref.load %arg4[%get3A_1630, %get3A_1631] : memref<512x4xi32, #tpu.memory_space<smem>>
        %get3A_1633 = arith.index_cast %get3A_1632 : i32 to index
        %get3A_1634 = arith.constant 0 : index
        %get3A_1635 = vector.load %arg21[%get3A_1633, %get3A_1634] : memref<1025x64xf32, #tpu.memory_space<vmem>>, vector<1x64xf32>
        %get3A_1636 = arith.index_cast %sub3A_1629 : i32 to index
        %get3A_1637 = arith.constant 1 : index
        %get3A_1638 = memref.load %arg4[%get3A_1636, %get3A_1637] : memref<512x4xi32, #tpu.memory_space<smem>>
        %get3A_1639 = arith.index_cast %get3A_1638 : i32 to index
        %get3A_1640 = arith.constant 0 : index
        %get3A_1641 = vector.load %arg21[%get3A_1639, %get3A_1640] : memref<1025x64xf32, #tpu.memory_space<vmem>>, vector<1x64xf32>
        %add3A_1642 = arith.addf %get3A_1635, %get3A_1641 : vector<1x64xf32>
        %get3A_1643 = arith.index_cast %sub3A_1629 : i32 to index
        %get3A_1644 = arith.constant 2 : index
        %get3A_1645 = memref.load %arg4[%get3A_1643, %get3A_1644] : memref<512x4xi32, #tpu.memory_space<smem>>
        %get3A_1646 = arith.index_cast %get3A_1645 : i32 to index
        %get3A_1647 = arith.constant 0 : index
        %get3A_1648 = vector.load %arg21[%get3A_1646, %get3A_1647] : memref<1025x64xf32, #tpu.memory_space<vmem>>, vector<1x64xf32>
        %add3A_1649 = arith.addf %add3A_1642, %get3A_1648 : vector<1x64xf32>
        %get3A_1650 = arith.index_cast %sub3A_1629 : i32 to index
        %get3A_1651 = arith.constant 3 : index
        %get3A_1652 = memref.load %arg4[%get3A_1650, %get3A_1651] : memref<512x4xi32, #tpu.memory_space<smem>>
        %get3A_1653 = arith.index_cast %get3A_1652 : i32 to index
        %get3A_1654 = arith.constant 0 : index
        %get3A_1655 = vector.load %arg21[%get3A_1653, %get3A_1654] : memref<1025x64xf32, #tpu.memory_space<vmem>>, vector<1x64xf32>
        %add3A_1656 = arith.addf %add3A_1649, %get3A_1655 : vector<1x64xf32>
        %swap3A_1657 = arith.constant 8 : index
        %swap3A_1658 = arith.constant 64 : index
        %swap3A_1659 = vector.load %arg29[%swap3A_1657, %swap3A_1658] : memref<48x128xf32, #tpu.memory_space<vmem>>, vector<1x64xf32>
        tpu.vector_store %arg29[%swap3A_1657, %swap3A_1658], %add3A_1656 {strides = array<i32>} : memref<48x128xf32, #tpu.memory_space<vmem>>, vector<1x64xf32>,
        %add3A_1660 = arith.constant 9 : i32
        %add3A_1661 = arith.addi %while3A_323, %add3A_1660 : i32
        %sub3A_1662 = arith.constant 1 : i32
        %sub3A_1663 = arith.subi %get3A_320, %sub3A_1662 : i32
        %min3A_1664 = arith.minsi %add3A_1661, %sub3A_1663 : i32
        %get3A_1665 = arith.index_cast %min3A_1664 : i32 to index
        %get3A_1666 = memref.load %arg35[%get3A_1665] : memref<512xi32, #tpu.memory_space<smem>>
        %lt3A_1667 = arith.cmpi slt, %add3A_1661, %get3A_320 : i32
        %jit3A_1668 = arith.constant 1024 : i32
        %select_n3A_1669 = arith.select %lt3A_1667, %get3A_1666, %jit3A_1668 : i32
        %sub3A_1670 = arith.constant 512 : i32
        %sub3A_1671 = arith.subi %get3A_1666, %sub3A_1670 : i32
        %get3A_1672 = arith.index_cast %sub3A_1671 : i32 to index
        %get3A_1673 = arith.constant 0 : index
        %get3A_1674 = memref.load %arg4[%get3A_1672, %get3A_1673] : memref<512x4xi32, #tpu.memory_space<smem>>
        %get3A_1675 = arith.index_cast %get3A_1674 : i32 to index
        %get3A_1676 = arith.constant 0 : index
        %get3A_1677 = vector.load %arg21[%get3A_1675, %get3A_1676] : memref<1025x64xf32, #tpu.memory_space<vmem>>, vector<1x64xf32>
        %get3A_1678 = arith.index_cast %sub3A_1671 : i32 to index
        %get3A_1679 = arith.constant 1 : index
        %get3A_1680 = memref.load %arg4[%get3A_1678, %get3A_1679] : memref<512x4xi32, #tpu.memory_space<smem>>
        %get3A_1681 = arith.index_cast %get3A_1680 : i32 to index
        %get3A_1682 = arith.constant 0 : index
        %get3A_1683 = vector.load %arg21[%get3A_1681, %get3A_1682] : memref<1025x64xf32, #tpu.memory_space<vmem>>, vector<1x64xf32>
        %add3A_1684 = arith.addf %get3A_1677, %get3A_1683 : vector<1x64xf32>
        %get3A_1685 = arith.index_cast %sub3A_1671 : i32 to index
        %get3A_1686 = arith.constant 2 : index
        %get3A_1687 = memref.load %arg4[%get3A_1685, %get3A_1686] : memref<512x4xi32, #tpu.memory_space<smem>>
        %get3A_1688 = arith.index_cast %get3A_1687 : i32 to index
        %get3A_1689 = arith.constant 0 : index
        %get3A_1690 = vector.load %arg21[%get3A_1688, %get3A_1689] : memref<1025x64xf32, #tpu.memory_space<vmem>>, vector<1x64xf32>
        %add3A_1691 = arith.addf %add3A_1684, %get3A_1690 : vector<1x64xf32>
        %get3A_1692 = arith.index_cast %sub3A_1671 : i32 to index
        %get3A_1693 = arith.constant 3 : index
        %get3A_1694 = memref.load %arg4[%get3A_1692, %get3A_1693] : memref<512x4xi32, #tpu.memory_space<smem>>
        %get3A_1695 = arith.index_cast %get3A_1694 : i32 to index
        %get3A_1696 = arith.constant 0 : index
        %get3A_1697 = vector.load %arg21[%get3A_1695, %get3A_1696] : memref<1025x64xf32, #tpu.memory_space<vmem>>, vector<1x64xf32>
        %add3A_1698 = arith.addf %add3A_1691, %get3A_1697 : vector<1x64xf32>
        %swap3A_1699 = arith.constant 9 : index
        %swap3A_1700 = arith.constant 64 : index
        %swap3A_1701 = vector.load %arg29[%swap3A_1699, %swap3A_1700] : memref<48x128xf32, #tpu.memory_space<vmem>>, vector<1x64xf32>
        tpu.vector_store %arg29[%swap3A_1699, %swap3A_1700], %add3A_1698 {strides = array<i32>} : memref<48x128xf32, #tpu.memory_space<vmem>>, vector<1x64xf32>,
        %add3A_1702 = arith.constant 10 : i32
        %add3A_1703 = arith.addi %while3A_323, %add3A_1702 : i32
        %sub3A_1704 = arith.constant 1 : i32
        %sub3A_1705 = arith.subi %get3A_320, %sub3A_1704 : i32
        %min3A_1706 = arith.minsi %add3A_1703, %sub3A_1705 : i32
        %get3A_1707 = arith.index_cast %min3A_1706 : i32 to index
        %get3A_1708 = memref.load %arg35[%get3A_1707] : memref<512xi32, #tpu.memory_space<smem>>
        %lt3A_1709 = arith.cmpi slt, %add3A_1703, %get3A_320 : i32
        %jit3A_1710 = arith.constant 1024 : i32
        %select_n3A_1711 = arith.select %lt3A_1709, %get3A_1708, %jit3A_1710 : i32
        %sub3A_1712 = arith.constant 512 : i32
        %sub3A_1713 = arith.subi %get3A_1708, %sub3A_1712 : i32
        %get3A_1714 = arith.index_cast %sub3A_1713 : i32 to index
        %get3A_1715 = arith.constant 0 : index
        %get3A_1716 = memref.load %arg4[%get3A_1714, %get3A_1715] : memref<512x4xi32, #tpu.memory_space<smem>>
        %get3A_1717 = arith.index_cast %get3A_1716 : i32 to index
        %get3A_1718 = arith.constant 0 : index
        %get3A_1719 = vector.load %arg21[%get3A_1717, %get3A_1718] : memref<1025x64xf32, #tpu.memory_space<vmem>>, vector<1x64xf32>
        %get3A_1720 = arith.index_cast %sub3A_1713 : i32 to index
        %get3A_1721 = arith.constant 1 : index
        %get3A_1722 = memref.load %arg4[%get3A_1720, %get3A_1721] : memref<512x4xi32, #tpu.memory_space<smem>>
        %get3A_1723 = arith.index_cast %get3A_1722 : i32 to index
        %get3A_1724 = arith.constant 0 : index
        %get3A_1725 = vector.load %arg21[%get3A_1723, %get3A_1724] : memref<1025x64xf32, #tpu.memory_space<vmem>>, vector<1x64xf32>
        %add3A_1726 = arith.addf %get3A_1719, %get3A_1725 : vector<1x64xf32>
        %get3A_1727 = arith.index_cast %sub3A_1713 : i32 to index
        %get3A_1728 = arith.constant 2 : index
        %get3A_1729 = memref.load %arg4[%get3A_1727, %get3A_1728] : memref<512x4xi32, #tpu.memory_space<smem>>
        %get3A_1730 = arith.index_cast %get3A_1729 : i32 to index
        %get3A_1731 = arith.constant 0 : index
        %get3A_1732 = vector.load %arg21[%get3A_1730, %get3A_1731] : memref<1025x64xf32, #tpu.memory_space<vmem>>, vector<1x64xf32>
        %add3A_1733 = arith.addf %add3A_1726, %get3A_1732 : vector<1x64xf32>
        %get3A_1734 = arith.index_cast %sub3A_1713 : i32 to index
        %get3A_1735 = arith.constant 3 : index
        %get3A_1736 = memref.load %arg4[%get3A_1734, %get3A_1735] : memref<512x4xi32, #tpu.memory_space<smem>>
        %get3A_1737 = arith.index_cast %get3A_1736 : i32 to index
        %get3A_1738 = arith.constant 0 : index
        %get3A_1739 = vector.load %arg21[%get3A_1737, %get3A_1738] : memref<1025x64xf32, #tpu.memory_space<vmem>>, vector<1x64xf32>
        %add3A_1740 = arith.addf %add3A_1733, %get3A_1739 : vector<1x64xf32>
        %swap3A_1741 = arith.constant 10 : index
        %swap3A_1742 = arith.constant 64 : index
        %swap3A_1743 = vector.load %arg29[%swap3A_1741, %swap3A_1742] : memref<48x128xf32, #tpu.memory_space<vmem>>, vector<1x64xf32>
        tpu.vector_store %arg29[%swap3A_1741, %swap3A_1742], %add3A_1740 {strides = array<i32>} : memref<48x128xf32, #tpu.memory_space<vmem>>, vector<1x64xf32>,
        %add3A_1744 = arith.constant 11 : i32
        %add3A_1745 = arith.addi %while3A_323, %add3A_1744 : i32
        %sub3A_1746 = arith.constant 1 : i32
        %sub3A_1747 = arith.subi %get3A_320, %sub3A_1746 : i32
        %min3A_1748 = arith.minsi %add3A_1745, %sub3A_1747 : i32
        %get3A_1749 = arith.index_cast %min3A_1748 : i32 to index
        %get3A_1750 = memref.load %arg35[%get3A_1749] : memref<512xi32, #tpu.memory_space<smem>>
        %lt3A_1751 = arith.cmpi slt, %add3A_1745, %get3A_320 : i32
        %jit3A_1752 = arith.constant 1024 : i32
        %select_n3A_1753 = arith.select %lt3A_1751, %get3A_1750, %jit3A_1752 : i32
        %sub3A_1754 = arith.constant 512 : i32
        %sub3A_1755 = arith.subi %get3A_1750, %sub3A_1754 : i32
        %get3A_1756 = arith.index_cast %sub3A_1755 : i32 to index
        %get3A_1757 = arith.constant 0 : index
        %get3A_1758 = memref.load %arg4[%get3A_1756, %get3A_1757] : memref<512x4xi32, #tpu.memory_space<smem>>
        %get3A_1759 = arith.index_cast %get3A_1758 : i32 to index
        %get3A_1760 = arith.constant 0 : index
        %get3A_1761 = vector.load %arg21[%get3A_1759, %get3A_1760] : memref<1025x64xf32, #tpu.memory_space<vmem>>, vector<1x64xf32>
        %get3A_1762 = arith.index_cast %sub3A_1755 : i32 to index
        %get3A_1763 = arith.constant 1 : index
        %get3A_1764 = memref.load %arg4[%get3A_1762, %get3A_1763] : memref<512x4xi32, #tpu.memory_space<smem>>
        %get3A_1765 = arith.index_cast %get3A_1764 : i32 to index
        %get3A_1766 = arith.constant 0 : index
        %get3A_1767 = vector.load %arg21[%get3A_1765, %get3A_1766] : memref<1025x64xf32, #tpu.memory_space<vmem>>, vector<1x64xf32>
        %add3A_1768 = arith.addf %get3A_1761, %get3A_1767 : vector<1x64xf32>
        %get3A_1769 = arith.index_cast %sub3A_1755 : i32 to index
        %get3A_1770 = arith.constant 2 : index
        %get3A_1771 = memref.load %arg4[%get3A_1769, %get3A_1770] : memref<512x4xi32, #tpu.memory_space<smem>>
        %get3A_1772 = arith.index_cast %get3A_1771 : i32 to index
        %get3A_1773 = arith.constant 0 : index
        %get3A_1774 = vector.load %arg21[%get3A_1772, %get3A_1773] : memref<1025x64xf32, #tpu.memory_space<vmem>>, vector<1x64xf32>
        %add3A_1775 = arith.addf %add3A_1768, %get3A_1774 : vector<1x64xf32>
        %get3A_1776 = arith.index_cast %sub3A_1755 : i32 to index
        %get3A_1777 = arith.constant 3 : index
        %get3A_1778 = memref.load %arg4[%get3A_1776, %get3A_1777] : memref<512x4xi32, #tpu.memory_space<smem>>
        %get3A_1779 = arith.index_cast %get3A_1778 : i32 to index
        %get3A_1780 = arith.constant 0 : index
        %get3A_1781 = vector.load %arg21[%get3A_1779, %get3A_1780] : memref<1025x64xf32, #tpu.memory_space<vmem>>, vector<1x64xf32>
        %add3A_1782 = arith.addf %add3A_1775, %get3A_1781 : vector<1x64xf32>
        %swap3A_1783 = arith.constant 11 : index
        %swap3A_1784 = arith.constant 64 : index
        %swap3A_1785 = vector.load %arg29[%swap3A_1783, %swap3A_1784] : memref<48x128xf32, #tpu.memory_space<vmem>>, vector<1x64xf32>
        tpu.vector_store %arg29[%swap3A_1783, %swap3A_1784], %add3A_1782 {strides = array<i32>} : memref<48x128xf32, #tpu.memory_space<vmem>>, vector<1x64xf32>,
        %add3A_1786 = arith.constant 12 : i32
        %add3A_1787 = arith.addi %while3A_323, %add3A_1786 : i32
        %sub3A_1788 = arith.constant 1 : i32
        %sub3A_1789 = arith.subi %get3A_320, %sub3A_1788 : i32
        %min3A_1790 = arith.minsi %add3A_1787, %sub3A_1789 : i32
        %get3A_1791 = arith.index_cast %min3A_1790 : i32 to index
        %get3A_1792 = memref.load %arg35[%get3A_1791] : memref<512xi32, #tpu.memory_space<smem>>
        %lt3A_1793 = arith.cmpi slt, %add3A_1787, %get3A_320 : i32
        %jit3A_1794 = arith.constant 1024 : i32
        %select_n3A_1795 = arith.select %lt3A_1793, %get3A_1792, %jit3A_1794 : i32
        %sub3A_1796 = arith.constant 512 : i32
        %sub3A_1797 = arith.subi %get3A_1792, %sub3A_1796 : i32
        %get3A_1798 = arith.index_cast %sub3A_1797 : i32 to index
        %get3A_1799 = arith.constant 0 : index
        %get3A_1800 = memref.load %arg4[%get3A_1798, %get3A_1799] : memref<512x4xi32, #tpu.memory_space<smem>>
        %get3A_1801 = arith.index_cast %get3A_1800 : i32 to index
        %get3A_1802 = arith.constant 0 : index
        %get3A_1803 = vector.load %arg21[%get3A_1801, %get3A_1802] : memref<1025x64xf32, #tpu.memory_space<vmem>>, vector<1x64xf32>
        %get3A_1804 = arith.index_cast %sub3A_1797 : i32 to index
        %get3A_1805 = arith.constant 1 : index
        %get3A_1806 = memref.load %arg4[%get3A_1804, %get3A_1805] : memref<512x4xi32, #tpu.memory_space<smem>>
        %get3A_1807 = arith.index_cast %get3A_1806 : i32 to index
        %get3A_1808 = arith.constant 0 : index
        %get3A_1809 = vector.load %arg21[%get3A_1807, %get3A_1808] : memref<1025x64xf32, #tpu.memory_space<vmem>>, vector<1x64xf32>
        %add3A_1810 = arith.addf %get3A_1803, %get3A_1809 : vector<1x64xf32>
        %get3A_1811 = arith.index_cast %sub3A_1797 : i32 to index
        %get3A_1812 = arith.constant 2 : index
        %get3A_1813 = memref.load %arg4[%get3A_1811, %get3A_1812] : memref<512x4xi32, #tpu.memory_space<smem>>
        %get3A_1814 = arith.index_cast %get3A_1813 : i32 to index
        %get3A_1815 = arith.constant 0 : index
        %get3A_1816 = vector.load %arg21[%get3A_1814, %get3A_1815] : memref<1025x64xf32, #tpu.memory_space<vmem>>, vector<1x64xf32>
        %add3A_1817 = arith.addf %add3A_1810, %get3A_1816 : vector<1x64xf32>
        %get3A_1818 = arith.index_cast %sub3A_1797 : i32 to index
        %get3A_1819 = arith.constant 3 : index
        %get3A_1820 = memref.load %arg4[%get3A_1818, %get3A_1819] : memref<512x4xi32, #tpu.memory_space<smem>>
        %get3A_1821 = arith.index_cast %get3A_1820 : i32 to index
        %get3A_1822 = arith.constant 0 : index
        %get3A_1823 = vector.load %arg21[%get3A_1821, %get3A_1822] : memref<1025x64xf32, #tpu.memory_space<vmem>>, vector<1x64xf32>
        %add3A_1824 = arith.addf %add3A_1817, %get3A_1823 : vector<1x64xf32>
        %swap3A_1825 = arith.constant 12 : index
        %swap3A_1826 = arith.constant 64 : index
        %swap3A_1827 = vector.load %arg29[%swap3A_1825, %swap3A_1826] : memref<48x128xf32, #tpu.memory_space<vmem>>, vector<1x64xf32>
        tpu.vector_store %arg29[%swap3A_1825, %swap3A_1826], %add3A_1824 {strides = array<i32>} : memref<48x128xf32, #tpu.memory_space<vmem>>, vector<1x64xf32>,
        %add3A_1828 = arith.constant 13 : i32
        %add3A_1829 = arith.addi %while3A_323, %add3A_1828 : i32
        %sub3A_1830 = arith.constant 1 : i32
        %sub3A_1831 = arith.subi %get3A_320, %sub3A_1830 : i32
        %min3A_1832 = arith.minsi %add3A_1829, %sub3A_1831 : i32
        %get3A_1833 = arith.index_cast %min3A_1832 : i32 to index
        %get3A_1834 = memref.load %arg35[%get3A_1833] : memref<512xi32, #tpu.memory_space<smem>>
        %lt3A_1835 = arith.cmpi slt, %add3A_1829, %get3A_320 : i32
        %jit3A_1836 = arith.constant 1024 : i32
        %select_n3A_1837 = arith.select %lt3A_1835, %get3A_1834, %jit3A_1836 : i32
        %sub3A_1838 = arith.constant 512 : i32
        %sub3A_1839 = arith.subi %get3A_1834, %sub3A_1838 : i32
        %get3A_1840 = arith.index_cast %sub3A_1839 : i32 to index
        %get3A_1841 = arith.constant 0 : index
        %get3A_1842 = memref.load %arg4[%get3A_1840, %get3A_1841] : memref<512x4xi32, #tpu.memory_space<smem>>
        %get3A_1843 = arith.index_cast %get3A_1842 : i32 to index
        %get3A_1844 = arith.constant 0 : index
        %get3A_1845 = vector.load %arg21[%get3A_1843, %get3A_1844] : memref<1025x64xf32, #tpu.memory_space<vmem>>, vector<1x64xf32>
        %get3A_1846 = arith.index_cast %sub3A_1839 : i32 to index
        %get3A_1847 = arith.constant 1 : index
        %get3A_1848 = memref.load %arg4[%get3A_1846, %get3A_1847] : memref<512x4xi32, #tpu.memory_space<smem>>
        %get3A_1849 = arith.index_cast %get3A_1848 : i32 to index
        %get3A_1850 = arith.constant 0 : index
        %get3A_1851 = vector.load %arg21[%get3A_1849, %get3A_1850] : memref<1025x64xf32, #tpu.memory_space<vmem>>, vector<1x64xf32>
        %add3A_1852 = arith.addf %get3A_1845, %get3A_1851 : vector<1x64xf32>
        %get3A_1853 = arith.index_cast %sub3A_1839 : i32 to index
        %get3A_1854 = arith.constant 2 : index
        %get3A_1855 = memref.load %arg4[%get3A_1853, %get3A_1854] : memref<512x4xi32, #tpu.memory_space<smem>>
        %get3A_1856 = arith.index_cast %get3A_1855 : i32 to index
        %get3A_1857 = arith.constant 0 : index
        %get3A_1858 = vector.load %arg21[%get3A_1856, %get3A_1857] : memref<1025x64xf32, #tpu.memory_space<vmem>>, vector<1x64xf32>
        %add3A_1859 = arith.addf %add3A_1852, %get3A_1858 : vector<1x64xf32>
        %get3A_1860 = arith.index_cast %sub3A_1839 : i32 to index
        %get3A_1861 = arith.constant 3 : index
        %get3A_1862 = memref.load %arg4[%get3A_1860, %get3A_1861] : memref<512x4xi32, #tpu.memory_space<smem>>
        %get3A_1863 = arith.index_cast %get3A_1862 : i32 to index
        %get3A_1864 = arith.constant 0 : index
        %get3A_1865 = vector.load %arg21[%get3A_1863, %get3A_1864] : memref<1025x64xf32, #tpu.memory_space<vmem>>, vector<1x64xf32>
        %add3A_1866 = arith.addf %add3A_1859, %get3A_1865 : vector<1x64xf32>
        %swap3A_1867 = arith.constant 13 : index
        %swap3A_1868 = arith.constant 64 : index
        %swap3A_1869 = vector.load %arg29[%swap3A_1867, %swap3A_1868] : memref<48x128xf32, #tpu.memory_space<vmem>>, vector<1x64xf32>
        tpu.vector_store %arg29[%swap3A_1867, %swap3A_1868], %add3A_1866 {strides = array<i32>} : memref<48x128xf32, #tpu.memory_space<vmem>>, vector<1x64xf32>,
        %add3A_1870 = arith.constant 14 : i32
        %add3A_1871 = arith.addi %while3A_323, %add3A_1870 : i32
        %sub3A_1872 = arith.constant 1 : i32
        %sub3A_1873 = arith.subi %get3A_320, %sub3A_1872 : i32
        %min3A_1874 = arith.minsi %add3A_1871, %sub3A_1873 : i32
        %get3A_1875 = arith.index_cast %min3A_1874 : i32 to index
        %get3A_1876 = memref.load %arg35[%get3A_1875] : memref<512xi32, #tpu.memory_space<smem>>
        %lt3A_1877 = arith.cmpi slt, %add3A_1871, %get3A_320 : i32
        %jit3A_1878 = arith.constant 1024 : i32
        %select_n3A_1879 = arith.select %lt3A_1877, %get3A_1876, %jit3A_1878 : i32
        %sub3A_1880 = arith.constant 512 : i32
        %sub3A_1881 = arith.subi %get3A_1876, %sub3A_1880 : i32
        %get3A_1882 = arith.index_cast %sub3A_1881 : i32 to index
        %get3A_1883 = arith.constant 0 : index
        %get3A_1884 = memref.load %arg4[%get3A_1882, %get3A_1883] : memref<512x4xi32, #tpu.memory_space<smem>>
        %get3A_1885 = arith.index_cast %get3A_1884 : i32 to index
        %get3A_1886 = arith.constant 0 : index
        %get3A_1887 = vector.load %arg21[%get3A_1885, %get3A_1886] : memref<1025x64xf32, #tpu.memory_space<vmem>>, vector<1x64xf32>
        %get3A_1888 = arith.index_cast %sub3A_1881 : i32 to index
        %get3A_1889 = arith.constant 1 : index
        %get3A_1890 = memref.load %arg4[%get3A_1888, %get3A_1889] : memref<512x4xi32, #tpu.memory_space<smem>>
        %get3A_1891 = arith.index_cast %get3A_1890 : i32 to index
        %get3A_1892 = arith.constant 0 : index
        %get3A_1893 = vector.load %arg21[%get3A_1891, %get3A_1892] : memref<1025x64xf32, #tpu.memory_space<vmem>>, vector<1x64xf32>
        %add3A_1894 = arith.addf %get3A_1887, %get3A_1893 : vector<1x64xf32>
        %get3A_1895 = arith.index_cast %sub3A_1881 : i32 to index
        %get3A_1896 = arith.constant 2 : index
        %get3A_1897 = memref.load %arg4[%get3A_1895, %get3A_1896] : memref<512x4xi32, #tpu.memory_space<smem>>
        %get3A_1898 = arith.index_cast %get3A_1897 : i32 to index
        %get3A_1899 = arith.constant 0 : index
        %get3A_1900 = vector.load %arg21[%get3A_1898, %get3A_1899] : memref<1025x64xf32, #tpu.memory_space<vmem>>, vector<1x64xf32>
        %add3A_1901 = arith.addf %add3A_1894, %get3A_1900 : vector<1x64xf32>
        %get3A_1902 = arith.index_cast %sub3A_1881 : i32 to index
        %get3A_1903 = arith.constant 3 : index
        %get3A_1904 = memref.load %arg4[%get3A_1902, %get3A_1903] : memref<512x4xi32, #tpu.memory_space<smem>>
        %get3A_1905 = arith.index_cast %get3A_1904 : i32 to index
        %get3A_1906 = arith.constant 0 : index
        %get3A_1907 = vector.load %arg21[%get3A_1905, %get3A_1906] : memref<1025x64xf32, #tpu.memory_space<vmem>>, vector<1x64xf32>
        %add3A_1908 = arith.addf %add3A_1901, %get3A_1907 : vector<1x64xf32>
        %swap3A_1909 = arith.constant 14 : index
        %swap3A_1910 = arith.constant 64 : index
        %swap3A_1911 = vector.load %arg29[%swap3A_1909, %swap3A_1910] : memref<48x128xf32, #tpu.memory_space<vmem>>, vector<1x64xf32>
        tpu.vector_store %arg29[%swap3A_1909, %swap3A_1910], %add3A_1908 {strides = array<i32>} : memref<48x128xf32, #tpu.memory_space<vmem>>, vector<1x64xf32>,
        %add3A_1912 = arith.constant 15 : i32
        %add3A_1913 = arith.addi %while3A_323, %add3A_1912 : i32
        %sub3A_1914 = arith.constant 1 : i32
        %sub3A_1915 = arith.subi %get3A_320, %sub3A_1914 : i32
        %min3A_1916 = arith.minsi %add3A_1913, %sub3A_1915 : i32
        %get3A_1917 = arith.index_cast %min3A_1916 : i32 to index
        %get3A_1918 = memref.load %arg35[%get3A_1917] : memref<512xi32, #tpu.memory_space<smem>>
        %lt3A_1919 = arith.cmpi slt, %add3A_1913, %get3A_320 : i32
        %jit3A_1920 = arith.constant 1024 : i32
        %select_n3A_1921 = arith.select %lt3A_1919, %get3A_1918, %jit3A_1920 : i32
        %sub3A_1922 = arith.constant 512 : i32
        %sub3A_1923 = arith.subi %get3A_1918, %sub3A_1922 : i32
        %get3A_1924 = arith.index_cast %sub3A_1923 : i32 to index
        %get3A_1925 = arith.constant 0 : index
        %get3A_1926 = memref.load %arg4[%get3A_1924, %get3A_1925] : memref<512x4xi32, #tpu.memory_space<smem>>
        %get3A_1927 = arith.index_cast %get3A_1926 : i32 to index
        %get3A_1928 = arith.constant 0 : index
        %get3A_1929 = vector.load %arg21[%get3A_1927, %get3A_1928] : memref<1025x64xf32, #tpu.memory_space<vmem>>, vector<1x64xf32>
        %get3A_1930 = arith.index_cast %sub3A_1923 : i32 to index
        %get3A_1931 = arith.constant 1 : index
        %get3A_1932 = memref.load %arg4[%get3A_1930, %get3A_1931] : memref<512x4xi32, #tpu.memory_space<smem>>
        %get3A_1933 = arith.index_cast %get3A_1932 : i32 to index
        %get3A_1934 = arith.constant 0 : index
        %get3A_1935 = vector.load %arg21[%get3A_1933, %get3A_1934] : memref<1025x64xf32, #tpu.memory_space<vmem>>, vector<1x64xf32>
        %add3A_1936 = arith.addf %get3A_1929, %get3A_1935 : vector<1x64xf32>
        %get3A_1937 = arith.index_cast %sub3A_1923 : i32 to index
        %get3A_1938 = arith.constant 2 : index
        %get3A_1939 = memref.load %arg4[%get3A_1937, %get3A_1938] : memref<512x4xi32, #tpu.memory_space<smem>>
        %get3A_1940 = arith.index_cast %get3A_1939 : i32 to index
        %get3A_1941 = arith.constant 0 : index
        %get3A_1942 = vector.load %arg21[%get3A_1940, %get3A_1941] : memref<1025x64xf32, #tpu.memory_space<vmem>>, vector<1x64xf32>
        %add3A_1943 = arith.addf %add3A_1936, %get3A_1942 : vector<1x64xf32>
        %get3A_1944 = arith.index_cast %sub3A_1923 : i32 to index
        %get3A_1945 = arith.constant 3 : index
        %get3A_1946 = memref.load %arg4[%get3A_1944, %get3A_1945] : memref<512x4xi32, #tpu.memory_space<smem>>
        %get3A_1947 = arith.index_cast %get3A_1946 : i32 to index
        %get3A_1948 = arith.constant 0 : index
        %get3A_1949 = vector.load %arg21[%get3A_1947, %get3A_1948] : memref<1025x64xf32, #tpu.memory_space<vmem>>, vector<1x64xf32>
        %add3A_1950 = arith.addf %add3A_1943, %get3A_1949 : vector<1x64xf32>
        %swap3A_1951 = arith.constant 15 : index
        %swap3A_1952 = arith.constant 64 : index
        %swap3A_1953 = vector.load %arg29[%swap3A_1951, %swap3A_1952] : memref<48x128xf32, #tpu.memory_space<vmem>>, vector<1x64xf32>
        tpu.vector_store %arg29[%swap3A_1951, %swap3A_1952], %add3A_1950 {strides = array<i32>} : memref<48x128xf32, #tpu.memory_space<vmem>>, vector<1x64xf32>,
        %get3A_1954 = arith.constant 0 : index
        %get3A_1955 = arith.constant 0 : index
        %get3A_1956 = vector.load %arg29[%get3A_1954, %get3A_1955] : memref<48x128xf32, #tpu.memory_space<vmem>>, vector<48x128xf32>
        %slice3A = vector.extract_strided_slice %get3A_1956 {offsets = [0, 0], sizes = [48, 64], strides = [1, 1]} : vector<48x128xf32> to vector<48x64xf32>
        %slice3A_1957 = vector.extract_strided_slice %get3A_1956 {offsets = [0, 64], sizes = [16, 64], strides = [1, 1]} : vector<48x128xf32> to vector<16x64xf32>
        %get3A_1958 = arith.index_cast %while3A_322 : i32 to index
        %get3A_1959 = arith.constant 0 : index
        %get3A_1960 = vector.load %arg25[%get3A_1958, %get3A_1959] : memref<1072x128xf32, #tpu.memory_space<vmem>>, vector<48x128xf32>
        %get3A_1961 = arith.index_cast %while3A_323 : i32 to index
        %get3A_1962 = arith.constant 0 : index
        %get3A_1963 = vector.load %arg27[%get3A_1961, %get3A_1962] : memref<528x128xf32, #tpu.memory_space<vmem>>, vector<16x128xf32>
        %concatenate3A_1964 = tpu.concatenate %get3A_1963, %broadcast_in_dim3A_235 in 0 : vector<16x128xf32>, vector<32x128xf32> -> vector<48x128xf32>
        %concatenate3A_1965 = tpu.concatenate %get3A_1960, %concatenate3A_1964 in 1 : vector<48x128xf32>, vector<48x128xf32> -> vector<48x256xf32>
        %dot_general3A_1966 = arith.constant dense<0.000000e+00> : vector<48x256xf32>
        %dot_general3A_1967 = tpu.matmul %get3A_1956, %get3A_64, %dot_general3A_1966 {dimension_numbers = #tpu.dot_dimension_numbers<[1], [0], [0], [1], [0, 0, 1, 1], [], []>, transpose_lhs_hint = false} : vector<48x128xf32>, vector<128x256xf32>, vector<48x256xf32> -> vector<48x256xf32>
        %add3A_1968 = arith.addf %concatenate3A_1965, %dot_general3A_1967 : vector<48x256xf32>
        %logistic3A_1969 = arith.negf %add3A_1968 : vector<48x256xf32>
        %logistic3A_1970 = math.exp %logistic3A_1969 : vector<48x256xf32>
        %logistic3A_1971 = arith.constant 1.000000e+00 : f32
        %logistic3A_1972 = vector.broadcast %logistic3A_1971 : f32 to vector<48x256xf32>
        %logistic3A_1973 = arith.addf %logistic3A_1972, %logistic3A_1970 : vector<48x256xf32>
        %logistic3A_1974 = arith.divf %logistic3A_1972, %logistic3A_1973 : vector<48x256xf32>
        %slice3A_1975 = vector.extract_strided_slice %logistic3A_1974 {offsets = [0, 0], sizes = [48, 64], strides = [1, 1]} : vector<48x256xf32> to vector<48x64xf32>
        %slice3A_1976 = vector.extract_strided_slice %logistic3A_1974 {offsets = [0, 64], sizes = [48, 64], strides = [1, 1]} : vector<48x256xf32> to vector<48x64xf32>
        %slice3A_1977 = vector.extract_strided_slice %logistic3A_1974 {offsets = [0, 128], sizes = [16, 64], strides = [1, 1]} : vector<48x256xf32> to vector<16x64xf32>
        %slice3A_1978 = vector.extract_strided_slice %logistic3A_1974 {offsets = [0, 192], sizes = [16, 64], strides = [1, 1]} : vector<48x256xf32> to vector<16x64xf32>
        %mul3A_1979 = arith.mulf %slice3A, %slice3A_1976 : vector<48x64xf32>
        %mul3A_1980 = arith.mulf %slice3A_1957, %slice3A_1978 : vector<16x64xf32>
        %concatenate3A_1981 = tpu.concatenate %mul3A_1980, %broadcast_in_dim3A_237 in 0 : vector<16x64xf32>, vector<32x64xf32> -> vector<48x64xf32>
        %concatenate3A_1982 = tpu.concatenate %mul3A_1979, %concatenate3A_1981 in 1 : vector<48x64xf32>, vector<48x64xf32> -> vector<48x128xf32>
        %get3A_1983 = arith.index_cast %while3A_322 : i32 to index
        %get3A_1984 = arith.constant 0 : index
        %get3A_1985 = vector.load %arg26[%get3A_1983, %get3A_1984] : memref<1072x64xf32, #tpu.memory_space<vmem>>, vector<48x64xf32>
        %get3A_1986 = arith.index_cast %while3A_323 : i32 to index
        %get3A_1987 = arith.constant 0 : index
        %get3A_1988 = vector.load %arg28[%get3A_1986, %get3A_1987] : memref<528x64xf32, #tpu.memory_space<vmem>>, vector<16x64xf32>
        %concatenate3A_1989 = tpu.concatenate %get3A_1988, %broadcast_in_dim3A_237 in 0 : vector<16x64xf32>, vector<32x64xf32> -> vector<48x64xf32>
        %concatenate3A_1990 = tpu.concatenate %get3A_1985, %concatenate3A_1989 in 1 : vector<48x64xf32>, vector<48x64xf32> -> vector<48x128xf32>
        %dot_general3A_1991 = arith.constant dense<0.000000e+00> : vector<48x128xf32>
        %dot_general3A_1992 = tpu.matmul %concatenate3A_1982, %get3A_67, %dot_general3A_1991 {dimension_numbers = #tpu.dot_dimension_numbers<[1], [0], [0], [1], [0, 0, 1, 1], [], []>, transpose_lhs_hint = false} : vector<48x128xf32>, vector<128x128xf32>, vector<48x128xf32> -> vector<48x128xf32>
        %add3A_1993 = arith.addf %concatenate3A_1990, %dot_general3A_1992 : vector<48x128xf32>
        %tanh3A_1994 = math.tanh %add3A_1993 : vector<48x128xf32>
        %mul3A_1995 = arith.mulf %slice3A_1975, %slice3A : vector<48x64xf32>
        %sub3A_1996 = arith.constant 1.000000e+00 : f32
        %sub3A_1997 = vector.broadcast %sub3A_1996 : f32 to vector<48x64xf32>
        %sub3A_1998 = arith.subf %sub3A_1997, %slice3A_1975 : vector<48x64xf32>
        %slice3A_1999 = vector.extract_strided_slice %tanh3A_1994 {offsets = [0, 0], sizes = [48, 64], strides = [1, 1]} : vector<48x128xf32> to vector<48x64xf32>
        %mul3A_2000 = arith.mulf %sub3A_1998, %slice3A_1999 : vector<48x64xf32>
        %add3A_2001 = arith.addf %mul3A_1995, %mul3A_2000 : vector<48x64xf32>
        %swap3A_2002 = arith.constant 0 : index
        %swap3A_2003 = arith.constant 0 : index
        %swap3A_2004 = vector.load %arg29[%swap3A_2002, %swap3A_2003] : memref<48x128xf32, #tpu.memory_space<vmem>>, vector<48x64xf32>
        tpu.vector_store %arg29[%swap3A_2002, %swap3A_2003], %add3A_2001 {strides = array<i32>} : memref<48x128xf32, #tpu.memory_space<vmem>>, vector<48x64xf32>,
        %mul3A_2005 = arith.mulf %slice3A_1977, %slice3A_1957 : vector<16x64xf32>
        %sub3A_2006 = arith.constant 1.000000e+00 : f32
        %sub3A_2007 = vector.broadcast %sub3A_2006 : f32 to vector<16x64xf32>
        %sub3A_2008 = arith.subf %sub3A_2007, %slice3A_1977 : vector<16x64xf32>
        %slice3A_2009 = vector.extract_strided_slice %tanh3A_1994 {offsets = [0, 64], sizes = [16, 64], strides = [1, 1]} : vector<48x128xf32> to vector<16x64xf32>
        %mul3A_2010 = arith.mulf %sub3A_2008, %slice3A_2009 : vector<16x64xf32>
        %add3A_2011 = arith.addf %mul3A_2005, %mul3A_2010 : vector<16x64xf32>
        %swap3A_2012 = arith.constant 0 : index
        %swap3A_2013 = arith.constant 64 : index
        %swap3A_2014 = vector.load %arg29[%swap3A_2012, %swap3A_2013] : memref<48x128xf32, #tpu.memory_space<vmem>>, vector<16x64xf32>
        tpu.vector_store %arg29[%swap3A_2012, %swap3A_2013], %add3A_2011 {strides = array<i32>} : memref<48x128xf32, #tpu.memory_space<vmem>>, vector<16x64xf32>,
        %get3A_2015 = arith.constant 0 : index
        %get3A_2016 = arith.constant 0 : index
        %get3A_2017 = vector.load %arg29[%get3A_2015, %get3A_2016] : memref<48x128xf32, #tpu.memory_space<vmem>>, vector<1x64xf32>
        %swap3A_2018 = arith.index_cast %select_n3A_331 : i32 to index
        %swap3A_2019 = arith.constant 0 : index
        %swap3A_2020 = vector.load %arg20[%swap3A_2018, %swap3A_2019] : memref<1026x64xf32, #tpu.memory_space<vmem>>, vector<1x64xf32>
        tpu.vector_store %arg20[%swap3A_2018, %swap3A_2019], %get3A_2017 {strides = array<i32>} : memref<1026x64xf32, #tpu.memory_space<vmem>>, vector<1x64xf32>,
        %get3A_2021 = arith.constant 1 : index
        %get3A_2022 = arith.constant 0 : index
        %get3A_2023 = vector.load %arg29[%get3A_2021, %get3A_2022] : memref<48x128xf32, #tpu.memory_space<vmem>>, vector<1x64xf32>
        %swap3A_2024 = arith.index_cast %select_n3A_351 : i32 to index
        %swap3A_2025 = arith.constant 0 : index
        %swap3A_2026 = vector.load %arg20[%swap3A_2024, %swap3A_2025] : memref<1026x64xf32, #tpu.memory_space<vmem>>, vector<1x64xf32>
        tpu.vector_store %arg20[%swap3A_2024, %swap3A_2025], %get3A_2023 {strides = array<i32>} : memref<1026x64xf32, #tpu.memory_space<vmem>>, vector<1x64xf32>,
        %get3A_2027 = arith.constant 2 : index
        %get3A_2028 = arith.constant 0 : index
        %get3A_2029 = vector.load %arg29[%get3A_2027, %get3A_2028] : memref<48x128xf32, #tpu.memory_space<vmem>>, vector<1x64xf32>
        %swap3A_2030 = arith.index_cast %select_n3A_371 : i32 to index
        %swap3A_2031 = arith.constant 0 : index
        %swap3A_2032 = vector.load %arg20[%swap3A_2030, %swap3A_2031] : memref<1026x64xf32, #tpu.memory_space<vmem>>, vector<1x64xf32>
        tpu.vector_store %arg20[%swap3A_2030, %swap3A_2031], %get3A_2029 {strides = array<i32>} : memref<1026x64xf32, #tpu.memory_space<vmem>>, vector<1x64xf32>,
        %get3A_2033 = arith.constant 3 : index
        %get3A_2034 = arith.constant 0 : index
        %get3A_2035 = vector.load %arg29[%get3A_2033, %get3A_2034] : memref<48x128xf32, #tpu.memory_space<vmem>>, vector<1x64xf32>
        %swap3A_2036 = arith.index_cast %select_n3A_391 : i32 to index
        %swap3A_2037 = arith.constant 0 : index
        %swap3A_2038 = vector.load %arg20[%swap3A_2036, %swap3A_2037] : memref<1026x64xf32, #tpu.memory_space<vmem>>, vector<1x64xf32>
        tpu.vector_store %arg20[%swap3A_2036, %swap3A_2037], %get3A_2035 {strides = array<i32>} : memref<1026x64xf32, #tpu.memory_space<vmem>>, vector<1x64xf32>,
        %get3A_2039 = arith.constant 4 : index
        %get3A_2040 = arith.constant 0 : index
        %get3A_2041 = vector.load %arg29[%get3A_2039, %get3A_2040] : memref<48x128xf32, #tpu.memory_space<vmem>>, vector<1x64xf32>
        %swap3A_2042 = arith.index_cast %select_n3A_411 : i32 to index
        %swap3A_2043 = arith.constant 0 : index
        %swap3A_2044 = vector.load %arg20[%swap3A_2042, %swap3A_2043] : memref<1026x64xf32, #tpu.memory_space<vmem>>, vector<1x64xf32>
        tpu.vector_store %arg20[%swap3A_2042, %swap3A_2043], %get3A_2041 {strides = array<i32>} : memref<1026x64xf32, #tpu.memory_space<vmem>>, vector<1x64xf32>,
        %get3A_2045 = arith.constant 5 : index
        %get3A_2046 = arith.constant 0 : index
        %get3A_2047 = vector.load %arg29[%get3A_2045, %get3A_2046] : memref<48x128xf32, #tpu.memory_space<vmem>>, vector<1x64xf32>
        %swap3A_2048 = arith.index_cast %select_n3A_431 : i32 to index
        %swap3A_2049 = arith.constant 0 : index
        %swap3A_2050 = vector.load %arg20[%swap3A_2048, %swap3A_2049] : memref<1026x64xf32, #tpu.memory_space<vmem>>, vector<1x64xf32>
        tpu.vector_store %arg20[%swap3A_2048, %swap3A_2049], %get3A_2047 {strides = array<i32>} : memref<1026x64xf32, #tpu.memory_space<vmem>>, vector<1x64xf32>,
        %get3A_2051 = arith.constant 6 : index
        %get3A_2052 = arith.constant 0 : index
        %get3A_2053 = vector.load %arg29[%get3A_2051, %get3A_2052] : memref<48x128xf32, #tpu.memory_space<vmem>>, vector<1x64xf32>
        %swap3A_2054 = arith.index_cast %select_n3A_451 : i32 to index
        %swap3A_2055 = arith.constant 0 : index
        %swap3A_2056 = vector.load %arg20[%swap3A_2054, %swap3A_2055] : memref<1026x64xf32, #tpu.memory_space<vmem>>, vector<1x64xf32>
        tpu.vector_store %arg20[%swap3A_2054, %swap3A_2055], %get3A_2053 {strides = array<i32>} : memref<1026x64xf32, #tpu.memory_space<vmem>>, vector<1x64xf32>,
        %get3A_2057 = arith.constant 7 : index
        %get3A_2058 = arith.constant 0 : index
        %get3A_2059 = vector.load %arg29[%get3A_2057, %get3A_2058] : memref<48x128xf32, #tpu.memory_space<vmem>>, vector<1x64xf32>
        %swap3A_2060 = arith.index_cast %select_n3A_471 : i32 to index
        %swap3A_2061 = arith.constant 0 : index
        %swap3A_2062 = vector.load %arg20[%swap3A_2060, %swap3A_2061] : memref<1026x64xf32, #tpu.memory_space<vmem>>, vector<1x64xf32>
        tpu.vector_store %arg20[%swap3A_2060, %swap3A_2061], %get3A_2059 {strides = array<i32>} : memref<1026x64xf32, #tpu.memory_space<vmem>>, vector<1x64xf32>,
        %get3A_2063 = arith.constant 8 : index
        %get3A_2064 = arith.constant 0 : index
        %get3A_2065 = vector.load %arg29[%get3A_2063, %get3A_2064] : memref<48x128xf32, #tpu.memory_space<vmem>>, vector<1x64xf32>
        %swap3A_2066 = arith.index_cast %select_n3A_491 : i32 to index
        %swap3A_2067 = arith.constant 0 : index
        %swap3A_2068 = vector.load %arg20[%swap3A_2066, %swap3A_2067] : memref<1026x64xf32, #tpu.memory_space<vmem>>, vector<1x64xf32>
        tpu.vector_store %arg20[%swap3A_2066, %swap3A_2067], %get3A_2065 {strides = array<i32>} : memref<1026x64xf32, #tpu.memory_space<vmem>>, vector<1x64xf32>,
        %get3A_2069 = arith.constant 9 : index
        %get3A_2070 = arith.constant 0 : index
        %get3A_2071 = vector.load %arg29[%get3A_2069, %get3A_2070] : memref<48x128xf32, #tpu.memory_space<vmem>>, vector<1x64xf32>
        %swap3A_2072 = arith.index_cast %select_n3A_511 : i32 to index
        %swap3A_2073 = arith.constant 0 : index
        %swap3A_2074 = vector.load %arg20[%swap3A_2072, %swap3A_2073] : memref<1026x64xf32, #tpu.memory_space<vmem>>, vector<1x64xf32>
        tpu.vector_store %arg20[%swap3A_2072, %swap3A_2073], %get3A_2071 {strides = array<i32>} : memref<1026x64xf32, #tpu.memory_space<vmem>>, vector<1x64xf32>,
        %get3A_2075 = arith.constant 10 : index
        %get3A_2076 = arith.constant 0 : index
        %get3A_2077 = vector.load %arg29[%get3A_2075, %get3A_2076] : memref<48x128xf32, #tpu.memory_space<vmem>>, vector<1x64xf32>
        %swap3A_2078 = arith.index_cast %select_n3A_531 : i32 to index
        %swap3A_2079 = arith.constant 0 : index
        %swap3A_2080 = vector.load %arg20[%swap3A_2078, %swap3A_2079] : memref<1026x64xf32, #tpu.memory_space<vmem>>, vector<1x64xf32>
        tpu.vector_store %arg20[%swap3A_2078, %swap3A_2079], %get3A_2077 {strides = array<i32>} : memref<1026x64xf32, #tpu.memory_space<vmem>>, vector<1x64xf32>,
        %get3A_2081 = arith.constant 11 : index
        %get3A_2082 = arith.constant 0 : index
        %get3A_2083 = vector.load %arg29[%get3A_2081, %get3A_2082] : memref<48x128xf32, #tpu.memory_space<vmem>>, vector<1x64xf32>
        %swap3A_2084 = arith.index_cast %select_n3A_551 : i32 to index
        %swap3A_2085 = arith.constant 0 : index
        %swap3A_2086 = vector.load %arg20[%swap3A_2084, %swap3A_2085] : memref<1026x64xf32, #tpu.memory_space<vmem>>, vector<1x64xf32>
        tpu.vector_store %arg20[%swap3A_2084, %swap3A_2085], %get3A_2083 {strides = array<i32>} : memref<1026x64xf32, #tpu.memory_space<vmem>>, vector<1x64xf32>,
        %get3A_2087 = arith.constant 12 : index
        %get3A_2088 = arith.constant 0 : index
        %get3A_2089 = vector.load %arg29[%get3A_2087, %get3A_2088] : memref<48x128xf32, #tpu.memory_space<vmem>>, vector<1x64xf32>
        %swap3A_2090 = arith.index_cast %select_n3A_571 : i32 to index
        %swap3A_2091 = arith.constant 0 : index
        %swap3A_2092 = vector.load %arg20[%swap3A_2090, %swap3A_2091] : memref<1026x64xf32, #tpu.memory_space<vmem>>, vector<1x64xf32>
        tpu.vector_store %arg20[%swap3A_2090, %swap3A_2091], %get3A_2089 {strides = array<i32>} : memref<1026x64xf32, #tpu.memory_space<vmem>>, vector<1x64xf32>,
        %get3A_2093 = arith.constant 13 : index
        %get3A_2094 = arith.constant 0 : index
        %get3A_2095 = vector.load %arg29[%get3A_2093, %get3A_2094] : memref<48x128xf32, #tpu.memory_space<vmem>>, vector<1x64xf32>
        %swap3A_2096 = arith.index_cast %select_n3A_591 : i32 to index
        %swap3A_2097 = arith.constant 0 : index
        %swap3A_2098 = vector.load %arg20[%swap3A_2096, %swap3A_2097] : memref<1026x64xf32, #tpu.memory_space<vmem>>, vector<1x64xf32>
        tpu.vector_store %arg20[%swap3A_2096, %swap3A_2097], %get3A_2095 {strides = array<i32>} : memref<1026x64xf32, #tpu.memory_space<vmem>>, vector<1x64xf32>,
        %get3A_2099 = arith.constant 14 : index
        %get3A_2100 = arith.constant 0 : index
        %get3A_2101 = vector.load %arg29[%get3A_2099, %get3A_2100] : memref<48x128xf32, #tpu.memory_space<vmem>>, vector<1x64xf32>
        %swap3A_2102 = arith.index_cast %select_n3A_611 : i32 to index
        %swap3A_2103 = arith.constant 0 : index
        %swap3A_2104 = vector.load %arg20[%swap3A_2102, %swap3A_2103] : memref<1026x64xf32, #tpu.memory_space<vmem>>, vector<1x64xf32>
        tpu.vector_store %arg20[%swap3A_2102, %swap3A_2103], %get3A_2101 {strides = array<i32>} : memref<1026x64xf32, #tpu.memory_space<vmem>>, vector<1x64xf32>,
        %get3A_2105 = arith.constant 15 : index
        %get3A_2106 = arith.constant 0 : index
        %get3A_2107 = vector.load %arg29[%get3A_2105, %get3A_2106] : memref<48x128xf32, #tpu.memory_space<vmem>>, vector<1x64xf32>
        %swap3A_2108 = arith.index_cast %select_n3A_631 : i32 to index
        %swap3A_2109 = arith.constant 0 : index
        %swap3A_2110 = vector.load %arg20[%swap3A_2108, %swap3A_2109] : memref<1026x64xf32, #tpu.memory_space<vmem>>, vector<1x64xf32>
        tpu.vector_store %arg20[%swap3A_2108, %swap3A_2109], %get3A_2107 {strides = array<i32>} : memref<1026x64xf32, #tpu.memory_space<vmem>>, vector<1x64xf32>,
        %get3A_2111 = arith.constant 16 : index
        %get3A_2112 = arith.constant 0 : index
        %get3A_2113 = vector.load %arg29[%get3A_2111, %get3A_2112] : memref<48x128xf32, #tpu.memory_space<vmem>>, vector<1x64xf32>
        %swap3A_2114 = arith.index_cast %select_n3A_651 : i32 to index
        %swap3A_2115 = arith.constant 0 : index
        %swap3A_2116 = vector.load %arg20[%swap3A_2114, %swap3A_2115] : memref<1026x64xf32, #tpu.memory_space<vmem>>, vector<1x64xf32>
        tpu.vector_store %arg20[%swap3A_2114, %swap3A_2115], %get3A_2113 {strides = array<i32>} : memref<1026x64xf32, #tpu.memory_space<vmem>>, vector<1x64xf32>,
        %get3A_2117 = arith.constant 17 : index
        %get3A_2118 = arith.constant 0 : index
        %get3A_2119 = vector.load %arg29[%get3A_2117, %get3A_2118] : memref<48x128xf32, #tpu.memory_space<vmem>>, vector<1x64xf32>
        %swap3A_2120 = arith.index_cast %select_n3A_671 : i32 to index
        %swap3A_2121 = arith.constant 0 : index
        %swap3A_2122 = vector.load %arg20[%swap3A_2120, %swap3A_2121] : memref<1026x64xf32, #tpu.memory_space<vmem>>, vector<1x64xf32>
        tpu.vector_store %arg20[%swap3A_2120, %swap3A_2121], %get3A_2119 {strides = array<i32>} : memref<1026x64xf32, #tpu.memory_space<vmem>>, vector<1x64xf32>,
        %get3A_2123 = arith.constant 18 : index
        %get3A_2124 = arith.constant 0 : index
        %get3A_2125 = vector.load %arg29[%get3A_2123, %get3A_2124] : memref<48x128xf32, #tpu.memory_space<vmem>>, vector<1x64xf32>
        %swap3A_2126 = arith.index_cast %select_n3A_691 : i32 to index
        %swap3A_2127 = arith.constant 0 : index
        %swap3A_2128 = vector.load %arg20[%swap3A_2126, %swap3A_2127] : memref<1026x64xf32, #tpu.memory_space<vmem>>, vector<1x64xf32>
        tpu.vector_store %arg20[%swap3A_2126, %swap3A_2127], %get3A_2125 {strides = array<i32>} : memref<1026x64xf32, #tpu.memory_space<vmem>>, vector<1x64xf32>,
        %get3A_2129 = arith.constant 19 : index
        %get3A_2130 = arith.constant 0 : index
        %get3A_2131 = vector.load %arg29[%get3A_2129, %get3A_2130] : memref<48x128xf32, #tpu.memory_space<vmem>>, vector<1x64xf32>
        %swap3A_2132 = arith.index_cast %select_n3A_711 : i32 to index
        %swap3A_2133 = arith.constant 0 : index
        %swap3A_2134 = vector.load %arg20[%swap3A_2132, %swap3A_2133] : memref<1026x64xf32, #tpu.memory_space<vmem>>, vector<1x64xf32>
        tpu.vector_store %arg20[%swap3A_2132, %swap3A_2133], %get3A_2131 {strides = array<i32>} : memref<1026x64xf32, #tpu.memory_space<vmem>>, vector<1x64xf32>,
        %get3A_2135 = arith.constant 20 : index
        %get3A_2136 = arith.constant 0 : index
        %get3A_2137 = vector.load %arg29[%get3A_2135, %get3A_2136] : memref<48x128xf32, #tpu.memory_space<vmem>>, vector<1x64xf32>
        %swap3A_2138 = arith.index_cast %select_n3A_731 : i32 to index
        %swap3A_2139 = arith.constant 0 : index
        %swap3A_2140 = vector.load %arg20[%swap3A_2138, %swap3A_2139] : memref<1026x64xf32, #tpu.memory_space<vmem>>, vector<1x64xf32>
        tpu.vector_store %arg20[%swap3A_2138, %swap3A_2139], %get3A_2137 {strides = array<i32>} : memref<1026x64xf32, #tpu.memory_space<vmem>>, vector<1x64xf32>,
        %get3A_2141 = arith.constant 21 : index
        %get3A_2142 = arith.constant 0 : index
        %get3A_2143 = vector.load %arg29[%get3A_2141, %get3A_2142] : memref<48x128xf32, #tpu.memory_space<vmem>>, vector<1x64xf32>
        %swap3A_2144 = arith.index_cast %select_n3A_751 : i32 to index
        %swap3A_2145 = arith.constant 0 : index
        %swap3A_2146 = vector.load %arg20[%swap3A_2144, %swap3A_2145] : memref<1026x64xf32, #tpu.memory_space<vmem>>, vector<1x64xf32>
        tpu.vector_store %arg20[%swap3A_2144, %swap3A_2145], %get3A_2143 {strides = array<i32>} : memref<1026x64xf32, #tpu.memory_space<vmem>>, vector<1x64xf32>,
        %get3A_2147 = arith.constant 22 : index
        %get3A_2148 = arith.constant 0 : index
        %get3A_2149 = vector.load %arg29[%get3A_2147, %get3A_2148] : memref<48x128xf32, #tpu.memory_space<vmem>>, vector<1x64xf32>
        %swap3A_2150 = arith.index_cast %select_n3A_771 : i32 to index
        %swap3A_2151 = arith.constant 0 : index
        %swap3A_2152 = vector.load %arg20[%swap3A_2150, %swap3A_2151] : memref<1026x64xf32, #tpu.memory_space<vmem>>, vector<1x64xf32>
        tpu.vector_store %arg20[%swap3A_2150, %swap3A_2151], %get3A_2149 {strides = array<i32>} : memref<1026x64xf32, #tpu.memory_space<vmem>>, vector<1x64xf32>,
        %get3A_2153 = arith.constant 23 : index
        %get3A_2154 = arith.constant 0 : index
        %get3A_2155 = vector.load %arg29[%get3A_2153, %get3A_2154] : memref<48x128xf32, #tpu.memory_space<vmem>>, vector<1x64xf32>
        %swap3A_2156 = arith.index_cast %select_n3A_791 : i32 to index
        %swap3A_2157 = arith.constant 0 : index
        %swap3A_2158 = vector.load %arg20[%swap3A_2156, %swap3A_2157] : memref<1026x64xf32, #tpu.memory_space<vmem>>, vector<1x64xf32>
        tpu.vector_store %arg20[%swap3A_2156, %swap3A_2157], %get3A_2155 {strides = array<i32>} : memref<1026x64xf32, #tpu.memory_space<vmem>>, vector<1x64xf32>,
        %get3A_2159 = arith.constant 24 : index
        %get3A_2160 = arith.constant 0 : index
        %get3A_2161 = vector.load %arg29[%get3A_2159, %get3A_2160] : memref<48x128xf32, #tpu.memory_space<vmem>>, vector<1x64xf32>
        %swap3A_2162 = arith.index_cast %select_n3A_811 : i32 to index
        %swap3A_2163 = arith.constant 0 : index
        %swap3A_2164 = vector.load %arg20[%swap3A_2162, %swap3A_2163] : memref<1026x64xf32, #tpu.memory_space<vmem>>, vector<1x64xf32>
        tpu.vector_store %arg20[%swap3A_2162, %swap3A_2163], %get3A_2161 {strides = array<i32>} : memref<1026x64xf32, #tpu.memory_space<vmem>>, vector<1x64xf32>,
        %get3A_2165 = arith.constant 25 : index
        %get3A_2166 = arith.constant 0 : index
        %get3A_2167 = vector.load %arg29[%get3A_2165, %get3A_2166] : memref<48x128xf32, #tpu.memory_space<vmem>>, vector<1x64xf32>
        %swap3A_2168 = arith.index_cast %select_n3A_831 : i32 to index
        %swap3A_2169 = arith.constant 0 : index
        %swap3A_2170 = vector.load %arg20[%swap3A_2168, %swap3A_2169] : memref<1026x64xf32, #tpu.memory_space<vmem>>, vector<1x64xf32>
        tpu.vector_store %arg20[%swap3A_2168, %swap3A_2169], %get3A_2167 {strides = array<i32>} : memref<1026x64xf32, #tpu.memory_space<vmem>>, vector<1x64xf32>,
        %get3A_2171 = arith.constant 26 : index
        %get3A_2172 = arith.constant 0 : index
        %get3A_2173 = vector.load %arg29[%get3A_2171, %get3A_2172] : memref<48x128xf32, #tpu.memory_space<vmem>>, vector<1x64xf32>
        %swap3A_2174 = arith.index_cast %select_n3A_851 : i32 to index
        %swap3A_2175 = arith.constant 0 : index
        %swap3A_2176 = vector.load %arg20[%swap3A_2174, %swap3A_2175] : memref<1026x64xf32, #tpu.memory_space<vmem>>, vector<1x64xf32>
        tpu.vector_store %arg20[%swap3A_2174, %swap3A_2175], %get3A_2173 {strides = array<i32>} : memref<1026x64xf32, #tpu.memory_space<vmem>>, vector<1x64xf32>,
        %get3A_2177 = arith.constant 27 : index
        %get3A_2178 = arith.constant 0 : index
        %get3A_2179 = vector.load %arg29[%get3A_2177, %get3A_2178] : memref<48x128xf32, #tpu.memory_space<vmem>>, vector<1x64xf32>
        %swap3A_2180 = arith.index_cast %select_n3A_871 : i32 to index
        %swap3A_2181 = arith.constant 0 : index
        %swap3A_2182 = vector.load %arg20[%swap3A_2180, %swap3A_2181] : memref<1026x64xf32, #tpu.memory_space<vmem>>, vector<1x64xf32>
        tpu.vector_store %arg20[%swap3A_2180, %swap3A_2181], %get3A_2179 {strides = array<i32>} : memref<1026x64xf32, #tpu.memory_space<vmem>>, vector<1x64xf32>,
        %get3A_2183 = arith.constant 28 : index
        %get3A_2184 = arith.constant 0 : index
        %get3A_2185 = vector.load %arg29[%get3A_2183, %get3A_2184] : memref<48x128xf32, #tpu.memory_space<vmem>>, vector<1x64xf32>
        %swap3A_2186 = arith.index_cast %select_n3A_891 : i32 to index
        %swap3A_2187 = arith.constant 0 : index
        %swap3A_2188 = vector.load %arg20[%swap3A_2186, %swap3A_2187] : memref<1026x64xf32, #tpu.memory_space<vmem>>, vector<1x64xf32>
        tpu.vector_store %arg20[%swap3A_2186, %swap3A_2187], %get3A_2185 {strides = array<i32>} : memref<1026x64xf32, #tpu.memory_space<vmem>>, vector<1x64xf32>,
        %get3A_2189 = arith.constant 29 : index
        %get3A_2190 = arith.constant 0 : index
        %get3A_2191 = vector.load %arg29[%get3A_2189, %get3A_2190] : memref<48x128xf32, #tpu.memory_space<vmem>>, vector<1x64xf32>
        %swap3A_2192 = arith.index_cast %select_n3A_911 : i32 to index
        %swap3A_2193 = arith.constant 0 : index
        %swap3A_2194 = vector.load %arg20[%swap3A_2192, %swap3A_2193] : memref<1026x64xf32, #tpu.memory_space<vmem>>, vector<1x64xf32>
        tpu.vector_store %arg20[%swap3A_2192, %swap3A_2193], %get3A_2191 {strides = array<i32>} : memref<1026x64xf32, #tpu.memory_space<vmem>>, vector<1x64xf32>,
        %get3A_2195 = arith.constant 30 : index
        %get3A_2196 = arith.constant 0 : index
        %get3A_2197 = vector.load %arg29[%get3A_2195, %get3A_2196] : memref<48x128xf32, #tpu.memory_space<vmem>>, vector<1x64xf32>
        %swap3A_2198 = arith.index_cast %select_n3A_931 : i32 to index
        %swap3A_2199 = arith.constant 0 : index
        %swap3A_2200 = vector.load %arg20[%swap3A_2198, %swap3A_2199] : memref<1026x64xf32, #tpu.memory_space<vmem>>, vector<1x64xf32>
        tpu.vector_store %arg20[%swap3A_2198, %swap3A_2199], %get3A_2197 {strides = array<i32>} : memref<1026x64xf32, #tpu.memory_space<vmem>>, vector<1x64xf32>,
        %get3A_2201 = arith.constant 31 : index
        %get3A_2202 = arith.constant 0 : index
        %get3A_2203 = vector.load %arg29[%get3A_2201, %get3A_2202] : memref<48x128xf32, #tpu.memory_space<vmem>>, vector<1x64xf32>
        %swap3A_2204 = arith.index_cast %select_n3A_951 : i32 to index
        %swap3A_2205 = arith.constant 0 : index
        %swap3A_2206 = vector.load %arg20[%swap3A_2204, %swap3A_2205] : memref<1026x64xf32, #tpu.memory_space<vmem>>, vector<1x64xf32>
        tpu.vector_store %arg20[%swap3A_2204, %swap3A_2205], %get3A_2203 {strides = array<i32>} : memref<1026x64xf32, #tpu.memory_space<vmem>>, vector<1x64xf32>,
        %get3A_2207 = arith.constant 32 : index
        %get3A_2208 = arith.constant 0 : index
        %get3A_2209 = vector.load %arg29[%get3A_2207, %get3A_2208] : memref<48x128xf32, #tpu.memory_space<vmem>>, vector<1x64xf32>
        %swap3A_2210 = arith.index_cast %select_n3A_971 : i32 to index
        %swap3A_2211 = arith.constant 0 : index
        %swap3A_2212 = vector.load %arg20[%swap3A_2210, %swap3A_2211] : memref<1026x64xf32, #tpu.memory_space<vmem>>, vector<1x64xf32>
        tpu.vector_store %arg20[%swap3A_2210, %swap3A_2211], %get3A_2209 {strides = array<i32>} : memref<1026x64xf32, #tpu.memory_space<vmem>>, vector<1x64xf32>,
        %get3A_2213 = arith.constant 33 : index
        %get3A_2214 = arith.constant 0 : index
        %get3A_2215 = vector.load %arg29[%get3A_2213, %get3A_2214] : memref<48x128xf32, #tpu.memory_space<vmem>>, vector<1x64xf32>
        %swap3A_2216 = arith.index_cast %select_n3A_991 : i32 to index
        %swap3A_2217 = arith.constant 0 : index
        %swap3A_2218 = vector.load %arg20[%swap3A_2216, %swap3A_2217] : memref<1026x64xf32, #tpu.memory_space<vmem>>, vector<1x64xf32>
        tpu.vector_store %arg20[%swap3A_2216, %swap3A_2217], %get3A_2215 {strides = array<i32>} : memref<1026x64xf32, #tpu.memory_space<vmem>>, vector<1x64xf32>,
        %get3A_2219 = arith.constant 34 : index
        %get3A_2220 = arith.constant 0 : index
        %get3A_2221 = vector.load %arg29[%get3A_2219, %get3A_2220] : memref<48x128xf32, #tpu.memory_space<vmem>>, vector<1x64xf32>
        %swap3A_2222 = arith.index_cast %select_n3A_1011 : i32 to index
        %swap3A_2223 = arith.constant 0 : index
        %swap3A_2224 = vector.load %arg20[%swap3A_2222, %swap3A_2223] : memref<1026x64xf32, #tpu.memory_space<vmem>>, vector<1x64xf32>
        tpu.vector_store %arg20[%swap3A_2222, %swap3A_2223], %get3A_2221 {strides = array<i32>} : memref<1026x64xf32, #tpu.memory_space<vmem>>, vector<1x64xf32>,
        %get3A_2225 = arith.constant 35 : index
        %get3A_2226 = arith.constant 0 : index
        %get3A_2227 = vector.load %arg29[%get3A_2225, %get3A_2226] : memref<48x128xf32, #tpu.memory_space<vmem>>, vector<1x64xf32>
        %swap3A_2228 = arith.index_cast %select_n3A_1031 : i32 to index
        %swap3A_2229 = arith.constant 0 : index
        %swap3A_2230 = vector.load %arg20[%swap3A_2228, %swap3A_2229] : memref<1026x64xf32, #tpu.memory_space<vmem>>, vector<1x64xf32>
        tpu.vector_store %arg20[%swap3A_2228, %swap3A_2229], %get3A_2227 {strides = array<i32>} : memref<1026x64xf32, #tpu.memory_space<vmem>>, vector<1x64xf32>,
        %get3A_2231 = arith.constant 36 : index
        %get3A_2232 = arith.constant 0 : index
        %get3A_2233 = vector.load %arg29[%get3A_2231, %get3A_2232] : memref<48x128xf32, #tpu.memory_space<vmem>>, vector<1x64xf32>
        %swap3A_2234 = arith.index_cast %select_n3A_1051 : i32 to index
        %swap3A_2235 = arith.constant 0 : index
        %swap3A_2236 = vector.load %arg20[%swap3A_2234, %swap3A_2235] : memref<1026x64xf32, #tpu.memory_space<vmem>>, vector<1x64xf32>
        tpu.vector_store %arg20[%swap3A_2234, %swap3A_2235], %get3A_2233 {strides = array<i32>} : memref<1026x64xf32, #tpu.memory_space<vmem>>, vector<1x64xf32>,
        %get3A_2237 = arith.constant 37 : index
        %get3A_2238 = arith.constant 0 : index
        %get3A_2239 = vector.load %arg29[%get3A_2237, %get3A_2238] : memref<48x128xf32, #tpu.memory_space<vmem>>, vector<1x64xf32>
        %swap3A_2240 = arith.index_cast %select_n3A_1071 : i32 to index
        %swap3A_2241 = arith.constant 0 : index
        %swap3A_2242 = vector.load %arg20[%swap3A_2240, %swap3A_2241] : memref<1026x64xf32, #tpu.memory_space<vmem>>, vector<1x64xf32>
        tpu.vector_store %arg20[%swap3A_2240, %swap3A_2241], %get3A_2239 {strides = array<i32>} : memref<1026x64xf32, #tpu.memory_space<vmem>>, vector<1x64xf32>,
        %get3A_2243 = arith.constant 38 : index
        %get3A_2244 = arith.constant 0 : index
        %get3A_2245 = vector.load %arg29[%get3A_2243, %get3A_2244] : memref<48x128xf32, #tpu.memory_space<vmem>>, vector<1x64xf32>
        %swap3A_2246 = arith.index_cast %select_n3A_1091 : i32 to index
        %swap3A_2247 = arith.constant 0 : index
        %swap3A_2248 = vector.load %arg20[%swap3A_2246, %swap3A_2247] : memref<1026x64xf32, #tpu.memory_space<vmem>>, vector<1x64xf32>
        tpu.vector_store %arg20[%swap3A_2246, %swap3A_2247], %get3A_2245 {strides = array<i32>} : memref<1026x64xf32, #tpu.memory_space<vmem>>, vector<1x64xf32>,
        %get3A_2249 = arith.constant 39 : index
        %get3A_2250 = arith.constant 0 : index
        %get3A_2251 = vector.load %arg29[%get3A_2249, %get3A_2250] : memref<48x128xf32, #tpu.memory_space<vmem>>, vector<1x64xf32>
        %swap3A_2252 = arith.index_cast %select_n3A_1111 : i32 to index
        %swap3A_2253 = arith.constant 0 : index
        %swap3A_2254 = vector.load %arg20[%swap3A_2252, %swap3A_2253] : memref<1026x64xf32, #tpu.memory_space<vmem>>, vector<1x64xf32>
        tpu.vector_store %arg20[%swap3A_2252, %swap3A_2253], %get3A_2251 {strides = array<i32>} : memref<1026x64xf32, #tpu.memory_space<vmem>>, vector<1x64xf32>,
        %get3A_2255 = arith.constant 40 : index
        %get3A_2256 = arith.constant 0 : index
        %get3A_2257 = vector.load %arg29[%get3A_2255, %get3A_2256] : memref<48x128xf32, #tpu.memory_space<vmem>>, vector<1x64xf32>
        %swap3A_2258 = arith.index_cast %select_n3A_1131 : i32 to index
        %swap3A_2259 = arith.constant 0 : index
        %swap3A_2260 = vector.load %arg20[%swap3A_2258, %swap3A_2259] : memref<1026x64xf32, #tpu.memory_space<vmem>>, vector<1x64xf32>
        tpu.vector_store %arg20[%swap3A_2258, %swap3A_2259], %get3A_2257 {strides = array<i32>} : memref<1026x64xf32, #tpu.memory_space<vmem>>, vector<1x64xf32>,
        %get3A_2261 = arith.constant 41 : index
        %get3A_2262 = arith.constant 0 : index
        %get3A_2263 = vector.load %arg29[%get3A_2261, %get3A_2262] : memref<48x128xf32, #tpu.memory_space<vmem>>, vector<1x64xf32>
        %swap3A_2264 = arith.index_cast %select_n3A_1151 : i32 to index
        %swap3A_2265 = arith.constant 0 : index
        %swap3A_2266 = vector.load %arg20[%swap3A_2264, %swap3A_2265] : memref<1026x64xf32, #tpu.memory_space<vmem>>, vector<1x64xf32>
        tpu.vector_store %arg20[%swap3A_2264, %swap3A_2265], %get3A_2263 {strides = array<i32>} : memref<1026x64xf32, #tpu.memory_space<vmem>>, vector<1x64xf32>,
        %get3A_2267 = arith.constant 42 : index
        %get3A_2268 = arith.constant 0 : index
        %get3A_2269 = vector.load %arg29[%get3A_2267, %get3A_2268] : memref<48x128xf32, #tpu.memory_space<vmem>>, vector<1x64xf32>
        %swap3A_2270 = arith.index_cast %select_n3A_1171 : i32 to index
        %swap3A_2271 = arith.constant 0 : index
        %swap3A_2272 = vector.load %arg20[%swap3A_2270, %swap3A_2271] : memref<1026x64xf32, #tpu.memory_space<vmem>>, vector<1x64xf32>
        tpu.vector_store %arg20[%swap3A_2270, %swap3A_2271], %get3A_2269 {strides = array<i32>} : memref<1026x64xf32, #tpu.memory_space<vmem>>, vector<1x64xf32>,
        %get3A_2273 = arith.constant 43 : index
        %get3A_2274 = arith.constant 0 : index
        %get3A_2275 = vector.load %arg29[%get3A_2273, %get3A_2274] : memref<48x128xf32, #tpu.memory_space<vmem>>, vector<1x64xf32>
        %swap3A_2276 = arith.index_cast %select_n3A_1191 : i32 to index
        %swap3A_2277 = arith.constant 0 : index
        %swap3A_2278 = vector.load %arg20[%swap3A_2276, %swap3A_2277] : memref<1026x64xf32, #tpu.memory_space<vmem>>, vector<1x64xf32>
        tpu.vector_store %arg20[%swap3A_2276, %swap3A_2277], %get3A_2275 {strides = array<i32>} : memref<1026x64xf32, #tpu.memory_space<vmem>>, vector<1x64xf32>,
        %get3A_2279 = arith.constant 44 : index
        %get3A_2280 = arith.constant 0 : index
        %get3A_2281 = vector.load %arg29[%get3A_2279, %get3A_2280] : memref<48x128xf32, #tpu.memory_space<vmem>>, vector<1x64xf32>
        %swap3A_2282 = arith.index_cast %select_n3A_1211 : i32 to index
        %swap3A_2283 = arith.constant 0 : index
        %swap3A_2284 = vector.load %arg20[%swap3A_2282, %swap3A_2283] : memref<1026x64xf32, #tpu.memory_space<vmem>>, vector<1x64xf32>
        tpu.vector_store %arg20[%swap3A_2282, %swap3A_2283], %get3A_2281 {strides = array<i32>} : memref<1026x64xf32, #tpu.memory_space<vmem>>, vector<1x64xf32>,
        %get3A_2285 = arith.constant 45 : index
        %get3A_2286 = arith.constant 0 : index
        %get3A_2287 = vector.load %arg29[%get3A_2285, %get3A_2286] : memref<48x128xf32, #tpu.memory_space<vmem>>, vector<1x64xf32>
        %swap3A_2288 = arith.index_cast %select_n3A_1231 : i32 to index
        %swap3A_2289 = arith.constant 0 : index
        %swap3A_2290 = vector.load %arg20[%swap3A_2288, %swap3A_2289] : memref<1026x64xf32, #tpu.memory_space<vmem>>, vector<1x64xf32>
        tpu.vector_store %arg20[%swap3A_2288, %swap3A_2289], %get3A_2287 {strides = array<i32>} : memref<1026x64xf32, #tpu.memory_space<vmem>>, vector<1x64xf32>,
        %get3A_2291 = arith.constant 46 : index
        %get3A_2292 = arith.constant 0 : index
        %get3A_2293 = vector.load %arg29[%get3A_2291, %get3A_2292] : memref<48x128xf32, #tpu.memory_space<vmem>>, vector<1x64xf32>
        %swap3A_2294 = arith.index_cast %select_n3A_1251 : i32 to index
        %swap3A_2295 = arith.constant 0 : index
        %swap3A_2296 = vector.load %arg20[%swap3A_2294, %swap3A_2295] : memref<1026x64xf32, #tpu.memory_space<vmem>>, vector<1x64xf32>
        tpu.vector_store %arg20[%swap3A_2294, %swap3A_2295], %get3A_2293 {strides = array<i32>} : memref<1026x64xf32, #tpu.memory_space<vmem>>, vector<1x64xf32>,
        %get3A_2297 = arith.constant 47 : index
        %get3A_2298 = arith.constant 0 : index
        %get3A_2299 = vector.load %arg29[%get3A_2297, %get3A_2298] : memref<48x128xf32, #tpu.memory_space<vmem>>, vector<1x64xf32>
        %swap3A_2300 = arith.index_cast %select_n3A_1271 : i32 to index
        %swap3A_2301 = arith.constant 0 : index
        %swap3A_2302 = vector.load %arg20[%swap3A_2300, %swap3A_2301] : memref<1026x64xf32, #tpu.memory_space<vmem>>, vector<1x64xf32>
        tpu.vector_store %arg20[%swap3A_2300, %swap3A_2301], %get3A_2299 {strides = array<i32>} : memref<1026x64xf32, #tpu.memory_space<vmem>>, vector<1x64xf32>,
        %get3A_2303 = arith.constant 0 : index
        %get3A_2304 = arith.constant 64 : index
        %get3A_2305 = vector.load %arg29[%get3A_2303, %get3A_2304] : memref<48x128xf32, #tpu.memory_space<vmem>>, vector<1x64xf32>
        %swap3A_2306 = arith.index_cast %select_n3A_1291 : i32 to index
        %swap3A_2307 = arith.constant 0 : index
        %swap3A_2308 = vector.load %arg21[%swap3A_2306, %swap3A_2307] : memref<1025x64xf32, #tpu.memory_space<vmem>>, vector<1x64xf32>
        tpu.vector_store %arg21[%swap3A_2306, %swap3A_2307], %get3A_2305 {strides = array<i32>} : memref<1025x64xf32, #tpu.memory_space<vmem>>, vector<1x64xf32>,
        %get3A_2309 = arith.constant 1 : index
        %get3A_2310 = arith.constant 64 : index
        %get3A_2311 = vector.load %arg29[%get3A_2309, %get3A_2310] : memref<48x128xf32, #tpu.memory_space<vmem>>, vector<1x64xf32>
        %swap3A_2312 = arith.index_cast %select_n3A_1333 : i32 to index
        %swap3A_2313 = arith.constant 0 : index
        %swap3A_2314 = vector.load %arg21[%swap3A_2312, %swap3A_2313] : memref<1025x64xf32, #tpu.memory_space<vmem>>, vector<1x64xf32>
        tpu.vector_store %arg21[%swap3A_2312, %swap3A_2313], %get3A_2311 {strides = array<i32>} : memref<1025x64xf32, #tpu.memory_space<vmem>>, vector<1x64xf32>,
        %get3A_2315 = arith.constant 2 : index
        %get3A_2316 = arith.constant 64 : index
        %get3A_2317 = vector.load %arg29[%get3A_2315, %get3A_2316] : memref<48x128xf32, #tpu.memory_space<vmem>>, vector<1x64xf32>
        %swap3A_2318 = arith.index_cast %select_n3A_1375 : i32 to index
        %swap3A_2319 = arith.constant 0 : index
        %swap3A_2320 = vector.load %arg21[%swap3A_2318, %swap3A_2319] : memref<1025x64xf32, #tpu.memory_space<vmem>>, vector<1x64xf32>
        tpu.vector_store %arg21[%swap3A_2318, %swap3A_2319], %get3A_2317 {strides = array<i32>} : memref<1025x64xf32, #tpu.memory_space<vmem>>, vector<1x64xf32>,
        %get3A_2321 = arith.constant 3 : index
        %get3A_2322 = arith.constant 64 : index
        %get3A_2323 = vector.load %arg29[%get3A_2321, %get3A_2322] : memref<48x128xf32, #tpu.memory_space<vmem>>, vector<1x64xf32>
        %swap3A_2324 = arith.index_cast %select_n3A_1417 : i32 to index
        %swap3A_2325 = arith.constant 0 : index
        %swap3A_2326 = vector.load %arg21[%swap3A_2324, %swap3A_2325] : memref<1025x64xf32, #tpu.memory_space<vmem>>, vector<1x64xf32>
        tpu.vector_store %arg21[%swap3A_2324, %swap3A_2325], %get3A_2323 {strides = array<i32>} : memref<1025x64xf32, #tpu.memory_space<vmem>>, vector<1x64xf32>,
        %get3A_2327 = arith.constant 4 : index
        %get3A_2328 = arith.constant 64 : index
        %get3A_2329 = vector.load %arg29[%get3A_2327, %get3A_2328] : memref<48x128xf32, #tpu.memory_space<vmem>>, vector<1x64xf32>
        %swap3A_2330 = arith.index_cast %select_n3A_1459 : i32 to index
        %swap3A_2331 = arith.constant 0 : index
        %swap3A_2332 = vector.load %arg21[%swap3A_2330, %swap3A_2331] : memref<1025x64xf32, #tpu.memory_space<vmem>>, vector<1x64xf32>
        tpu.vector_store %arg21[%swap3A_2330, %swap3A_2331], %get3A_2329 {strides = array<i32>} : memref<1025x64xf32, #tpu.memory_space<vmem>>, vector<1x64xf32>,
        %get3A_2333 = arith.constant 5 : index
        %get3A_2334 = arith.constant 64 : index
        %get3A_2335 = vector.load %arg29[%get3A_2333, %get3A_2334] : memref<48x128xf32, #tpu.memory_space<vmem>>, vector<1x64xf32>
        %swap3A_2336 = arith.index_cast %select_n3A_1501 : i32 to index
        %swap3A_2337 = arith.constant 0 : index
        %swap3A_2338 = vector.load %arg21[%swap3A_2336, %swap3A_2337] : memref<1025x64xf32, #tpu.memory_space<vmem>>, vector<1x64xf32>
        tpu.vector_store %arg21[%swap3A_2336, %swap3A_2337], %get3A_2335 {strides = array<i32>} : memref<1025x64xf32, #tpu.memory_space<vmem>>, vector<1x64xf32>,
        %get3A_2339 = arith.constant 6 : index
        %get3A_2340 = arith.constant 64 : index
        %get3A_2341 = vector.load %arg29[%get3A_2339, %get3A_2340] : memref<48x128xf32, #tpu.memory_space<vmem>>, vector<1x64xf32>
        %swap3A_2342 = arith.index_cast %select_n3A_1543 : i32 to index
        %swap3A_2343 = arith.constant 0 : index
        %swap3A_2344 = vector.load %arg21[%swap3A_2342, %swap3A_2343] : memref<1025x64xf32, #tpu.memory_space<vmem>>, vector<1x64xf32>
        tpu.vector_store %arg21[%swap3A_2342, %swap3A_2343], %get3A_2341 {strides = array<i32>} : memref<1025x64xf32, #tpu.memory_space<vmem>>, vector<1x64xf32>,
        %get3A_2345 = arith.constant 7 : index
        %get3A_2346 = arith.constant 64 : index
        %get3A_2347 = vector.load %arg29[%get3A_2345, %get3A_2346] : memref<48x128xf32, #tpu.memory_space<vmem>>, vector<1x64xf32>
        %swap3A_2348 = arith.index_cast %select_n3A_1585 : i32 to index
        %swap3A_2349 = arith.constant 0 : index
        %swap3A_2350 = vector.load %arg21[%swap3A_2348, %swap3A_2349] : memref<1025x64xf32, #tpu.memory_space<vmem>>, vector<1x64xf32>
        tpu.vector_store %arg21[%swap3A_2348, %swap3A_2349], %get3A_2347 {strides = array<i32>} : memref<1025x64xf32, #tpu.memory_space<vmem>>, vector<1x64xf32>,
        %get3A_2351 = arith.constant 8 : index
        %get3A_2352 = arith.constant 64 : index
        %get3A_2353 = vector.load %arg29[%get3A_2351, %get3A_2352] : memref<48x128xf32, #tpu.memory_space<vmem>>, vector<1x64xf32>
        %swap3A_2354 = arith.index_cast %select_n3A_1627 : i32 to index
        %swap3A_2355 = arith.constant 0 : index
        %swap3A_2356 = vector.load %arg21[%swap3A_2354, %swap3A_2355] : memref<1025x64xf32, #tpu.memory_space<vmem>>, vector<1x64xf32>
        tpu.vector_store %arg21[%swap3A_2354, %swap3A_2355], %get3A_2353 {strides = array<i32>} : memref<1025x64xf32, #tpu.memory_space<vmem>>, vector<1x64xf32>,
        %get3A_2357 = arith.constant 9 : index
        %get3A_2358 = arith.constant 64 : index
        %get3A_2359 = vector.load %arg29[%get3A_2357, %get3A_2358] : memref<48x128xf32, #tpu.memory_space<vmem>>, vector<1x64xf32>
        %swap3A_2360 = arith.index_cast %select_n3A_1669 : i32 to index
        %swap3A_2361 = arith.constant 0 : index
        %swap3A_2362 = vector.load %arg21[%swap3A_2360, %swap3A_2361] : memref<1025x64xf32, #tpu.memory_space<vmem>>, vector<1x64xf32>
        tpu.vector_store %arg21[%swap3A_2360, %swap3A_2361], %get3A_2359 {strides = array<i32>} : memref<1025x64xf32, #tpu.memory_space<vmem>>, vector<1x64xf32>,
        %get3A_2363 = arith.constant 10 : index
        %get3A_2364 = arith.constant 64 : index
        %get3A_2365 = vector.load %arg29[%get3A_2363, %get3A_2364] : memref<48x128xf32, #tpu.memory_space<vmem>>, vector<1x64xf32>
        %swap3A_2366 = arith.index_cast %select_n3A_1711 : i32 to index
        %swap3A_2367 = arith.constant 0 : index
        %swap3A_2368 = vector.load %arg21[%swap3A_2366, %swap3A_2367] : memref<1025x64xf32, #tpu.memory_space<vmem>>, vector<1x64xf32>
        tpu.vector_store %arg21[%swap3A_2366, %swap3A_2367], %get3A_2365 {strides = array<i32>} : memref<1025x64xf32, #tpu.memory_space<vmem>>, vector<1x64xf32>,
        %get3A_2369 = arith.constant 11 : index
        %get3A_2370 = arith.constant 64 : index
        %get3A_2371 = vector.load %arg29[%get3A_2369, %get3A_2370] : memref<48x128xf32, #tpu.memory_space<vmem>>, vector<1x64xf32>
        %swap3A_2372 = arith.index_cast %select_n3A_1753 : i32 to index
        %swap3A_2373 = arith.constant 0 : index
        %swap3A_2374 = vector.load %arg21[%swap3A_2372, %swap3A_2373] : memref<1025x64xf32, #tpu.memory_space<vmem>>, vector<1x64xf32>
        tpu.vector_store %arg21[%swap3A_2372, %swap3A_2373], %get3A_2371 {strides = array<i32>} : memref<1025x64xf32, #tpu.memory_space<vmem>>, vector<1x64xf32>,
        %get3A_2375 = arith.constant 12 : index
        %get3A_2376 = arith.constant 64 : index
        %get3A_2377 = vector.load %arg29[%get3A_2375, %get3A_2376] : memref<48x128xf32, #tpu.memory_space<vmem>>, vector<1x64xf32>
        %swap3A_2378 = arith.index_cast %select_n3A_1795 : i32 to index
        %swap3A_2379 = arith.constant 0 : index
        %swap3A_2380 = vector.load %arg21[%swap3A_2378, %swap3A_2379] : memref<1025x64xf32, #tpu.memory_space<vmem>>, vector<1x64xf32>
        tpu.vector_store %arg21[%swap3A_2378, %swap3A_2379], %get3A_2377 {strides = array<i32>} : memref<1025x64xf32, #tpu.memory_space<vmem>>, vector<1x64xf32>,
        %get3A_2381 = arith.constant 13 : index
        %get3A_2382 = arith.constant 64 : index
        %get3A_2383 = vector.load %arg29[%get3A_2381, %get3A_2382] : memref<48x128xf32, #tpu.memory_space<vmem>>, vector<1x64xf32>
        %swap3A_2384 = arith.index_cast %select_n3A_1837 : i32 to index
        %swap3A_2385 = arith.constant 0 : index
        %swap3A_2386 = vector.load %arg21[%swap3A_2384, %swap3A_2385] : memref<1025x64xf32, #tpu.memory_space<vmem>>, vector<1x64xf32>
        tpu.vector_store %arg21[%swap3A_2384, %swap3A_2385], %get3A_2383 {strides = array<i32>} : memref<1025x64xf32, #tpu.memory_space<vmem>>, vector<1x64xf32>,
        %get3A_2387 = arith.constant 14 : index
        %get3A_2388 = arith.constant 64 : index
        %get3A_2389 = vector.load %arg29[%get3A_2387, %get3A_2388] : memref<48x128xf32, #tpu.memory_space<vmem>>, vector<1x64xf32>
        %swap3A_2390 = arith.index_cast %select_n3A_1879 : i32 to index
        %swap3A_2391 = arith.constant 0 : index
        %swap3A_2392 = vector.load %arg21[%swap3A_2390, %swap3A_2391] : memref<1025x64xf32, #tpu.memory_space<vmem>>, vector<1x64xf32>
        tpu.vector_store %arg21[%swap3A_2390, %swap3A_2391], %get3A_2389 {strides = array<i32>} : memref<1025x64xf32, #tpu.memory_space<vmem>>, vector<1x64xf32>,
        %get3A_2393 = arith.constant 15 : index
        %get3A_2394 = arith.constant 64 : index
        %get3A_2395 = vector.load %arg29[%get3A_2393, %get3A_2394] : memref<48x128xf32, #tpu.memory_space<vmem>>, vector<1x64xf32>
        %swap3A_2396 = arith.index_cast %select_n3A_1921 : i32 to index
        %swap3A_2397 = arith.constant 0 : index
        %swap3A_2398 = vector.load %arg21[%swap3A_2396, %swap3A_2397] : memref<1025x64xf32, #tpu.memory_space<vmem>>, vector<1x64xf32>
        tpu.vector_store %arg21[%swap3A_2396, %swap3A_2397], %get3A_2395 {strides = array<i32>} : memref<1025x64xf32, #tpu.memory_space<vmem>>, vector<1x64xf32>,
        %add3A_2399 = arith.constant 48 : i32
        %add3A_2400 = arith.addi %while3A_322, %add3A_2399 : i32
        %add3A_2401 = arith.constant 16 : i32
        %add3A_2402 = arith.addi %while3A_323, %add3A_2401 : i32
        scf.yield %add3A_2400, %add3A_2402 : i32, i32
      }
    }
    %while3A_249 = arith.constant 1 : i32
    scf.for %while3A_308 = %while3A_247 to %while3A_243 step %while3A_249  : i32 {
      %sub3A_309 = arith.constant 1 : i32
      %sub3A_310 = arith.subi %while3A_308, %sub3A_309 : i32
      %get3A_311 = arith.index_cast %sub3A_310 : i32 to index
      %get3A_312 = memref.load %arg31[%get3A_311] : memref<1026xi32, #tpu.memory_space<smem>>
      %get3A_313 = arith.index_cast %while3A_308 : i32 to index
      %get3A_314 = memref.load %arg31[%get3A_313] : memref<1026xi32, #tpu.memory_space<smem>>
      %sub3A_315 = arith.constant 1 : i32
      %sub3A_316 = arith.subi %while3A_308, %sub3A_315 : i32
      %get3A_317 = arith.index_cast %sub3A_316 : i32 to index
      %get3A_318 = memref.load %arg34[%get3A_317] : memref<514xi32, #tpu.memory_space<smem>>
      %get3A_319 = arith.index_cast %while3A_308 : i32 to index
      %get3A_320 = memref.load %arg34[%get3A_319] : memref<514xi32, #tpu.memory_space<smem>>
      %while3A_321:2 = scf.while (%while3A_322 = %get3A_312, %while3A_323 = %get3A_318) : (i32, i32) -> (i32, i32) {
        %lt3A = arith.cmpi slt, %while3A_322, %get3A_314 : i32
        %lt3A_324 = arith.cmpi slt, %while3A_323, %get3A_320 : i32
        %or3A = arith.ori %lt3A, %lt3A_324 : i1
        scf.condition(%or3A) %while3A_322, %while3A_323 : i32, i32
      } do {
      ^bb0(%while3A_322: i32, %while3A_323: i32):
        %add3A_324 = arith.constant 0 : i32
        %add3A_325 = arith.addi %while3A_322, %add3A_324 : i32
        %sub3A_326 = arith.constant 1 : i32
        %sub3A_327 = arith.subi %get3A_314, %sub3A_326 : i32
        %min3A = arith.minsi %add3A_325, %sub3A_327 : i32
        %get3A_328 = arith.index_cast %min3A : i32 to index
        %get3A_329 = memref.load %arg32[%get3A_328] : memref<1024xi32, #tpu.memory_space<smem>>
        %lt3A = arith.cmpi slt, %add3A_325, %get3A_314 : i32
        %jit3A_330 = arith.constant 1025 : i32
        %select_n3A_331 = arith.select %lt3A, %get3A_329, %jit3A_330 : i32
        %sub3A_332 = arith.constant 1 : i32
        %sub3A_333 = arith.subi %get3A_329, %sub3A_332 : i32
        %get3A_334 = arith.index_cast %sub3A_333 : i32 to index
        %get3A_335 = memref.load %arg3[%get3A_334] : memref<1024xi32, #tpu.memory_space<smem>>
        %get3A_336 = arith.index_cast %get3A_335 : i32 to index
        %get3A_337 = arith.constant 0 : index
        %get3A_338 = vector.load %arg20[%get3A_336, %get3A_337] : memref<1026x64xf32, #tpu.memory_space<vmem>>, vector<1x64xf32>
        %swap3A_339 = arith.constant 0 : index
        %swap3A_340 = arith.constant 0 : index
        %swap3A_341 = vector.load %arg29[%swap3A_339, %swap3A_340] : memref<48x128xf32, #tpu.memory_space<vmem>>, vector<1x64xf32>
        tpu.vector_store %arg29[%swap3A_339, %swap3A_340], %get3A_338 {strides = array<i32>} : memref<48x128xf32, #tpu.memory_space<vmem>>, vector<1x64xf32>,
        %add3A_342 = arith.constant 1 : i32
        %add3A_343 = arith.addi %while3A_322, %add3A_342 : i32
        %sub3A_344 = arith.constant 1 : i32
        %sub3A_345 = arith.subi %get3A_314, %sub3A_344 : i32
        %min3A_346 = arith.minsi %add3A_343, %sub3A_345 : i32
        %get3A_347 = arith.index_cast %min3A_346 : i32 to index
        %get3A_348 = memref.load %arg32[%get3A_347] : memref<1024xi32, #tpu.memory_space<smem>>
        %lt3A_349 = arith.cmpi slt, %add3A_343, %get3A_314 : i32
        %jit3A_350 = arith.constant 1025 : i32
        %select_n3A_351 = arith.select %lt3A_349, %get3A_348, %jit3A_350 : i32
        %sub3A_352 = arith.constant 1 : i32
        %sub3A_353 = arith.subi %get3A_348, %sub3A_352 : i32
        %get3A_354 = arith.index_cast %sub3A_353 : i32 to index
        %get3A_355 = memref.load %arg3[%get3A_354] : memref<1024xi32, #tpu.memory_space<smem>>
        %get3A_356 = arith.index_cast %get3A_355 : i32 to index
        %get3A_357 = arith.constant 0 : index
        %get3A_358 = vector.load %arg20[%get3A_356, %get3A_357] : memref<1026x64xf32, #tpu.memory_space<vmem>>, vector<1x64xf32>
        %swap3A_359 = arith.constant 1 : index
        %swap3A_360 = arith.constant 0 : index
        %swap3A_361 = vector.load %arg29[%swap3A_359, %swap3A_360] : memref<48x128xf32, #tpu.memory_space<vmem>>, vector<1x64xf32>
        tpu.vector_store %arg29[%swap3A_359, %swap3A_360], %get3A_358 {strides = array<i32>} : memref<48x128xf32, #tpu.memory_space<vmem>>, vector<1x64xf32>,
        %add3A_362 = arith.constant 2 : i32
        %add3A_363 = arith.addi %while3A_322, %add3A_362 : i32
        %sub3A_364 = arith.constant 1 : i32
        %sub3A_365 = arith.subi %get3A_314, %sub3A_364 : i32
        %min3A_366 = arith.minsi %add3A_363, %sub3A_365 : i32
        %get3A_367 = arith.index_cast %min3A_366 : i32 to index
        %get3A_368 = memref.load %arg32[%get3A_367] : memref<1024xi32, #tpu.memory_space<smem>>
        %lt3A_369 = arith.cmpi slt, %add3A_363, %get3A_314 : i32
        %jit3A_370 = arith.constant 1025 : i32
        %select_n3A_371 = arith.select %lt3A_369, %get3A_368, %jit3A_370 : i32
        %sub3A_372 = arith.constant 1 : i32
        %sub3A_373 = arith.subi %get3A_368, %sub3A_372 : i32
        %get3A_374 = arith.index_cast %sub3A_373 : i32 to index
        %get3A_375 = memref.load %arg3[%get3A_374] : memref<1024xi32, #tpu.memory_space<smem>>
        %get3A_376 = arith.index_cast %get3A_375 : i32 to index
        %get3A_377 = arith.constant 0 : index
        %get3A_378 = vector.load %arg20[%get3A_376, %get3A_377] : memref<1026x64xf32, #tpu.memory_space<vmem>>, vector<1x64xf32>
        %swap3A_379 = arith.constant 2 : index
        %swap3A_380 = arith.constant 0 : index
        %swap3A_381 = vector.load %arg29[%swap3A_379, %swap3A_380] : memref<48x128xf32, #tpu.memory_space<vmem>>, vector<1x64xf32>
        tpu.vector_store %arg29[%swap3A_379, %swap3A_380], %get3A_378 {strides = array<i32>} : memref<48x128xf32, #tpu.memory_space<vmem>>, vector<1x64xf32>,
        %add3A_382 = arith.constant 3 : i32
        %add3A_383 = arith.addi %while3A_322, %add3A_382 : i32
        %sub3A_384 = arith.constant 1 : i32
        %sub3A_385 = arith.subi %get3A_314, %sub3A_384 : i32
        %min3A_386 = arith.minsi %add3A_383, %sub3A_385 : i32
        %get3A_387 = arith.index_cast %min3A_386 : i32 to index
        %get3A_388 = memref.load %arg32[%get3A_387] : memref<1024xi32, #tpu.memory_space<smem>>
        %lt3A_389 = arith.cmpi slt, %add3A_383, %get3A_314 : i32
        %jit3A_390 = arith.constant 1025 : i32
        %select_n3A_391 = arith.select %lt3A_389, %get3A_388, %jit3A_390 : i32
        %sub3A_392 = arith.constant 1 : i32
        %sub3A_393 = arith.subi %get3A_388, %sub3A_392 : i32
        %get3A_394 = arith.index_cast %sub3A_393 : i32 to index
        %get3A_395 = memref.load %arg3[%get3A_394] : memref<1024xi32, #tpu.memory_space<smem>>
        %get3A_396 = arith.index_cast %get3A_395 : i32 to index
        %get3A_397 = arith.constant 0 : index
        %get3A_398 = vector.load %arg20[%get3A_396, %get3A_397] : memref<1026x64xf32, #tpu.memory_space<vmem>>, vector<1x64xf32>
        %swap3A_399 = arith.constant 3 : index
        %swap3A_400 = arith.constant 0 : index
        %swap3A_401 = vector.load %arg29[%swap3A_399, %swap3A_400] : memref<48x128xf32, #tpu.memory_space<vmem>>, vector<1x64xf32>
        tpu.vector_store %arg29[%swap3A_399, %swap3A_400], %get3A_398 {strides = array<i32>} : memref<48x128xf32, #tpu.memory_space<vmem>>, vector<1x64xf32>,
        %add3A_402 = arith.constant 4 : i32
        %add3A_403 = arith.addi %while3A_322, %add3A_402 : i32
        %sub3A_404 = arith.constant 1 : i32
        %sub3A_405 = arith.subi %get3A_314, %sub3A_404 : i32
        %min3A_406 = arith.minsi %add3A_403, %sub3A_405 : i32
        %get3A_407 = arith.index_cast %min3A_406 : i32 to index
        %get3A_408 = memref.load %arg32[%get3A_407] : memref<1024xi32, #tpu.memory_space<smem>>
        %lt3A_409 = arith.cmpi slt, %add3A_403, %get3A_314 : i32
        %jit3A_410 = arith.constant 1025 : i32
        %select_n3A_411 = arith.select %lt3A_409, %get3A_408, %jit3A_410 : i32
        %sub3A_412 = arith.constant 1 : i32
        %sub3A_413 = arith.subi %get3A_408, %sub3A_412 : i32
        %get3A_414 = arith.index_cast %sub3A_413 : i32 to index
        %get3A_415 = memref.load %arg3[%get3A_414] : memref<1024xi32, #tpu.memory_space<smem>>
        %get3A_416 = arith.index_cast %get3A_415 : i32 to index
        %get3A_417 = arith.constant 0 : index
        %get3A_418 = vector.load %arg20[%get3A_416, %get3A_417] : memref<1026x64xf32, #tpu.memory_space<vmem>>, vector<1x64xf32>
        %swap3A_419 = arith.constant 4 : index
        %swap3A_420 = arith.constant 0 : index
        %swap3A_421 = vector.load %arg29[%swap3A_419, %swap3A_420] : memref<48x128xf32, #tpu.memory_space<vmem>>, vector<1x64xf32>
        tpu.vector_store %arg29[%swap3A_419, %swap3A_420], %get3A_418 {strides = array<i32>} : memref<48x128xf32, #tpu.memory_space<vmem>>, vector<1x64xf32>,
        %add3A_422 = arith.constant 5 : i32
        %add3A_423 = arith.addi %while3A_322, %add3A_422 : i32
        %sub3A_424 = arith.constant 1 : i32
        %sub3A_425 = arith.subi %get3A_314, %sub3A_424 : i32
        %min3A_426 = arith.minsi %add3A_423, %sub3A_425 : i32
        %get3A_427 = arith.index_cast %min3A_426 : i32 to index
        %get3A_428 = memref.load %arg32[%get3A_427] : memref<1024xi32, #tpu.memory_space<smem>>
        %lt3A_429 = arith.cmpi slt, %add3A_423, %get3A_314 : i32
        %jit3A_430 = arith.constant 1025 : i32
        %select_n3A_431 = arith.select %lt3A_429, %get3A_428, %jit3A_430 : i32
        %sub3A_432 = arith.constant 1 : i32
        %sub3A_433 = arith.subi %get3A_428, %sub3A_432 : i32
        %get3A_434 = arith.index_cast %sub3A_433 : i32 to index
        %get3A_435 = memref.load %arg3[%get3A_434] : memref<1024xi32, #tpu.memory_space<smem>>
        %get3A_436 = arith.index_cast %get3A_435 : i32 to index
        %get3A_437 = arith.constant 0 : index
        %get3A_438 = vector.load %arg20[%get3A_436, %get3A_437] : memref<1026x64xf32, #tpu.memory_space<vmem>>, vector<1x64xf32>
        %swap3A_439 = arith.constant 5 : index
        %swap3A_440 = arith.constant 0 : index
        %swap3A_441 = vector.load %arg29[%swap3A_439, %swap3A_440] : memref<48x128xf32, #tpu.memory_space<vmem>>, vector<1x64xf32>
        tpu.vector_store %arg29[%swap3A_439, %swap3A_440], %get3A_438 {strides = array<i32>} : memref<48x128xf32, #tpu.memory_space<vmem>>, vector<1x64xf32>,
        %add3A_442 = arith.constant 6 : i32
        %add3A_443 = arith.addi %while3A_322, %add3A_442 : i32
        %sub3A_444 = arith.constant 1 : i32
        %sub3A_445 = arith.subi %get3A_314, %sub3A_444 : i32
        %min3A_446 = arith.minsi %add3A_443, %sub3A_445 : i32
        %get3A_447 = arith.index_cast %min3A_446 : i32 to index
        %get3A_448 = memref.load %arg32[%get3A_447] : memref<1024xi32, #tpu.memory_space<smem>>
        %lt3A_449 = arith.cmpi slt, %add3A_443, %get3A_314 : i32
        %jit3A_450 = arith.constant 1025 : i32
        %select_n3A_451 = arith.select %lt3A_449, %get3A_448, %jit3A_450 : i32
        %sub3A_452 = arith.constant 1 : i32
        %sub3A_453 = arith.subi %get3A_448, %sub3A_452 : i32
        %get3A_454 = arith.index_cast %sub3A_453 : i32 to index
        %get3A_455 = memref.load %arg3[%get3A_454] : memref<1024xi32, #tpu.memory_space<smem>>
        %get3A_456 = arith.index_cast %get3A_455 : i32 to index
        %get3A_457 = arith.constant 0 : index
        %get3A_458 = vector.load %arg20[%get3A_456, %get3A_457] : memref<1026x64xf32, #tpu.memory_space<vmem>>, vector<1x64xf32>
        %swap3A_459 = arith.constant 6 : index
        %swap3A_460 = arith.constant 0 : index
        %swap3A_461 = vector.load %arg29[%swap3A_459, %swap3A_460] : memref<48x128xf32, #tpu.memory_space<vmem>>, vector<1x64xf32>
        tpu.vector_store %arg29[%swap3A_459, %swap3A_460], %get3A_458 {strides = array<i32>} : memref<48x128xf32, #tpu.memory_space<vmem>>, vector<1x64xf32>,
        %add3A_462 = arith.constant 7 : i32
        %add3A_463 = arith.addi %while3A_322, %add3A_462 : i32
        %sub3A_464 = arith.constant 1 : i32
        %sub3A_465 = arith.subi %get3A_314, %sub3A_464 : i32
        %min3A_466 = arith.minsi %add3A_463, %sub3A_465 : i32
        %get3A_467 = arith.index_cast %min3A_466 : i32 to index
        %get3A_468 = memref.load %arg32[%get3A_467] : memref<1024xi32, #tpu.memory_space<smem>>
        %lt3A_469 = arith.cmpi slt, %add3A_463, %get3A_314 : i32
        %jit3A_470 = arith.constant 1025 : i32
        %select_n3A_471 = arith.select %lt3A_469, %get3A_468, %jit3A_470 : i32
        %sub3A_472 = arith.constant 1 : i32
        %sub3A_473 = arith.subi %get3A_468, %sub3A_472 : i32
        %get3A_474 = arith.index_cast %sub3A_473 : i32 to index
        %get3A_475 = memref.load %arg3[%get3A_474] : memref<1024xi32, #tpu.memory_space<smem>>
        %get3A_476 = arith.index_cast %get3A_475 : i32 to index
        %get3A_477 = arith.constant 0 : index
        %get3A_478 = vector.load %arg20[%get3A_476, %get3A_477] : memref<1026x64xf32, #tpu.memory_space<vmem>>, vector<1x64xf32>
        %swap3A_479 = arith.constant 7 : index
        %swap3A_480 = arith.constant 0 : index
        %swap3A_481 = vector.load %arg29[%swap3A_479, %swap3A_480] : memref<48x128xf32, #tpu.memory_space<vmem>>, vector<1x64xf32>
        tpu.vector_store %arg29[%swap3A_479, %swap3A_480], %get3A_478 {strides = array<i32>} : memref<48x128xf32, #tpu.memory_space<vmem>>, vector<1x64xf32>,
        %add3A_482 = arith.constant 8 : i32
        %add3A_483 = arith.addi %while3A_322, %add3A_482 : i32
        %sub3A_484 = arith.constant 1 : i32
        %sub3A_485 = arith.subi %get3A_314, %sub3A_484 : i32
        %min3A_486 = arith.minsi %add3A_483, %sub3A_485 : i32
        %get3A_487 = arith.index_cast %min3A_486 : i32 to index
        %get3A_488 = memref.load %arg32[%get3A_487] : memref<1024xi32, #tpu.memory_space<smem>>
        %lt3A_489 = arith.cmpi slt, %add3A_483, %get3A_314 : i32
        %jit3A_490 = arith.constant 1025 : i32
        %select_n3A_491 = arith.select %lt3A_489, %get3A_488, %jit3A_490 : i32
        %sub3A_492 = arith.constant 1 : i32
        %sub3A_493 = arith.subi %get3A_488, %sub3A_492 : i32
        %get3A_494 = arith.index_cast %sub3A_493 : i32 to index
        %get3A_495 = memref.load %arg3[%get3A_494] : memref<1024xi32, #tpu.memory_space<smem>>
        %get3A_496 = arith.index_cast %get3A_495 : i32 to index
        %get3A_497 = arith.constant 0 : index
        %get3A_498 = vector.load %arg20[%get3A_496, %get3A_497] : memref<1026x64xf32, #tpu.memory_space<vmem>>, vector<1x64xf32>
        %swap3A_499 = arith.constant 8 : index
        %swap3A_500 = arith.constant 0 : index
        %swap3A_501 = vector.load %arg29[%swap3A_499, %swap3A_500] : memref<48x128xf32, #tpu.memory_space<vmem>>, vector<1x64xf32>
        tpu.vector_store %arg29[%swap3A_499, %swap3A_500], %get3A_498 {strides = array<i32>} : memref<48x128xf32, #tpu.memory_space<vmem>>, vector<1x64xf32>,
        %add3A_502 = arith.constant 9 : i32
        %add3A_503 = arith.addi %while3A_322, %add3A_502 : i32
        %sub3A_504 = arith.constant 1 : i32
        %sub3A_505 = arith.subi %get3A_314, %sub3A_504 : i32
        %min3A_506 = arith.minsi %add3A_503, %sub3A_505 : i32
        %get3A_507 = arith.index_cast %min3A_506 : i32 to index
        %get3A_508 = memref.load %arg32[%get3A_507] : memref<1024xi32, #tpu.memory_space<smem>>
        %lt3A_509 = arith.cmpi slt, %add3A_503, %get3A_314 : i32
        %jit3A_510 = arith.constant 1025 : i32
        %select_n3A_511 = arith.select %lt3A_509, %get3A_508, %jit3A_510 : i32
        %sub3A_512 = arith.constant 1 : i32
        %sub3A_513 = arith.subi %get3A_508, %sub3A_512 : i32
        %get3A_514 = arith.index_cast %sub3A_513 : i32 to index
        %get3A_515 = memref.load %arg3[%get3A_514] : memref<1024xi32, #tpu.memory_space<smem>>
        %get3A_516 = arith.index_cast %get3A_515 : i32 to index
        %get3A_517 = arith.constant 0 : index
        %get3A_518 = vector.load %arg20[%get3A_516, %get3A_517] : memref<1026x64xf32, #tpu.memory_space<vmem>>, vector<1x64xf32>
        %swap3A_519 = arith.constant 9 : index
        %swap3A_520 = arith.constant 0 : index
        %swap3A_521 = vector.load %arg29[%swap3A_519, %swap3A_520] : memref<48x128xf32, #tpu.memory_space<vmem>>, vector<1x64xf32>
        tpu.vector_store %arg29[%swap3A_519, %swap3A_520], %get3A_518 {strides = array<i32>} : memref<48x128xf32, #tpu.memory_space<vmem>>, vector<1x64xf32>,
        %add3A_522 = arith.constant 10 : i32
        %add3A_523 = arith.addi %while3A_322, %add3A_522 : i32
        %sub3A_524 = arith.constant 1 : i32
        %sub3A_525 = arith.subi %get3A_314, %sub3A_524 : i32
        %min3A_526 = arith.minsi %add3A_523, %sub3A_525 : i32
        %get3A_527 = arith.index_cast %min3A_526 : i32 to index
        %get3A_528 = memref.load %arg32[%get3A_527] : memref<1024xi32, #tpu.memory_space<smem>>
        %lt3A_529 = arith.cmpi slt, %add3A_523, %get3A_314 : i32
        %jit3A_530 = arith.constant 1025 : i32
        %select_n3A_531 = arith.select %lt3A_529, %get3A_528, %jit3A_530 : i32
        %sub3A_532 = arith.constant 1 : i32
        %sub3A_533 = arith.subi %get3A_528, %sub3A_532 : i32
        %get3A_534 = arith.index_cast %sub3A_533 : i32 to index
        %get3A_535 = memref.load %arg3[%get3A_534] : memref<1024xi32, #tpu.memory_space<smem>>
        %get3A_536 = arith.index_cast %get3A_535 : i32 to index
        %get3A_537 = arith.constant 0 : index
        %get3A_538 = vector.load %arg20[%get3A_536, %get3A_537] : memref<1026x64xf32, #tpu.memory_space<vmem>>, vector<1x64xf32>
        %swap3A_539 = arith.constant 10 : index
        %swap3A_540 = arith.constant 0 : index
        %swap3A_541 = vector.load %arg29[%swap3A_539, %swap3A_540] : memref<48x128xf32, #tpu.memory_space<vmem>>, vector<1x64xf32>
        tpu.vector_store %arg29[%swap3A_539, %swap3A_540], %get3A_538 {strides = array<i32>} : memref<48x128xf32, #tpu.memory_space<vmem>>, vector<1x64xf32>,
        %add3A_542 = arith.constant 11 : i32
        %add3A_543 = arith.addi %while3A_322, %add3A_542 : i32
        %sub3A_544 = arith.constant 1 : i32
        %sub3A_545 = arith.subi %get3A_314, %sub3A_544 : i32
        %min3A_546 = arith.minsi %add3A_543, %sub3A_545 : i32
        %get3A_547 = arith.index_cast %min3A_546 : i32 to index
        %get3A_548 = memref.load %arg32[%get3A_547] : memref<1024xi32, #tpu.memory_space<smem>>
        %lt3A_549 = arith.cmpi slt, %add3A_543, %get3A_314 : i32
        %jit3A_550 = arith.constant 1025 : i32
        %select_n3A_551 = arith.select %lt3A_549, %get3A_548, %jit3A_550 : i32
        %sub3A_552 = arith.constant 1 : i32
        %sub3A_553 = arith.subi %get3A_548, %sub3A_552 : i32
        %get3A_554 = arith.index_cast %sub3A_553 : i32 to index
        %get3A_555 = memref.load %arg3[%get3A_554] : memref<1024xi32, #tpu.memory_space<smem>>
        %get3A_556 = arith.index_cast %get3A_555 : i32 to index
        %get3A_557 = arith.constant 0 : index
        %get3A_558 = vector.load %arg20[%get3A_556, %get3A_557] : memref<1026x64xf32, #tpu.memory_space<vmem>>, vector<1x64xf32>
        %swap3A_559 = arith.constant 11 : index
        %swap3A_560 = arith.constant 0 : index
        %swap3A_561 = vector.load %arg29[%swap3A_559, %swap3A_560] : memref<48x128xf32, #tpu.memory_space<vmem>>, vector<1x64xf32>
        tpu.vector_store %arg29[%swap3A_559, %swap3A_560], %get3A_558 {strides = array<i32>} : memref<48x128xf32, #tpu.memory_space<vmem>>, vector<1x64xf32>,
        %add3A_562 = arith.constant 12 : i32
        %add3A_563 = arith.addi %while3A_322, %add3A_562 : i32
        %sub3A_564 = arith.constant 1 : i32
        %sub3A_565 = arith.subi %get3A_314, %sub3A_564 : i32
        %min3A_566 = arith.minsi %add3A_563, %sub3A_565 : i32
        %get3A_567 = arith.index_cast %min3A_566 : i32 to index
        %get3A_568 = memref.load %arg32[%get3A_567] : memref<1024xi32, #tpu.memory_space<smem>>
        %lt3A_569 = arith.cmpi slt, %add3A_563, %get3A_314 : i32
        %jit3A_570 = arith.constant 1025 : i32
        %select_n3A_571 = arith.select %lt3A_569, %get3A_568, %jit3A_570 : i32
        %sub3A_572 = arith.constant 1 : i32
        %sub3A_573 = arith.subi %get3A_568, %sub3A_572 : i32
        %get3A_574 = arith.index_cast %sub3A_573 : i32 to index
        %get3A_575 = memref.load %arg3[%get3A_574] : memref<1024xi32, #tpu.memory_space<smem>>
        %get3A_576 = arith.index_cast %get3A_575 : i32 to index
        %get3A_577 = arith.constant 0 : index
        %get3A_578 = vector.load %arg20[%get3A_576, %get3A_577] : memref<1026x64xf32, #tpu.memory_space<vmem>>, vector<1x64xf32>
        %swap3A_579 = arith.constant 12 : index
        %swap3A_580 = arith.constant 0 : index
        %swap3A_581 = vector.load %arg29[%swap3A_579, %swap3A_580] : memref<48x128xf32, #tpu.memory_space<vmem>>, vector<1x64xf32>
        tpu.vector_store %arg29[%swap3A_579, %swap3A_580], %get3A_578 {strides = array<i32>} : memref<48x128xf32, #tpu.memory_space<vmem>>, vector<1x64xf32>,
        %add3A_582 = arith.constant 13 : i32
        %add3A_583 = arith.addi %while3A_322, %add3A_582 : i32
        %sub3A_584 = arith.constant 1 : i32
        %sub3A_585 = arith.subi %get3A_314, %sub3A_584 : i32
        %min3A_586 = arith.minsi %add3A_583, %sub3A_585 : i32
        %get3A_587 = arith.index_cast %min3A_586 : i32 to index
        %get3A_588 = memref.load %arg32[%get3A_587] : memref<1024xi32, #tpu.memory_space<smem>>
        %lt3A_589 = arith.cmpi slt, %add3A_583, %get3A_314 : i32
        %jit3A_590 = arith.constant 1025 : i32
        %select_n3A_591 = arith.select %lt3A_589, %get3A_588, %jit3A_590 : i32
        %sub3A_592 = arith.constant 1 : i32
        %sub3A_593 = arith.subi %get3A_588, %sub3A_592 : i32
        %get3A_594 = arith.index_cast %sub3A_593 : i32 to index
        %get3A_595 = memref.load %arg3[%get3A_594] : memref<1024xi32, #tpu.memory_space<smem>>
        %get3A_596 = arith.index_cast %get3A_595 : i32 to index
        %get3A_597 = arith.constant 0 : index
        %get3A_598 = vector.load %arg20[%get3A_596, %get3A_597] : memref<1026x64xf32, #tpu.memory_space<vmem>>, vector<1x64xf32>
        %swap3A_599 = arith.constant 13 : index
        %swap3A_600 = arith.constant 0 : index
        %swap3A_601 = vector.load %arg29[%swap3A_599, %swap3A_600] : memref<48x128xf32, #tpu.memory_space<vmem>>, vector<1x64xf32>
        tpu.vector_store %arg29[%swap3A_599, %swap3A_600], %get3A_598 {strides = array<i32>} : memref<48x128xf32, #tpu.memory_space<vmem>>, vector<1x64xf32>,
        %add3A_602 = arith.constant 14 : i32
        %add3A_603 = arith.addi %while3A_322, %add3A_602 : i32
        %sub3A_604 = arith.constant 1 : i32
        %sub3A_605 = arith.subi %get3A_314, %sub3A_604 : i32
        %min3A_606 = arith.minsi %add3A_603, %sub3A_605 : i32
        %get3A_607 = arith.index_cast %min3A_606 : i32 to index
        %get3A_608 = memref.load %arg32[%get3A_607] : memref<1024xi32, #tpu.memory_space<smem>>
        %lt3A_609 = arith.cmpi slt, %add3A_603, %get3A_314 : i32
        %jit3A_610 = arith.constant 1025 : i32
        %select_n3A_611 = arith.select %lt3A_609, %get3A_608, %jit3A_610 : i32
        %sub3A_612 = arith.constant 1 : i32
        %sub3A_613 = arith.subi %get3A_608, %sub3A_612 : i32
        %get3A_614 = arith.index_cast %sub3A_613 : i32 to index
        %get3A_615 = memref.load %arg3[%get3A_614] : memref<1024xi32, #tpu.memory_space<smem>>
        %get3A_616 = arith.index_cast %get3A_615 : i32 to index
        %get3A_617 = arith.constant 0 : index
        %get3A_618 = vector.load %arg20[%get3A_616, %get3A_617] : memref<1026x64xf32, #tpu.memory_space<vmem>>, vector<1x64xf32>
        %swap3A_619 = arith.constant 14 : index
        %swap3A_620 = arith.constant 0 : index
        %swap3A_621 = vector.load %arg29[%swap3A_619, %swap3A_620] : memref<48x128xf32, #tpu.memory_space<vmem>>, vector<1x64xf32>
        tpu.vector_store %arg29[%swap3A_619, %swap3A_620], %get3A_618 {strides = array<i32>} : memref<48x128xf32, #tpu.memory_space<vmem>>, vector<1x64xf32>,
        %add3A_622 = arith.constant 15 : i32
        %add3A_623 = arith.addi %while3A_322, %add3A_622 : i32
        %sub3A_624 = arith.constant 1 : i32
        %sub3A_625 = arith.subi %get3A_314, %sub3A_624 : i32
        %min3A_626 = arith.minsi %add3A_623, %sub3A_625 : i32
        %get3A_627 = arith.index_cast %min3A_626 : i32 to index
        %get3A_628 = memref.load %arg32[%get3A_627] : memref<1024xi32, #tpu.memory_space<smem>>
        %lt3A_629 = arith.cmpi slt, %add3A_623, %get3A_314 : i32
        %jit3A_630 = arith.constant 1025 : i32
        %select_n3A_631 = arith.select %lt3A_629, %get3A_628, %jit3A_630 : i32
        %sub3A_632 = arith.constant 1 : i32
        %sub3A_633 = arith.subi %get3A_628, %sub3A_632 : i32
        %get3A_634 = arith.index_cast %sub3A_633 : i32 to index
        %get3A_635 = memref.load %arg3[%get3A_634] : memref<1024xi32, #tpu.memory_space<smem>>
        %get3A_636 = arith.index_cast %get3A_635 : i32 to index
        %get3A_637 = arith.constant 0 : index
        %get3A_638 = vector.load %arg20[%get3A_636, %get3A_637] : memref<1026x64xf32, #tpu.memory_space<vmem>>, vector<1x64xf32>
        %swap3A_639 = arith.constant 15 : index
        %swap3A_640 = arith.constant 0 : index
        %swap3A_641 = vector.load %arg29[%swap3A_639, %swap3A_640] : memref<48x128xf32, #tpu.memory_space<vmem>>, vector<1x64xf32>
        tpu.vector_store %arg29[%swap3A_639, %swap3A_640], %get3A_638 {strides = array<i32>} : memref<48x128xf32, #tpu.memory_space<vmem>>, vector<1x64xf32>,
        %add3A_642 = arith.constant 16 : i32
        %add3A_643 = arith.addi %while3A_322, %add3A_642 : i32
        %sub3A_644 = arith.constant 1 : i32
        %sub3A_645 = arith.subi %get3A_314, %sub3A_644 : i32
        %min3A_646 = arith.minsi %add3A_643, %sub3A_645 : i32
        %get3A_647 = arith.index_cast %min3A_646 : i32 to index
        %get3A_648 = memref.load %arg32[%get3A_647] : memref<1024xi32, #tpu.memory_space<smem>>
        %lt3A_649 = arith.cmpi slt, %add3A_643, %get3A_314 : i32
        %jit3A_650 = arith.constant 1025 : i32
        %select_n3A_651 = arith.select %lt3A_649, %get3A_648, %jit3A_650 : i32
        %sub3A_652 = arith.constant 1 : i32
        %sub3A_653 = arith.subi %get3A_648, %sub3A_652 : i32
        %get3A_654 = arith.index_cast %sub3A_653 : i32 to index
        %get3A_655 = memref.load %arg3[%get3A_654] : memref<1024xi32, #tpu.memory_space<smem>>
        %get3A_656 = arith.index_cast %get3A_655 : i32 to index
        %get3A_657 = arith.constant 0 : index
        %get3A_658 = vector.load %arg20[%get3A_656, %get3A_657] : memref<1026x64xf32, #tpu.memory_space<vmem>>, vector<1x64xf32>
        %swap3A_659 = arith.constant 16 : index
        %swap3A_660 = arith.constant 0 : index
        %swap3A_661 = vector.load %arg29[%swap3A_659, %swap3A_660] : memref<48x128xf32, #tpu.memory_space<vmem>>, vector<1x64xf32>
        tpu.vector_store %arg29[%swap3A_659, %swap3A_660], %get3A_658 {strides = array<i32>} : memref<48x128xf32, #tpu.memory_space<vmem>>, vector<1x64xf32>,
        %add3A_662 = arith.constant 17 : i32
        %add3A_663 = arith.addi %while3A_322, %add3A_662 : i32
        %sub3A_664 = arith.constant 1 : i32
        %sub3A_665 = arith.subi %get3A_314, %sub3A_664 : i32
        %min3A_666 = arith.minsi %add3A_663, %sub3A_665 : i32
        %get3A_667 = arith.index_cast %min3A_666 : i32 to index
        %get3A_668 = memref.load %arg32[%get3A_667] : memref<1024xi32, #tpu.memory_space<smem>>
        %lt3A_669 = arith.cmpi slt, %add3A_663, %get3A_314 : i32
        %jit3A_670 = arith.constant 1025 : i32
        %select_n3A_671 = arith.select %lt3A_669, %get3A_668, %jit3A_670 : i32
        %sub3A_672 = arith.constant 1 : i32
        %sub3A_673 = arith.subi %get3A_668, %sub3A_672 : i32
        %get3A_674 = arith.index_cast %sub3A_673 : i32 to index
        %get3A_675 = memref.load %arg3[%get3A_674] : memref<1024xi32, #tpu.memory_space<smem>>
        %get3A_676 = arith.index_cast %get3A_675 : i32 to index
        %get3A_677 = arith.constant 0 : index
        %get3A_678 = vector.load %arg20[%get3A_676, %get3A_677] : memref<1026x64xf32, #tpu.memory_space<vmem>>, vector<1x64xf32>
        %swap3A_679 = arith.constant 17 : index
        %swap3A_680 = arith.constant 0 : index
        %swap3A_681 = vector.load %arg29[%swap3A_679, %swap3A_680] : memref<48x128xf32, #tpu.memory_space<vmem>>, vector<1x64xf32>
        tpu.vector_store %arg29[%swap3A_679, %swap3A_680], %get3A_678 {strides = array<i32>} : memref<48x128xf32, #tpu.memory_space<vmem>>, vector<1x64xf32>,
        %add3A_682 = arith.constant 18 : i32
        %add3A_683 = arith.addi %while3A_322, %add3A_682 : i32
        %sub3A_684 = arith.constant 1 : i32
        %sub3A_685 = arith.subi %get3A_314, %sub3A_684 : i32
        %min3A_686 = arith.minsi %add3A_683, %sub3A_685 : i32
        %get3A_687 = arith.index_cast %min3A_686 : i32 to index
        %get3A_688 = memref.load %arg32[%get3A_687] : memref<1024xi32, #tpu.memory_space<smem>>
        %lt3A_689 = arith.cmpi slt, %add3A_683, %get3A_314 : i32
        %jit3A_690 = arith.constant 1025 : i32
        %select_n3A_691 = arith.select %lt3A_689, %get3A_688, %jit3A_690 : i32
        %sub3A_692 = arith.constant 1 : i32
        %sub3A_693 = arith.subi %get3A_688, %sub3A_692 : i32
        %get3A_694 = arith.index_cast %sub3A_693 : i32 to index
        %get3A_695 = memref.load %arg3[%get3A_694] : memref<1024xi32, #tpu.memory_space<smem>>
        %get3A_696 = arith.index_cast %get3A_695 : i32 to index
        %get3A_697 = arith.constant 0 : index
        %get3A_698 = vector.load %arg20[%get3A_696, %get3A_697] : memref<1026x64xf32, #tpu.memory_space<vmem>>, vector<1x64xf32>
        %swap3A_699 = arith.constant 18 : index
        %swap3A_700 = arith.constant 0 : index
        %swap3A_701 = vector.load %arg29[%swap3A_699, %swap3A_700] : memref<48x128xf32, #tpu.memory_space<vmem>>, vector<1x64xf32>
        tpu.vector_store %arg29[%swap3A_699, %swap3A_700], %get3A_698 {strides = array<i32>} : memref<48x128xf32, #tpu.memory_space<vmem>>, vector<1x64xf32>,
        %add3A_702 = arith.constant 19 : i32
        %add3A_703 = arith.addi %while3A_322, %add3A_702 : i32
        %sub3A_704 = arith.constant 1 : i32
        %sub3A_705 = arith.subi %get3A_314, %sub3A_704 : i32
        %min3A_706 = arith.minsi %add3A_703, %sub3A_705 : i32
        %get3A_707 = arith.index_cast %min3A_706 : i32 to index
        %get3A_708 = memref.load %arg32[%get3A_707] : memref<1024xi32, #tpu.memory_space<smem>>
        %lt3A_709 = arith.cmpi slt, %add3A_703, %get3A_314 : i32
        %jit3A_710 = arith.constant 1025 : i32
        %select_n3A_711 = arith.select %lt3A_709, %get3A_708, %jit3A_710 : i32
        %sub3A_712 = arith.constant 1 : i32
        %sub3A_713 = arith.subi %get3A_708, %sub3A_712 : i32
        %get3A_714 = arith.index_cast %sub3A_713 : i32 to index
        %get3A_715 = memref.load %arg3[%get3A_714] : memref<1024xi32, #tpu.memory_space<smem>>
        %get3A_716 = arith.index_cast %get3A_715 : i32 to index
        %get3A_717 = arith.constant 0 : index
        %get3A_718 = vector.load %arg20[%get3A_716, %get3A_717] : memref<1026x64xf32, #tpu.memory_space<vmem>>, vector<1x64xf32>
        %swap3A_719 = arith.constant 19 : index
        %swap3A_720 = arith.constant 0 : index
        %swap3A_721 = vector.load %arg29[%swap3A_719, %swap3A_720] : memref<48x128xf32, #tpu.memory_space<vmem>>, vector<1x64xf32>
        tpu.vector_store %arg29[%swap3A_719, %swap3A_720], %get3A_718 {strides = array<i32>} : memref<48x128xf32, #tpu.memory_space<vmem>>, vector<1x64xf32>,
        %add3A_722 = arith.constant 20 : i32
        %add3A_723 = arith.addi %while3A_322, %add3A_722 : i32
        %sub3A_724 = arith.constant 1 : i32
        %sub3A_725 = arith.subi %get3A_314, %sub3A_724 : i32
        %min3A_726 = arith.minsi %add3A_723, %sub3A_725 : i32
        %get3A_727 = arith.index_cast %min3A_726 : i32 to index
        %get3A_728 = memref.load %arg32[%get3A_727] : memref<1024xi32, #tpu.memory_space<smem>>
        %lt3A_729 = arith.cmpi slt, %add3A_723, %get3A_314 : i32
        %jit3A_730 = arith.constant 1025 : i32
        %select_n3A_731 = arith.select %lt3A_729, %get3A_728, %jit3A_730 : i32
        %sub3A_732 = arith.constant 1 : i32
        %sub3A_733 = arith.subi %get3A_728, %sub3A_732 : i32
        %get3A_734 = arith.index_cast %sub3A_733 : i32 to index
        %get3A_735 = memref.load %arg3[%get3A_734] : memref<1024xi32, #tpu.memory_space<smem>>
        %get3A_736 = arith.index_cast %get3A_735 : i32 to index
        %get3A_737 = arith.constant 0 : index
        %get3A_738 = vector.load %arg20[%get3A_736, %get3A_737] : memref<1026x64xf32, #tpu.memory_space<vmem>>, vector<1x64xf32>
        %swap3A_739 = arith.constant 20 : index
        %swap3A_740 = arith.constant 0 : index
        %swap3A_741 = vector.load %arg29[%swap3A_739, %swap3A_740] : memref<48x128xf32, #tpu.memory_space<vmem>>, vector<1x64xf32>
        tpu.vector_store %arg29[%swap3A_739, %swap3A_740], %get3A_738 {strides = array<i32>} : memref<48x128xf32, #tpu.memory_space<vmem>>, vector<1x64xf32>,
        %add3A_742 = arith.constant 21 : i32
        %add3A_743 = arith.addi %while3A_322, %add3A_742 : i32
        %sub3A_744 = arith.constant 1 : i32
        %sub3A_745 = arith.subi %get3A_314, %sub3A_744 : i32
        %min3A_746 = arith.minsi %add3A_743, %sub3A_745 : i32
        %get3A_747 = arith.index_cast %min3A_746 : i32 to index
        %get3A_748 = memref.load %arg32[%get3A_747] : memref<1024xi32, #tpu.memory_space<smem>>
        %lt3A_749 = arith.cmpi slt, %add3A_743, %get3A_314 : i32
        %jit3A_750 = arith.constant 1025 : i32
        %select_n3A_751 = arith.select %lt3A_749, %get3A_748, %jit3A_750 : i32
        %sub3A_752 = arith.constant 1 : i32
        %sub3A_753 = arith.subi %get3A_748, %sub3A_752 : i32
        %get3A_754 = arith.index_cast %sub3A_753 : i32 to index
        %get3A_755 = memref.load %arg3[%get3A_754] : memref<1024xi32, #tpu.memory_space<smem>>
        %get3A_756 = arith.index_cast %get3A_755 : i32 to index
        %get3A_757 = arith.constant 0 : index
        %get3A_758 = vector.load %arg20[%get3A_756, %get3A_757] : memref<1026x64xf32, #tpu.memory_space<vmem>>, vector<1x64xf32>
        %swap3A_759 = arith.constant 21 : index
        %swap3A_760 = arith.constant 0 : index
        %swap3A_761 = vector.load %arg29[%swap3A_759, %swap3A_760] : memref<48x128xf32, #tpu.memory_space<vmem>>, vector<1x64xf32>
        tpu.vector_store %arg29[%swap3A_759, %swap3A_760], %get3A_758 {strides = array<i32>} : memref<48x128xf32, #tpu.memory_space<vmem>>, vector<1x64xf32>,
        %add3A_762 = arith.constant 22 : i32
        %add3A_763 = arith.addi %while3A_322, %add3A_762 : i32
        %sub3A_764 = arith.constant 1 : i32
        %sub3A_765 = arith.subi %get3A_314, %sub3A_764 : i32
        %min3A_766 = arith.minsi %add3A_763, %sub3A_765 : i32
        %get3A_767 = arith.index_cast %min3A_766 : i32 to index
        %get3A_768 = memref.load %arg32[%get3A_767] : memref<1024xi32, #tpu.memory_space<smem>>
        %lt3A_769 = arith.cmpi slt, %add3A_763, %get3A_314 : i32
        %jit3A_770 = arith.constant 1025 : i32
        %select_n3A_771 = arith.select %lt3A_769, %get3A_768, %jit3A_770 : i32
        %sub3A_772 = arith.constant 1 : i32
        %sub3A_773 = arith.subi %get3A_768, %sub3A_772 : i32
        %get3A_774 = arith.index_cast %sub3A_773 : i32 to index
        %get3A_775 = memref.load %arg3[%get3A_774] : memref<1024xi32, #tpu.memory_space<smem>>
        %get3A_776 = arith.index_cast %get3A_775 : i32 to index
        %get3A_777 = arith.constant 0 : index
        %get3A_778 = vector.load %arg20[%get3A_776, %get3A_777] : memref<1026x64xf32, #tpu.memory_space<vmem>>, vector<1x64xf32>
        %swap3A_779 = arith.constant 22 : index
        %swap3A_780 = arith.constant 0 : index
        %swap3A_781 = vector.load %arg29[%swap3A_779, %swap3A_780] : memref<48x128xf32, #tpu.memory_space<vmem>>, vector<1x64xf32>
        tpu.vector_store %arg29[%swap3A_779, %swap3A_780], %get3A_778 {strides = array<i32>} : memref<48x128xf32, #tpu.memory_space<vmem>>, vector<1x64xf32>,
        %add3A_782 = arith.constant 23 : i32
        %add3A_783 = arith.addi %while3A_322, %add3A_782 : i32
        %sub3A_784 = arith.constant 1 : i32
        %sub3A_785 = arith.subi %get3A_314, %sub3A_784 : i32
        %min3A_786 = arith.minsi %add3A_783, %sub3A_785 : i32
        %get3A_787 = arith.index_cast %min3A_786 : i32 to index
        %get3A_788 = memref.load %arg32[%get3A_787] : memref<1024xi32, #tpu.memory_space<smem>>
        %lt3A_789 = arith.cmpi slt, %add3A_783, %get3A_314 : i32
        %jit3A_790 = arith.constant 1025 : i32
        %select_n3A_791 = arith.select %lt3A_789, %get3A_788, %jit3A_790 : i32
        %sub3A_792 = arith.constant 1 : i32
        %sub3A_793 = arith.subi %get3A_788, %sub3A_792 : i32
        %get3A_794 = arith.index_cast %sub3A_793 : i32 to index
        %get3A_795 = memref.load %arg3[%get3A_794] : memref<1024xi32, #tpu.memory_space<smem>>
        %get3A_796 = arith.index_cast %get3A_795 : i32 to index
        %get3A_797 = arith.constant 0 : index
        %get3A_798 = vector.load %arg20[%get3A_796, %get3A_797] : memref<1026x64xf32, #tpu.memory_space<vmem>>, vector<1x64xf32>
        %swap3A_799 = arith.constant 23 : index
        %swap3A_800 = arith.constant 0 : index
        %swap3A_801 = vector.load %arg29[%swap3A_799, %swap3A_800] : memref<48x128xf32, #tpu.memory_space<vmem>>, vector<1x64xf32>
        tpu.vector_store %arg29[%swap3A_799, %swap3A_800], %get3A_798 {strides = array<i32>} : memref<48x128xf32, #tpu.memory_space<vmem>>, vector<1x64xf32>,
        %add3A_802 = arith.constant 24 : i32
        %add3A_803 = arith.addi %while3A_322, %add3A_802 : i32
        %sub3A_804 = arith.constant 1 : i32
        %sub3A_805 = arith.subi %get3A_314, %sub3A_804 : i32
        %min3A_806 = arith.minsi %add3A_803, %sub3A_805 : i32
        %get3A_807 = arith.index_cast %min3A_806 : i32 to index
        %get3A_808 = memref.load %arg32[%get3A_807] : memref<1024xi32, #tpu.memory_space<smem>>
        %lt3A_809 = arith.cmpi slt, %add3A_803, %get3A_314 : i32
        %jit3A_810 = arith.constant 1025 : i32
        %select_n3A_811 = arith.select %lt3A_809, %get3A_808, %jit3A_810 : i32
        %sub3A_812 = arith.constant 1 : i32
        %sub3A_813 = arith.subi %get3A_808, %sub3A_812 : i32
        %get3A_814 = arith.index_cast %sub3A_813 : i32 to index
        %get3A_815 = memref.load %arg3[%get3A_814] : memref<1024xi32, #tpu.memory_space<smem>>
        %get3A_816 = arith.index_cast %get3A_815 : i32 to index
        %get3A_817 = arith.constant 0 : index
        %get3A_818 = vector.load %arg20[%get3A_816, %get3A_817] : memref<1026x64xf32, #tpu.memory_space<vmem>>, vector<1x64xf32>
        %swap3A_819 = arith.constant 24 : index
        %swap3A_820 = arith.constant 0 : index
        %swap3A_821 = vector.load %arg29[%swap3A_819, %swap3A_820] : memref<48x128xf32, #tpu.memory_space<vmem>>, vector<1x64xf32>
        tpu.vector_store %arg29[%swap3A_819, %swap3A_820], %get3A_818 {strides = array<i32>} : memref<48x128xf32, #tpu.memory_space<vmem>>, vector<1x64xf32>,
        %add3A_822 = arith.constant 25 : i32
        %add3A_823 = arith.addi %while3A_322, %add3A_822 : i32
        %sub3A_824 = arith.constant 1 : i32
        %sub3A_825 = arith.subi %get3A_314, %sub3A_824 : i32
        %min3A_826 = arith.minsi %add3A_823, %sub3A_825 : i32
        %get3A_827 = arith.index_cast %min3A_826 : i32 to index
        %get3A_828 = memref.load %arg32[%get3A_827] : memref<1024xi32, #tpu.memory_space<smem>>
        %lt3A_829 = arith.cmpi slt, %add3A_823, %get3A_314 : i32
        %jit3A_830 = arith.constant 1025 : i32
        %select_n3A_831 = arith.select %lt3A_829, %get3A_828, %jit3A_830 : i32
        %sub3A_832 = arith.constant 1 : i32
        %sub3A_833 = arith.subi %get3A_828, %sub3A_832 : i32
        %get3A_834 = arith.index_cast %sub3A_833 : i32 to index
        %get3A_835 = memref.load %arg3[%get3A_834] : memref<1024xi32, #tpu.memory_space<smem>>
        %get3A_836 = arith.index_cast %get3A_835 : i32 to index
        %get3A_837 = arith.constant 0 : index
        %get3A_838 = vector.load %arg20[%get3A_836, %get3A_837] : memref<1026x64xf32, #tpu.memory_space<vmem>>, vector<1x64xf32>
        %swap3A_839 = arith.constant 25 : index
        %swap3A_840 = arith.constant 0 : index
        %swap3A_841 = vector.load %arg29[%swap3A_839, %swap3A_840] : memref<48x128xf32, #tpu.memory_space<vmem>>, vector<1x64xf32>
        tpu.vector_store %arg29[%swap3A_839, %swap3A_840], %get3A_838 {strides = array<i32>} : memref<48x128xf32, #tpu.memory_space<vmem>>, vector<1x64xf32>,
        %add3A_842 = arith.constant 26 : i32
        %add3A_843 = arith.addi %while3A_322, %add3A_842 : i32
        %sub3A_844 = arith.constant 1 : i32
        %sub3A_845 = arith.subi %get3A_314, %sub3A_844 : i32
        %min3A_846 = arith.minsi %add3A_843, %sub3A_845 : i32
        %get3A_847 = arith.index_cast %min3A_846 : i32 to index
        %get3A_848 = memref.load %arg32[%get3A_847] : memref<1024xi32, #tpu.memory_space<smem>>
        %lt3A_849 = arith.cmpi slt, %add3A_843, %get3A_314 : i32
        %jit3A_850 = arith.constant 1025 : i32
        %select_n3A_851 = arith.select %lt3A_849, %get3A_848, %jit3A_850 : i32
        %sub3A_852 = arith.constant 1 : i32
        %sub3A_853 = arith.subi %get3A_848, %sub3A_852 : i32
        %get3A_854 = arith.index_cast %sub3A_853 : i32 to index
        %get3A_855 = memref.load %arg3[%get3A_854] : memref<1024xi32, #tpu.memory_space<smem>>
        %get3A_856 = arith.index_cast %get3A_855 : i32 to index
        %get3A_857 = arith.constant 0 : index
        %get3A_858 = vector.load %arg20[%get3A_856, %get3A_857] : memref<1026x64xf32, #tpu.memory_space<vmem>>, vector<1x64xf32>
        %swap3A_859 = arith.constant 26 : index
        %swap3A_860 = arith.constant 0 : index
        %swap3A_861 = vector.load %arg29[%swap3A_859, %swap3A_860] : memref<48x128xf32, #tpu.memory_space<vmem>>, vector<1x64xf32>
        tpu.vector_store %arg29[%swap3A_859, %swap3A_860], %get3A_858 {strides = array<i32>} : memref<48x128xf32, #tpu.memory_space<vmem>>, vector<1x64xf32>,
        %add3A_862 = arith.constant 27 : i32
        %add3A_863 = arith.addi %while3A_322, %add3A_862 : i32
        %sub3A_864 = arith.constant 1 : i32
        %sub3A_865 = arith.subi %get3A_314, %sub3A_864 : i32
        %min3A_866 = arith.minsi %add3A_863, %sub3A_865 : i32
        %get3A_867 = arith.index_cast %min3A_866 : i32 to index
        %get3A_868 = memref.load %arg32[%get3A_867] : memref<1024xi32, #tpu.memory_space<smem>>
        %lt3A_869 = arith.cmpi slt, %add3A_863, %get3A_314 : i32
        %jit3A_870 = arith.constant 1025 : i32
        %select_n3A_871 = arith.select %lt3A_869, %get3A_868, %jit3A_870 : i32
        %sub3A_872 = arith.constant 1 : i32
        %sub3A_873 = arith.subi %get3A_868, %sub3A_872 : i32
        %get3A_874 = arith.index_cast %sub3A_873 : i32 to index
        %get3A_875 = memref.load %arg3[%get3A_874] : memref<1024xi32, #tpu.memory_space<smem>>
        %get3A_876 = arith.index_cast %get3A_875 : i32 to index
        %get3A_877 = arith.constant 0 : index
        %get3A_878 = vector.load %arg20[%get3A_876, %get3A_877] : memref<1026x64xf32, #tpu.memory_space<vmem>>, vector<1x64xf32>
        %swap3A_879 = arith.constant 27 : index
        %swap3A_880 = arith.constant 0 : index
        %swap3A_881 = vector.load %arg29[%swap3A_879, %swap3A_880] : memref<48x128xf32, #tpu.memory_space<vmem>>, vector<1x64xf32>
        tpu.vector_store %arg29[%swap3A_879, %swap3A_880], %get3A_878 {strides = array<i32>} : memref<48x128xf32, #tpu.memory_space<vmem>>, vector<1x64xf32>,
        %add3A_882 = arith.constant 28 : i32
        %add3A_883 = arith.addi %while3A_322, %add3A_882 : i32
        %sub3A_884 = arith.constant 1 : i32
        %sub3A_885 = arith.subi %get3A_314, %sub3A_884 : i32
        %min3A_886 = arith.minsi %add3A_883, %sub3A_885 : i32
        %get3A_887 = arith.index_cast %min3A_886 : i32 to index
        %get3A_888 = memref.load %arg32[%get3A_887] : memref<1024xi32, #tpu.memory_space<smem>>
        %lt3A_889 = arith.cmpi slt, %add3A_883, %get3A_314 : i32
        %jit3A_890 = arith.constant 1025 : i32
        %select_n3A_891 = arith.select %lt3A_889, %get3A_888, %jit3A_890 : i32
        %sub3A_892 = arith.constant 1 : i32
        %sub3A_893 = arith.subi %get3A_888, %sub3A_892 : i32
        %get3A_894 = arith.index_cast %sub3A_893 : i32 to index
        %get3A_895 = memref.load %arg3[%get3A_894] : memref<1024xi32, #tpu.memory_space<smem>>
        %get3A_896 = arith.index_cast %get3A_895 : i32 to index
        %get3A_897 = arith.constant 0 : index
        %get3A_898 = vector.load %arg20[%get3A_896, %get3A_897] : memref<1026x64xf32, #tpu.memory_space<vmem>>, vector<1x64xf32>
        %swap3A_899 = arith.constant 28 : index
        %swap3A_900 = arith.constant 0 : index
        %swap3A_901 = vector.load %arg29[%swap3A_899, %swap3A_900] : memref<48x128xf32, #tpu.memory_space<vmem>>, vector<1x64xf32>
        tpu.vector_store %arg29[%swap3A_899, %swap3A_900], %get3A_898 {strides = array<i32>} : memref<48x128xf32, #tpu.memory_space<vmem>>, vector<1x64xf32>,
        %add3A_902 = arith.constant 29 : i32
        %add3A_903 = arith.addi %while3A_322, %add3A_902 : i32
        %sub3A_904 = arith.constant 1 : i32
        %sub3A_905 = arith.subi %get3A_314, %sub3A_904 : i32
        %min3A_906 = arith.minsi %add3A_903, %sub3A_905 : i32
        %get3A_907 = arith.index_cast %min3A_906 : i32 to index
        %get3A_908 = memref.load %arg32[%get3A_907] : memref<1024xi32, #tpu.memory_space<smem>>
        %lt3A_909 = arith.cmpi slt, %add3A_903, %get3A_314 : i32
        %jit3A_910 = arith.constant 1025 : i32
        %select_n3A_911 = arith.select %lt3A_909, %get3A_908, %jit3A_910 : i32
        %sub3A_912 = arith.constant 1 : i32
        %sub3A_913 = arith.subi %get3A_908, %sub3A_912 : i32
        %get3A_914 = arith.index_cast %sub3A_913 : i32 to index
        %get3A_915 = memref.load %arg3[%get3A_914] : memref<1024xi32, #tpu.memory_space<smem>>
        %get3A_916 = arith.index_cast %get3A_915 : i32 to index
        %get3A_917 = arith.constant 0 : index
        %get3A_918 = vector.load %arg20[%get3A_916, %get3A_917] : memref<1026x64xf32, #tpu.memory_space<vmem>>, vector<1x64xf32>
        %swap3A_919 = arith.constant 29 : index
        %swap3A_920 = arith.constant 0 : index
        %swap3A_921 = vector.load %arg29[%swap3A_919, %swap3A_920] : memref<48x128xf32, #tpu.memory_space<vmem>>, vector<1x64xf32>
        tpu.vector_store %arg29[%swap3A_919, %swap3A_920], %get3A_918 {strides = array<i32>} : memref<48x128xf32, #tpu.memory_space<vmem>>, vector<1x64xf32>,
        %add3A_922 = arith.constant 30 : i32
        %add3A_923 = arith.addi %while3A_322, %add3A_922 : i32
        %sub3A_924 = arith.constant 1 : i32
        %sub3A_925 = arith.subi %get3A_314, %sub3A_924 : i32
        %min3A_926 = arith.minsi %add3A_923, %sub3A_925 : i32
        %get3A_927 = arith.index_cast %min3A_926 : i32 to index
        %get3A_928 = memref.load %arg32[%get3A_927] : memref<1024xi32, #tpu.memory_space<smem>>
        %lt3A_929 = arith.cmpi slt, %add3A_923, %get3A_314 : i32
        %jit3A_930 = arith.constant 1025 : i32
        %select_n3A_931 = arith.select %lt3A_929, %get3A_928, %jit3A_930 : i32
        %sub3A_932 = arith.constant 1 : i32
        %sub3A_933 = arith.subi %get3A_928, %sub3A_932 : i32
        %get3A_934 = arith.index_cast %sub3A_933 : i32 to index
        %get3A_935 = memref.load %arg3[%get3A_934] : memref<1024xi32, #tpu.memory_space<smem>>
        %get3A_936 = arith.index_cast %get3A_935 : i32 to index
        %get3A_937 = arith.constant 0 : index
        %get3A_938 = vector.load %arg20[%get3A_936, %get3A_937] : memref<1026x64xf32, #tpu.memory_space<vmem>>, vector<1x64xf32>
        %swap3A_939 = arith.constant 30 : index
        %swap3A_940 = arith.constant 0 : index
        %swap3A_941 = vector.load %arg29[%swap3A_939, %swap3A_940] : memref<48x128xf32, #tpu.memory_space<vmem>>, vector<1x64xf32>
        tpu.vector_store %arg29[%swap3A_939, %swap3A_940], %get3A_938 {strides = array<i32>} : memref<48x128xf32, #tpu.memory_space<vmem>>, vector<1x64xf32>,
        %add3A_942 = arith.constant 31 : i32
        %add3A_943 = arith.addi %while3A_322, %add3A_942 : i32
        %sub3A_944 = arith.constant 1 : i32
        %sub3A_945 = arith.subi %get3A_314, %sub3A_944 : i32
        %min3A_946 = arith.minsi %add3A_943, %sub3A_945 : i32
        %get3A_947 = arith.index_cast %min3A_946 : i32 to index
        %get3A_948 = memref.load %arg32[%get3A_947] : memref<1024xi32, #tpu.memory_space<smem>>
        %lt3A_949 = arith.cmpi slt, %add3A_943, %get3A_314 : i32
        %jit3A_950 = arith.constant 1025 : i32
        %select_n3A_951 = arith.select %lt3A_949, %get3A_948, %jit3A_950 : i32
        %sub3A_952 = arith.constant 1 : i32
        %sub3A_953 = arith.subi %get3A_948, %sub3A_952 : i32
        %get3A_954 = arith.index_cast %sub3A_953 : i32 to index
        %get3A_955 = memref.load %arg3[%get3A_954] : memref<1024xi32, #tpu.memory_space<smem>>
        %get3A_956 = arith.index_cast %get3A_955 : i32 to index
        %get3A_957 = arith.constant 0 : index
        %get3A_958 = vector.load %arg20[%get3A_956, %get3A_957] : memref<1026x64xf32, #tpu.memory_space<vmem>>, vector<1x64xf32>
        %swap3A_959 = arith.constant 31 : index
        %swap3A_960 = arith.constant 0 : index
        %swap3A_961 = vector.load %arg29[%swap3A_959, %swap3A_960] : memref<48x128xf32, #tpu.memory_space<vmem>>, vector<1x64xf32>
        tpu.vector_store %arg29[%swap3A_959, %swap3A_960], %get3A_958 {strides = array<i32>} : memref<48x128xf32, #tpu.memory_space<vmem>>, vector<1x64xf32>,
        %add3A_962 = arith.constant 32 : i32
        %add3A_963 = arith.addi %while3A_322, %add3A_962 : i32
        %sub3A_964 = arith.constant 1 : i32
        %sub3A_965 = arith.subi %get3A_314, %sub3A_964 : i32
        %min3A_966 = arith.minsi %add3A_963, %sub3A_965 : i32
        %get3A_967 = arith.index_cast %min3A_966 : i32 to index
        %get3A_968 = memref.load %arg32[%get3A_967] : memref<1024xi32, #tpu.memory_space<smem>>
        %lt3A_969 = arith.cmpi slt, %add3A_963, %get3A_314 : i32
        %jit3A_970 = arith.constant 1025 : i32
        %select_n3A_971 = arith.select %lt3A_969, %get3A_968, %jit3A_970 : i32
        %sub3A_972 = arith.constant 1 : i32
        %sub3A_973 = arith.subi %get3A_968, %sub3A_972 : i32
        %get3A_974 = arith.index_cast %sub3A_973 : i32 to index
        %get3A_975 = memref.load %arg3[%get3A_974] : memref<1024xi32, #tpu.memory_space<smem>>
        %get3A_976 = arith.index_cast %get3A_975 : i32 to index
        %get3A_977 = arith.constant 0 : index
        %get3A_978 = vector.load %arg20[%get3A_976, %get3A_977] : memref<1026x64xf32, #tpu.memory_space<vmem>>, vector<1x64xf32>
        %swap3A_979 = arith.constant 32 : index
        %swap3A_980 = arith.constant 0 : index
        %swap3A_981 = vector.load %arg29[%swap3A_979, %swap3A_980] : memref<48x128xf32, #tpu.memory_space<vmem>>, vector<1x64xf32>
        tpu.vector_store %arg29[%swap3A_979, %swap3A_980], %get3A_978 {strides = array<i32>} : memref<48x128xf32, #tpu.memory_space<vmem>>, vector<1x64xf32>,
        %add3A_982 = arith.constant 33 : i32
        %add3A_983 = arith.addi %while3A_322, %add3A_982 : i32
        %sub3A_984 = arith.constant 1 : i32
        %sub3A_985 = arith.subi %get3A_314, %sub3A_984 : i32
        %min3A_986 = arith.minsi %add3A_983, %sub3A_985 : i32
        %get3A_987 = arith.index_cast %min3A_986 : i32 to index
        %get3A_988 = memref.load %arg32[%get3A_987] : memref<1024xi32, #tpu.memory_space<smem>>
        %lt3A_989 = arith.cmpi slt, %add3A_983, %get3A_314 : i32
        %jit3A_990 = arith.constant 1025 : i32
        %select_n3A_991 = arith.select %lt3A_989, %get3A_988, %jit3A_990 : i32
        %sub3A_992 = arith.constant 1 : i32
        %sub3A_993 = arith.subi %get3A_988, %sub3A_992 : i32
        %get3A_994 = arith.index_cast %sub3A_993 : i32 to index
        %get3A_995 = memref.load %arg3[%get3A_994] : memref<1024xi32, #tpu.memory_space<smem>>
        %get3A_996 = arith.index_cast %get3A_995 : i32 to index
        %get3A_997 = arith.constant 0 : index
        %get3A_998 = vector.load %arg20[%get3A_996, %get3A_997] : memref<1026x64xf32, #tpu.memory_space<vmem>>, vector<1x64xf32>
        %swap3A_999 = arith.constant 33 : index
        %swap3A_1000 = arith.constant 0 : index
        %swap3A_1001 = vector.load %arg29[%swap3A_999, %swap3A_1000] : memref<48x128xf32, #tpu.memory_space<vmem>>, vector<1x64xf32>
        tpu.vector_store %arg29[%swap3A_999, %swap3A_1000], %get3A_998 {strides = array<i32>} : memref<48x128xf32, #tpu.memory_space<vmem>>, vector<1x64xf32>,
        %add3A_1002 = arith.constant 34 : i32
        %add3A_1003 = arith.addi %while3A_322, %add3A_1002 : i32
        %sub3A_1004 = arith.constant 1 : i32
        %sub3A_1005 = arith.subi %get3A_314, %sub3A_1004 : i32
        %min3A_1006 = arith.minsi %add3A_1003, %sub3A_1005 : i32
        %get3A_1007 = arith.index_cast %min3A_1006 : i32 to index
        %get3A_1008 = memref.load %arg32[%get3A_1007] : memref<1024xi32, #tpu.memory_space<smem>>
        %lt3A_1009 = arith.cmpi slt, %add3A_1003, %get3A_314 : i32
        %jit3A_1010 = arith.constant 1025 : i32
        %select_n3A_1011 = arith.select %lt3A_1009, %get3A_1008, %jit3A_1010 : i32
        %sub3A_1012 = arith.constant 1 : i32
        %sub3A_1013 = arith.subi %get3A_1008, %sub3A_1012 : i32
        %get3A_1014 = arith.index_cast %sub3A_1013 : i32 to index
        %get3A_1015 = memref.load %arg3[%get3A_1014] : memref<1024xi32, #tpu.memory_space<smem>>
        %get3A_1016 = arith.index_cast %get3A_1015 : i32 to index
        %get3A_1017 = arith.constant 0 : index
        %get3A_1018 = vector.load %arg20[%get3A_1016, %get3A_1017] : memref<1026x64xf32, #tpu.memory_space<vmem>>, vector<1x64xf32>
        %swap3A_1019 = arith.constant 34 : index
        %swap3A_1020 = arith.constant 0 : index
        %swap3A_1021 = vector.load %arg29[%swap3A_1019, %swap3A_1020] : memref<48x128xf32, #tpu.memory_space<vmem>>, vector<1x64xf32>
        tpu.vector_store %arg29[%swap3A_1019, %swap3A_1020], %get3A_1018 {strides = array<i32>} : memref<48x128xf32, #tpu.memory_space<vmem>>, vector<1x64xf32>,
        %add3A_1022 = arith.constant 35 : i32
        %add3A_1023 = arith.addi %while3A_322, %add3A_1022 : i32
        %sub3A_1024 = arith.constant 1 : i32
        %sub3A_1025 = arith.subi %get3A_314, %sub3A_1024 : i32
        %min3A_1026 = arith.minsi %add3A_1023, %sub3A_1025 : i32
        %get3A_1027 = arith.index_cast %min3A_1026 : i32 to index
        %get3A_1028 = memref.load %arg32[%get3A_1027] : memref<1024xi32, #tpu.memory_space<smem>>
        %lt3A_1029 = arith.cmpi slt, %add3A_1023, %get3A_314 : i32
        %jit3A_1030 = arith.constant 1025 : i32
        %select_n3A_1031 = arith.select %lt3A_1029, %get3A_1028, %jit3A_1030 : i32
        %sub3A_1032 = arith.constant 1 : i32
        %sub3A_1033 = arith.subi %get3A_1028, %sub3A_1032 : i32
        %get3A_1034 = arith.index_cast %sub3A_1033 : i32 to index
        %get3A_1035 = memref.load %arg3[%get3A_1034] : memref<1024xi32, #tpu.memory_space<smem>>
        %get3A_1036 = arith.index_cast %get3A_1035 : i32 to index
        %get3A_1037 = arith.constant 0 : index
        %get3A_1038 = vector.load %arg20[%get3A_1036, %get3A_1037] : memref<1026x64xf32, #tpu.memory_space<vmem>>, vector<1x64xf32>
        %swap3A_1039 = arith.constant 35 : index
        %swap3A_1040 = arith.constant 0 : index
        %swap3A_1041 = vector.load %arg29[%swap3A_1039, %swap3A_1040] : memref<48x128xf32, #tpu.memory_space<vmem>>, vector<1x64xf32>
        tpu.vector_store %arg29[%swap3A_1039, %swap3A_1040], %get3A_1038 {strides = array<i32>} : memref<48x128xf32, #tpu.memory_space<vmem>>, vector<1x64xf32>,
        %add3A_1042 = arith.constant 36 : i32
        %add3A_1043 = arith.addi %while3A_322, %add3A_1042 : i32
        %sub3A_1044 = arith.constant 1 : i32
        %sub3A_1045 = arith.subi %get3A_314, %sub3A_1044 : i32
        %min3A_1046 = arith.minsi %add3A_1043, %sub3A_1045 : i32
        %get3A_1047 = arith.index_cast %min3A_1046 : i32 to index
        %get3A_1048 = memref.load %arg32[%get3A_1047] : memref<1024xi32, #tpu.memory_space<smem>>
        %lt3A_1049 = arith.cmpi slt, %add3A_1043, %get3A_314 : i32
        %jit3A_1050 = arith.constant 1025 : i32
        %select_n3A_1051 = arith.select %lt3A_1049, %get3A_1048, %jit3A_1050 : i32
        %sub3A_1052 = arith.constant 1 : i32
        %sub3A_1053 = arith.subi %get3A_1048, %sub3A_1052 : i32
        %get3A_1054 = arith.index_cast %sub3A_1053 : i32 to index
        %get3A_1055 = memref.load %arg3[%get3A_1054] : memref<1024xi32, #tpu.memory_space<smem>>
        %get3A_1056 = arith.index_cast %get3A_1055 : i32 to index
        %get3A_1057 = arith.constant 0 : index
        %get3A_1058 = vector.load %arg20[%get3A_1056, %get3A_1057] : memref<1026x64xf32, #tpu.memory_space<vmem>>, vector<1x64xf32>
        %swap3A_1059 = arith.constant 36 : index
        %swap3A_1060 = arith.constant 0 : index
        %swap3A_1061 = vector.load %arg29[%swap3A_1059, %swap3A_1060] : memref<48x128xf32, #tpu.memory_space<vmem>>, vector<1x64xf32>
        tpu.vector_store %arg29[%swap3A_1059, %swap3A_1060], %get3A_1058 {strides = array<i32>} : memref<48x128xf32, #tpu.memory_space<vmem>>, vector<1x64xf32>,
        %add3A_1062 = arith.constant 37 : i32
        %add3A_1063 = arith.addi %while3A_322, %add3A_1062 : i32
        %sub3A_1064 = arith.constant 1 : i32
        %sub3A_1065 = arith.subi %get3A_314, %sub3A_1064 : i32
        %min3A_1066 = arith.minsi %add3A_1063, %sub3A_1065 : i32
        %get3A_1067 = arith.index_cast %min3A_1066 : i32 to index
        %get3A_1068 = memref.load %arg32[%get3A_1067] : memref<1024xi32, #tpu.memory_space<smem>>
        %lt3A_1069 = arith.cmpi slt, %add3A_1063, %get3A_314 : i32
        %jit3A_1070 = arith.constant 1025 : i32
        %select_n3A_1071 = arith.select %lt3A_1069, %get3A_1068, %jit3A_1070 : i32
        %sub3A_1072 = arith.constant 1 : i32
        %sub3A_1073 = arith.subi %get3A_1068, %sub3A_1072 : i32
        %get3A_1074 = arith.index_cast %sub3A_1073 : i32 to index
        %get3A_1075 = memref.load %arg3[%get3A_1074] : memref<1024xi32, #tpu.memory_space<smem>>
        %get3A_1076 = arith.index_cast %get3A_1075 : i32 to index
        %get3A_1077 = arith.constant 0 : index
        %get3A_1078 = vector.load %arg20[%get3A_1076, %get3A_1077] : memref<1026x64xf32, #tpu.memory_space<vmem>>, vector<1x64xf32>
        %swap3A_1079 = arith.constant 37 : index
        %swap3A_1080 = arith.constant 0 : index
        %swap3A_1081 = vector.load %arg29[%swap3A_1079, %swap3A_1080] : memref<48x128xf32, #tpu.memory_space<vmem>>, vector<1x64xf32>
        tpu.vector_store %arg29[%swap3A_1079, %swap3A_1080], %get3A_1078 {strides = array<i32>} : memref<48x128xf32, #tpu.memory_space<vmem>>, vector<1x64xf32>,
        %add3A_1082 = arith.constant 38 : i32
        %add3A_1083 = arith.addi %while3A_322, %add3A_1082 : i32
        %sub3A_1084 = arith.constant 1 : i32
        %sub3A_1085 = arith.subi %get3A_314, %sub3A_1084 : i32
        %min3A_1086 = arith.minsi %add3A_1083, %sub3A_1085 : i32
        %get3A_1087 = arith.index_cast %min3A_1086 : i32 to index
        %get3A_1088 = memref.load %arg32[%get3A_1087] : memref<1024xi32, #tpu.memory_space<smem>>
        %lt3A_1089 = arith.cmpi slt, %add3A_1083, %get3A_314 : i32
        %jit3A_1090 = arith.constant 1025 : i32
        %select_n3A_1091 = arith.select %lt3A_1089, %get3A_1088, %jit3A_1090 : i32
        %sub3A_1092 = arith.constant 1 : i32
        %sub3A_1093 = arith.subi %get3A_1088, %sub3A_1092 : i32
        %get3A_1094 = arith.index_cast %sub3A_1093 : i32 to index
        %get3A_1095 = memref.load %arg3[%get3A_1094] : memref<1024xi32, #tpu.memory_space<smem>>
        %get3A_1096 = arith.index_cast %get3A_1095 : i32 to index
        %get3A_1097 = arith.constant 0 : index
        %get3A_1098 = vector.load %arg20[%get3A_1096, %get3A_1097] : memref<1026x64xf32, #tpu.memory_space<vmem>>, vector<1x64xf32>
        %swap3A_1099 = arith.constant 38 : index
        %swap3A_1100 = arith.constant 0 : index
        %swap3A_1101 = vector.load %arg29[%swap3A_1099, %swap3A_1100] : memref<48x128xf32, #tpu.memory_space<vmem>>, vector<1x64xf32>
        tpu.vector_store %arg29[%swap3A_1099, %swap3A_1100], %get3A_1098 {strides = array<i32>} : memref<48x128xf32, #tpu.memory_space<vmem>>, vector<1x64xf32>,
        %add3A_1102 = arith.constant 39 : i32
        %add3A_1103 = arith.addi %while3A_322, %add3A_1102 : i32
        %sub3A_1104 = arith.constant 1 : i32
        %sub3A_1105 = arith.subi %get3A_314, %sub3A_1104 : i32
        %min3A_1106 = arith.minsi %add3A_1103, %sub3A_1105 : i32
        %get3A_1107 = arith.index_cast %min3A_1106 : i32 to index
        %get3A_1108 = memref.load %arg32[%get3A_1107] : memref<1024xi32, #tpu.memory_space<smem>>
        %lt3A_1109 = arith.cmpi slt, %add3A_1103, %get3A_314 : i32
        %jit3A_1110 = arith.constant 1025 : i32
        %select_n3A_1111 = arith.select %lt3A_1109, %get3A_1108, %jit3A_1110 : i32
        %sub3A_1112 = arith.constant 1 : i32
        %sub3A_1113 = arith.subi %get3A_1108, %sub3A_1112 : i32
        %get3A_1114 = arith.index_cast %sub3A_1113 : i32 to index
        %get3A_1115 = memref.load %arg3[%get3A_1114] : memref<1024xi32, #tpu.memory_space<smem>>
        %get3A_1116 = arith.index_cast %get3A_1115 : i32 to index
        %get3A_1117 = arith.constant 0 : index
        %get3A_1118 = vector.load %arg20[%get3A_1116, %get3A_1117] : memref<1026x64xf32, #tpu.memory_space<vmem>>, vector<1x64xf32>
        %swap3A_1119 = arith.constant 39 : index
        %swap3A_1120 = arith.constant 0 : index
        %swap3A_1121 = vector.load %arg29[%swap3A_1119, %swap3A_1120] : memref<48x128xf32, #tpu.memory_space<vmem>>, vector<1x64xf32>
        tpu.vector_store %arg29[%swap3A_1119, %swap3A_1120], %get3A_1118 {strides = array<i32>} : memref<48x128xf32, #tpu.memory_space<vmem>>, vector<1x64xf32>,
        %add3A_1122 = arith.constant 40 : i32
        %add3A_1123 = arith.addi %while3A_322, %add3A_1122 : i32
        %sub3A_1124 = arith.constant 1 : i32
        %sub3A_1125 = arith.subi %get3A_314, %sub3A_1124 : i32
        %min3A_1126 = arith.minsi %add3A_1123, %sub3A_1125 : i32
        %get3A_1127 = arith.index_cast %min3A_1126 : i32 to index
        %get3A_1128 = memref.load %arg32[%get3A_1127] : memref<1024xi32, #tpu.memory_space<smem>>
        %lt3A_1129 = arith.cmpi slt, %add3A_1123, %get3A_314 : i32
        %jit3A_1130 = arith.constant 1025 : i32
        %select_n3A_1131 = arith.select %lt3A_1129, %get3A_1128, %jit3A_1130 : i32
        %sub3A_1132 = arith.constant 1 : i32
        %sub3A_1133 = arith.subi %get3A_1128, %sub3A_1132 : i32
        %get3A_1134 = arith.index_cast %sub3A_1133 : i32 to index
        %get3A_1135 = memref.load %arg3[%get3A_1134] : memref<1024xi32, #tpu.memory_space<smem>>
        %get3A_1136 = arith.index_cast %get3A_1135 : i32 to index
        %get3A_1137 = arith.constant 0 : index
        %get3A_1138 = vector.load %arg20[%get3A_1136, %get3A_1137] : memref<1026x64xf32, #tpu.memory_space<vmem>>, vector<1x64xf32>
        %swap3A_1139 = arith.constant 40 : index
        %swap3A_1140 = arith.constant 0 : index
        %swap3A_1141 = vector.load %arg29[%swap3A_1139, %swap3A_1140] : memref<48x128xf32, #tpu.memory_space<vmem>>, vector<1x64xf32>
        tpu.vector_store %arg29[%swap3A_1139, %swap3A_1140], %get3A_1138 {strides = array<i32>} : memref<48x128xf32, #tpu.memory_space<vmem>>, vector<1x64xf32>,
        %add3A_1142 = arith.constant 41 : i32
        %add3A_1143 = arith.addi %while3A_322, %add3A_1142 : i32
        %sub3A_1144 = arith.constant 1 : i32
        %sub3A_1145 = arith.subi %get3A_314, %sub3A_1144 : i32
        %min3A_1146 = arith.minsi %add3A_1143, %sub3A_1145 : i32
        %get3A_1147 = arith.index_cast %min3A_1146 : i32 to index
        %get3A_1148 = memref.load %arg32[%get3A_1147] : memref<1024xi32, #tpu.memory_space<smem>>
        %lt3A_1149 = arith.cmpi slt, %add3A_1143, %get3A_314 : i32
        %jit3A_1150 = arith.constant 1025 : i32
        %select_n3A_1151 = arith.select %lt3A_1149, %get3A_1148, %jit3A_1150 : i32
        %sub3A_1152 = arith.constant 1 : i32
        %sub3A_1153 = arith.subi %get3A_1148, %sub3A_1152 : i32
        %get3A_1154 = arith.index_cast %sub3A_1153 : i32 to index
        %get3A_1155 = memref.load %arg3[%get3A_1154] : memref<1024xi32, #tpu.memory_space<smem>>
        %get3A_1156 = arith.index_cast %get3A_1155 : i32 to index
        %get3A_1157 = arith.constant 0 : index
        %get3A_1158 = vector.load %arg20[%get3A_1156, %get3A_1157] : memref<1026x64xf32, #tpu.memory_space<vmem>>, vector<1x64xf32>
        %swap3A_1159 = arith.constant 41 : index
        %swap3A_1160 = arith.constant 0 : index
        %swap3A_1161 = vector.load %arg29[%swap3A_1159, %swap3A_1160] : memref<48x128xf32, #tpu.memory_space<vmem>>, vector<1x64xf32>
        tpu.vector_store %arg29[%swap3A_1159, %swap3A_1160], %get3A_1158 {strides = array<i32>} : memref<48x128xf32, #tpu.memory_space<vmem>>, vector<1x64xf32>,
        %add3A_1162 = arith.constant 42 : i32
        %add3A_1163 = arith.addi %while3A_322, %add3A_1162 : i32
        %sub3A_1164 = arith.constant 1 : i32
        %sub3A_1165 = arith.subi %get3A_314, %sub3A_1164 : i32
        %min3A_1166 = arith.minsi %add3A_1163, %sub3A_1165 : i32
        %get3A_1167 = arith.index_cast %min3A_1166 : i32 to index
        %get3A_1168 = memref.load %arg32[%get3A_1167] : memref<1024xi32, #tpu.memory_space<smem>>
        %lt3A_1169 = arith.cmpi slt, %add3A_1163, %get3A_314 : i32
        %jit3A_1170 = arith.constant 1025 : i32
        %select_n3A_1171 = arith.select %lt3A_1169, %get3A_1168, %jit3A_1170 : i32
        %sub3A_1172 = arith.constant 1 : i32
        %sub3A_1173 = arith.subi %get3A_1168, %sub3A_1172 : i32
        %get3A_1174 = arith.index_cast %sub3A_1173 : i32 to index
        %get3A_1175 = memref.load %arg3[%get3A_1174] : memref<1024xi32, #tpu.memory_space<smem>>
        %get3A_1176 = arith.index_cast %get3A_1175 : i32 to index
        %get3A_1177 = arith.constant 0 : index
        %get3A_1178 = vector.load %arg20[%get3A_1176, %get3A_1177] : memref<1026x64xf32, #tpu.memory_space<vmem>>, vector<1x64xf32>
        %swap3A_1179 = arith.constant 42 : index
        %swap3A_1180 = arith.constant 0 : index
        %swap3A_1181 = vector.load %arg29[%swap3A_1179, %swap3A_1180] : memref<48x128xf32, #tpu.memory_space<vmem>>, vector<1x64xf32>
        tpu.vector_store %arg29[%swap3A_1179, %swap3A_1180], %get3A_1178 {strides = array<i32>} : memref<48x128xf32, #tpu.memory_space<vmem>>, vector<1x64xf32>,
        %add3A_1182 = arith.constant 43 : i32
        %add3A_1183 = arith.addi %while3A_322, %add3A_1182 : i32
        %sub3A_1184 = arith.constant 1 : i32
        %sub3A_1185 = arith.subi %get3A_314, %sub3A_1184 : i32
        %min3A_1186 = arith.minsi %add3A_1183, %sub3A_1185 : i32
        %get3A_1187 = arith.index_cast %min3A_1186 : i32 to index
        %get3A_1188 = memref.load %arg32[%get3A_1187] : memref<1024xi32, #tpu.memory_space<smem>>
        %lt3A_1189 = arith.cmpi slt, %add3A_1183, %get3A_314 : i32
        %jit3A_1190 = arith.constant 1025 : i32
        %select_n3A_1191 = arith.select %lt3A_1189, %get3A_1188, %jit3A_1190 : i32
        %sub3A_1192 = arith.constant 1 : i32
        %sub3A_1193 = arith.subi %get3A_1188, %sub3A_1192 : i32
        %get3A_1194 = arith.index_cast %sub3A_1193 : i32 to index
        %get3A_1195 = memref.load %arg3[%get3A_1194] : memref<1024xi32, #tpu.memory_space<smem>>
        %get3A_1196 = arith.index_cast %get3A_1195 : i32 to index
        %get3A_1197 = arith.constant 0 : index
        %get3A_1198 = vector.load %arg20[%get3A_1196, %get3A_1197] : memref<1026x64xf32, #tpu.memory_space<vmem>>, vector<1x64xf32>
        %swap3A_1199 = arith.constant 43 : index
        %swap3A_1200 = arith.constant 0 : index
        %swap3A_1201 = vector.load %arg29[%swap3A_1199, %swap3A_1200] : memref<48x128xf32, #tpu.memory_space<vmem>>, vector<1x64xf32>
        tpu.vector_store %arg29[%swap3A_1199, %swap3A_1200], %get3A_1198 {strides = array<i32>} : memref<48x128xf32, #tpu.memory_space<vmem>>, vector<1x64xf32>,
        %add3A_1202 = arith.constant 44 : i32
        %add3A_1203 = arith.addi %while3A_322, %add3A_1202 : i32
        %sub3A_1204 = arith.constant 1 : i32
        %sub3A_1205 = arith.subi %get3A_314, %sub3A_1204 : i32
        %min3A_1206 = arith.minsi %add3A_1203, %sub3A_1205 : i32
        %get3A_1207 = arith.index_cast %min3A_1206 : i32 to index
        %get3A_1208 = memref.load %arg32[%get3A_1207] : memref<1024xi32, #tpu.memory_space<smem>>
        %lt3A_1209 = arith.cmpi slt, %add3A_1203, %get3A_314 : i32
        %jit3A_1210 = arith.constant 1025 : i32
        %select_n3A_1211 = arith.select %lt3A_1209, %get3A_1208, %jit3A_1210 : i32
        %sub3A_1212 = arith.constant 1 : i32
        %sub3A_1213 = arith.subi %get3A_1208, %sub3A_1212 : i32
        %get3A_1214 = arith.index_cast %sub3A_1213 : i32 to index
        %get3A_1215 = memref.load %arg3[%get3A_1214] : memref<1024xi32, #tpu.memory_space<smem>>
        %get3A_1216 = arith.index_cast %get3A_1215 : i32 to index
        %get3A_1217 = arith.constant 0 : index
        %get3A_1218 = vector.load %arg20[%get3A_1216, %get3A_1217] : memref<1026x64xf32, #tpu.memory_space<vmem>>, vector<1x64xf32>
        %swap3A_1219 = arith.constant 44 : index
        %swap3A_1220 = arith.constant 0 : index
        %swap3A_1221 = vector.load %arg29[%swap3A_1219, %swap3A_1220] : memref<48x128xf32, #tpu.memory_space<vmem>>, vector<1x64xf32>
        tpu.vector_store %arg29[%swap3A_1219, %swap3A_1220], %get3A_1218 {strides = array<i32>} : memref<48x128xf32, #tpu.memory_space<vmem>>, vector<1x64xf32>,
        %add3A_1222 = arith.constant 45 : i32
        %add3A_1223 = arith.addi %while3A_322, %add3A_1222 : i32
        %sub3A_1224 = arith.constant 1 : i32
        %sub3A_1225 = arith.subi %get3A_314, %sub3A_1224 : i32
        %min3A_1226 = arith.minsi %add3A_1223, %sub3A_1225 : i32
        %get3A_1227 = arith.index_cast %min3A_1226 : i32 to index
        %get3A_1228 = memref.load %arg32[%get3A_1227] : memref<1024xi32, #tpu.memory_space<smem>>
        %lt3A_1229 = arith.cmpi slt, %add3A_1223, %get3A_314 : i32
        %jit3A_1230 = arith.constant 1025 : i32
        %select_n3A_1231 = arith.select %lt3A_1229, %get3A_1228, %jit3A_1230 : i32
        %sub3A_1232 = arith.constant 1 : i32
        %sub3A_1233 = arith.subi %get3A_1228, %sub3A_1232 : i32
        %get3A_1234 = arith.index_cast %sub3A_1233 : i32 to index
        %get3A_1235 = memref.load %arg3[%get3A_1234] : memref<1024xi32, #tpu.memory_space<smem>>
        %get3A_1236 = arith.index_cast %get3A_1235 : i32 to index
        %get3A_1237 = arith.constant 0 : index
        %get3A_1238 = vector.load %arg20[%get3A_1236, %get3A_1237] : memref<1026x64xf32, #tpu.memory_space<vmem>>, vector<1x64xf32>
        %swap3A_1239 = arith.constant 45 : index
        %swap3A_1240 = arith.constant 0 : index
        %swap3A_1241 = vector.load %arg29[%swap3A_1239, %swap3A_1240] : memref<48x128xf32, #tpu.memory_space<vmem>>, vector<1x64xf32>
        tpu.vector_store %arg29[%swap3A_1239, %swap3A_1240], %get3A_1238 {strides = array<i32>} : memref<48x128xf32, #tpu.memory_space<vmem>>, vector<1x64xf32>,
        %add3A_1242 = arith.constant 46 : i32
        %add3A_1243 = arith.addi %while3A_322, %add3A_1242 : i32
        %sub3A_1244 = arith.constant 1 : i32
        %sub3A_1245 = arith.subi %get3A_314, %sub3A_1244 : i32
        %min3A_1246 = arith.minsi %add3A_1243, %sub3A_1245 : i32
        %get3A_1247 = arith.index_cast %min3A_1246 : i32 to index
        %get3A_1248 = memref.load %arg32[%get3A_1247] : memref<1024xi32, #tpu.memory_space<smem>>
        %lt3A_1249 = arith.cmpi slt, %add3A_1243, %get3A_314 : i32
        %jit3A_1250 = arith.constant 1025 : i32
        %select_n3A_1251 = arith.select %lt3A_1249, %get3A_1248, %jit3A_1250 : i32
        %sub3A_1252 = arith.constant 1 : i32
        %sub3A_1253 = arith.subi %get3A_1248, %sub3A_1252 : i32
        %get3A_1254 = arith.index_cast %sub3A_1253 : i32 to index
        %get3A_1255 = memref.load %arg3[%get3A_1254] : memref<1024xi32, #tpu.memory_space<smem>>
        %get3A_1256 = arith.index_cast %get3A_1255 : i32 to index
        %get3A_1257 = arith.constant 0 : index
        %get3A_1258 = vector.load %arg20[%get3A_1256, %get3A_1257] : memref<1026x64xf32, #tpu.memory_space<vmem>>, vector<1x64xf32>
        %swap3A_1259 = arith.constant 46 : index
        %swap3A_1260 = arith.constant 0 : index
        %swap3A_1261 = vector.load %arg29[%swap3A_1259, %swap3A_1260] : memref<48x128xf32, #tpu.memory_space<vmem>>, vector<1x64xf32>
        tpu.vector_store %arg29[%swap3A_1259, %swap3A_1260], %get3A_1258 {strides = array<i32>} : memref<48x128xf32, #tpu.memory_space<vmem>>, vector<1x64xf32>,
        %add3A_1262 = arith.constant 47 : i32
        %add3A_1263 = arith.addi %while3A_322, %add3A_1262 : i32
        %sub3A_1264 = arith.constant 1 : i32
        %sub3A_1265 = arith.subi %get3A_314, %sub3A_1264 : i32
        %min3A_1266 = arith.minsi %add3A_1263, %sub3A_1265 : i32
        %get3A_1267 = arith.index_cast %min3A_1266 : i32 to index
        %get3A_1268 = memref.load %arg32[%get3A_1267] : memref<1024xi32, #tpu.memory_space<smem>>
        %lt3A_1269 = arith.cmpi slt, %add3A_1263, %get3A_314 : i32
        %jit3A_1270 = arith.constant 1025 : i32
        %select_n3A_1271 = arith.select %lt3A_1269, %get3A_1268, %jit3A_1270 : i32
        %sub3A_1272 = arith.constant 1 : i32
        %sub3A_1273 = arith.subi %get3A_1268, %sub3A_1272 : i32
        %get3A_1274 = arith.index_cast %sub3A_1273 : i32 to index
        %get3A_1275 = memref.load %arg3[%get3A_1274] : memref<1024xi32, #tpu.memory_space<smem>>
        %get3A_1276 = arith.index_cast %get3A_1275 : i32 to index
        %get3A_1277 = arith.constant 0 : index
        %get3A_1278 = vector.load %arg20[%get3A_1276, %get3A_1277] : memref<1026x64xf32, #tpu.memory_space<vmem>>, vector<1x64xf32>
        %swap3A_1279 = arith.constant 47 : index
        %swap3A_1280 = arith.constant 0 : index
        %swap3A_1281 = vector.load %arg29[%swap3A_1279, %swap3A_1280] : memref<48x128xf32, #tpu.memory_space<vmem>>, vector<1x64xf32>
        tpu.vector_store %arg29[%swap3A_1279, %swap3A_1280], %get3A_1278 {strides = array<i32>} : memref<48x128xf32, #tpu.memory_space<vmem>>, vector<1x64xf32>,
        %add3A_1282 = arith.constant 0 : i32
        %add3A_1283 = arith.addi %while3A_323, %add3A_1282 : i32
        %sub3A_1284 = arith.constant 1 : i32
        %sub3A_1285 = arith.subi %get3A_320, %sub3A_1284 : i32
        %min3A_1286 = arith.minsi %add3A_1283, %sub3A_1285 : i32
        %get3A_1287 = arith.index_cast %min3A_1286 : i32 to index
        %get3A_1288 = memref.load %arg35[%get3A_1287] : memref<512xi32, #tpu.memory_space<smem>>
        %lt3A_1289 = arith.cmpi slt, %add3A_1283, %get3A_320 : i32
        %jit3A_1290 = arith.constant 1024 : i32
        %select_n3A_1291 = arith.select %lt3A_1289, %get3A_1288, %jit3A_1290 : i32
        %sub3A_1292 = arith.constant 512 : i32
        %sub3A_1293 = arith.subi %get3A_1288, %sub3A_1292 : i32
        %get3A_1294 = arith.index_cast %sub3A_1293 : i32 to index
        %get3A_1295 = arith.constant 0 : index
        %get3A_1296 = memref.load %arg4[%get3A_1294, %get3A_1295] : memref<512x4xi32, #tpu.memory_space<smem>>
        %get3A_1297 = arith.index_cast %get3A_1296 : i32 to index
        %get3A_1298 = arith.constant 0 : index
        %get3A_1299 = vector.load %arg21[%get3A_1297, %get3A_1298] : memref<1025x64xf32, #tpu.memory_space<vmem>>, vector<1x64xf32>
        %get3A_1300 = arith.index_cast %sub3A_1293 : i32 to index
        %get3A_1301 = arith.constant 1 : index
        %get3A_1302 = memref.load %arg4[%get3A_1300, %get3A_1301] : memref<512x4xi32, #tpu.memory_space<smem>>
        %get3A_1303 = arith.index_cast %get3A_1302 : i32 to index
        %get3A_1304 = arith.constant 0 : index
        %get3A_1305 = vector.load %arg21[%get3A_1303, %get3A_1304] : memref<1025x64xf32, #tpu.memory_space<vmem>>, vector<1x64xf32>
        %add3A_1306 = arith.addf %get3A_1299, %get3A_1305 : vector<1x64xf32>
        %get3A_1307 = arith.index_cast %sub3A_1293 : i32 to index
        %get3A_1308 = arith.constant 2 : index
        %get3A_1309 = memref.load %arg4[%get3A_1307, %get3A_1308] : memref<512x4xi32, #tpu.memory_space<smem>>
        %get3A_1310 = arith.index_cast %get3A_1309 : i32 to index
        %get3A_1311 = arith.constant 0 : index
        %get3A_1312 = vector.load %arg21[%get3A_1310, %get3A_1311] : memref<1025x64xf32, #tpu.memory_space<vmem>>, vector<1x64xf32>
        %add3A_1313 = arith.addf %add3A_1306, %get3A_1312 : vector<1x64xf32>
        %get3A_1314 = arith.index_cast %sub3A_1293 : i32 to index
        %get3A_1315 = arith.constant 3 : index
        %get3A_1316 = memref.load %arg4[%get3A_1314, %get3A_1315] : memref<512x4xi32, #tpu.memory_space<smem>>
        %get3A_1317 = arith.index_cast %get3A_1316 : i32 to index
        %get3A_1318 = arith.constant 0 : index
        %get3A_1319 = vector.load %arg21[%get3A_1317, %get3A_1318] : memref<1025x64xf32, #tpu.memory_space<vmem>>, vector<1x64xf32>
        %add3A_1320 = arith.addf %add3A_1313, %get3A_1319 : vector<1x64xf32>
        %swap3A_1321 = arith.constant 0 : index
        %swap3A_1322 = arith.constant 64 : index
        %swap3A_1323 = vector.load %arg29[%swap3A_1321, %swap3A_1322] : memref<48x128xf32, #tpu.memory_space<vmem>>, vector<1x64xf32>
        tpu.vector_store %arg29[%swap3A_1321, %swap3A_1322], %add3A_1320 {strides = array<i32>} : memref<48x128xf32, #tpu.memory_space<vmem>>, vector<1x64xf32>,
        %add3A_1324 = arith.constant 1 : i32
        %add3A_1325 = arith.addi %while3A_323, %add3A_1324 : i32
        %sub3A_1326 = arith.constant 1 : i32
        %sub3A_1327 = arith.subi %get3A_320, %sub3A_1326 : i32
        %min3A_1328 = arith.minsi %add3A_1325, %sub3A_1327 : i32
        %get3A_1329 = arith.index_cast %min3A_1328 : i32 to index
        %get3A_1330 = memref.load %arg35[%get3A_1329] : memref<512xi32, #tpu.memory_space<smem>>
        %lt3A_1331 = arith.cmpi slt, %add3A_1325, %get3A_320 : i32
        %jit3A_1332 = arith.constant 1024 : i32
        %select_n3A_1333 = arith.select %lt3A_1331, %get3A_1330, %jit3A_1332 : i32
        %sub3A_1334 = arith.constant 512 : i32
        %sub3A_1335 = arith.subi %get3A_1330, %sub3A_1334 : i32
        %get3A_1336 = arith.index_cast %sub3A_1335 : i32 to index
        %get3A_1337 = arith.constant 0 : index
        %get3A_1338 = memref.load %arg4[%get3A_1336, %get3A_1337] : memref<512x4xi32, #tpu.memory_space<smem>>
        %get3A_1339 = arith.index_cast %get3A_1338 : i32 to index
        %get3A_1340 = arith.constant 0 : index
        %get3A_1341 = vector.load %arg21[%get3A_1339, %get3A_1340] : memref<1025x64xf32, #tpu.memory_space<vmem>>, vector<1x64xf32>
        %get3A_1342 = arith.index_cast %sub3A_1335 : i32 to index
        %get3A_1343 = arith.constant 1 : index
        %get3A_1344 = memref.load %arg4[%get3A_1342, %get3A_1343] : memref<512x4xi32, #tpu.memory_space<smem>>
        %get3A_1345 = arith.index_cast %get3A_1344 : i32 to index
        %get3A_1346 = arith.constant 0 : index
        %get3A_1347 = vector.load %arg21[%get3A_1345, %get3A_1346] : memref<1025x64xf32, #tpu.memory_space<vmem>>, vector<1x64xf32>
        %add3A_1348 = arith.addf %get3A_1341, %get3A_1347 : vector<1x64xf32>
        %get3A_1349 = arith.index_cast %sub3A_1335 : i32 to index
        %get3A_1350 = arith.constant 2 : index
        %get3A_1351 = memref.load %arg4[%get3A_1349, %get3A_1350] : memref<512x4xi32, #tpu.memory_space<smem>>
        %get3A_1352 = arith.index_cast %get3A_1351 : i32 to index
        %get3A_1353 = arith.constant 0 : index
        %get3A_1354 = vector.load %arg21[%get3A_1352, %get3A_1353] : memref<1025x64xf32, #tpu.memory_space<vmem>>, vector<1x64xf32>
        %add3A_1355 = arith.addf %add3A_1348, %get3A_1354 : vector<1x64xf32>
        %get3A_1356 = arith.index_cast %sub3A_1335 : i32 to index
        %get3A_1357 = arith.constant 3 : index
        %get3A_1358 = memref.load %arg4[%get3A_1356, %get3A_1357] : memref<512x4xi32, #tpu.memory_space<smem>>
        %get3A_1359 = arith.index_cast %get3A_1358 : i32 to index
        %get3A_1360 = arith.constant 0 : index
        %get3A_1361 = vector.load %arg21[%get3A_1359, %get3A_1360] : memref<1025x64xf32, #tpu.memory_space<vmem>>, vector<1x64xf32>
        %add3A_1362 = arith.addf %add3A_1355, %get3A_1361 : vector<1x64xf32>
        %swap3A_1363 = arith.constant 1 : index
        %swap3A_1364 = arith.constant 64 : index
        %swap3A_1365 = vector.load %arg29[%swap3A_1363, %swap3A_1364] : memref<48x128xf32, #tpu.memory_space<vmem>>, vector<1x64xf32>
        tpu.vector_store %arg29[%swap3A_1363, %swap3A_1364], %add3A_1362 {strides = array<i32>} : memref<48x128xf32, #tpu.memory_space<vmem>>, vector<1x64xf32>,
        %add3A_1366 = arith.constant 2 : i32
        %add3A_1367 = arith.addi %while3A_323, %add3A_1366 : i32
        %sub3A_1368 = arith.constant 1 : i32
        %sub3A_1369 = arith.subi %get3A_320, %sub3A_1368 : i32
        %min3A_1370 = arith.minsi %add3A_1367, %sub3A_1369 : i32
        %get3A_1371 = arith.index_cast %min3A_1370 : i32 to index
        %get3A_1372 = memref.load %arg35[%get3A_1371] : memref<512xi32, #tpu.memory_space<smem>>
        %lt3A_1373 = arith.cmpi slt, %add3A_1367, %get3A_320 : i32
        %jit3A_1374 = arith.constant 1024 : i32
        %select_n3A_1375 = arith.select %lt3A_1373, %get3A_1372, %jit3A_1374 : i32
        %sub3A_1376 = arith.constant 512 : i32
        %sub3A_1377 = arith.subi %get3A_1372, %sub3A_1376 : i32
        %get3A_1378 = arith.index_cast %sub3A_1377 : i32 to index
        %get3A_1379 = arith.constant 0 : index
        %get3A_1380 = memref.load %arg4[%get3A_1378, %get3A_1379] : memref<512x4xi32, #tpu.memory_space<smem>>
        %get3A_1381 = arith.index_cast %get3A_1380 : i32 to index
        %get3A_1382 = arith.constant 0 : index
        %get3A_1383 = vector.load %arg21[%get3A_1381, %get3A_1382] : memref<1025x64xf32, #tpu.memory_space<vmem>>, vector<1x64xf32>
        %get3A_1384 = arith.index_cast %sub3A_1377 : i32 to index
        %get3A_1385 = arith.constant 1 : index
        %get3A_1386 = memref.load %arg4[%get3A_1384, %get3A_1385] : memref<512x4xi32, #tpu.memory_space<smem>>
        %get3A_1387 = arith.index_cast %get3A_1386 : i32 to index
        %get3A_1388 = arith.constant 0 : index
        %get3A_1389 = vector.load %arg21[%get3A_1387, %get3A_1388] : memref<1025x64xf32, #tpu.memory_space<vmem>>, vector<1x64xf32>
        %add3A_1390 = arith.addf %get3A_1383, %get3A_1389 : vector<1x64xf32>
        %get3A_1391 = arith.index_cast %sub3A_1377 : i32 to index
        %get3A_1392 = arith.constant 2 : index
        %get3A_1393 = memref.load %arg4[%get3A_1391, %get3A_1392] : memref<512x4xi32, #tpu.memory_space<smem>>
        %get3A_1394 = arith.index_cast %get3A_1393 : i32 to index
        %get3A_1395 = arith.constant 0 : index
        %get3A_1396 = vector.load %arg21[%get3A_1394, %get3A_1395] : memref<1025x64xf32, #tpu.memory_space<vmem>>, vector<1x64xf32>
        %add3A_1397 = arith.addf %add3A_1390, %get3A_1396 : vector<1x64xf32>
        %get3A_1398 = arith.index_cast %sub3A_1377 : i32 to index
        %get3A_1399 = arith.constant 3 : index
        %get3A_1400 = memref.load %arg4[%get3A_1398, %get3A_1399] : memref<512x4xi32, #tpu.memory_space<smem>>
        %get3A_1401 = arith.index_cast %get3A_1400 : i32 to index
        %get3A_1402 = arith.constant 0 : index
        %get3A_1403 = vector.load %arg21[%get3A_1401, %get3A_1402] : memref<1025x64xf32, #tpu.memory_space<vmem>>, vector<1x64xf32>
        %add3A_1404 = arith.addf %add3A_1397, %get3A_1403 : vector<1x64xf32>
        %swap3A_1405 = arith.constant 2 : index
        %swap3A_1406 = arith.constant 64 : index
        %swap3A_1407 = vector.load %arg29[%swap3A_1405, %swap3A_1406] : memref<48x128xf32, #tpu.memory_space<vmem>>, vector<1x64xf32>
        tpu.vector_store %arg29[%swap3A_1405, %swap3A_1406], %add3A_1404 {strides = array<i32>} : memref<48x128xf32, #tpu.memory_space<vmem>>, vector<1x64xf32>,
        %add3A_1408 = arith.constant 3 : i32
        %add3A_1409 = arith.addi %while3A_323, %add3A_1408 : i32
        %sub3A_1410 = arith.constant 1 : i32
        %sub3A_1411 = arith.subi %get3A_320, %sub3A_1410 : i32
        %min3A_1412 = arith.minsi %add3A_1409, %sub3A_1411 : i32
        %get3A_1413 = arith.index_cast %min3A_1412 : i32 to index
        %get3A_1414 = memref.load %arg35[%get3A_1413] : memref<512xi32, #tpu.memory_space<smem>>
        %lt3A_1415 = arith.cmpi slt, %add3A_1409, %get3A_320 : i32
        %jit3A_1416 = arith.constant 1024 : i32
        %select_n3A_1417 = arith.select %lt3A_1415, %get3A_1414, %jit3A_1416 : i32
        %sub3A_1418 = arith.constant 512 : i32
        %sub3A_1419 = arith.subi %get3A_1414, %sub3A_1418 : i32
        %get3A_1420 = arith.index_cast %sub3A_1419 : i32 to index
        %get3A_1421 = arith.constant 0 : index
        %get3A_1422 = memref.load %arg4[%get3A_1420, %get3A_1421] : memref<512x4xi32, #tpu.memory_space<smem>>
        %get3A_1423 = arith.index_cast %get3A_1422 : i32 to index
        %get3A_1424 = arith.constant 0 : index
        %get3A_1425 = vector.load %arg21[%get3A_1423, %get3A_1424] : memref<1025x64xf32, #tpu.memory_space<vmem>>, vector<1x64xf32>
        %get3A_1426 = arith.index_cast %sub3A_1419 : i32 to index
        %get3A_1427 = arith.constant 1 : index
        %get3A_1428 = memref.load %arg4[%get3A_1426, %get3A_1427] : memref<512x4xi32, #tpu.memory_space<smem>>
        %get3A_1429 = arith.index_cast %get3A_1428 : i32 to index
        %get3A_1430 = arith.constant 0 : index
        %get3A_1431 = vector.load %arg21[%get3A_1429, %get3A_1430] : memref<1025x64xf32, #tpu.memory_space<vmem>>, vector<1x64xf32>
        %add3A_1432 = arith.addf %get3A_1425, %get3A_1431 : vector<1x64xf32>
        %get3A_1433 = arith.index_cast %sub3A_1419 : i32 to index
        %get3A_1434 = arith.constant 2 : index
        %get3A_1435 = memref.load %arg4[%get3A_1433, %get3A_1434] : memref<512x4xi32, #tpu.memory_space<smem>>
        %get3A_1436 = arith.index_cast %get3A_1435 : i32 to index
        %get3A_1437 = arith.constant 0 : index
        %get3A_1438 = vector.load %arg21[%get3A_1436, %get3A_1437] : memref<1025x64xf32, #tpu.memory_space<vmem>>, vector<1x64xf32>
        %add3A_1439 = arith.addf %add3A_1432, %get3A_1438 : vector<1x64xf32>
        %get3A_1440 = arith.index_cast %sub3A_1419 : i32 to index
        %get3A_1441 = arith.constant 3 : index
        %get3A_1442 = memref.load %arg4[%get3A_1440, %get3A_1441] : memref<512x4xi32, #tpu.memory_space<smem>>
        %get3A_1443 = arith.index_cast %get3A_1442 : i32 to index
        %get3A_1444 = arith.constant 0 : index
        %get3A_1445 = vector.load %arg21[%get3A_1443, %get3A_1444] : memref<1025x64xf32, #tpu.memory_space<vmem>>, vector<1x64xf32>
        %add3A_1446 = arith.addf %add3A_1439, %get3A_1445 : vector<1x64xf32>
        %swap3A_1447 = arith.constant 3 : index
        %swap3A_1448 = arith.constant 64 : index
        %swap3A_1449 = vector.load %arg29[%swap3A_1447, %swap3A_1448] : memref<48x128xf32, #tpu.memory_space<vmem>>, vector<1x64xf32>
        tpu.vector_store %arg29[%swap3A_1447, %swap3A_1448], %add3A_1446 {strides = array<i32>} : memref<48x128xf32, #tpu.memory_space<vmem>>, vector<1x64xf32>,
        %add3A_1450 = arith.constant 4 : i32
        %add3A_1451 = arith.addi %while3A_323, %add3A_1450 : i32
        %sub3A_1452 = arith.constant 1 : i32
        %sub3A_1453 = arith.subi %get3A_320, %sub3A_1452 : i32
        %min3A_1454 = arith.minsi %add3A_1451, %sub3A_1453 : i32
        %get3A_1455 = arith.index_cast %min3A_1454 : i32 to index
        %get3A_1456 = memref.load %arg35[%get3A_1455] : memref<512xi32, #tpu.memory_space<smem>>
        %lt3A_1457 = arith.cmpi slt, %add3A_1451, %get3A_320 : i32
        %jit3A_1458 = arith.constant 1024 : i32
        %select_n3A_1459 = arith.select %lt3A_1457, %get3A_1456, %jit3A_1458 : i32
        %sub3A_1460 = arith.constant 512 : i32
        %sub3A_1461 = arith.subi %get3A_1456, %sub3A_1460 : i32
        %get3A_1462 = arith.index_cast %sub3A_1461 : i32 to index
        %get3A_1463 = arith.constant 0 : index
        %get3A_1464 = memref.load %arg4[%get3A_1462, %get3A_1463] : memref<512x4xi32, #tpu.memory_space<smem>>
        %get3A_1465 = arith.index_cast %get3A_1464 : i32 to index
        %get3A_1466 = arith.constant 0 : index
        %get3A_1467 = vector.load %arg21[%get3A_1465, %get3A_1466] : memref<1025x64xf32, #tpu.memory_space<vmem>>, vector<1x64xf32>
        %get3A_1468 = arith.index_cast %sub3A_1461 : i32 to index
        %get3A_1469 = arith.constant 1 : index
        %get3A_1470 = memref.load %arg4[%get3A_1468, %get3A_1469] : memref<512x4xi32, #tpu.memory_space<smem>>
        %get3A_1471 = arith.index_cast %get3A_1470 : i32 to index
        %get3A_1472 = arith.constant 0 : index
        %get3A_1473 = vector.load %arg21[%get3A_1471, %get3A_1472] : memref<1025x64xf32, #tpu.memory_space<vmem>>, vector<1x64xf32>
        %add3A_1474 = arith.addf %get3A_1467, %get3A_1473 : vector<1x64xf32>
        %get3A_1475 = arith.index_cast %sub3A_1461 : i32 to index
        %get3A_1476 = arith.constant 2 : index
        %get3A_1477 = memref.load %arg4[%get3A_1475, %get3A_1476] : memref<512x4xi32, #tpu.memory_space<smem>>
        %get3A_1478 = arith.index_cast %get3A_1477 : i32 to index
        %get3A_1479 = arith.constant 0 : index
        %get3A_1480 = vector.load %arg21[%get3A_1478, %get3A_1479] : memref<1025x64xf32, #tpu.memory_space<vmem>>, vector<1x64xf32>
        %add3A_1481 = arith.addf %add3A_1474, %get3A_1480 : vector<1x64xf32>
        %get3A_1482 = arith.index_cast %sub3A_1461 : i32 to index
        %get3A_1483 = arith.constant 3 : index
        %get3A_1484 = memref.load %arg4[%get3A_1482, %get3A_1483] : memref<512x4xi32, #tpu.memory_space<smem>>
        %get3A_1485 = arith.index_cast %get3A_1484 : i32 to index
        %get3A_1486 = arith.constant 0 : index
        %get3A_1487 = vector.load %arg21[%get3A_1485, %get3A_1486] : memref<1025x64xf32, #tpu.memory_space<vmem>>, vector<1x64xf32>
        %add3A_1488 = arith.addf %add3A_1481, %get3A_1487 : vector<1x64xf32>
        %swap3A_1489 = arith.constant 4 : index
        %swap3A_1490 = arith.constant 64 : index
        %swap3A_1491 = vector.load %arg29[%swap3A_1489, %swap3A_1490] : memref<48x128xf32, #tpu.memory_space<vmem>>, vector<1x64xf32>
        tpu.vector_store %arg29[%swap3A_1489, %swap3A_1490], %add3A_1488 {strides = array<i32>} : memref<48x128xf32, #tpu.memory_space<vmem>>, vector<1x64xf32>,
        %add3A_1492 = arith.constant 5 : i32
        %add3A_1493 = arith.addi %while3A_323, %add3A_1492 : i32
        %sub3A_1494 = arith.constant 1 : i32
        %sub3A_1495 = arith.subi %get3A_320, %sub3A_1494 : i32
        %min3A_1496 = arith.minsi %add3A_1493, %sub3A_1495 : i32
        %get3A_1497 = arith.index_cast %min3A_1496 : i32 to index
        %get3A_1498 = memref.load %arg35[%get3A_1497] : memref<512xi32, #tpu.memory_space<smem>>
        %lt3A_1499 = arith.cmpi slt, %add3A_1493, %get3A_320 : i32
        %jit3A_1500 = arith.constant 1024 : i32
        %select_n3A_1501 = arith.select %lt3A_1499, %get3A_1498, %jit3A_1500 : i32
        %sub3A_1502 = arith.constant 512 : i32
        %sub3A_1503 = arith.subi %get3A_1498, %sub3A_1502 : i32
        %get3A_1504 = arith.index_cast %sub3A_1503 : i32 to index
        %get3A_1505 = arith.constant 0 : index
        %get3A_1506 = memref.load %arg4[%get3A_1504, %get3A_1505] : memref<512x4xi32, #tpu.memory_space<smem>>
        %get3A_1507 = arith.index_cast %get3A_1506 : i32 to index
        %get3A_1508 = arith.constant 0 : index
        %get3A_1509 = vector.load %arg21[%get3A_1507, %get3A_1508] : memref<1025x64xf32, #tpu.memory_space<vmem>>, vector<1x64xf32>
        %get3A_1510 = arith.index_cast %sub3A_1503 : i32 to index
        %get3A_1511 = arith.constant 1 : index
        %get3A_1512 = memref.load %arg4[%get3A_1510, %get3A_1511] : memref<512x4xi32, #tpu.memory_space<smem>>
        %get3A_1513 = arith.index_cast %get3A_1512 : i32 to index
        %get3A_1514 = arith.constant 0 : index
        %get3A_1515 = vector.load %arg21[%get3A_1513, %get3A_1514] : memref<1025x64xf32, #tpu.memory_space<vmem>>, vector<1x64xf32>
        %add3A_1516 = arith.addf %get3A_1509, %get3A_1515 : vector<1x64xf32>
        %get3A_1517 = arith.index_cast %sub3A_1503 : i32 to index
        %get3A_1518 = arith.constant 2 : index
        %get3A_1519 = memref.load %arg4[%get3A_1517, %get3A_1518] : memref<512x4xi32, #tpu.memory_space<smem>>
        %get3A_1520 = arith.index_cast %get3A_1519 : i32 to index
        %get3A_1521 = arith.constant 0 : index
        %get3A_1522 = vector.load %arg21[%get3A_1520, %get3A_1521] : memref<1025x64xf32, #tpu.memory_space<vmem>>, vector<1x64xf32>
        %add3A_1523 = arith.addf %add3A_1516, %get3A_1522 : vector<1x64xf32>
        %get3A_1524 = arith.index_cast %sub3A_1503 : i32 to index
        %get3A_1525 = arith.constant 3 : index
        %get3A_1526 = memref.load %arg4[%get3A_1524, %get3A_1525] : memref<512x4xi32, #tpu.memory_space<smem>>
        %get3A_1527 = arith.index_cast %get3A_1526 : i32 to index
        %get3A_1528 = arith.constant 0 : index
        %get3A_1529 = vector.load %arg21[%get3A_1527, %get3A_1528] : memref<1025x64xf32, #tpu.memory_space<vmem>>, vector<1x64xf32>
        %add3A_1530 = arith.addf %add3A_1523, %get3A_1529 : vector<1x64xf32>
        %swap3A_1531 = arith.constant 5 : index
        %swap3A_1532 = arith.constant 64 : index
        %swap3A_1533 = vector.load %arg29[%swap3A_1531, %swap3A_1532] : memref<48x128xf32, #tpu.memory_space<vmem>>, vector<1x64xf32>
        tpu.vector_store %arg29[%swap3A_1531, %swap3A_1532], %add3A_1530 {strides = array<i32>} : memref<48x128xf32, #tpu.memory_space<vmem>>, vector<1x64xf32>,
        %add3A_1534 = arith.constant 6 : i32
        %add3A_1535 = arith.addi %while3A_323, %add3A_1534 : i32
        %sub3A_1536 = arith.constant 1 : i32
        %sub3A_1537 = arith.subi %get3A_320, %sub3A_1536 : i32
        %min3A_1538 = arith.minsi %add3A_1535, %sub3A_1537 : i32
        %get3A_1539 = arith.index_cast %min3A_1538 : i32 to index
        %get3A_1540 = memref.load %arg35[%get3A_1539] : memref<512xi32, #tpu.memory_space<smem>>
        %lt3A_1541 = arith.cmpi slt, %add3A_1535, %get3A_320 : i32
        %jit3A_1542 = arith.constant 1024 : i32
        %select_n3A_1543 = arith.select %lt3A_1541, %get3A_1540, %jit3A_1542 : i32
        %sub3A_1544 = arith.constant 512 : i32
        %sub3A_1545 = arith.subi %get3A_1540, %sub3A_1544 : i32
        %get3A_1546 = arith.index_cast %sub3A_1545 : i32 to index
        %get3A_1547 = arith.constant 0 : index
        %get3A_1548 = memref.load %arg4[%get3A_1546, %get3A_1547] : memref<512x4xi32, #tpu.memory_space<smem>>
        %get3A_1549 = arith.index_cast %get3A_1548 : i32 to index
        %get3A_1550 = arith.constant 0 : index
        %get3A_1551 = vector.load %arg21[%get3A_1549, %get3A_1550] : memref<1025x64xf32, #tpu.memory_space<vmem>>, vector<1x64xf32>
        %get3A_1552 = arith.index_cast %sub3A_1545 : i32 to index
        %get3A_1553 = arith.constant 1 : index
        %get3A_1554 = memref.load %arg4[%get3A_1552, %get3A_1553] : memref<512x4xi32, #tpu.memory_space<smem>>
        %get3A_1555 = arith.index_cast %get3A_1554 : i32 to index
        %get3A_1556 = arith.constant 0 : index
        %get3A_1557 = vector.load %arg21[%get3A_1555, %get3A_1556] : memref<1025x64xf32, #tpu.memory_space<vmem>>, vector<1x64xf32>
        %add3A_1558 = arith.addf %get3A_1551, %get3A_1557 : vector<1x64xf32>
        %get3A_1559 = arith.index_cast %sub3A_1545 : i32 to index
        %get3A_1560 = arith.constant 2 : index
        %get3A_1561 = memref.load %arg4[%get3A_1559, %get3A_1560] : memref<512x4xi32, #tpu.memory_space<smem>>
        %get3A_1562 = arith.index_cast %get3A_1561 : i32 to index
        %get3A_1563 = arith.constant 0 : index
        %get3A_1564 = vector.load %arg21[%get3A_1562, %get3A_1563] : memref<1025x64xf32, #tpu.memory_space<vmem>>, vector<1x64xf32>
        %add3A_1565 = arith.addf %add3A_1558, %get3A_1564 : vector<1x64xf32>
        %get3A_1566 = arith.index_cast %sub3A_1545 : i32 to index
        %get3A_1567 = arith.constant 3 : index
        %get3A_1568 = memref.load %arg4[%get3A_1566, %get3A_1567] : memref<512x4xi32, #tpu.memory_space<smem>>
        %get3A_1569 = arith.index_cast %get3A_1568 : i32 to index
        %get3A_1570 = arith.constant 0 : index
        %get3A_1571 = vector.load %arg21[%get3A_1569, %get3A_1570] : memref<1025x64xf32, #tpu.memory_space<vmem>>, vector<1x64xf32>
        %add3A_1572 = arith.addf %add3A_1565, %get3A_1571 : vector<1x64xf32>
        %swap3A_1573 = arith.constant 6 : index
        %swap3A_1574 = arith.constant 64 : index
        %swap3A_1575 = vector.load %arg29[%swap3A_1573, %swap3A_1574] : memref<48x128xf32, #tpu.memory_space<vmem>>, vector<1x64xf32>
        tpu.vector_store %arg29[%swap3A_1573, %swap3A_1574], %add3A_1572 {strides = array<i32>} : memref<48x128xf32, #tpu.memory_space<vmem>>, vector<1x64xf32>,
        %add3A_1576 = arith.constant 7 : i32
        %add3A_1577 = arith.addi %while3A_323, %add3A_1576 : i32
        %sub3A_1578 = arith.constant 1 : i32
        %sub3A_1579 = arith.subi %get3A_320, %sub3A_1578 : i32
        %min3A_1580 = arith.minsi %add3A_1577, %sub3A_1579 : i32
        %get3A_1581 = arith.index_cast %min3A_1580 : i32 to index
        %get3A_1582 = memref.load %arg35[%get3A_1581] : memref<512xi32, #tpu.memory_space<smem>>
        %lt3A_1583 = arith.cmpi slt, %add3A_1577, %get3A_320 : i32
        %jit3A_1584 = arith.constant 1024 : i32
        %select_n3A_1585 = arith.select %lt3A_1583, %get3A_1582, %jit3A_1584 : i32
        %sub3A_1586 = arith.constant 512 : i32
        %sub3A_1587 = arith.subi %get3A_1582, %sub3A_1586 : i32
        %get3A_1588 = arith.index_cast %sub3A_1587 : i32 to index
        %get3A_1589 = arith.constant 0 : index
        %get3A_1590 = memref.load %arg4[%get3A_1588, %get3A_1589] : memref<512x4xi32, #tpu.memory_space<smem>>
        %get3A_1591 = arith.index_cast %get3A_1590 : i32 to index
        %get3A_1592 = arith.constant 0 : index
        %get3A_1593 = vector.load %arg21[%get3A_1591, %get3A_1592] : memref<1025x64xf32, #tpu.memory_space<vmem>>, vector<1x64xf32>
        %get3A_1594 = arith.index_cast %sub3A_1587 : i32 to index
        %get3A_1595 = arith.constant 1 : index
        %get3A_1596 = memref.load %arg4[%get3A_1594, %get3A_1595] : memref<512x4xi32, #tpu.memory_space<smem>>
        %get3A_1597 = arith.index_cast %get3A_1596 : i32 to index
        %get3A_1598 = arith.constant 0 : index
        %get3A_1599 = vector.load %arg21[%get3A_1597, %get3A_1598] : memref<1025x64xf32, #tpu.memory_space<vmem>>, vector<1x64xf32>
        %add3A_1600 = arith.addf %get3A_1593, %get3A_1599 : vector<1x64xf32>
        %get3A_1601 = arith.index_cast %sub3A_1587 : i32 to index
        %get3A_1602 = arith.constant 2 : index
        %get3A_1603 = memref.load %arg4[%get3A_1601, %get3A_1602] : memref<512x4xi32, #tpu.memory_space<smem>>
        %get3A_1604 = arith.index_cast %get3A_1603 : i32 to index
        %get3A_1605 = arith.constant 0 : index
        %get3A_1606 = vector.load %arg21[%get3A_1604, %get3A_1605] : memref<1025x64xf32, #tpu.memory_space<vmem>>, vector<1x64xf32>
        %add3A_1607 = arith.addf %add3A_1600, %get3A_1606 : vector<1x64xf32>
        %get3A_1608 = arith.index_cast %sub3A_1587 : i32 to index
        %get3A_1609 = arith.constant 3 : index
        %get3A_1610 = memref.load %arg4[%get3A_1608, %get3A_1609] : memref<512x4xi32, #tpu.memory_space<smem>>
        %get3A_1611 = arith.index_cast %get3A_1610 : i32 to index
        %get3A_1612 = arith.constant 0 : index
        %get3A_1613 = vector.load %arg21[%get3A_1611, %get3A_1612] : memref<1025x64xf32, #tpu.memory_space<vmem>>, vector<1x64xf32>
        %add3A_1614 = arith.addf %add3A_1607, %get3A_1613 : vector<1x64xf32>
        %swap3A_1615 = arith.constant 7 : index
        %swap3A_1616 = arith.constant 64 : index
        %swap3A_1617 = vector.load %arg29[%swap3A_1615, %swap3A_1616] : memref<48x128xf32, #tpu.memory_space<vmem>>, vector<1x64xf32>
        tpu.vector_store %arg29[%swap3A_1615, %swap3A_1616], %add3A_1614 {strides = array<i32>} : memref<48x128xf32, #tpu.memory_space<vmem>>, vector<1x64xf32>,
        %add3A_1618 = arith.constant 8 : i32
        %add3A_1619 = arith.addi %while3A_323, %add3A_1618 : i32
        %sub3A_1620 = arith.constant 1 : i32
        %sub3A_1621 = arith.subi %get3A_320, %sub3A_1620 : i32
        %min3A_1622 = arith.minsi %add3A_1619, %sub3A_1621 : i32
        %get3A_1623 = arith.index_cast %min3A_1622 : i32 to index
        %get3A_1624 = memref.load %arg35[%get3A_1623] : memref<512xi32, #tpu.memory_space<smem>>
        %lt3A_1625 = arith.cmpi slt, %add3A_1619, %get3A_320 : i32
        %jit3A_1626 = arith.constant 1024 : i32
        %select_n3A_1627 = arith.select %lt3A_1625, %get3A_1624, %jit3A_1626 : i32
        %sub3A_1628 = arith.constant 512 : i32
        %sub3A_1629 = arith.subi %get3A_1624, %sub3A_1628 : i32
        %get3A_1630 = arith.index_cast %sub3A_1629 : i32 to index
        %get3A_1631 = arith.constant 0 : index
        %get3A_1632 = memref.load %arg4[%get3A_1630, %get3A_1631] : memref<512x4xi32, #tpu.memory_space<smem>>
        %get3A_1633 = arith.index_cast %get3A_1632 : i32 to index
        %get3A_1634 = arith.constant 0 : index
        %get3A_1635 = vector.load %arg21[%get3A_1633, %get3A_1634] : memref<1025x64xf32, #tpu.memory_space<vmem>>, vector<1x64xf32>
        %get3A_1636 = arith.index_cast %sub3A_1629 : i32 to index
        %get3A_1637 = arith.constant 1 : index
        %get3A_1638 = memref.load %arg4[%get3A_1636, %get3A_1637] : memref<512x4xi32, #tpu.memory_space<smem>>
        %get3A_1639 = arith.index_cast %get3A_1638 : i32 to index
        %get3A_1640 = arith.constant 0 : index
        %get3A_1641 = vector.load %arg21[%get3A_1639, %get3A_1640] : memref<1025x64xf32, #tpu.memory_space<vmem>>, vector<1x64xf32>
        %add3A_1642 = arith.addf %get3A_1635, %get3A_1641 : vector<1x64xf32>
        %get3A_1643 = arith.index_cast %sub3A_1629 : i32 to index
        %get3A_1644 = arith.constant 2 : index
        %get3A_1645 = memref.load %arg4[%get3A_1643, %get3A_1644] : memref<512x4xi32, #tpu.memory_space<smem>>
        %get3A_1646 = arith.index_cast %get3A_1645 : i32 to index
        %get3A_1647 = arith.constant 0 : index
        %get3A_1648 = vector.load %arg21[%get3A_1646, %get3A_1647] : memref<1025x64xf32, #tpu.memory_space<vmem>>, vector<1x64xf32>
        %add3A_1649 = arith.addf %add3A_1642, %get3A_1648 : vector<1x64xf32>
        %get3A_1650 = arith.index_cast %sub3A_1629 : i32 to index
        %get3A_1651 = arith.constant 3 : index
        %get3A_1652 = memref.load %arg4[%get3A_1650, %get3A_1651] : memref<512x4xi32, #tpu.memory_space<smem>>
        %get3A_1653 = arith.index_cast %get3A_1652 : i32 to index
        %get3A_1654 = arith.constant 0 : index
        %get3A_1655 = vector.load %arg21[%get3A_1653, %get3A_1654] : memref<1025x64xf32, #tpu.memory_space<vmem>>, vector<1x64xf32>
        %add3A_1656 = arith.addf %add3A_1649, %get3A_1655 : vector<1x64xf32>
        %swap3A_1657 = arith.constant 8 : index
        %swap3A_1658 = arith.constant 64 : index
        %swap3A_1659 = vector.load %arg29[%swap3A_1657, %swap3A_1658] : memref<48x128xf32, #tpu.memory_space<vmem>>, vector<1x64xf32>
        tpu.vector_store %arg29[%swap3A_1657, %swap3A_1658], %add3A_1656 {strides = array<i32>} : memref<48x128xf32, #tpu.memory_space<vmem>>, vector<1x64xf32>,
        %add3A_1660 = arith.constant 9 : i32
        %add3A_1661 = arith.addi %while3A_323, %add3A_1660 : i32
        %sub3A_1662 = arith.constant 1 : i32
        %sub3A_1663 = arith.subi %get3A_320, %sub3A_1662 : i32
        %min3A_1664 = arith.minsi %add3A_1661, %sub3A_1663 : i32
        %get3A_1665 = arith.index_cast %min3A_1664 : i32 to index
        %get3A_1666 = memref.load %arg35[%get3A_1665] : memref<512xi32, #tpu.memory_space<smem>>
        %lt3A_1667 = arith.cmpi slt, %add3A_1661, %get3A_320 : i32
        %jit3A_1668 = arith.constant 1024 : i32
        %select_n3A_1669 = arith.select %lt3A_1667, %get3A_1666, %jit3A_1668 : i32
        %sub3A_1670 = arith.constant 512 : i32
        %sub3A_1671 = arith.subi %get3A_1666, %sub3A_1670 : i32
        %get3A_1672 = arith.index_cast %sub3A_1671 : i32 to index
        %get3A_1673 = arith.constant 0 : index
        %get3A_1674 = memref.load %arg4[%get3A_1672, %get3A_1673] : memref<512x4xi32, #tpu.memory_space<smem>>
        %get3A_1675 = arith.index_cast %get3A_1674 : i32 to index
        %get3A_1676 = arith.constant 0 : index
        %get3A_1677 = vector.load %arg21[%get3A_1675, %get3A_1676] : memref<1025x64xf32, #tpu.memory_space<vmem>>, vector<1x64xf32>
        %get3A_1678 = arith.index_cast %sub3A_1671 : i32 to index
        %get3A_1679 = arith.constant 1 : index
        %get3A_1680 = memref.load %arg4[%get3A_1678, %get3A_1679] : memref<512x4xi32, #tpu.memory_space<smem>>
        %get3A_1681 = arith.index_cast %get3A_1680 : i32 to index
        %get3A_1682 = arith.constant 0 : index
        %get3A_1683 = vector.load %arg21[%get3A_1681, %get3A_1682] : memref<1025x64xf32, #tpu.memory_space<vmem>>, vector<1x64xf32>
        %add3A_1684 = arith.addf %get3A_1677, %get3A_1683 : vector<1x64xf32>
        %get3A_1685 = arith.index_cast %sub3A_1671 : i32 to index
        %get3A_1686 = arith.constant 2 : index
        %get3A_1687 = memref.load %arg4[%get3A_1685, %get3A_1686] : memref<512x4xi32, #tpu.memory_space<smem>>
        %get3A_1688 = arith.index_cast %get3A_1687 : i32 to index
        %get3A_1689 = arith.constant 0 : index
        %get3A_1690 = vector.load %arg21[%get3A_1688, %get3A_1689] : memref<1025x64xf32, #tpu.memory_space<vmem>>, vector<1x64xf32>
        %add3A_1691 = arith.addf %add3A_1684, %get3A_1690 : vector<1x64xf32>
        %get3A_1692 = arith.index_cast %sub3A_1671 : i32 to index
        %get3A_1693 = arith.constant 3 : index
        %get3A_1694 = memref.load %arg4[%get3A_1692, %get3A_1693] : memref<512x4xi32, #tpu.memory_space<smem>>
        %get3A_1695 = arith.index_cast %get3A_1694 : i32 to index
        %get3A_1696 = arith.constant 0 : index
        %get3A_1697 = vector.load %arg21[%get3A_1695, %get3A_1696] : memref<1025x64xf32, #tpu.memory_space<vmem>>, vector<1x64xf32>
        %add3A_1698 = arith.addf %add3A_1691, %get3A_1697 : vector<1x64xf32>
        %swap3A_1699 = arith.constant 9 : index
        %swap3A_1700 = arith.constant 64 : index
        %swap3A_1701 = vector.load %arg29[%swap3A_1699, %swap3A_1700] : memref<48x128xf32, #tpu.memory_space<vmem>>, vector<1x64xf32>
        tpu.vector_store %arg29[%swap3A_1699, %swap3A_1700], %add3A_1698 {strides = array<i32>} : memref<48x128xf32, #tpu.memory_space<vmem>>, vector<1x64xf32>,
        %add3A_1702 = arith.constant 10 : i32
        %add3A_1703 = arith.addi %while3A_323, %add3A_1702 : i32
        %sub3A_1704 = arith.constant 1 : i32
        %sub3A_1705 = arith.subi %get3A_320, %sub3A_1704 : i32
        %min3A_1706 = arith.minsi %add3A_1703, %sub3A_1705 : i32
        %get3A_1707 = arith.index_cast %min3A_1706 : i32 to index
        %get3A_1708 = memref.load %arg35[%get3A_1707] : memref<512xi32, #tpu.memory_space<smem>>
        %lt3A_1709 = arith.cmpi slt, %add3A_1703, %get3A_320 : i32
        %jit3A_1710 = arith.constant 1024 : i32
        %select_n3A_1711 = arith.select %lt3A_1709, %get3A_1708, %jit3A_1710 : i32
        %sub3A_1712 = arith.constant 512 : i32
        %sub3A_1713 = arith.subi %get3A_1708, %sub3A_1712 : i32
        %get3A_1714 = arith.index_cast %sub3A_1713 : i32 to index
        %get3A_1715 = arith.constant 0 : index
        %get3A_1716 = memref.load %arg4[%get3A_1714, %get3A_1715] : memref<512x4xi32, #tpu.memory_space<smem>>
        %get3A_1717 = arith.index_cast %get3A_1716 : i32 to index
        %get3A_1718 = arith.constant 0 : index
        %get3A_1719 = vector.load %arg21[%get3A_1717, %get3A_1718] : memref<1025x64xf32, #tpu.memory_space<vmem>>, vector<1x64xf32>
        %get3A_1720 = arith.index_cast %sub3A_1713 : i32 to index
        %get3A_1721 = arith.constant 1 : index
        %get3A_1722 = memref.load %arg4[%get3A_1720, %get3A_1721] : memref<512x4xi32, #tpu.memory_space<smem>>
        %get3A_1723 = arith.index_cast %get3A_1722 : i32 to index
        %get3A_1724 = arith.constant 0 : index
        %get3A_1725 = vector.load %arg21[%get3A_1723, %get3A_1724] : memref<1025x64xf32, #tpu.memory_space<vmem>>, vector<1x64xf32>
        %add3A_1726 = arith.addf %get3A_1719, %get3A_1725 : vector<1x64xf32>
        %get3A_1727 = arith.index_cast %sub3A_1713 : i32 to index
        %get3A_1728 = arith.constant 2 : index
        %get3A_1729 = memref.load %arg4[%get3A_1727, %get3A_1728] : memref<512x4xi32, #tpu.memory_space<smem>>
        %get3A_1730 = arith.index_cast %get3A_1729 : i32 to index
        %get3A_1731 = arith.constant 0 : index
        %get3A_1732 = vector.load %arg21[%get3A_1730, %get3A_1731] : memref<1025x64xf32, #tpu.memory_space<vmem>>, vector<1x64xf32>
        %add3A_1733 = arith.addf %add3A_1726, %get3A_1732 : vector<1x64xf32>
        %get3A_1734 = arith.index_cast %sub3A_1713 : i32 to index
        %get3A_1735 = arith.constant 3 : index
        %get3A_1736 = memref.load %arg4[%get3A_1734, %get3A_1735] : memref<512x4xi32, #tpu.memory_space<smem>>
        %get3A_1737 = arith.index_cast %get3A_1736 : i32 to index
        %get3A_1738 = arith.constant 0 : index
        %get3A_1739 = vector.load %arg21[%get3A_1737, %get3A_1738] : memref<1025x64xf32, #tpu.memory_space<vmem>>, vector<1x64xf32>
        %add3A_1740 = arith.addf %add3A_1733, %get3A_1739 : vector<1x64xf32>
        %swap3A_1741 = arith.constant 10 : index
        %swap3A_1742 = arith.constant 64 : index
        %swap3A_1743 = vector.load %arg29[%swap3A_1741, %swap3A_1742] : memref<48x128xf32, #tpu.memory_space<vmem>>, vector<1x64xf32>
        tpu.vector_store %arg29[%swap3A_1741, %swap3A_1742], %add3A_1740 {strides = array<i32>} : memref<48x128xf32, #tpu.memory_space<vmem>>, vector<1x64xf32>,
        %add3A_1744 = arith.constant 11 : i32
        %add3A_1745 = arith.addi %while3A_323, %add3A_1744 : i32
        %sub3A_1746 = arith.constant 1 : i32
        %sub3A_1747 = arith.subi %get3A_320, %sub3A_1746 : i32
        %min3A_1748 = arith.minsi %add3A_1745, %sub3A_1747 : i32
        %get3A_1749 = arith.index_cast %min3A_1748 : i32 to index
        %get3A_1750 = memref.load %arg35[%get3A_1749] : memref<512xi32, #tpu.memory_space<smem>>
        %lt3A_1751 = arith.cmpi slt, %add3A_1745, %get3A_320 : i32
        %jit3A_1752 = arith.constant 1024 : i32
        %select_n3A_1753 = arith.select %lt3A_1751, %get3A_1750, %jit3A_1752 : i32
        %sub3A_1754 = arith.constant 512 : i32
        %sub3A_1755 = arith.subi %get3A_1750, %sub3A_1754 : i32
        %get3A_1756 = arith.index_cast %sub3A_1755 : i32 to index
        %get3A_1757 = arith.constant 0 : index
        %get3A_1758 = memref.load %arg4[%get3A_1756, %get3A_1757] : memref<512x4xi32, #tpu.memory_space<smem>>
        %get3A_1759 = arith.index_cast %get3A_1758 : i32 to index
        %get3A_1760 = arith.constant 0 : index
        %get3A_1761 = vector.load %arg21[%get3A_1759, %get3A_1760] : memref<1025x64xf32, #tpu.memory_space<vmem>>, vector<1x64xf32>
        %get3A_1762 = arith.index_cast %sub3A_1755 : i32 to index
        %get3A_1763 = arith.constant 1 : index
        %get3A_1764 = memref.load %arg4[%get3A_1762, %get3A_1763] : memref<512x4xi32, #tpu.memory_space<smem>>
        %get3A_1765 = arith.index_cast %get3A_1764 : i32 to index
        %get3A_1766 = arith.constant 0 : index
        %get3A_1767 = vector.load %arg21[%get3A_1765, %get3A_1766] : memref<1025x64xf32, #tpu.memory_space<vmem>>, vector<1x64xf32>
        %add3A_1768 = arith.addf %get3A_1761, %get3A_1767 : vector<1x64xf32>
        %get3A_1769 = arith.index_cast %sub3A_1755 : i32 to index
        %get3A_1770 = arith.constant 2 : index
        %get3A_1771 = memref.load %arg4[%get3A_1769, %get3A_1770] : memref<512x4xi32, #tpu.memory_space<smem>>
        %get3A_1772 = arith.index_cast %get3A_1771 : i32 to index
        %get3A_1773 = arith.constant 0 : index
        %get3A_1774 = vector.load %arg21[%get3A_1772, %get3A_1773] : memref<1025x64xf32, #tpu.memory_space<vmem>>, vector<1x64xf32>
        %add3A_1775 = arith.addf %add3A_1768, %get3A_1774 : vector<1x64xf32>
        %get3A_1776 = arith.index_cast %sub3A_1755 : i32 to index
        %get3A_1777 = arith.constant 3 : index
        %get3A_1778 = memref.load %arg4[%get3A_1776, %get3A_1777] : memref<512x4xi32, #tpu.memory_space<smem>>
        %get3A_1779 = arith.index_cast %get3A_1778 : i32 to index
        %get3A_1780 = arith.constant 0 : index
        %get3A_1781 = vector.load %arg21[%get3A_1779, %get3A_1780] : memref<1025x64xf32, #tpu.memory_space<vmem>>, vector<1x64xf32>
        %add3A_1782 = arith.addf %add3A_1775, %get3A_1781 : vector<1x64xf32>
        %swap3A_1783 = arith.constant 11 : index
        %swap3A_1784 = arith.constant 64 : index
        %swap3A_1785 = vector.load %arg29[%swap3A_1783, %swap3A_1784] : memref<48x128xf32, #tpu.memory_space<vmem>>, vector<1x64xf32>
        tpu.vector_store %arg29[%swap3A_1783, %swap3A_1784], %add3A_1782 {strides = array<i32>} : memref<48x128xf32, #tpu.memory_space<vmem>>, vector<1x64xf32>,
        %add3A_1786 = arith.constant 12 : i32
        %add3A_1787 = arith.addi %while3A_323, %add3A_1786 : i32
        %sub3A_1788 = arith.constant 1 : i32
        %sub3A_1789 = arith.subi %get3A_320, %sub3A_1788 : i32
        %min3A_1790 = arith.minsi %add3A_1787, %sub3A_1789 : i32
        %get3A_1791 = arith.index_cast %min3A_1790 : i32 to index
        %get3A_1792 = memref.load %arg35[%get3A_1791] : memref<512xi32, #tpu.memory_space<smem>>
        %lt3A_1793 = arith.cmpi slt, %add3A_1787, %get3A_320 : i32
        %jit3A_1794 = arith.constant 1024 : i32
        %select_n3A_1795 = arith.select %lt3A_1793, %get3A_1792, %jit3A_1794 : i32
        %sub3A_1796 = arith.constant 512 : i32
        %sub3A_1797 = arith.subi %get3A_1792, %sub3A_1796 : i32
        %get3A_1798 = arith.index_cast %sub3A_1797 : i32 to index
        %get3A_1799 = arith.constant 0 : index
        %get3A_1800 = memref.load %arg4[%get3A_1798, %get3A_1799] : memref<512x4xi32, #tpu.memory_space<smem>>
        %get3A_1801 = arith.index_cast %get3A_1800 : i32 to index
        %get3A_1802 = arith.constant 0 : index
        %get3A_1803 = vector.load %arg21[%get3A_1801, %get3A_1802] : memref<1025x64xf32, #tpu.memory_space<vmem>>, vector<1x64xf32>
        %get3A_1804 = arith.index_cast %sub3A_1797 : i32 to index
        %get3A_1805 = arith.constant 1 : index
        %get3A_1806 = memref.load %arg4[%get3A_1804, %get3A_1805] : memref<512x4xi32, #tpu.memory_space<smem>>
        %get3A_1807 = arith.index_cast %get3A_1806 : i32 to index
        %get3A_1808 = arith.constant 0 : index
        %get3A_1809 = vector.load %arg21[%get3A_1807, %get3A_1808] : memref<1025x64xf32, #tpu.memory_space<vmem>>, vector<1x64xf32>
        %add3A_1810 = arith.addf %get3A_1803, %get3A_1809 : vector<1x64xf32>
        %get3A_1811 = arith.index_cast %sub3A_1797 : i32 to index
        %get3A_1812 = arith.constant 2 : index
        %get3A_1813 = memref.load %arg4[%get3A_1811, %get3A_1812] : memref<512x4xi32, #tpu.memory_space<smem>>
        %get3A_1814 = arith.index_cast %get3A_1813 : i32 to index
        %get3A_1815 = arith.constant 0 : index
        %get3A_1816 = vector.load %arg21[%get3A_1814, %get3A_1815] : memref<1025x64xf32, #tpu.memory_space<vmem>>, vector<1x64xf32>
        %add3A_1817 = arith.addf %add3A_1810, %get3A_1816 : vector<1x64xf32>
        %get3A_1818 = arith.index_cast %sub3A_1797 : i32 to index
        %get3A_1819 = arith.constant 3 : index
        %get3A_1820 = memref.load %arg4[%get3A_1818, %get3A_1819] : memref<512x4xi32, #tpu.memory_space<smem>>
        %get3A_1821 = arith.index_cast %get3A_1820 : i32 to index
        %get3A_1822 = arith.constant 0 : index
        %get3A_1823 = vector.load %arg21[%get3A_1821, %get3A_1822] : memref<1025x64xf32, #tpu.memory_space<vmem>>, vector<1x64xf32>
        %add3A_1824 = arith.addf %add3A_1817, %get3A_1823 : vector<1x64xf32>
        %swap3A_1825 = arith.constant 12 : index
        %swap3A_1826 = arith.constant 64 : index
        %swap3A_1827 = vector.load %arg29[%swap3A_1825, %swap3A_1826] : memref<48x128xf32, #tpu.memory_space<vmem>>, vector<1x64xf32>
        tpu.vector_store %arg29[%swap3A_1825, %swap3A_1826], %add3A_1824 {strides = array<i32>} : memref<48x128xf32, #tpu.memory_space<vmem>>, vector<1x64xf32>,
        %add3A_1828 = arith.constant 13 : i32
        %add3A_1829 = arith.addi %while3A_323, %add3A_1828 : i32
        %sub3A_1830 = arith.constant 1 : i32
        %sub3A_1831 = arith.subi %get3A_320, %sub3A_1830 : i32
        %min3A_1832 = arith.minsi %add3A_1829, %sub3A_1831 : i32
        %get3A_1833 = arith.index_cast %min3A_1832 : i32 to index
        %get3A_1834 = memref.load %arg35[%get3A_1833] : memref<512xi32, #tpu.memory_space<smem>>
        %lt3A_1835 = arith.cmpi slt, %add3A_1829, %get3A_320 : i32
        %jit3A_1836 = arith.constant 1024 : i32
        %select_n3A_1837 = arith.select %lt3A_1835, %get3A_1834, %jit3A_1836 : i32
        %sub3A_1838 = arith.constant 512 : i32
        %sub3A_1839 = arith.subi %get3A_1834, %sub3A_1838 : i32
        %get3A_1840 = arith.index_cast %sub3A_1839 : i32 to index
        %get3A_1841 = arith.constant 0 : index
        %get3A_1842 = memref.load %arg4[%get3A_1840, %get3A_1841] : memref<512x4xi32, #tpu.memory_space<smem>>
        %get3A_1843 = arith.index_cast %get3A_1842 : i32 to index
        %get3A_1844 = arith.constant 0 : index
        %get3A_1845 = vector.load %arg21[%get3A_1843, %get3A_1844] : memref<1025x64xf32, #tpu.memory_space<vmem>>, vector<1x64xf32>
        %get3A_1846 = arith.index_cast %sub3A_1839 : i32 to index
        %get3A_1847 = arith.constant 1 : index
        %get3A_1848 = memref.load %arg4[%get3A_1846, %get3A_1847] : memref<512x4xi32, #tpu.memory_space<smem>>
        %get3A_1849 = arith.index_cast %get3A_1848 : i32 to index
        %get3A_1850 = arith.constant 0 : index
        %get3A_1851 = vector.load %arg21[%get3A_1849, %get3A_1850] : memref<1025x64xf32, #tpu.memory_space<vmem>>, vector<1x64xf32>
        %add3A_1852 = arith.addf %get3A_1845, %get3A_1851 : vector<1x64xf32>
        %get3A_1853 = arith.index_cast %sub3A_1839 : i32 to index
        %get3A_1854 = arith.constant 2 : index
        %get3A_1855 = memref.load %arg4[%get3A_1853, %get3A_1854] : memref<512x4xi32, #tpu.memory_space<smem>>
        %get3A_1856 = arith.index_cast %get3A_1855 : i32 to index
        %get3A_1857 = arith.constant 0 : index
        %get3A_1858 = vector.load %arg21[%get3A_1856, %get3A_1857] : memref<1025x64xf32, #tpu.memory_space<vmem>>, vector<1x64xf32>
        %add3A_1859 = arith.addf %add3A_1852, %get3A_1858 : vector<1x64xf32>
        %get3A_1860 = arith.index_cast %sub3A_1839 : i32 to index
        %get3A_1861 = arith.constant 3 : index
        %get3A_1862 = memref.load %arg4[%get3A_1860, %get3A_1861] : memref<512x4xi32, #tpu.memory_space<smem>>
        %get3A_1863 = arith.index_cast %get3A_1862 : i32 to index
        %get3A_1864 = arith.constant 0 : index
        %get3A_1865 = vector.load %arg21[%get3A_1863, %get3A_1864] : memref<1025x64xf32, #tpu.memory_space<vmem>>, vector<1x64xf32>
        %add3A_1866 = arith.addf %add3A_1859, %get3A_1865 : vector<1x64xf32>
        %swap3A_1867 = arith.constant 13 : index
        %swap3A_1868 = arith.constant 64 : index
        %swap3A_1869 = vector.load %arg29[%swap3A_1867, %swap3A_1868] : memref<48x128xf32, #tpu.memory_space<vmem>>, vector<1x64xf32>
        tpu.vector_store %arg29[%swap3A_1867, %swap3A_1868], %add3A_1866 {strides = array<i32>} : memref<48x128xf32, #tpu.memory_space<vmem>>, vector<1x64xf32>,
        %add3A_1870 = arith.constant 14 : i32
        %add3A_1871 = arith.addi %while3A_323, %add3A_1870 : i32
        %sub3A_1872 = arith.constant 1 : i32
        %sub3A_1873 = arith.subi %get3A_320, %sub3A_1872 : i32
        %min3A_1874 = arith.minsi %add3A_1871, %sub3A_1873 : i32
        %get3A_1875 = arith.index_cast %min3A_1874 : i32 to index
        %get3A_1876 = memref.load %arg35[%get3A_1875] : memref<512xi32, #tpu.memory_space<smem>>
        %lt3A_1877 = arith.cmpi slt, %add3A_1871, %get3A_320 : i32
        %jit3A_1878 = arith.constant 1024 : i32
        %select_n3A_1879 = arith.select %lt3A_1877, %get3A_1876, %jit3A_1878 : i32
        %sub3A_1880 = arith.constant 512 : i32
        %sub3A_1881 = arith.subi %get3A_1876, %sub3A_1880 : i32
        %get3A_1882 = arith.index_cast %sub3A_1881 : i32 to index
        %get3A_1883 = arith.constant 0 : index
        %get3A_1884 = memref.load %arg4[%get3A_1882, %get3A_1883] : memref<512x4xi32, #tpu.memory_space<smem>>
        %get3A_1885 = arith.index_cast %get3A_1884 : i32 to index
        %get3A_1886 = arith.constant 0 : index
        %get3A_1887 = vector.load %arg21[%get3A_1885, %get3A_1886] : memref<1025x64xf32, #tpu.memory_space<vmem>>, vector<1x64xf32>
        %get3A_1888 = arith.index_cast %sub3A_1881 : i32 to index
        %get3A_1889 = arith.constant 1 : index
        %get3A_1890 = memref.load %arg4[%get3A_1888, %get3A_1889] : memref<512x4xi32, #tpu.memory_space<smem>>
        %get3A_1891 = arith.index_cast %get3A_1890 : i32 to index
        %get3A_1892 = arith.constant 0 : index
        %get3A_1893 = vector.load %arg21[%get3A_1891, %get3A_1892] : memref<1025x64xf32, #tpu.memory_space<vmem>>, vector<1x64xf32>
        %add3A_1894 = arith.addf %get3A_1887, %get3A_1893 : vector<1x64xf32>
        %get3A_1895 = arith.index_cast %sub3A_1881 : i32 to index
        %get3A_1896 = arith.constant 2 : index
        %get3A_1897 = memref.load %arg4[%get3A_1895, %get3A_1896] : memref<512x4xi32, #tpu.memory_space<smem>>
        %get3A_1898 = arith.index_cast %get3A_1897 : i32 to index
        %get3A_1899 = arith.constant 0 : index
        %get3A_1900 = vector.load %arg21[%get3A_1898, %get3A_1899] : memref<1025x64xf32, #tpu.memory_space<vmem>>, vector<1x64xf32>
        %add3A_1901 = arith.addf %add3A_1894, %get3A_1900 : vector<1x64xf32>
        %get3A_1902 = arith.index_cast %sub3A_1881 : i32 to index
        %get3A_1903 = arith.constant 3 : index
        %get3A_1904 = memref.load %arg4[%get3A_1902, %get3A_1903] : memref<512x4xi32, #tpu.memory_space<smem>>
        %get3A_1905 = arith.index_cast %get3A_1904 : i32 to index
        %get3A_1906 = arith.constant 0 : index
        %get3A_1907 = vector.load %arg21[%get3A_1905, %get3A_1906] : memref<1025x64xf32, #tpu.memory_space<vmem>>, vector<1x64xf32>
        %add3A_1908 = arith.addf %add3A_1901, %get3A_1907 : vector<1x64xf32>
        %swap3A_1909 = arith.constant 14 : index
        %swap3A_1910 = arith.constant 64 : index
        %swap3A_1911 = vector.load %arg29[%swap3A_1909, %swap3A_1910] : memref<48x128xf32, #tpu.memory_space<vmem>>, vector<1x64xf32>
        tpu.vector_store %arg29[%swap3A_1909, %swap3A_1910], %add3A_1908 {strides = array<i32>} : memref<48x128xf32, #tpu.memory_space<vmem>>, vector<1x64xf32>,
        %add3A_1912 = arith.constant 15 : i32
        %add3A_1913 = arith.addi %while3A_323, %add3A_1912 : i32
        %sub3A_1914 = arith.constant 1 : i32
        %sub3A_1915 = arith.subi %get3A_320, %sub3A_1914 : i32
        %min3A_1916 = arith.minsi %add3A_1913, %sub3A_1915 : i32
        %get3A_1917 = arith.index_cast %min3A_1916 : i32 to index
        %get3A_1918 = memref.load %arg35[%get3A_1917] : memref<512xi32, #tpu.memory_space<smem>>
        %lt3A_1919 = arith.cmpi slt, %add3A_1913, %get3A_320 : i32
        %jit3A_1920 = arith.constant 1024 : i32
        %select_n3A_1921 = arith.select %lt3A_1919, %get3A_1918, %jit3A_1920 : i32
        %sub3A_1922 = arith.constant 512 : i32
        %sub3A_1923 = arith.subi %get3A_1918, %sub3A_1922 : i32
        %get3A_1924 = arith.index_cast %sub3A_1923 : i32 to index
        %get3A_1925 = arith.constant 0 : index
        %get3A_1926 = memref.load %arg4[%get3A_1924, %get3A_1925] : memref<512x4xi32, #tpu.memory_space<smem>>
        %get3A_1927 = arith.index_cast %get3A_1926 : i32 to index
        %get3A_1928 = arith.constant 0 : index
        %get3A_1929 = vector.load %arg21[%get3A_1927, %get3A_1928] : memref<1025x64xf32, #tpu.memory_space<vmem>>, vector<1x64xf32>
        %get3A_1930 = arith.index_cast %sub3A_1923 : i32 to index
        %get3A_1931 = arith.constant 1 : index
        %get3A_1932 = memref.load %arg4[%get3A_1930, %get3A_1931] : memref<512x4xi32, #tpu.memory_space<smem>>
        %get3A_1933 = arith.index_cast %get3A_1932 : i32 to index
        %get3A_1934 = arith.constant 0 : index
        %get3A_1935 = vector.load %arg21[%get3A_1933, %get3A_1934] : memref<1025x64xf32, #tpu.memory_space<vmem>>, vector<1x64xf32>
        %add3A_1936 = arith.addf %get3A_1929, %get3A_1935 : vector<1x64xf32>
        %get3A_1937 = arith.index_cast %sub3A_1923 : i32 to index
        %get3A_1938 = arith.constant 2 : index
        %get3A_1939 = memref.load %arg4[%get3A_1937, %get3A_1938] : memref<512x4xi32, #tpu.memory_space<smem>>
        %get3A_1940 = arith.index_cast %get3A_1939 : i32 to index
        %get3A_1941 = arith.constant 0 : index
        %get3A_1942 = vector.load %arg21[%get3A_1940, %get3A_1941] : memref<1025x64xf32, #tpu.memory_space<vmem>>, vector<1x64xf32>
        %add3A_1943 = arith.addf %add3A_1936, %get3A_1942 : vector<1x64xf32>
        %get3A_1944 = arith.index_cast %sub3A_1923 : i32 to index
        %get3A_1945 = arith.constant 3 : index
        %get3A_1946 = memref.load %arg4[%get3A_1944, %get3A_1945] : memref<512x4xi32, #tpu.memory_space<smem>>
        %get3A_1947 = arith.index_cast %get3A_1946 : i32 to index
        %get3A_1948 = arith.constant 0 : index
        %get3A_1949 = vector.load %arg21[%get3A_1947, %get3A_1948] : memref<1025x64xf32, #tpu.memory_space<vmem>>, vector<1x64xf32>
        %add3A_1950 = arith.addf %add3A_1943, %get3A_1949 : vector<1x64xf32>
        %swap3A_1951 = arith.constant 15 : index
        %swap3A_1952 = arith.constant 64 : index
        %swap3A_1953 = vector.load %arg29[%swap3A_1951, %swap3A_1952] : memref<48x128xf32, #tpu.memory_space<vmem>>, vector<1x64xf32>
        tpu.vector_store %arg29[%swap3A_1951, %swap3A_1952], %add3A_1950 {strides = array<i32>} : memref<48x128xf32, #tpu.memory_space<vmem>>, vector<1x64xf32>,
        %get3A_1954 = arith.constant 0 : index
        %get3A_1955 = arith.constant 0 : index
        %get3A_1956 = vector.load %arg29[%get3A_1954, %get3A_1955] : memref<48x128xf32, #tpu.memory_space<vmem>>, vector<48x128xf32>
        %slice3A = vector.extract_strided_slice %get3A_1956 {offsets = [0, 0], sizes = [48, 64], strides = [1, 1]} : vector<48x128xf32> to vector<48x64xf32>
        %slice3A_1957 = vector.extract_strided_slice %get3A_1956 {offsets = [0, 64], sizes = [16, 64], strides = [1, 1]} : vector<48x128xf32> to vector<16x64xf32>
        %get3A_1958 = arith.index_cast %while3A_322 : i32 to index
        %get3A_1959 = arith.constant 0 : index
        %get3A_1960 = vector.load %arg25[%get3A_1958, %get3A_1959] : memref<1072x128xf32, #tpu.memory_space<vmem>>, vector<48x128xf32>
        %get3A_1961 = arith.index_cast %while3A_323 : i32 to index
        %get3A_1962 = arith.constant 0 : index
        %get3A_1963 = vector.load %arg27[%get3A_1961, %get3A_1962] : memref<528x128xf32, #tpu.memory_space<vmem>>, vector<16x128xf32>
        %concatenate3A_1964 = tpu.concatenate %get3A_1963, %broadcast_in_dim3A_235 in 0 : vector<16x128xf32>, vector<32x128xf32> -> vector<48x128xf32>
        %concatenate3A_1965 = tpu.concatenate %get3A_1960, %concatenate3A_1964 in 1 : vector<48x128xf32>, vector<48x128xf32> -> vector<48x256xf32>
        %dot_general3A_1966 = arith.constant dense<0.000000e+00> : vector<48x256xf32>
        %dot_general3A_1967 = tpu.matmul %get3A_1956, %get3A_64, %dot_general3A_1966 {dimension_numbers = #tpu.dot_dimension_numbers<[1], [0], [0], [1], [0, 0, 1, 1], [], []>, transpose_lhs_hint = false} : vector<48x128xf32>, vector<128x256xf32>, vector<48x256xf32> -> vector<48x256xf32>
        %add3A_1968 = arith.addf %concatenate3A_1965, %dot_general3A_1967 : vector<48x256xf32>
        %logistic3A_1969 = arith.negf %add3A_1968 : vector<48x256xf32>
        %logistic3A_1970 = math.exp %logistic3A_1969 : vector<48x256xf32>
        %logistic3A_1971 = arith.constant 1.000000e+00 : f32
        %logistic3A_1972 = vector.broadcast %logistic3A_1971 : f32 to vector<48x256xf32>
        %logistic3A_1973 = arith.addf %logistic3A_1972, %logistic3A_1970 : vector<48x256xf32>
        %logistic3A_1974 = arith.divf %logistic3A_1972, %logistic3A_1973 : vector<48x256xf32>
        %slice3A_1975 = vector.extract_strided_slice %logistic3A_1974 {offsets = [0, 0], sizes = [48, 64], strides = [1, 1]} : vector<48x256xf32> to vector<48x64xf32>
        %slice3A_1976 = vector.extract_strided_slice %logistic3A_1974 {offsets = [0, 64], sizes = [48, 64], strides = [1, 1]} : vector<48x256xf32> to vector<48x64xf32>
        %slice3A_1977 = vector.extract_strided_slice %logistic3A_1974 {offsets = [0, 128], sizes = [16, 64], strides = [1, 1]} : vector<48x256xf32> to vector<16x64xf32>
        %slice3A_1978 = vector.extract_strided_slice %logistic3A_1974 {offsets = [0, 192], sizes = [16, 64], strides = [1, 1]} : vector<48x256xf32> to vector<16x64xf32>
        %mul3A_1979 = arith.mulf %slice3A, %slice3A_1976 : vector<48x64xf32>
        %mul3A_1980 = arith.mulf %slice3A_1957, %slice3A_1978 : vector<16x64xf32>
        %concatenate3A_1981 = tpu.concatenate %mul3A_1980, %broadcast_in_dim3A_237 in 0 : vector<16x64xf32>, vector<32x64xf32> -> vector<48x64xf32>
        %concatenate3A_1982 = tpu.concatenate %mul3A_1979, %concatenate3A_1981 in 1 : vector<48x64xf32>, vector<48x64xf32> -> vector<48x128xf32>
        %get3A_1983 = arith.index_cast %while3A_322 : i32 to index
        %get3A_1984 = arith.constant 0 : index
        %get3A_1985 = vector.load %arg26[%get3A_1983, %get3A_1984] : memref<1072x64xf32, #tpu.memory_space<vmem>>, vector<48x64xf32>
        %get3A_1986 = arith.index_cast %while3A_323 : i32 to index
        %get3A_1987 = arith.constant 0 : index
        %get3A_1988 = vector.load %arg28[%get3A_1986, %get3A_1987] : memref<528x64xf32, #tpu.memory_space<vmem>>, vector<16x64xf32>
        %concatenate3A_1989 = tpu.concatenate %get3A_1988, %broadcast_in_dim3A_237 in 0 : vector<16x64xf32>, vector<32x64xf32> -> vector<48x64xf32>
        %concatenate3A_1990 = tpu.concatenate %get3A_1985, %concatenate3A_1989 in 1 : vector<48x64xf32>, vector<48x64xf32> -> vector<48x128xf32>
        %dot_general3A_1991 = arith.constant dense<0.000000e+00> : vector<48x128xf32>
        %dot_general3A_1992 = tpu.matmul %concatenate3A_1982, %get3A_67, %dot_general3A_1991 {dimension_numbers = #tpu.dot_dimension_numbers<[1], [0], [0], [1], [0, 0, 1, 1], [], []>, transpose_lhs_hint = false} : vector<48x128xf32>, vector<128x128xf32>, vector<48x128xf32> -> vector<48x128xf32>
        %add3A_1993 = arith.addf %concatenate3A_1990, %dot_general3A_1992 : vector<48x128xf32>
        %tanh3A_1994 = math.tanh %add3A_1993 : vector<48x128xf32>
        %mul3A_1995 = arith.mulf %slice3A_1975, %slice3A : vector<48x64xf32>
        %sub3A_1996 = arith.constant 1.000000e+00 : f32
        %sub3A_1997 = vector.broadcast %sub3A_1996 : f32 to vector<48x64xf32>
        %sub3A_1998 = arith.subf %sub3A_1997, %slice3A_1975 : vector<48x64xf32>
        %slice3A_1999 = vector.extract_strided_slice %tanh3A_1994 {offsets = [0, 0], sizes = [48, 64], strides = [1, 1]} : vector<48x128xf32> to vector<48x64xf32>
        %mul3A_2000 = arith.mulf %sub3A_1998, %slice3A_1999 : vector<48x64xf32>
        %add3A_2001 = arith.addf %mul3A_1995, %mul3A_2000 : vector<48x64xf32>
        %swap3A_2002 = arith.constant 0 : index
        %swap3A_2003 = arith.constant 0 : index
        %swap3A_2004 = vector.load %arg29[%swap3A_2002, %swap3A_2003] : memref<48x128xf32, #tpu.memory_space<vmem>>, vector<48x64xf32>
        tpu.vector_store %arg29[%swap3A_2002, %swap3A_2003], %add3A_2001 {strides = array<i32>} : memref<48x128xf32, #tpu.memory_space<vmem>>, vector<48x64xf32>,
        %mul3A_2005 = arith.mulf %slice3A_1977, %slice3A_1957 : vector<16x64xf32>
        %sub3A_2006 = arith.constant 1.000000e+00 : f32
        %sub3A_2007 = vector.broadcast %sub3A_2006 : f32 to vector<16x64xf32>
        %sub3A_2008 = arith.subf %sub3A_2007, %slice3A_1977 : vector<16x64xf32>
        %slice3A_2009 = vector.extract_strided_slice %tanh3A_1994 {offsets = [0, 64], sizes = [16, 64], strides = [1, 1]} : vector<48x128xf32> to vector<16x64xf32>
        %mul3A_2010 = arith.mulf %sub3A_2008, %slice3A_2009 : vector<16x64xf32>
        %add3A_2011 = arith.addf %mul3A_2005, %mul3A_2010 : vector<16x64xf32>
        %swap3A_2012 = arith.constant 0 : index
        %swap3A_2013 = arith.constant 64 : index
        %swap3A_2014 = vector.load %arg29[%swap3A_2012, %swap3A_2013] : memref<48x128xf32, #tpu.memory_space<vmem>>, vector<16x64xf32>
        tpu.vector_store %arg29[%swap3A_2012, %swap3A_2013], %add3A_2011 {strides = array<i32>} : memref<48x128xf32, #tpu.memory_space<vmem>>, vector<16x64xf32>,
        %get3A_2015 = arith.constant 0 : index
        %get3A_2016 = arith.constant 0 : index
        %get3A_2017 = vector.load %arg29[%get3A_2015, %get3A_2016] : memref<48x128xf32, #tpu.memory_space<vmem>>, vector<1x64xf32>
        %swap3A_2018 = arith.index_cast %select_n3A_331 : i32 to index
        %swap3A_2019 = arith.constant 0 : index
        %swap3A_2020 = vector.load %arg20[%swap3A_2018, %swap3A_2019] : memref<1026x64xf32, #tpu.memory_space<vmem>>, vector<1x64xf32>
        tpu.vector_store %arg20[%swap3A_2018, %swap3A_2019], %get3A_2017 {strides = array<i32>} : memref<1026x64xf32, #tpu.memory_space<vmem>>, vector<1x64xf32>,
        %get3A_2021 = arith.constant 1 : index
        %get3A_2022 = arith.constant 0 : index
        %get3A_2023 = vector.load %arg29[%get3A_2021, %get3A_2022] : memref<48x128xf32, #tpu.memory_space<vmem>>, vector<1x64xf32>
        %swap3A_2024 = arith.index_cast %select_n3A_351 : i32 to index
        %swap3A_2025 = arith.constant 0 : index
        %swap3A_2026 = vector.load %arg20[%swap3A_2024, %swap3A_2025] : memref<1026x64xf32, #tpu.memory_space<vmem>>, vector<1x64xf32>
        tpu.vector_store %arg20[%swap3A_2024, %swap3A_2025], %get3A_2023 {strides = array<i32>} : memref<1026x64xf32, #tpu.memory_space<vmem>>, vector<1x64xf32>,
        %get3A_2027 = arith.constant 2 : index
        %get3A_2028 = arith.constant 0 : index
        %get3A_2029 = vector.load %arg29[%get3A_2027, %get3A_2028] : memref<48x128xf32, #tpu.memory_space<vmem>>, vector<1x64xf32>
        %swap3A_2030 = arith.index_cast %select_n3A_371 : i32 to index
        %swap3A_2031 = arith.constant 0 : index
        %swap3A_2032 = vector.load %arg20[%swap3A_2030, %swap3A_2031] : memref<1026x64xf32, #tpu.memory_space<vmem>>, vector<1x64xf32>
        tpu.vector_store %arg20[%swap3A_2030, %swap3A_2031], %get3A_2029 {strides = array<i32>} : memref<1026x64xf32, #tpu.memory_space<vmem>>, vector<1x64xf32>,
        %get3A_2033 = arith.constant 3 : index
        %get3A_2034 = arith.constant 0 : index
        %get3A_2035 = vector.load %arg29[%get3A_2033, %get3A_2034] : memref<48x128xf32, #tpu.memory_space<vmem>>, vector<1x64xf32>
        %swap3A_2036 = arith.index_cast %select_n3A_391 : i32 to index
        %swap3A_2037 = arith.constant 0 : index
        %swap3A_2038 = vector.load %arg20[%swap3A_2036, %swap3A_2037] : memref<1026x64xf32, #tpu.memory_space<vmem>>, vector<1x64xf32>
        tpu.vector_store %arg20[%swap3A_2036, %swap3A_2037], %get3A_2035 {strides = array<i32>} : memref<1026x64xf32, #tpu.memory_space<vmem>>, vector<1x64xf32>,
        %get3A_2039 = arith.constant 4 : index
        %get3A_2040 = arith.constant 0 : index
        %get3A_2041 = vector.load %arg29[%get3A_2039, %get3A_2040] : memref<48x128xf32, #tpu.memory_space<vmem>>, vector<1x64xf32>
        %swap3A_2042 = arith.index_cast %select_n3A_411 : i32 to index
        %swap3A_2043 = arith.constant 0 : index
        %swap3A_2044 = vector.load %arg20[%swap3A_2042, %swap3A_2043] : memref<1026x64xf32, #tpu.memory_space<vmem>>, vector<1x64xf32>
        tpu.vector_store %arg20[%swap3A_2042, %swap3A_2043], %get3A_2041 {strides = array<i32>} : memref<1026x64xf32, #tpu.memory_space<vmem>>, vector<1x64xf32>,
        %get3A_2045 = arith.constant 5 : index
        %get3A_2046 = arith.constant 0 : index
        %get3A_2047 = vector.load %arg29[%get3A_2045, %get3A_2046] : memref<48x128xf32, #tpu.memory_space<vmem>>, vector<1x64xf32>
        %swap3A_2048 = arith.index_cast %select_n3A_431 : i32 to index
        %swap3A_2049 = arith.constant 0 : index
        %swap3A_2050 = vector.load %arg20[%swap3A_2048, %swap3A_2049] : memref<1026x64xf32, #tpu.memory_space<vmem>>, vector<1x64xf32>
        tpu.vector_store %arg20[%swap3A_2048, %swap3A_2049], %get3A_2047 {strides = array<i32>} : memref<1026x64xf32, #tpu.memory_space<vmem>>, vector<1x64xf32>,
        %get3A_2051 = arith.constant 6 : index
        %get3A_2052 = arith.constant 0 : index
        %get3A_2053 = vector.load %arg29[%get3A_2051, %get3A_2052] : memref<48x128xf32, #tpu.memory_space<vmem>>, vector<1x64xf32>
        %swap3A_2054 = arith.index_cast %select_n3A_451 : i32 to index
        %swap3A_2055 = arith.constant 0 : index
        %swap3A_2056 = vector.load %arg20[%swap3A_2054, %swap3A_2055] : memref<1026x64xf32, #tpu.memory_space<vmem>>, vector<1x64xf32>
        tpu.vector_store %arg20[%swap3A_2054, %swap3A_2055], %get3A_2053 {strides = array<i32>} : memref<1026x64xf32, #tpu.memory_space<vmem>>, vector<1x64xf32>,
        %get3A_2057 = arith.constant 7 : index
        %get3A_2058 = arith.constant 0 : index
        %get3A_2059 = vector.load %arg29[%get3A_2057, %get3A_2058] : memref<48x128xf32, #tpu.memory_space<vmem>>, vector<1x64xf32>
        %swap3A_2060 = arith.index_cast %select_n3A_471 : i32 to index
        %swap3A_2061 = arith.constant 0 : index
        %swap3A_2062 = vector.load %arg20[%swap3A_2060, %swap3A_2061] : memref<1026x64xf32, #tpu.memory_space<vmem>>, vector<1x64xf32>
        tpu.vector_store %arg20[%swap3A_2060, %swap3A_2061], %get3A_2059 {strides = array<i32>} : memref<1026x64xf32, #tpu.memory_space<vmem>>, vector<1x64xf32>,
        %get3A_2063 = arith.constant 8 : index
        %get3A_2064 = arith.constant 0 : index
        %get3A_2065 = vector.load %arg29[%get3A_2063, %get3A_2064] : memref<48x128xf32, #tpu.memory_space<vmem>>, vector<1x64xf32>
        %swap3A_2066 = arith.index_cast %select_n3A_491 : i32 to index
        %swap3A_2067 = arith.constant 0 : index
        %swap3A_2068 = vector.load %arg20[%swap3A_2066, %swap3A_2067] : memref<1026x64xf32, #tpu.memory_space<vmem>>, vector<1x64xf32>
        tpu.vector_store %arg20[%swap3A_2066, %swap3A_2067], %get3A_2065 {strides = array<i32>} : memref<1026x64xf32, #tpu.memory_space<vmem>>, vector<1x64xf32>,
        %get3A_2069 = arith.constant 9 : index
        %get3A_2070 = arith.constant 0 : index
        %get3A_2071 = vector.load %arg29[%get3A_2069, %get3A_2070] : memref<48x128xf32, #tpu.memory_space<vmem>>, vector<1x64xf32>
        %swap3A_2072 = arith.index_cast %select_n3A_511 : i32 to index
        %swap3A_2073 = arith.constant 0 : index
        %swap3A_2074 = vector.load %arg20[%swap3A_2072, %swap3A_2073] : memref<1026x64xf32, #tpu.memory_space<vmem>>, vector<1x64xf32>
        tpu.vector_store %arg20[%swap3A_2072, %swap3A_2073], %get3A_2071 {strides = array<i32>} : memref<1026x64xf32, #tpu.memory_space<vmem>>, vector<1x64xf32>,
        %get3A_2075 = arith.constant 10 : index
        %get3A_2076 = arith.constant 0 : index
        %get3A_2077 = vector.load %arg29[%get3A_2075, %get3A_2076] : memref<48x128xf32, #tpu.memory_space<vmem>>, vector<1x64xf32>
        %swap3A_2078 = arith.index_cast %select_n3A_531 : i32 to index
        %swap3A_2079 = arith.constant 0 : index
        %swap3A_2080 = vector.load %arg20[%swap3A_2078, %swap3A_2079] : memref<1026x64xf32, #tpu.memory_space<vmem>>, vector<1x64xf32>
        tpu.vector_store %arg20[%swap3A_2078, %swap3A_2079], %get3A_2077 {strides = array<i32>} : memref<1026x64xf32, #tpu.memory_space<vmem>>, vector<1x64xf32>,
        %get3A_2081 = arith.constant 11 : index
        %get3A_2082 = arith.constant 0 : index
        %get3A_2083 = vector.load %arg29[%get3A_2081, %get3A_2082] : memref<48x128xf32, #tpu.memory_space<vmem>>, vector<1x64xf32>
        %swap3A_2084 = arith.index_cast %select_n3A_551 : i32 to index
        %swap3A_2085 = arith.constant 0 : index
        %swap3A_2086 = vector.load %arg20[%swap3A_2084, %swap3A_2085] : memref<1026x64xf32, #tpu.memory_space<vmem>>, vector<1x64xf32>
        tpu.vector_store %arg20[%swap3A_2084, %swap3A_2085], %get3A_2083 {strides = array<i32>} : memref<1026x64xf32, #tpu.memory_space<vmem>>, vector<1x64xf32>,
        %get3A_2087 = arith.constant 12 : index
        %get3A_2088 = arith.constant 0 : index
        %get3A_2089 = vector.load %arg29[%get3A_2087, %get3A_2088] : memref<48x128xf32, #tpu.memory_space<vmem>>, vector<1x64xf32>
        %swap3A_2090 = arith.index_cast %select_n3A_571 : i32 to index
        %swap3A_2091 = arith.constant 0 : index
        %swap3A_2092 = vector.load %arg20[%swap3A_2090, %swap3A_2091] : memref<1026x64xf32, #tpu.memory_space<vmem>>, vector<1x64xf32>
        tpu.vector_store %arg20[%swap3A_2090, %swap3A_2091], %get3A_2089 {strides = array<i32>} : memref<1026x64xf32, #tpu.memory_space<vmem>>, vector<1x64xf32>,
        %get3A_2093 = arith.constant 13 : index
        %get3A_2094 = arith.constant 0 : index
        %get3A_2095 = vector.load %arg29[%get3A_2093, %get3A_2094] : memref<48x128xf32, #tpu.memory_space<vmem>>, vector<1x64xf32>
        %swap3A_2096 = arith.index_cast %select_n3A_591 : i32 to index
        %swap3A_2097 = arith.constant 0 : index
        %swap3A_2098 = vector.load %arg20[%swap3A_2096, %swap3A_2097] : memref<1026x64xf32, #tpu.memory_space<vmem>>, vector<1x64xf32>
        tpu.vector_store %arg20[%swap3A_2096, %swap3A_2097], %get3A_2095 {strides = array<i32>} : memref<1026x64xf32, #tpu.memory_space<vmem>>, vector<1x64xf32>,
        %get3A_2099 = arith.constant 14 : index
        %get3A_2100 = arith.constant 0 : index
        %get3A_2101 = vector.load %arg29[%get3A_2099, %get3A_2100] : memref<48x128xf32, #tpu.memory_space<vmem>>, vector<1x64xf32>
        %swap3A_2102 = arith.index_cast %select_n3A_611 : i32 to index
        %swap3A_2103 = arith.constant 0 : index
        %swap3A_2104 = vector.load %arg20[%swap3A_2102, %swap3A_2103] : memref<1026x64xf32, #tpu.memory_space<vmem>>, vector<1x64xf32>
        tpu.vector_store %arg20[%swap3A_2102, %swap3A_2103], %get3A_2101 {strides = array<i32>} : memref<1026x64xf32, #tpu.memory_space<vmem>>, vector<1x64xf32>,
        %get3A_2105 = arith.constant 15 : index
        %get3A_2106 = arith.constant 0 : index
        %get3A_2107 = vector.load %arg29[%get3A_2105, %get3A_2106] : memref<48x128xf32, #tpu.memory_space<vmem>>, vector<1x64xf32>
        %swap3A_2108 = arith.index_cast %select_n3A_631 : i32 to index
        %swap3A_2109 = arith.constant 0 : index
        %swap3A_2110 = vector.load %arg20[%swap3A_2108, %swap3A_2109] : memref<1026x64xf32, #tpu.memory_space<vmem>>, vector<1x64xf32>
        tpu.vector_store %arg20[%swap3A_2108, %swap3A_2109], %get3A_2107 {strides = array<i32>} : memref<1026x64xf32, #tpu.memory_space<vmem>>, vector<1x64xf32>,
        %get3A_2111 = arith.constant 16 : index
        %get3A_2112 = arith.constant 0 : index
        %get3A_2113 = vector.load %arg29[%get3A_2111, %get3A_2112] : memref<48x128xf32, #tpu.memory_space<vmem>>, vector<1x64xf32>
        %swap3A_2114 = arith.index_cast %select_n3A_651 : i32 to index
        %swap3A_2115 = arith.constant 0 : index
        %swap3A_2116 = vector.load %arg20[%swap3A_2114, %swap3A_2115] : memref<1026x64xf32, #tpu.memory_space<vmem>>, vector<1x64xf32>
        tpu.vector_store %arg20[%swap3A_2114, %swap3A_2115], %get3A_2113 {strides = array<i32>} : memref<1026x64xf32, #tpu.memory_space<vmem>>, vector<1x64xf32>,
        %get3A_2117 = arith.constant 17 : index
        %get3A_2118 = arith.constant 0 : index
        %get3A_2119 = vector.load %arg29[%get3A_2117, %get3A_2118] : memref<48x128xf32, #tpu.memory_space<vmem>>, vector<1x64xf32>
        %swap3A_2120 = arith.index_cast %select_n3A_671 : i32 to index
        %swap3A_2121 = arith.constant 0 : index
        %swap3A_2122 = vector.load %arg20[%swap3A_2120, %swap3A_2121] : memref<1026x64xf32, #tpu.memory_space<vmem>>, vector<1x64xf32>
        tpu.vector_store %arg20[%swap3A_2120, %swap3A_2121], %get3A_2119 {strides = array<i32>} : memref<1026x64xf32, #tpu.memory_space<vmem>>, vector<1x64xf32>,
        %get3A_2123 = arith.constant 18 : index
        %get3A_2124 = arith.constant 0 : index
        %get3A_2125 = vector.load %arg29[%get3A_2123, %get3A_2124] : memref<48x128xf32, #tpu.memory_space<vmem>>, vector<1x64xf32>
        %swap3A_2126 = arith.index_cast %select_n3A_691 : i32 to index
        %swap3A_2127 = arith.constant 0 : index
        %swap3A_2128 = vector.load %arg20[%swap3A_2126, %swap3A_2127] : memref<1026x64xf32, #tpu.memory_space<vmem>>, vector<1x64xf32>
        tpu.vector_store %arg20[%swap3A_2126, %swap3A_2127], %get3A_2125 {strides = array<i32>} : memref<1026x64xf32, #tpu.memory_space<vmem>>, vector<1x64xf32>,
        %get3A_2129 = arith.constant 19 : index
        %get3A_2130 = arith.constant 0 : index
        %get3A_2131 = vector.load %arg29[%get3A_2129, %get3A_2130] : memref<48x128xf32, #tpu.memory_space<vmem>>, vector<1x64xf32>
        %swap3A_2132 = arith.index_cast %select_n3A_711 : i32 to index
        %swap3A_2133 = arith.constant 0 : index
        %swap3A_2134 = vector.load %arg20[%swap3A_2132, %swap3A_2133] : memref<1026x64xf32, #tpu.memory_space<vmem>>, vector<1x64xf32>
        tpu.vector_store %arg20[%swap3A_2132, %swap3A_2133], %get3A_2131 {strides = array<i32>} : memref<1026x64xf32, #tpu.memory_space<vmem>>, vector<1x64xf32>,
        %get3A_2135 = arith.constant 20 : index
        %get3A_2136 = arith.constant 0 : index
        %get3A_2137 = vector.load %arg29[%get3A_2135, %get3A_2136] : memref<48x128xf32, #tpu.memory_space<vmem>>, vector<1x64xf32>
        %swap3A_2138 = arith.index_cast %select_n3A_731 : i32 to index
        %swap3A_2139 = arith.constant 0 : index
        %swap3A_2140 = vector.load %arg20[%swap3A_2138, %swap3A_2139] : memref<1026x64xf32, #tpu.memory_space<vmem>>, vector<1x64xf32>
        tpu.vector_store %arg20[%swap3A_2138, %swap3A_2139], %get3A_2137 {strides = array<i32>} : memref<1026x64xf32, #tpu.memory_space<vmem>>, vector<1x64xf32>,
        %get3A_2141 = arith.constant 21 : index
        %get3A_2142 = arith.constant 0 : index
        %get3A_2143 = vector.load %arg29[%get3A_2141, %get3A_2142] : memref<48x128xf32, #tpu.memory_space<vmem>>, vector<1x64xf32>
        %swap3A_2144 = arith.index_cast %select_n3A_751 : i32 to index
        %swap3A_2145 = arith.constant 0 : index
        %swap3A_2146 = vector.load %arg20[%swap3A_2144, %swap3A_2145] : memref<1026x64xf32, #tpu.memory_space<vmem>>, vector<1x64xf32>
        tpu.vector_store %arg20[%swap3A_2144, %swap3A_2145], %get3A_2143 {strides = array<i32>} : memref<1026x64xf32, #tpu.memory_space<vmem>>, vector<1x64xf32>,
        %get3A_2147 = arith.constant 22 : index
        %get3A_2148 = arith.constant 0 : index
        %get3A_2149 = vector.load %arg29[%get3A_2147, %get3A_2148] : memref<48x128xf32, #tpu.memory_space<vmem>>, vector<1x64xf32>
        %swap3A_2150 = arith.index_cast %select_n3A_771 : i32 to index
        %swap3A_2151 = arith.constant 0 : index
        %swap3A_2152 = vector.load %arg20[%swap3A_2150, %swap3A_2151] : memref<1026x64xf32, #tpu.memory_space<vmem>>, vector<1x64xf32>
        tpu.vector_store %arg20[%swap3A_2150, %swap3A_2151], %get3A_2149 {strides = array<i32>} : memref<1026x64xf32, #tpu.memory_space<vmem>>, vector<1x64xf32>,
        %get3A_2153 = arith.constant 23 : index
        %get3A_2154 = arith.constant 0 : index
        %get3A_2155 = vector.load %arg29[%get3A_2153, %get3A_2154] : memref<48x128xf32, #tpu.memory_space<vmem>>, vector<1x64xf32>
        %swap3A_2156 = arith.index_cast %select_n3A_791 : i32 to index
        %swap3A_2157 = arith.constant 0 : index
        %swap3A_2158 = vector.load %arg20[%swap3A_2156, %swap3A_2157] : memref<1026x64xf32, #tpu.memory_space<vmem>>, vector<1x64xf32>
        tpu.vector_store %arg20[%swap3A_2156, %swap3A_2157], %get3A_2155 {strides = array<i32>} : memref<1026x64xf32, #tpu.memory_space<vmem>>, vector<1x64xf32>,
        %get3A_2159 = arith.constant 24 : index
        %get3A_2160 = arith.constant 0 : index
        %get3A_2161 = vector.load %arg29[%get3A_2159, %get3A_2160] : memref<48x128xf32, #tpu.memory_space<vmem>>, vector<1x64xf32>
        %swap3A_2162 = arith.index_cast %select_n3A_811 : i32 to index
        %swap3A_2163 = arith.constant 0 : index
        %swap3A_2164 = vector.load %arg20[%swap3A_2162, %swap3A_2163] : memref<1026x64xf32, #tpu.memory_space<vmem>>, vector<1x64xf32>
        tpu.vector_store %arg20[%swap3A_2162, %swap3A_2163], %get3A_2161 {strides = array<i32>} : memref<1026x64xf32, #tpu.memory_space<vmem>>, vector<1x64xf32>,
        %get3A_2165 = arith.constant 25 : index
        %get3A_2166 = arith.constant 0 : index
        %get3A_2167 = vector.load %arg29[%get3A_2165, %get3A_2166] : memref<48x128xf32, #tpu.memory_space<vmem>>, vector<1x64xf32>
        %swap3A_2168 = arith.index_cast %select_n3A_831 : i32 to index
        %swap3A_2169 = arith.constant 0 : index
        %swap3A_2170 = vector.load %arg20[%swap3A_2168, %swap3A_2169] : memref<1026x64xf32, #tpu.memory_space<vmem>>, vector<1x64xf32>
        tpu.vector_store %arg20[%swap3A_2168, %swap3A_2169], %get3A_2167 {strides = array<i32>} : memref<1026x64xf32, #tpu.memory_space<vmem>>, vector<1x64xf32>,
        %get3A_2171 = arith.constant 26 : index
        %get3A_2172 = arith.constant 0 : index
        %get3A_2173 = vector.load %arg29[%get3A_2171, %get3A_2172] : memref<48x128xf32, #tpu.memory_space<vmem>>, vector<1x64xf32>
        %swap3A_2174 = arith.index_cast %select_n3A_851 : i32 to index
        %swap3A_2175 = arith.constant 0 : index
        %swap3A_2176 = vector.load %arg20[%swap3A_2174, %swap3A_2175] : memref<1026x64xf32, #tpu.memory_space<vmem>>, vector<1x64xf32>
        tpu.vector_store %arg20[%swap3A_2174, %swap3A_2175], %get3A_2173 {strides = array<i32>} : memref<1026x64xf32, #tpu.memory_space<vmem>>, vector<1x64xf32>,
        %get3A_2177 = arith.constant 27 : index
        %get3A_2178 = arith.constant 0 : index
        %get3A_2179 = vector.load %arg29[%get3A_2177, %get3A_2178] : memref<48x128xf32, #tpu.memory_space<vmem>>, vector<1x64xf32>
        %swap3A_2180 = arith.index_cast %select_n3A_871 : i32 to index
        %swap3A_2181 = arith.constant 0 : index
        %swap3A_2182 = vector.load %arg20[%swap3A_2180, %swap3A_2181] : memref<1026x64xf32, #tpu.memory_space<vmem>>, vector<1x64xf32>
        tpu.vector_store %arg20[%swap3A_2180, %swap3A_2181], %get3A_2179 {strides = array<i32>} : memref<1026x64xf32, #tpu.memory_space<vmem>>, vector<1x64xf32>,
        %get3A_2183 = arith.constant 28 : index
        %get3A_2184 = arith.constant 0 : index
        %get3A_2185 = vector.load %arg29[%get3A_2183, %get3A_2184] : memref<48x128xf32, #tpu.memory_space<vmem>>, vector<1x64xf32>
        %swap3A_2186 = arith.index_cast %select_n3A_891 : i32 to index
        %swap3A_2187 = arith.constant 0 : index
        %swap3A_2188 = vector.load %arg20[%swap3A_2186, %swap3A_2187] : memref<1026x64xf32, #tpu.memory_space<vmem>>, vector<1x64xf32>
        tpu.vector_store %arg20[%swap3A_2186, %swap3A_2187], %get3A_2185 {strides = array<i32>} : memref<1026x64xf32, #tpu.memory_space<vmem>>, vector<1x64xf32>,
        %get3A_2189 = arith.constant 29 : index
        %get3A_2190 = arith.constant 0 : index
        %get3A_2191 = vector.load %arg29[%get3A_2189, %get3A_2190] : memref<48x128xf32, #tpu.memory_space<vmem>>, vector<1x64xf32>
        %swap3A_2192 = arith.index_cast %select_n3A_911 : i32 to index
        %swap3A_2193 = arith.constant 0 : index
        %swap3A_2194 = vector.load %arg20[%swap3A_2192, %swap3A_2193] : memref<1026x64xf32, #tpu.memory_space<vmem>>, vector<1x64xf32>
        tpu.vector_store %arg20[%swap3A_2192, %swap3A_2193], %get3A_2191 {strides = array<i32>} : memref<1026x64xf32, #tpu.memory_space<vmem>>, vector<1x64xf32>,
        %get3A_2195 = arith.constant 30 : index
        %get3A_2196 = arith.constant 0 : index
        %get3A_2197 = vector.load %arg29[%get3A_2195, %get3A_2196] : memref<48x128xf32, #tpu.memory_space<vmem>>, vector<1x64xf32>
        %swap3A_2198 = arith.index_cast %select_n3A_931 : i32 to index
        %swap3A_2199 = arith.constant 0 : index
        %swap3A_2200 = vector.load %arg20[%swap3A_2198, %swap3A_2199] : memref<1026x64xf32, #tpu.memory_space<vmem>>, vector<1x64xf32>
        tpu.vector_store %arg20[%swap3A_2198, %swap3A_2199], %get3A_2197 {strides = array<i32>} : memref<1026x64xf32, #tpu.memory_space<vmem>>, vector<1x64xf32>,
        %get3A_2201 = arith.constant 31 : index
        %get3A_2202 = arith.constant 0 : index
        %get3A_2203 = vector.load %arg29[%get3A_2201, %get3A_2202] : memref<48x128xf32, #tpu.memory_space<vmem>>, vector<1x64xf32>
        %swap3A_2204 = arith.index_cast %select_n3A_951 : i32 to index
        %swap3A_2205 = arith.constant 0 : index
        %swap3A_2206 = vector.load %arg20[%swap3A_2204, %swap3A_2205] : memref<1026x64xf32, #tpu.memory_space<vmem>>, vector<1x64xf32>
        tpu.vector_store %arg20[%swap3A_2204, %swap3A_2205], %get3A_2203 {strides = array<i32>} : memref<1026x64xf32, #tpu.memory_space<vmem>>, vector<1x64xf32>,
        %get3A_2207 = arith.constant 32 : index
        %get3A_2208 = arith.constant 0 : index
        %get3A_2209 = vector.load %arg29[%get3A_2207, %get3A_2208] : memref<48x128xf32, #tpu.memory_space<vmem>>, vector<1x64xf32>
        %swap3A_2210 = arith.index_cast %select_n3A_971 : i32 to index
        %swap3A_2211 = arith.constant 0 : index
        %swap3A_2212 = vector.load %arg20[%swap3A_2210, %swap3A_2211] : memref<1026x64xf32, #tpu.memory_space<vmem>>, vector<1x64xf32>
        tpu.vector_store %arg20[%swap3A_2210, %swap3A_2211], %get3A_2209 {strides = array<i32>} : memref<1026x64xf32, #tpu.memory_space<vmem>>, vector<1x64xf32>,
        %get3A_2213 = arith.constant 33 : index
        %get3A_2214 = arith.constant 0 : index
        %get3A_2215 = vector.load %arg29[%get3A_2213, %get3A_2214] : memref<48x128xf32, #tpu.memory_space<vmem>>, vector<1x64xf32>
        %swap3A_2216 = arith.index_cast %select_n3A_991 : i32 to index
        %swap3A_2217 = arith.constant 0 : index
        %swap3A_2218 = vector.load %arg20[%swap3A_2216, %swap3A_2217] : memref<1026x64xf32, #tpu.memory_space<vmem>>, vector<1x64xf32>
        tpu.vector_store %arg20[%swap3A_2216, %swap3A_2217], %get3A_2215 {strides = array<i32>} : memref<1026x64xf32, #tpu.memory_space<vmem>>, vector<1x64xf32>,
        %get3A_2219 = arith.constant 34 : index
        %get3A_2220 = arith.constant 0 : index
        %get3A_2221 = vector.load %arg29[%get3A_2219, %get3A_2220] : memref<48x128xf32, #tpu.memory_space<vmem>>, vector<1x64xf32>
        %swap3A_2222 = arith.index_cast %select_n3A_1011 : i32 to index
        %swap3A_2223 = arith.constant 0 : index
        %swap3A_2224 = vector.load %arg20[%swap3A_2222, %swap3A_2223] : memref<1026x64xf32, #tpu.memory_space<vmem>>, vector<1x64xf32>
        tpu.vector_store %arg20[%swap3A_2222, %swap3A_2223], %get3A_2221 {strides = array<i32>} : memref<1026x64xf32, #tpu.memory_space<vmem>>, vector<1x64xf32>,
        %get3A_2225 = arith.constant 35 : index
        %get3A_2226 = arith.constant 0 : index
        %get3A_2227 = vector.load %arg29[%get3A_2225, %get3A_2226] : memref<48x128xf32, #tpu.memory_space<vmem>>, vector<1x64xf32>
        %swap3A_2228 = arith.index_cast %select_n3A_1031 : i32 to index
        %swap3A_2229 = arith.constant 0 : index
        %swap3A_2230 = vector.load %arg20[%swap3A_2228, %swap3A_2229] : memref<1026x64xf32, #tpu.memory_space<vmem>>, vector<1x64xf32>
        tpu.vector_store %arg20[%swap3A_2228, %swap3A_2229], %get3A_2227 {strides = array<i32>} : memref<1026x64xf32, #tpu.memory_space<vmem>>, vector<1x64xf32>,
        %get3A_2231 = arith.constant 36 : index
        %get3A_2232 = arith.constant 0 : index
        %get3A_2233 = vector.load %arg29[%get3A_2231, %get3A_2232] : memref<48x128xf32, #tpu.memory_space<vmem>>, vector<1x64xf32>
        %swap3A_2234 = arith.index_cast %select_n3A_1051 : i32 to index
        %swap3A_2235 = arith.constant 0 : index
        %swap3A_2236 = vector.load %arg20[%swap3A_2234, %swap3A_2235] : memref<1026x64xf32, #tpu.memory_space<vmem>>, vector<1x64xf32>
        tpu.vector_store %arg20[%swap3A_2234, %swap3A_2235], %get3A_2233 {strides = array<i32>} : memref<1026x64xf32, #tpu.memory_space<vmem>>, vector<1x64xf32>,
        %get3A_2237 = arith.constant 37 : index
        %get3A_2238 = arith.constant 0 : index
        %get3A_2239 = vector.load %arg29[%get3A_2237, %get3A_2238] : memref<48x128xf32, #tpu.memory_space<vmem>>, vector<1x64xf32>
        %swap3A_2240 = arith.index_cast %select_n3A_1071 : i32 to index
        %swap3A_2241 = arith.constant 0 : index
        %swap3A_2242 = vector.load %arg20[%swap3A_2240, %swap3A_2241] : memref<1026x64xf32, #tpu.memory_space<vmem>>, vector<1x64xf32>
        tpu.vector_store %arg20[%swap3A_2240, %swap3A_2241], %get3A_2239 {strides = array<i32>} : memref<1026x64xf32, #tpu.memory_space<vmem>>, vector<1x64xf32>,
        %get3A_2243 = arith.constant 38 : index
        %get3A_2244 = arith.constant 0 : index
        %get3A_2245 = vector.load %arg29[%get3A_2243, %get3A_2244] : memref<48x128xf32, #tpu.memory_space<vmem>>, vector<1x64xf32>
        %swap3A_2246 = arith.index_cast %select_n3A_1091 : i32 to index
        %swap3A_2247 = arith.constant 0 : index
        %swap3A_2248 = vector.load %arg20[%swap3A_2246, %swap3A_2247] : memref<1026x64xf32, #tpu.memory_space<vmem>>, vector<1x64xf32>
        tpu.vector_store %arg20[%swap3A_2246, %swap3A_2247], %get3A_2245 {strides = array<i32>} : memref<1026x64xf32, #tpu.memory_space<vmem>>, vector<1x64xf32>,
        %get3A_2249 = arith.constant 39 : index
        %get3A_2250 = arith.constant 0 : index
        %get3A_2251 = vector.load %arg29[%get3A_2249, %get3A_2250] : memref<48x128xf32, #tpu.memory_space<vmem>>, vector<1x64xf32>
        %swap3A_2252 = arith.index_cast %select_n3A_1111 : i32 to index
        %swap3A_2253 = arith.constant 0 : index
        %swap3A_2254 = vector.load %arg20[%swap3A_2252, %swap3A_2253] : memref<1026x64xf32, #tpu.memory_space<vmem>>, vector<1x64xf32>
        tpu.vector_store %arg20[%swap3A_2252, %swap3A_2253], %get3A_2251 {strides = array<i32>} : memref<1026x64xf32, #tpu.memory_space<vmem>>, vector<1x64xf32>,
        %get3A_2255 = arith.constant 40 : index
        %get3A_2256 = arith.constant 0 : index
        %get3A_2257 = vector.load %arg29[%get3A_2255, %get3A_2256] : memref<48x128xf32, #tpu.memory_space<vmem>>, vector<1x64xf32>
        %swap3A_2258 = arith.index_cast %select_n3A_1131 : i32 to index
        %swap3A_2259 = arith.constant 0 : index
        %swap3A_2260 = vector.load %arg20[%swap3A_2258, %swap3A_2259] : memref<1026x64xf32, #tpu.memory_space<vmem>>, vector<1x64xf32>
        tpu.vector_store %arg20[%swap3A_2258, %swap3A_2259], %get3A_2257 {strides = array<i32>} : memref<1026x64xf32, #tpu.memory_space<vmem>>, vector<1x64xf32>,
        %get3A_2261 = arith.constant 41 : index
        %get3A_2262 = arith.constant 0 : index
        %get3A_2263 = vector.load %arg29[%get3A_2261, %get3A_2262] : memref<48x128xf32, #tpu.memory_space<vmem>>, vector<1x64xf32>
        %swap3A_2264 = arith.index_cast %select_n3A_1151 : i32 to index
        %swap3A_2265 = arith.constant 0 : index
        %swap3A_2266 = vector.load %arg20[%swap3A_2264, %swap3A_2265] : memref<1026x64xf32, #tpu.memory_space<vmem>>, vector<1x64xf32>
        tpu.vector_store %arg20[%swap3A_2264, %swap3A_2265], %get3A_2263 {strides = array<i32>} : memref<1026x64xf32, #tpu.memory_space<vmem>>, vector<1x64xf32>,
        %get3A_2267 = arith.constant 42 : index
        %get3A_2268 = arith.constant 0 : index
        %get3A_2269 = vector.load %arg29[%get3A_2267, %get3A_2268] : memref<48x128xf32, #tpu.memory_space<vmem>>, vector<1x64xf32>
        %swap3A_2270 = arith.index_cast %select_n3A_1171 : i32 to index
        %swap3A_2271 = arith.constant 0 : index
        %swap3A_2272 = vector.load %arg20[%swap3A_2270, %swap3A_2271] : memref<1026x64xf32, #tpu.memory_space<vmem>>, vector<1x64xf32>
        tpu.vector_store %arg20[%swap3A_2270, %swap3A_2271], %get3A_2269 {strides = array<i32>} : memref<1026x64xf32, #tpu.memory_space<vmem>>, vector<1x64xf32>,
        %get3A_2273 = arith.constant 43 : index
        %get3A_2274 = arith.constant 0 : index
        %get3A_2275 = vector.load %arg29[%get3A_2273, %get3A_2274] : memref<48x128xf32, #tpu.memory_space<vmem>>, vector<1x64xf32>
        %swap3A_2276 = arith.index_cast %select_n3A_1191 : i32 to index
        %swap3A_2277 = arith.constant 0 : index
        %swap3A_2278 = vector.load %arg20[%swap3A_2276, %swap3A_2277] : memref<1026x64xf32, #tpu.memory_space<vmem>>, vector<1x64xf32>
        tpu.vector_store %arg20[%swap3A_2276, %swap3A_2277], %get3A_2275 {strides = array<i32>} : memref<1026x64xf32, #tpu.memory_space<vmem>>, vector<1x64xf32>,
        %get3A_2279 = arith.constant 44 : index
        %get3A_2280 = arith.constant 0 : index
        %get3A_2281 = vector.load %arg29[%get3A_2279, %get3A_2280] : memref<48x128xf32, #tpu.memory_space<vmem>>, vector<1x64xf32>
        %swap3A_2282 = arith.index_cast %select_n3A_1211 : i32 to index
        %swap3A_2283 = arith.constant 0 : index
        %swap3A_2284 = vector.load %arg20[%swap3A_2282, %swap3A_2283] : memref<1026x64xf32, #tpu.memory_space<vmem>>, vector<1x64xf32>
        tpu.vector_store %arg20[%swap3A_2282, %swap3A_2283], %get3A_2281 {strides = array<i32>} : memref<1026x64xf32, #tpu.memory_space<vmem>>, vector<1x64xf32>,
        %get3A_2285 = arith.constant 45 : index
        %get3A_2286 = arith.constant 0 : index
        %get3A_2287 = vector.load %arg29[%get3A_2285, %get3A_2286] : memref<48x128xf32, #tpu.memory_space<vmem>>, vector<1x64xf32>
        %swap3A_2288 = arith.index_cast %select_n3A_1231 : i32 to index
        %swap3A_2289 = arith.constant 0 : index
        %swap3A_2290 = vector.load %arg20[%swap3A_2288, %swap3A_2289] : memref<1026x64xf32, #tpu.memory_space<vmem>>, vector<1x64xf32>
        tpu.vector_store %arg20[%swap3A_2288, %swap3A_2289], %get3A_2287 {strides = array<i32>} : memref<1026x64xf32, #tpu.memory_space<vmem>>, vector<1x64xf32>,
        %get3A_2291 = arith.constant 46 : index
        %get3A_2292 = arith.constant 0 : index
        %get3A_2293 = vector.load %arg29[%get3A_2291, %get3A_2292] : memref<48x128xf32, #tpu.memory_space<vmem>>, vector<1x64xf32>
        %swap3A_2294 = arith.index_cast %select_n3A_1251 : i32 to index
        %swap3A_2295 = arith.constant 0 : index
        %swap3A_2296 = vector.load %arg20[%swap3A_2294, %swap3A_2295] : memref<1026x64xf32, #tpu.memory_space<vmem>>, vector<1x64xf32>
        tpu.vector_store %arg20[%swap3A_2294, %swap3A_2295], %get3A_2293 {strides = array<i32>} : memref<1026x64xf32, #tpu.memory_space<vmem>>, vector<1x64xf32>,
        %get3A_2297 = arith.constant 47 : index
        %get3A_2298 = arith.constant 0 : index
        %get3A_2299 = vector.load %arg29[%get3A_2297, %get3A_2298] : memref<48x128xf32, #tpu.memory_space<vmem>>, vector<1x64xf32>
        %swap3A_2300 = arith.index_cast %select_n3A_1271 : i32 to index
        %swap3A_2301 = arith.constant 0 : index
        %swap3A_2302 = vector.load %arg20[%swap3A_2300, %swap3A_2301] : memref<1026x64xf32, #tpu.memory_space<vmem>>, vector<1x64xf32>
        tpu.vector_store %arg20[%swap3A_2300, %swap3A_2301], %get3A_2299 {strides = array<i32>} : memref<1026x64xf32, #tpu.memory_space<vmem>>, vector<1x64xf32>,
        %get3A_2303 = arith.constant 0 : index
        %get3A_2304 = arith.constant 64 : index
        %get3A_2305 = vector.load %arg29[%get3A_2303, %get3A_2304] : memref<48x128xf32, #tpu.memory_space<vmem>>, vector<1x64xf32>
        %swap3A_2306 = arith.index_cast %select_n3A_1291 : i32 to index
        %swap3A_2307 = arith.constant 0 : index
        %swap3A_2308 = vector.load %arg21[%swap3A_2306, %swap3A_2307] : memref<1025x64xf32, #tpu.memory_space<vmem>>, vector<1x64xf32>
        tpu.vector_store %arg21[%swap3A_2306, %swap3A_2307], %get3A_2305 {strides = array<i32>} : memref<1025x64xf32, #tpu.memory_space<vmem>>, vector<1x64xf32>,
        %get3A_2309 = arith.constant 1 : index
        %get3A_2310 = arith.constant 64 : index
        %get3A_2311 = vector.load %arg29[%get3A_2309, %get3A_2310] : memref<48x128xf32, #tpu.memory_space<vmem>>, vector<1x64xf32>
        %swap3A_2312 = arith.index_cast %select_n3A_1333 : i32 to index
        %swap3A_2313 = arith.constant 0 : index
        %swap3A_2314 = vector.load %arg21[%swap3A_2312, %swap3A_2313] : memref<1025x64xf32, #tpu.memory_space<vmem>>, vector<1x64xf32>
        tpu.vector_store %arg21[%swap3A_2312, %swap3A_2313], %get3A_2311 {strides = array<i32>} : memref<1025x64xf32, #tpu.memory_space<vmem>>, vector<1x64xf32>,
        %get3A_2315 = arith.constant 2 : index
        %get3A_2316 = arith.constant 64 : index
        %get3A_2317 = vector.load %arg29[%get3A_2315, %get3A_2316] : memref<48x128xf32, #tpu.memory_space<vmem>>, vector<1x64xf32>
        %swap3A_2318 = arith.index_cast %select_n3A_1375 : i32 to index
        %swap3A_2319 = arith.constant 0 : index
        %swap3A_2320 = vector.load %arg21[%swap3A_2318, %swap3A_2319] : memref<1025x64xf32, #tpu.memory_space<vmem>>, vector<1x64xf32>
        tpu.vector_store %arg21[%swap3A_2318, %swap3A_2319], %get3A_2317 {strides = array<i32>} : memref<1025x64xf32, #tpu.memory_space<vmem>>, vector<1x64xf32>,
        %get3A_2321 = arith.constant 3 : index
        %get3A_2322 = arith.constant 64 : index
        %get3A_2323 = vector.load %arg29[%get3A_2321, %get3A_2322] : memref<48x128xf32, #tpu.memory_space<vmem>>, vector<1x64xf32>
        %swap3A_2324 = arith.index_cast %select_n3A_1417 : i32 to index
        %swap3A_2325 = arith.constant 0 : index
        %swap3A_2326 = vector.load %arg21[%swap3A_2324, %swap3A_2325] : memref<1025x64xf32, #tpu.memory_space<vmem>>, vector<1x64xf32>
        tpu.vector_store %arg21[%swap3A_2324, %swap3A_2325], %get3A_2323 {strides = array<i32>} : memref<1025x64xf32, #tpu.memory_space<vmem>>, vector<1x64xf32>,
        %get3A_2327 = arith.constant 4 : index
        %get3A_2328 = arith.constant 64 : index
        %get3A_2329 = vector.load %arg29[%get3A_2327, %get3A_2328] : memref<48x128xf32, #tpu.memory_space<vmem>>, vector<1x64xf32>
        %swap3A_2330 = arith.index_cast %select_n3A_1459 : i32 to index
        %swap3A_2331 = arith.constant 0 : index
        %swap3A_2332 = vector.load %arg21[%swap3A_2330, %swap3A_2331] : memref<1025x64xf32, #tpu.memory_space<vmem>>, vector<1x64xf32>
        tpu.vector_store %arg21[%swap3A_2330, %swap3A_2331], %get3A_2329 {strides = array<i32>} : memref<1025x64xf32, #tpu.memory_space<vmem>>, vector<1x64xf32>,
        %get3A_2333 = arith.constant 5 : index
        %get3A_2334 = arith.constant 64 : index
        %get3A_2335 = vector.load %arg29[%get3A_2333, %get3A_2334] : memref<48x128xf32, #tpu.memory_space<vmem>>, vector<1x64xf32>
        %swap3A_2336 = arith.index_cast %select_n3A_1501 : i32 to index
        %swap3A_2337 = arith.constant 0 : index
        %swap3A_2338 = vector.load %arg21[%swap3A_2336, %swap3A_2337] : memref<1025x64xf32, #tpu.memory_space<vmem>>, vector<1x64xf32>
        tpu.vector_store %arg21[%swap3A_2336, %swap3A_2337], %get3A_2335 {strides = array<i32>} : memref<1025x64xf32, #tpu.memory_space<vmem>>, vector<1x64xf32>,
        %get3A_2339 = arith.constant 6 : index
        %get3A_2340 = arith.constant 64 : index
        %get3A_2341 = vector.load %arg29[%get3A_2339, %get3A_2340] : memref<48x128xf32, #tpu.memory_space<vmem>>, vector<1x64xf32>
        %swap3A_2342 = arith.index_cast %select_n3A_1543 : i32 to index
        %swap3A_2343 = arith.constant 0 : index
        %swap3A_2344 = vector.load %arg21[%swap3A_2342, %swap3A_2343] : memref<1025x64xf32, #tpu.memory_space<vmem>>, vector<1x64xf32>
        tpu.vector_store %arg21[%swap3A_2342, %swap3A_2343], %get3A_2341 {strides = array<i32>} : memref<1025x64xf32, #tpu.memory_space<vmem>>, vector<1x64xf32>,
        %get3A_2345 = arith.constant 7 : index
        %get3A_2346 = arith.constant 64 : index
        %get3A_2347 = vector.load %arg29[%get3A_2345, %get3A_2346] : memref<48x128xf32, #tpu.memory_space<vmem>>, vector<1x64xf32>
        %swap3A_2348 = arith.index_cast %select_n3A_1585 : i32 to index
        %swap3A_2349 = arith.constant 0 : index
        %swap3A_2350 = vector.load %arg21[%swap3A_2348, %swap3A_2349] : memref<1025x64xf32, #tpu.memory_space<vmem>>, vector<1x64xf32>
        tpu.vector_store %arg21[%swap3A_2348, %swap3A_2349], %get3A_2347 {strides = array<i32>} : memref<1025x64xf32, #tpu.memory_space<vmem>>, vector<1x64xf32>,
        %get3A_2351 = arith.constant 8 : index
        %get3A_2352 = arith.constant 64 : index
        %get3A_2353 = vector.load %arg29[%get3A_2351, %get3A_2352] : memref<48x128xf32, #tpu.memory_space<vmem>>, vector<1x64xf32>
        %swap3A_2354 = arith.index_cast %select_n3A_1627 : i32 to index
        %swap3A_2355 = arith.constant 0 : index
        %swap3A_2356 = vector.load %arg21[%swap3A_2354, %swap3A_2355] : memref<1025x64xf32, #tpu.memory_space<vmem>>, vector<1x64xf32>
        tpu.vector_store %arg21[%swap3A_2354, %swap3A_2355], %get3A_2353 {strides = array<i32>} : memref<1025x64xf32, #tpu.memory_space<vmem>>, vector<1x64xf32>,
        %get3A_2357 = arith.constant 9 : index
        %get3A_2358 = arith.constant 64 : index
        %get3A_2359 = vector.load %arg29[%get3A_2357, %get3A_2358] : memref<48x128xf32, #tpu.memory_space<vmem>>, vector<1x64xf32>
        %swap3A_2360 = arith.index_cast %select_n3A_1669 : i32 to index
        %swap3A_2361 = arith.constant 0 : index
        %swap3A_2362 = vector.load %arg21[%swap3A_2360, %swap3A_2361] : memref<1025x64xf32, #tpu.memory_space<vmem>>, vector<1x64xf32>
        tpu.vector_store %arg21[%swap3A_2360, %swap3A_2361], %get3A_2359 {strides = array<i32>} : memref<1025x64xf32, #tpu.memory_space<vmem>>, vector<1x64xf32>,
        %get3A_2363 = arith.constant 10 : index
        %get3A_2364 = arith.constant 64 : index
        %get3A_2365 = vector.load %arg29[%get3A_2363, %get3A_2364] : memref<48x128xf32, #tpu.memory_space<vmem>>, vector<1x64xf32>
        %swap3A_2366 = arith.index_cast %select_n3A_1711 : i32 to index
        %swap3A_2367 = arith.constant 0 : index
        %swap3A_2368 = vector.load %arg21[%swap3A_2366, %swap3A_2367] : memref<1025x64xf32, #tpu.memory_space<vmem>>, vector<1x64xf32>
        tpu.vector_store %arg21[%swap3A_2366, %swap3A_2367], %get3A_2365 {strides = array<i32>} : memref<1025x64xf32, #tpu.memory_space<vmem>>, vector<1x64xf32>,
        %get3A_2369 = arith.constant 11 : index
        %get3A_2370 = arith.constant 64 : index
        %get3A_2371 = vector.load %arg29[%get3A_2369, %get3A_2370] : memref<48x128xf32, #tpu.memory_space<vmem>>, vector<1x64xf32>
        %swap3A_2372 = arith.index_cast %select_n3A_1753 : i32 to index
        %swap3A_2373 = arith.constant 0 : index
        %swap3A_2374 = vector.load %arg21[%swap3A_2372, %swap3A_2373] : memref<1025x64xf32, #tpu.memory_space<vmem>>, vector<1x64xf32>
        tpu.vector_store %arg21[%swap3A_2372, %swap3A_2373], %get3A_2371 {strides = array<i32>} : memref<1025x64xf32, #tpu.memory_space<vmem>>, vector<1x64xf32>,
        %get3A_2375 = arith.constant 12 : index
        %get3A_2376 = arith.constant 64 : index
        %get3A_2377 = vector.load %arg29[%get3A_2375, %get3A_2376] : memref<48x128xf32, #tpu.memory_space<vmem>>, vector<1x64xf32>
        %swap3A_2378 = arith.index_cast %select_n3A_1795 : i32 to index
        %swap3A_2379 = arith.constant 0 : index
        %swap3A_2380 = vector.load %arg21[%swap3A_2378, %swap3A_2379] : memref<1025x64xf32, #tpu.memory_space<vmem>>, vector<1x64xf32>
        tpu.vector_store %arg21[%swap3A_2378, %swap3A_2379], %get3A_2377 {strides = array<i32>} : memref<1025x64xf32, #tpu.memory_space<vmem>>, vector<1x64xf32>,
        %get3A_2381 = arith.constant 13 : index
        %get3A_2382 = arith.constant 64 : index
        %get3A_2383 = vector.load %arg29[%get3A_2381, %get3A_2382] : memref<48x128xf32, #tpu.memory_space<vmem>>, vector<1x64xf32>
        %swap3A_2384 = arith.index_cast %select_n3A_1837 : i32 to index
        %swap3A_2385 = arith.constant 0 : index
        %swap3A_2386 = vector.load %arg21[%swap3A_2384, %swap3A_2385] : memref<1025x64xf32, #tpu.memory_space<vmem>>, vector<1x64xf32>
        tpu.vector_store %arg21[%swap3A_2384, %swap3A_2385], %get3A_2383 {strides = array<i32>} : memref<1025x64xf32, #tpu.memory_space<vmem>>, vector<1x64xf32>,
        %get3A_2387 = arith.constant 14 : index
        %get3A_2388 = arith.constant 64 : index
        %get3A_2389 = vector.load %arg29[%get3A_2387, %get3A_2388] : memref<48x128xf32, #tpu.memory_space<vmem>>, vector<1x64xf32>
        %swap3A_2390 = arith.index_cast %select_n3A_1879 : i32 to index
        %swap3A_2391 = arith.constant 0 : index
        %swap3A_2392 = vector.load %arg21[%swap3A_2390, %swap3A_2391] : memref<1025x64xf32, #tpu.memory_space<vmem>>, vector<1x64xf32>
        tpu.vector_store %arg21[%swap3A_2390, %swap3A_2391], %get3A_2389 {strides = array<i32>} : memref<1025x64xf32, #tpu.memory_space<vmem>>, vector<1x64xf32>,
        %get3A_2393 = arith.constant 15 : index
        %get3A_2394 = arith.constant 64 : index
        %get3A_2395 = vector.load %arg29[%get3A_2393, %get3A_2394] : memref<48x128xf32, #tpu.memory_space<vmem>>, vector<1x64xf32>
        %swap3A_2396 = arith.index_cast %select_n3A_1921 : i32 to index
        %swap3A_2397 = arith.constant 0 : index
        %swap3A_2398 = vector.load %arg21[%swap3A_2396, %swap3A_2397] : memref<1025x64xf32, #tpu.memory_space<vmem>>, vector<1x64xf32>
        tpu.vector_store %arg21[%swap3A_2396, %swap3A_2397], %get3A_2395 {strides = array<i32>} : memref<1025x64xf32, #tpu.memory_space<vmem>>, vector<1x64xf32>,
        %add3A_2399 = arith.constant 48 : i32
        %add3A_2400 = arith.addi %while3A_322, %add3A_2399 : i32
        %add3A_2401 = arith.constant 16 : i32
        %add3A_2402 = arith.addi %while3A_323, %add3A_2401 : i32
        scf.yield %add3A_2400, %add3A_2402 : i32, i32
      }
    }
    %iota3A = tpu.iota {dimensions = array<i32: 0>} : vector<1025x512xi32>
    %get3A_250 = arith.constant 0 : index
    %get3A_251 = arith.constant 0 : index
    %get3A_252 = vector.load %arg2[%get3A_250, %get3A_251] : memref<1x512xi32, #tpu.memory_space<vmem>>, vector<1x512xi32>
    %eq3A = vector.broadcast %get3A_252 : vector<1x512xi32> to vector<1025x512xi32>
    %eq3A_253 = arith.cmpi eq, %iota3A, %eq3A : vector<1025x512xi32>
    %reduce_or3A = arith.constant 1.000000e+00 : f32
    %reduce_or3A_254 = arith.constant 0.000000e+00 : f32
    %reduce_or3A_255 = vector.broadcast %reduce_or3A : f32 to vector<1025x512xf32>
    %reduce_or3A_256 = vector.broadcast %reduce_or3A_254 : f32 to vector<1025x512xf32>
    %reduce_or3A_257 = arith.select %eq3A_253, %reduce_or3A_255, %reduce_or3A_256 : vector<1025x512xi1>, vector<1025x512xf32>
    %reduce_or3A_258 = arith.constant dense<0xFF800000> : vector<1025xf32>
    %reduce_or3A_259 = vector.multi_reduction <maximumf>, %reduce_or3A_257, %reduce_or3A_258 [1] : vector<1025x512xf32> to vector<1025xf32>
    %reduce_or3A_260 = arith.constant 0.000000e+00 : f32
    %reduce_or3A_261 = vector.broadcast %reduce_or3A_260 : f32 to vector<1025xf32>
    %reduce_or3A_262 = arith.cmpf ogt, %reduce_or3A_259, %reduce_or3A_261 : vector<1025xf32>
    %broadcast_in_dim3A_263 = vector.shape_cast %reduce_or3A_262 : vector<1025xi1> to vector<1025x1xi1>
    %get3A_264 = arith.constant 0 : index
    %get3A_265 = arith.constant 0 : index
    %get3A_266 = vector.load %arg20[%get3A_264, %get3A_265] : memref<1026x64xf32, #tpu.memory_space<vmem>>, vector<1025x64xf32>
    %jit3A = arith.constant 0xFF800000 : f32
    %broadcast_in_dim3A_267 = vector.shape_cast %broadcast_in_dim3A_263 : vector<1025x1xi1> to vector<1025x1xi1>
    %broadcast_in_dim3A_268 = vector.broadcast %broadcast_in_dim3A_267 : vector<1025x1xi1> to vector<1025x64xi1>
    %broadcast_in_dim3A_269 = vector.broadcast %jit3A : f32 to vector<1025x64xf32>
    %select_n3A = arith.select %broadcast_in_dim3A_268, %get3A_266, %broadcast_in_dim3A_269 : vector<1025x64xi1>, vector<1025x64xf32>
    %reduce_max3A = arith.constant dense<0xFF800000> : vector<64xf32>
    %reduce_max3A_270 = vector.multi_reduction <maximumf>, %select_n3A, %reduce_max3A [0] : vector<1025x64xf32> to vector<64xf32>
    %broadcast_in_dim3A_271 = vector.shape_cast %reduce_max3A_270 : vector<64xf32> to vector<1x64xf32>
    %get3A_272 = arith.constant 1023 : index
    %get3A_273 = arith.constant 0 : index
    %get3A_274 = vector.load %arg21[%get3A_272, %get3A_273] : memref<1025x64xf32, #tpu.memory_space<vmem>>, vector<1x64xf32>
    %concatenate3A = tpu.concatenate %broadcast_in_dim3A_271, %get3A_274 in 1 : vector<1x64xf32>, vector<1x64xf32> -> vector<1x128xf32>
    %get3A_275 = arith.constant 0 : index
    %get3A_276 = arith.constant 0 : index
    %get3A_277 = vector.load %arg15[%get3A_275, %get3A_276] : memref<128x64xf32, #tpu.memory_space<vmem>>, vector<128x64xf32>
    %dot_general3A_278 = arith.constant dense<0.000000e+00> : vector<1x64xf32>
    %dot_general3A_279 = tpu.matmul %concatenate3A, %get3A_277, %dot_general3A_278 {dimension_numbers = #tpu.dot_dimension_numbers<[1], [0], [0], [1], [0, 0, 1, 1], [], []>, transpose_lhs_hint = false} : vector<1x128xf32>, vector<128x64xf32>, vector<1x64xf32> -> vector<1x64xf32>
    %get3A_280 = arith.constant 0 : index
    %get3A_281 = arith.constant 0 : index
    %get3A_282 = vector.load %arg16[%get3A_280, %get3A_281] : memref<1x64xf32, #tpu.memory_space<vmem>>, vector<1x64xf32>
    %add3A_283 = arith.addf %dot_general3A_279, %get3A_282 : vector<1x64xf32>
    %max3A_284 = arith.constant 0.000000e+00 : f32
    %max3A_285 = vector.broadcast %max3A_284 : f32 to vector<1x64xf32>
    %max3A_286 = arith.maximumf %add3A_283, %max3A_285 : vector<1x64xf32>
    %get3A_287 = arith.constant 0 : index
    %get3A_288 = arith.constant 0 : index
    %get3A_289 = vector.load %arg17[%get3A_287, %get3A_288] : memref<64x4xf32, #tpu.memory_space<vmem>>, vector<64x4xf32>
    %dot_general3A_290 = arith.constant dense<0.000000e+00> : vector<1x4xf32>
    %dot_general3A_291 = tpu.matmul %max3A_286, %get3A_289, %dot_general3A_290 {dimension_numbers = #tpu.dot_dimension_numbers<[1], [0], [0], [1], [0, 0, 1, 1], [], []>, transpose_lhs_hint = false} : vector<1x64xf32>, vector<64x4xf32>, vector<1x4xf32> -> vector<1x4xf32>
    %get3A_292 = arith.constant 0 : index
    %get3A_293 = arith.constant 0 : index
    %get3A_294 = vector.load %arg18[%get3A_292, %get3A_293] : memref<1x4xf32, #tpu.memory_space<vmem>>, vector<1x4xf32>
    %add3A_295 = arith.addf %dot_general3A_291, %get3A_294 : vector<1x4xf32>
    %reduce_max3A_296 = arith.constant dense<0xFF800000> : vector<1xf32>
    %reduce_max3A_297 = vector.multi_reduction <maximumf>, %add3A_295, %reduce_max3A_296 [1] : vector<1x4xf32> to vector<1xf32>
    %broadcast_in_dim3A_298 = vector.shape_cast %reduce_max3A_297 : vector<1xf32> to vector<1x1xf32>
    %sub3A_299 = vector.broadcast %broadcast_in_dim3A_298 : vector<1x1xf32> to vector<1x4xf32>
    %sub3A_300 = arith.subf %add3A_295, %sub3A_299 : vector<1x4xf32>
    %exp3A = math.exp %sub3A_300 : vector<1x4xf32>
    %reduce_sum3A_301 = arith.constant dense<0.000000e+00> : vector<1xf32>
    %reduce_sum3A_302 = vector.multi_reduction <add>, %exp3A, %reduce_sum3A_301 [1] : vector<1x4xf32> to vector<1xf32>
    %broadcast_in_dim3A_303 = vector.shape_cast %reduce_sum3A_302 : vector<1xf32> to vector<1x1xf32>
    %div3A = vector.broadcast %broadcast_in_dim3A_303 : vector<1x1xf32> to vector<1x4xf32>
    %div3A_304 = arith.divf %exp3A, %div3A : vector<1x4xf32>
    %swap3A_305 = arith.constant 0 : index
    %swap3A_306 = arith.constant 0 : index
    %swap3A_307 = vector.load %arg19[%swap3A_305, %swap3A_306] : memref<1x4xf32, #tpu.memory_space<vmem>>, vector<1x4xf32>
    tpu.vector_store %arg19[%swap3A_305, %swap3A_306], %div3A_304 {strides = array<i32>} : memref<1x4xf32, #tpu.memory_space<vmem>>, vector<1x4xf32>,
    return
  }
}

</mosaic_0001>

<sc_bundles>
// kernel: kernel.4.cloned.1.call-start
scs
__scs_entry_jumppad:
0x0: {  	(pc) =	sbr.rel $0x88, $3  }
0x1: {  	(tag) =	ssettag $0x0;
	lr =	simm.s32 $0x1  }
0x2: {  	[smem:$0x3F84] =	sst lr;
	_ =	strace $0xD0000000  }
0x3: {  	_ = 	snop  }
0x4: {  	_ = 	snop  }
0x5: {  	_ = 	snop  }
0x6: {  	_ = 	snop  }
0x7: {  	_ = 	snop  }
__scs_overlays_trampoline_lowered:
0x8: {  	[smem:$0x3F93] =	sst s0  }
0x9: {  	[smem:$0x3F94] =	sst s1  }
0xa: {  	[smem:$0x3F95] =	sst s2  }
0xb: {  	[smem:$0x3F96] =	sst s3  }
0xc: {  	[smem:$0x3F97] =	sst s4  }
0xd: {  	[smem:$0x3F98] =	sst s5  }
0xe: {  	[smem:$0x3F99] =	sst s6  }
0xf: {  	[smem:$0x3F9A] =	sst s7  }
0x10: {  	[smem:$0x3F9B] =	sst s8  }
0x11: {  	[smem:$0x3F9C] =	sst s9;
	s0 =	simm.s32 @!p0 $0x0  }
0x12: {  	s1 =	sld [smem:$0x3F82];
	s0 =	simm.s32 @p0 $0x1  }
0x13: {  	[smem:$0x3F9D] =	sst s0;
	s0 =	simm.s32 @!p1 $0x0  }
0x14: {  	s2 =	sld [smem:$0x3F81];
	s0 =	simm.s32 @p1 $0x1  }
0x15: {  	[smem:$0x3F9E] =	sst s0;
	s0 =	simm.s32 @!p2 $0x0  }
0x16: {  	s3 =	sld [smem:$0x3FDB];
	s0 =	simm.s32 @p2 $0x1  }
0x17: {  	s4 =	simm.s32 $0x1BF5;
	[smem:$0x3FA0] =	sst s0  }
0x18: {  	s0 =	sld [smem:$0x3F83];
	_ =	swait.ge [sflag:s4], $0x0  }
0x19: {  	s7 =	sld [smem:$0x3F84]  }
0x1a: {  	s8 =	sadd.s32 $0xFFFFE003, lr  }
0x1b: {  	s9 =	sadd.s32 $0xFFFFFEF7, lr;
	s5 =	simm.s32 $0xFFFFFFFF;
	p2 =	slt.u32 s8, $0xFFFFF086  }
0x1c: {  	p1 =	slt.u32 s9, $0xF7A;
	s5 =	simm.s32 @!p2 $0x0  }
0x1d: {  	s5 =	simm.s32 @p1 $0x1;
	p0 =	seq.s32 s7, s2  }
0x1e: {  	s7 =	smul.u32 @!p0 $0xF7A, s2;
	p2 =	seq.s32 @!p0 s5, $0x0  }
0x1f: {  	s9 =	smul.u32 $0xF7A, s1;
	s8 =	simm.s32 @!p0 $0x1BF5;
	p2 =	por !p2, p0  }
0x20: {  	[sflag:s8] =	ssyncset.s32 @!p0 $0xFFFFF086;
	s6 =	sadd.s32 @!p0 s3, s7;
	s7 =	simm.s32 @!p0 $0x108  }
0x21: {  	s3 =	sadd.s32 s3, s9;
	s6 =	sadd.s32 @!p0 $0x88, s6;
	s7 =	simm.s32 @p2 $0x1082  }
0x22: {  	[simem:s7], [sflag:s8] =	dma.local @!p0 [hbm:s6], $0xF7A  }
0x23: {  	s9 =	sor.u32 $0xD0000000, s2;
	s6 =	simm.s32 $0x108;
	_ =	swait.ge @!p0 [sflag:s8], $0x0  }
0x24: {  	s3 =	sadd.s32 $0x88, s3;
	s6 =	simm.s32 @!p1 $0x1082;
	[sflag:s4] =	ssyncset.s32 $0xFFFFF086  }
0x25: {  	[simem:s6], [sflag:s4] =	dma.local [hbm:s3], $0xF7A  }
0x26: {  	[smem:$0x3F84] =	sst s1;
	(tag) =	ssettag s2;
	_ =	strace s9  }
0x27: {  	s1 =	sld [smem:$0x3F94]  }
0x28: {  	s2 =	sld [smem:$0x3F95]  }
0x29: {  	s4 =	sld [smem:$0x3F97]  }
0x2a: {  	p0 =	seq.s32 s5, $0x0;
	s5 =	sld [smem:$0x3F98]  }
0x2b: {  	s6 =	sld [smem:$0x3F99]  }
0x2c: {  	s7 =	sld [smem:$0x3F9A]  }
0x2d: {  	s3 =	simm.s32 $0x108;
	s8 =	sld [smem:$0x3F9B]  }
0x2e: {  	s3 =	simm.s32 @!p0 $0x1082;
	s9 =	sld [smem:$0x3F9C]  }
0x2f: {  	lr =	sadd.s32 s0, s3;
	s0 =	sld [smem:$0x3F93]  }
0x30: {  	s3 =	sld [smem:$0x3F96]  }
0x31: {  	[smem:$0x3F9F] =	sst s10  }
0x32: {  	s10 =	sld [smem:$0x3F9D];
	_ =	sdelay $0x3  }
0x33: {  	p0 =	seq.s32 s10, $0x1;
	s10 =	sld [smem:$0x3F9F];
	_ =	sdelay $0x3  }
0x34: {  	[smem:$0x3F9F] =	sst s10  }
0x35: {  	s10 =	sld [smem:$0x3F9E];
	_ =	sdelay $0x3  }
0x36: {  	p1 =	seq.s32 s10, $0x1;
	s10 =	sld [smem:$0x3F9F];
	_ =	sdelay $0x3  }
0x37: {  	[smem:$0x3F9F] =	sst s10  }
0x38: {  	s10 =	sld [smem:$0x3FA0]  }
0x39: {  	_ = 	snop;
	(pc) =	sbr.ind lr, $3  }
0x3a: {  	_ = 	snop  }
0x3b: {  	_ = 	snop  }
0x3c: {  	p2 =	seq.s32 s10, $0x1;
	s10 =	sld [smem:$0x3F9F]  }
0x3d: {  	_ =	shalt  }
0x3e: {  	_ =	shalt  }
0x3f: {  	_ =	shalt  }
0x40: {  	_ =	shalt  }
0x41: {  	_ =	shalt  }
0x42: {  	_ =	shalt  }
0x43: {  	_ =	shalt  }
0x44: {  	_ =	shalt  }
0x45: {  	_ =	shalt  }
0x46: {  	_ =	shalt  }
0x47: {  	_ =	shalt  }
0x48: {  	_ =	shalt  }
0x49: {  	_ =	shalt  }
0x4a: {  	_ =	shalt  }
0x4b: {  	_ =	shalt  }
0x4c: {  	_ =	shalt  }
0x4d: {  	_ =	shalt  }
0x4e: {  	_ =	shalt  }
0x4f: {  	_ =	shalt  }
0x50: {  	_ =	shalt  }
0x51: {  	_ =	shalt  }
0x52: {  	_ =	shalt  }
0x53: {  	_ =	shalt  }
0x54: {  	_ =	shalt  }
0x55: {  	_ =	shalt  }
0x56: {  	_ =	shalt  }
0x57: {  	_ =	shalt  }
0x58: {  	_ =	shalt  }
0x59: {  	_ =	shalt  }
0x5a: {  	_ =	shalt  }
0x5b: {  	_ =	shalt  }
0x5c: {  	_ =	shalt  }
0x5d: {  	_ =	shalt  }
0x5e: {  	_ =	shalt  }
0x5f: {  	_ =	shalt  }
0x60: {  	_ =	shalt  }
0x61: {  	_ =	shalt  }
0x62: {  	_ =	shalt  }
0x63: {  	_ =	shalt  }
0x64: {  	_ =	shalt  }
0x65: {  	_ =	shalt  }
0x66: {  	_ =	shalt  }
0x67: {  	_ =	shalt  }
0x68: {  	_ =	shalt  }
0x69: {  	_ =	shalt  }
0x6a: {  	_ =	shalt  }
0x6b: {  	_ =	shalt  }
0x6c: {  	_ =	shalt  }
0x6d: {  	_ =	shalt  }
0x6e: {  	_ =	shalt  }
0x6f: {  	_ =	shalt  }
0x70: {  	_ =	shalt  }
0x71: {  	_ =	shalt  }
0x72: {  	_ =	shalt  }
0x73: {  	_ =	shalt  }
0x74: {  	_ =	shalt  }
0x75: {  	_ =	shalt  }
0x76: {  	_ =	shalt  }
0x77: {  	_ =	shalt  }
0x78: {  	_ =	shalt  }
0x79: {  	_ =	shalt  }
0x7a: {  	_ =	shalt  }
0x7b: {  	_ =	shalt  }
0x7c: {  	_ =	shalt  }
0x7d: {  	_ =	shalt  }
0x7e: {  	_ =	shalt  }
0x7f: {  	_ =	shalt  }
0x80: {  	_ =	shalt  }
0x81: {  	_ =	shalt  }
0x82: {  	_ =	shalt  }
0x83: {  	_ =	shalt  }
0x84: {  	_ =	shalt  }
0x85: {  	_ =	shalt  }
0x86: {  	_ =	shalt  }
0x87: {  	_ =	shalt  }
.Lfunc_end0:
.L_simem_size_0:
called_computation_lowered:
.L_overlay_start_0:
0x88: {  	s2 =	sld [smem:$0x3FD9]  }
0x89: {  	s3 =	sld [smem:$0x3FFE];
	_ =	sdelay $0x1  }
0x8a: {  	s1 =	srdreg.scid  }
0x8b: {  	s0 =	sand.u32 $0x1, s1  }
0x8c: {  	s16 =	sshll.u32 s0, $0xA;
	s2 =	sadd.s32 s3, s2  }
0x8d: {  	s2 =	sadd.s32 s2, s16  }
0x8e: {  	[smem:$0x3FAB] =	sst s2  }
0x8f: {  	_ = 	snop  }
0x90: {  	(tm) =	ssettm $0x1  }
0x91: {  	s17 =	sld [smem:$0x3FFB];
	_ =	sdelay $0x3  }
0x92: {  	_ =	strace s17  }
0x93: {  	s2 =	sld [smem:$0x3FFC];
	_ =	sdelay $0x3  }
0x94: {  	_ =	strace s2  }
0x95: {  	s2 =	sld [smem:$0x3FFD];
	_ =	sdelay $0x3  }
0x96: {  	_ =	strace s2  }
0x97: {  	_ =	strace $0x8FFFFFFF  }
0x98: {  	s18 =	sld [smem:$0x3FDB];
	_ =	sdelay $0x1  }
0x99: {  	s19 =	simm.s32 $_scs_section_size  }
0x9a: {  	s4 =	simm.s32 $_size__tile_overlayer_lowered;
	s5 =	simm.s32 $_tile_overlayer_lowered  }
0x9b: {  	s22 =	simm.s32 $0x1BFF;
	s21 =	sshll.u32 s5, $0x1;
	s2 =	sadd.s32 s19, s18  }
0x9c: {  	s6 =	simm.s32 $0x0;
	s20 =	sshll.u32 s4, $0x1;
	s4 =	sadd.s32 s21, s2  }
0x9d: {  	[timem:s6], [sflag:s22] =	dma.local [hbm:s4], s20  }
0x9e: {  	_ =	swait.ge [sflag:s22], s20  }
0x9f: {  	s3 =	ssub.s32 $0x0, s20;
	[sflag:s22] =	ssyncset.done $0x0  }
0xa0: {  	[sflag:s22] =	ssyncadd.s32 s3;
	_ =	sdelay $0x1  }
0xa1: {  	s23 =	simm.s32 $0x1B8B  }
0xa2: {  	_ =	swait.ge [sflag:s23], $0x1  }
0xa3: {  	[sflag:s23] =	ssyncset.done $0x0  }
0xa4: {  	s25 =	simm.s32 $0x1B8E;
	s24 =	sld [smem:$0x3FFE];
	[sflag:s23] =	ssyncadd.s32 $0xFFFFFFFF  }
0xa5: {  	s26 =	simm.s32 $execute0_lowered;
	[smem:$0x3FD2] =	sst s25  }
0xa6: {  	s4 =	sshll.u32 s26, $0x1;
	_ =	strace $0x80000046;
	[dreg:$0x1] =	wrdreg $0xFFFFFFFF  }
0xa7: {  	s28 =	simm.s32 $_size_execute0_lowered;
	s2 =	sadd.s32 s2, s4;
	[dreg:$0x0] =	wrdreg $0x0  }
0xa8: {  	s4 =	sshll.u32 s28, $0x1;
	[dreg:$0x2] =	wrdreg s2  }
0xa9: {  	[dreg:$0x3] =	wrdreg s4  }
0xaa: {  	[dreg:$0x4] =	wrdreg $0xC0  }
0xab: {  	_ =	task [dreg:s6], $0x5FFFF  }
0xac: {  	[dreg:$0x1] =	wrdreg $0xFFFFFFFF  }
0xad: {  	[dreg:$0x0] =	wrdreg $0x60  }
0xae: {  	[dreg:$0x2] =	wrdreg s24  }
0xaf: {  	[dreg:$0x3] =	wrdreg $0x9  }
0xb0: {  	_ =	task.clear_ibuf [dreg:s6], $0x4FFFF;
	_ =	strace $0x90000046  }
0xb1: {  	s29 =	simm.s32 $0x9;
	_ =	strace $0x80000048  }
0xb2: {  	_ =	swait.ge [sflag:s29], $0x1  }
0xb3: {  	[sflag:s29] =	ssyncadd.s32 $0xFFFFFFFF  }
0xb4: {  	_ =	strace $0x90000048  }
0xb5: {  	_ =	sfence  }
0xb6: {  	s30 =	sld [smem:$0x0];
	_ =	sdelay $0x2  }
0xb7: {  	s31 =	sshll.u32 s1, $0xD;
	s1 =	sshrl.u32 s1, $0x2  }
0xb8: {  	s3 =	sand.u32 $0x4000, s31;
	s1 =	sadd.s32 s1, s30  }
0xb9: {  	s0 =	sor.u32 s3, s0;
	s1 =	sshll.u32 s1, $0x11  }
0xba: {  	s0 =	sor.u32 s1, s0  }
0xbb: {  	s0 =	sadd.s32 $0x8F2B, s0  }
0xbc: {  	[sflag:s0] =	ssyncadd.remote.s32 $0x1  }
0xbd: {  	_ =	sfence.sel $0xFFFF  }
0xbe: {  	[dreg:$0x0] =	wrdreg $0xFFFFFFFF;
	(pc) =	sbr.abs _section_cstart, $3  }
0xbf: {  	[dreg:$0x1] =	wrdreg $0xFFFFFFFF  }
0xc0: {  	_ =	task.clear_ibuf [dreg:s6], $0x2FFFF;
	_ =	strace $0x9FFFFFFF  }
0xc1: {  	(tm) =	ssettm $0x7FFFFFFF  }
tec
execute0_lowered:
.L_overlay_start_1:
0x0: {  	(tag) =	ssettag $0x1  }
0x1: {  	s1 =	srdreg.scid  }
0x2: {  	s0 =	stileid.u32;
	s6 =	sand.u32 $0x1, s1  }
0x3: {  	s8 =	rddreg [dreg:$0x0];
	s30 =	sshll.u32 s0, $0xA;
	s2 =	sshll.u32 s6, $0x9  }
0x4: {  	s7 =	simm.s32 $0x1;
	s1 =	rddreg [dreg:$0x1];
	s9 =	sor.u32 s2, s30  }
0x5: {  	s5 =	sadd.s32 $0x313800, s8;
	s2 =	simm.s32 $0x0;
	s3 =	sshrl.u32 s9, $0x3  }
0x6: {  	s10 =	ssub.s32 $0x2, s6;
	[smem:$0x7FF] =	sst s2;
	s3 =	sadd.s32 s3, s8  }
0x7: {  	_ =	strace $0x80000047;
	s4 =	sadd.s32 $0x313000, s3;
	s3 =	simm.s32 $0x2  }
0x8: {  	[tilespmem:s2], [sflag:$0x2] =	stream.linear.gather [hbm4b:s4+s2], $0x200, $0x38;
	[tilespmem:$0x10200] =	vst v63  }
0x9: {  	s6 =	simm.s32 $0x200;
	s11 =	sshrl.u32 s10, $0x1;
	_ =	swait.ge [sflag:s3], $0x200  }
0xa: {  	s9 =	sshll.u32 s9, $0x4;
	s31 =	ssub.s32 s10, s11;
	[sflag:s3] =	ssyncset.done $0x0  }
0xb: {  	s8 =	sadd.s32 s9, s8;
	s9 =	smax.u32 s31, $0x1;
	[sflag:s3] =	ssyncadd.s32 $0xFFFFFE00  }
0xc: {  	[tilespmem:s6], [sflag:$0x1] =	stream.indirect.gather [hbm4b:s5+s6], $0x80, s2, s6, $0xb8;
	[tilespmem:$0x10200] =	vst v63  }
0xd: {  	p0 =	sne.s32 s9, $0x1;
	_ =	swait.ge [sflag:s7], $0x10000  }
.Ltmp0:
0xe: {  	[sflag:s7] =	ssyncset.done $0x0;
	(pc) =	sbr.rel @!p0 .LBB2_2-.Ltmp0, $4  }
0xf: {  	s8 =	sadd.s32 $0x5C00, s8;
	[sflag:s7] =	ssyncadd.s32 $0xFFFF0000  }
0x10: {  	[hbm4b:s8+s2] =	stream.linear.scatter [tilespmem:s6], [sflag:$0x2], $0x10000, $0x38;
	[tilespmem:$0x10200] =	vst v63  }
0x11: {  	_ =	swait.ge [sflag:s3], $0x10000  }
0x12: {  	s9 =	sadd.s32 $0xFFFFFFFF, s9;
	[sflag:s3] =	ssyncset.done $0x0  }
.LBB2_1:
0x13: {  	p0 =	sne.s32 s9, $0x1;
	s9 =	sadd.s32 $0xFFFFFFFF, s9;
	[sflag:s3] =	ssyncadd.s32 $0xFFFF0000  }
0x14: {  	[tilespmem:s2], [sflag:$0x2] =	stream.linear.gather [hbm4b:s4+s2], $0x200, $0x38;
	[tilespmem:$0x10200] =	vst v63  }
0x15: {  	_ =	swait.ge [sflag:s3], $0x200  }
0x16: {  	[sflag:s3] =	ssyncset.done $0x0  }
0x17: {  	[sflag:s3] =	ssyncadd.s32 $0xFFFFFE00  }
0x18: {  	[tilespmem:s6], [sflag:$0x1] =	stream.indirect.gather [hbm4b:s5+s6], $0x80, s2, s6, $0xb8;
	[tilespmem:$0x10200] =	vst v63  }
0x19: {  	_ =	swait.ge [sflag:s7], $0x10000  }
.Ltmp1:
0x1a: {  	[sflag:s7] =	ssyncset.done $0x0;
	(pc) =	sbr.rel @p0 .LBB2_1-.Ltmp1, $4  }
0x1b: {  	[sflag:s7] =	ssyncadd.s32 $0xFFFF0000  }
0x1c: {  	[hbm4b:s8+s2] =	stream.linear.scatter [tilespmem:s6], [sflag:$0x2], $0x10000, $0x38;
	[tilespmem:$0x10200] =	vst v63  }
0x1d: {  	_ =	swait.ge [sflag:s3], $0x10000  }
0x1e: {  	[sflag:s3] =	ssyncset.done $0x0  }
.LBB2_2:
0x1f: {  	[sflag:s3] =	ssyncadd.s32 $0xFFFF0000  }
0x20: {  	_ =	sfence.sel $0x180000  }
0x21: {  	[bflag:$0x0] =	sbarrier.arrive $0xFFFF  }
0x22: {  	p0 =	sne.s32 s0, $0x0;
	_ =	strace $0x90000047  }
0x23: {  	s0 =	sadd.s32 @!p0 $0x100000, s1;
	[bflag:$0x2] =	sbarrier.arrive $0xFFFF  }
0x24: {  	[sflag:s0] =	ssyncadd.tile.s32 @!p0 $0x1;
	_ =	shalt  }
.Lfunc_end2:
_tile_overlayer_lowered:
.L_overlay_start_2:
0x25: {  	(tag) =	ssettag $0x2  }
0x26: {  	s0 =	rddreg [dreg:$0x0];
	s2 =	stileid.u32  }
0x27: {  	s1 =	rddreg [dreg:$0x1];
	p0 =	sne.s32 s2, $0x0  }
0x28: {  	s3 =	rddreg [dreg:$0x2];
	[bflag:$0x3] =	sbarrier.arrive $0xFFFF;
	s2 =	simm.s32 @!p0 $0x1C02  }
0x29: {  	[timem:s3], [sflag:s2] =	dma.local @!p0 [hbm:s0], s1  }
0x2a: {  	s0 =	simm.s32 @!p0 $0x2  }
0x2b: {  	_ =	swait.ge @!p0 [sflag:s0], s1  }
0x2c: {  	s1 =	ssub.s32 @!p0 $0x0, s1;
	[sflag:s0] =	ssyncset.done @!p0 $0x0  }
0x2d: {  	[sflag:s0] =	ssyncadd.s32 @!p0 s1  }
0x2e: {  	[bflag:$0x3] =	sbarrier.arrive $0xFFFF  }
0x2f: {  	_ =	shalt  }

</sc_bundles>
